<compile_context>
chip_gen: v7x
topology: tpu7x:2x2x1
jax: 0.10.2.dev20260603
libtpu: 0.0.44.dev20260713+nightly
codegen_flags: <defaults>
</compile_context>

<pallas_src>
import jax
import jax.numpy as jnp
from jax import lax
from jax.experimental import pallas as pl
from jax.experimental.pallas import tpu as pltpu
from jax.experimental.pallas import tpu_sc as plsc

E = 64
TOPK = 1
D_MODEL = 768
D_MLP = 1024
CAP = 256
N_TOK = 4096
NC, NS = 2, 16
NW = NC * NS
TPW = N_TOK // NW
DUMMY = E * CAP

def _mesh():
    return plsc.VectorSubcoreMesh(core_axis_name="c", subcore_axis_name="s")


def _sc_params():
    return pltpu.CompilerParams(needs_layout_passes=False)


def _wid():
    return lax.axis_index("s") * NC + lax.axis_index("c")


def _run_hist(eid):
    @pl.kernel(
        out_type=jax.ShapeDtypeStruct((NW, E), jnp.int32),
        mesh=_mesh(),
        compiler_params=_sc_params(),
        scratch_types=[
            pltpu.VMEM((TPW,), jnp.int32),
            pltpu.VMEM((E,), jnp.int32),
        ],
    )
    def k(eid_hbm, hist_hbm, eid_v, hist_v):
        w = _wid()
        iota = lax.iota(jnp.int32, 16)
        pltpu.sync_copy(eid_hbm.at[pl.ds(w * TPW, TPW)], eid_v)
        for c in range(E // 16):
            hist_v[pl.ds(c * 16, 16)] = jnp.zeros((16,), jnp.int32)

        @pl.loop(0, TPW // 16)
        def _(c):
            ev = eid_v[pl.ds(c * 16, 16)]
            for lane in range(16):
                e = ev[lane]
                hb = (e // 16) * 16
                hv = hist_v[pl.ds(hb, 16)]
                lm = iota == (e - hb)
                hist_v[pl.ds(hb, 16)] = jnp.where(lm, hv + 1, hv)

        pltpu.sync_copy(hist_v, hist_hbm.at[w])

    return k(eid)


_HR = TPW // 2


def _run_dispatch(eid, hist, xf):
    @pl.kernel(
        out_type=(
            jax.ShapeDtypeStruct((NW, 2, _HR), jnp.int32),
            jax.ShapeDtypeStruct((DUMMY + 8, D_MODEL), jnp.float32),
        ),
        mesh=_mesh(),
        compiler_params=_sc_params(),
        scratch_types=[
            pltpu.VMEM((TPW,), jnp.int32),
            pltpu.VMEM((NW, E), jnp.int32),
            pltpu.VMEM((E,), jnp.int32),
            pltpu.VMEM((2, _HR), jnp.int32),
            pltpu.VMEM((2, _HR, D_MODEL), jnp.float32),
            pltpu.SemaphoreType.DMA,
            pltpu.SemaphoreType.DMA,
            pltpu.SemaphoreType.DMA,
            pltpu.SemaphoreType.DMA,
        ],
    )
    def k(eid_hbm, hist_hbm, xf_hbm, gidx_hbm, xs_hbm,
          eid_v, allhist_v, base_v, gidx_v, rows_v,
          sem_a, sem_b, sem_c, sem_d):
        w = _wid()
        tok0 = w * TPW
        in0 = pltpu.async_copy(xf_hbm.at[pl.ds(tok0, _HR)],
                               rows_v.at[0], sem_a)
        in1 = pltpu.async_copy(xf_hbm.at[pl.ds(tok0 + _HR, _HR)],
                               rows_v.at[1], sem_b)
        pltpu.sync_copy(eid_hbm.at[pl.ds(tok0, TPW)], eid_v)
        pltpu.sync_copy(hist_hbm, allhist_v)
        for c in range(E // 16):
            base_v[pl.ds(c * 16, 16)] = jnp.zeros((16,), jnp.int32)

        def acc(wp, carry):
            for c in range(E // 16):
                sl = pl.ds(c * 16, 16)
                base_v[sl] = base_v[sl] + allhist_v[wp, sl]
            return carry

        lax.fori_loop(0, w, acc, 0)

        iota = lax.iota(jnp.int32, 16)

        @pl.loop(0, TPW // 16)
        def _(c):
            ev = eid_v[pl.ds(c * 16, 16)]
            gv = jnp.zeros((16,), jnp.int32)
            for lane in range(16):
                e = ev[lane]
                hb = (e // 16) * 16
                bv = base_v[pl.ds(hb, 16)]
                lm = iota == (e - hb)
                r = jnp.max(jnp.where(lm, bv, -1))
                base_v[pl.ds(hb, 16)] = jnp.where(lm, bv + 1, bv)
                g = jnp.where(r < CAP, e * CAP + r, DUMMY)
                gv = jnp.where(iota == lane, g, gv)
            h = c // (_HR // 16)
            col = (c % (_HR // 16)) * 16
            gidx_v[h, pl.ds(col, 16)] = gv

        pltpu.sync_copy(gidx_v, gidx_hbm.at[w])
        in0.wait()
        out0 = pltpu.async_copy(rows_v.at[0], xs_hbm.at[gidx_v.at[0]], sem_c)
        in1.wait()
        out1 = pltpu.async_copy(rows_v.at[1], xs_hbm.at[gidx_v.at[1]], sem_d)
        out0.wait()
        out1.wait()

    return k(eid, hist, xf)


def _run_mlp(xs, W1, W2, W3):
    def body(xs_ref, w1_ref, w3_ref, w2_ref, out_ref):
        e = pl.program_id(0)

        @pl.when(e == E)
        def _():
            out_ref[...] = jnp.zeros(out_ref.shape, out_ref.dtype)

        @pl.when(e < E)
        def _():
            cur = xs_ref[...]
            curb = cur.astype(jnp.bfloat16)
            dn = (((1,), (1,)), ((), ()))
            h1 = lax.dot_general(curb, w1_ref[0].astype(jnp.bfloat16), dn,
                                 preferred_element_type=jnp.float32)
            h3 = lax.dot_general(curb, w3_ref[0].astype(jnp.bfloat16), dn,
                                 preferred_element_type=jnp.float32)
            hh = h1 * jax.nn.sigmoid(h1) * h3
            o = lax.dot_general(hh.astype(jnp.bfloat16),
                                w2_ref[0].astype(jnp.bfloat16), dn,
                                preferred_element_type=jnp.float32)
            out_ref[0] = o * cur[:, 0:1]

    return pl.pallas_call(
        body,
        grid=(E + 1,),
        in_specs=[
            pl.BlockSpec((CAP, D_MODEL), lambda e: (jnp.minimum(e, E - 1), 0)),
            pl.BlockSpec((1, D_MLP, D_MODEL), lambda e: (jnp.minimum(e, E - 1), 0, 0)),
            pl.BlockSpec((1, D_MLP, D_MODEL), lambda e: (jnp.minimum(e, E - 1), 0, 0)),
            pl.BlockSpec((1, D_MODEL, D_MLP), lambda e: (jnp.minimum(e, E - 1), 0, 0)),
        ],
        out_specs=pl.BlockSpec((1, CAP, D_MODEL), lambda e: (e, 0, 0)),
        out_shape=jax.ShapeDtypeStruct((E + 1, CAP, D_MODEL), jnp.float32),
    )(xs, W1, W3, W2)


def _run_combine(gidx, ys_flat):
    @pl.kernel(
        out_type=jax.ShapeDtypeStruct((N_TOK, D_MODEL), jnp.float32),
        mesh=_mesh(),
        compiler_params=_sc_params(),
        scratch_types=[
            pltpu.VMEM((2, _HR), jnp.int32),
            pltpu.VMEM((2, _HR, D_MODEL), jnp.float32),
            pltpu.SemaphoreType.DMA,
            pltpu.SemaphoreType.DMA,
            pltpu.SemaphoreType.DMA,
            pltpu.SemaphoreType.DMA,
        ],
    )
    def k(gidx_hbm, ys_hbm, out_hbm, idx_v, rows_v, sem_a, sem_b, sem_c, sem_d):
        w = _wid()
        tok0 = w * TPW
        pltpu.sync_copy(gidx_hbm.at[w], idx_v)
        g0 = pltpu.async_copy(ys_hbm.at[idx_v.at[0]], rows_v.at[0], sem_a)
        g1 = pltpu.async_copy(ys_hbm.at[idx_v.at[1]], rows_v.at[1], sem_b)
        g0.wait()
        o0 = pltpu.async_copy(rows_v.at[0], out_hbm.at[pl.ds(tok0, _HR)], sem_c)
        g1.wait()
        o1 = pltpu.async_copy(rows_v.at[1], out_hbm.at[pl.ds(tok0 + _HR, _HR)],
                              sem_d)
        o0.wait()
        o1.wait()

    return k(gidx, ys_flat)


def kernel(x, W_gate, W1, W2, W3):
    batch, pos, d_model = x.shape
    xf = x.reshape(-1, d_model)
    gate_logits = xf @ W_gate.T
    weights = jax.nn.softmax(gate_logits.astype(jnp.float32), axis=1)
    eid = jnp.argmax(weights, axis=1).astype(jnp.int32)

    hist = _run_hist(eid)
    gidx, xs = _run_dispatch(eid, hist, xf)
    ys = _run_mlp(xs, W1, W2, W3)
    out = _run_combine(gidx, ys.reshape((E + 1) * CAP, D_MODEL))
    return out.reshape(batch, pos, d_model)

# --- scband reference (transcript-rebuilt; emitter-appended) ---
"""Pipeline reference for scband-mo-e-53893249630587 (READ-ONLY COPY).

The authoritative reference and input builder live on the scoring server;
editing this copy changes nothing except your own understanding.
"""

import jax, jax.numpy as jnp
import numpy as np

E = 64
TOPK = 1
D_MODEL = 768
D_MLP = 1024
CAP = 256  # per-expert capacity; expected load = 4096*1/64 = 64 tokens, CAP is ~4x safe


def setup_inputs(seed: int = 0):
    key = jax.random.key(seed)
    ks = jax.random.split(key, 5)
    x = jax.random.normal(ks[0], (2, 2048, D_MODEL), dtype=jnp.float32)
    W_gate = jax.random.normal(ks[1], (E, D_MODEL), dtype=jnp.float32) / np.sqrt(D_MODEL)
    W1 = jax.random.normal(ks[2], (E, D_MLP, D_MODEL), dtype=jnp.float32) * 0.02
    W2 = jax.random.normal(ks[3], (E, D_MODEL, D_MLP), dtype=jnp.float32) * 0.02
    W3 = jax.random.normal(ks[4], (E, D_MLP, D_MODEL), dtype=jnp.float32) * 0.02
    return {"x": x, "W_gate": W_gate, "W1": W1, "W2": W2, "W3": W3}


def reference(x, W_gate, W1, W2, W3):
    batch, pos, d_model = x.shape
    xf = x.reshape(-1, d_model)
    gate_logits = xf @ W_gate.T
    weights = jax.nn.softmax(gate_logits.astype(jnp.float32), axis=1)
    weights, expert_indices = jax.lax.top_k(weights, TOPK)
    weights = weights / jnp.sum(weights, axis=-1, keepdims=True)
    weights = weights.astype(gate_logits.dtype)  # computed (and hooked) but unused below, faithful to source
    # one_hot(expert_indices)[N, TOPK, E] -> permute(2,1,0) -> [E, TOPK, N]
    expert_mask = jax.nn.one_hot(expert_indices, E, dtype=jnp.int32).transpose(2, 1, 0)
    results = jnp.zeros((xf.shape[0], d_model), dtype=xf.dtype)

    def body(e, results):
        mask_e = expert_mask[e]  # [TOPK, N]
        idx, top_x = jnp.nonzero(mask_e, size=CAP, fill_value=0)
        count = jnp.sum(mask_e)
        valid = (jnp.arange(CAP) < count).astype(xf.dtype)
        cur = xf[top_x]  # [CAP, d_model]
        h = jax.nn.silu(cur @ W1[e].T) * (cur @ W3[e].T)
        h = h @ W2[e].T
        # NOTE: faithful to the source's `x[top_x, idx, None]` (it scales by x values, not routing weights)
        h = h * xf[top_x, idx][:, None] * valid[:, None]
        return results.at[top_x].add(h)

    results = jax.lax.fori_loop(0, E, body, results)
    return results.reshape(batch, pos, d_model)

if __name__ == "__main__":
    import jax
    _d = setup_inputs()
    print(jax.jit(kernel)(*tuple(_d.values())))

</pallas_src>

<mosaic_0001>
#map = affine_map<(d0, d1) -> (0)>
#map1 = affine_map<(d0, d1) -> (0, 0)>
#map2 = affine_map<(d0, d1) -> (0, 0, 0)>
module attributes {stable_mosaic.version = 14 : i64} {
  func.func @k(%arg0: i32, %arg1: i32, %arg2: memref<4096xi32, #tpu.memory_space<hbm>>, %arg3: memref<32x64xi32, #tpu.memory_space<hbm>>, %arg4: memref<4096x768xf32, #tpu.memory_space<hbm>>, %arg5: memref<32x2x64xi32, #tpu.memory_space<hbm>>, %arg6: memref<16392x768xf32, #tpu.memory_space<hbm>>, %arg7: memref<128xi32, #tpu.memory_space<vmem>>, %arg8: memref<32x64xi32, #tpu.memory_space<vmem>>, %arg9: memref<64xi32, #tpu.memory_space<vmem>>, %arg10: memref<2x64xi32, #tpu.memory_space<vmem>>, %arg11: memref<2x64x768xf32, #tpu.memory_space<vmem>>, %arg12: memref<!tpu.dma_semaphore, #tpu.memory_space<semaphore_mem>>, %arg13: memref<!tpu.dma_semaphore, #tpu.memory_space<semaphore_mem>>, %arg14: memref<!tpu.dma_semaphore, #tpu.memory_space<semaphore_mem>>, %arg15: memref<!tpu.dma_semaphore, #tpu.memory_space<semaphore_mem>>) attributes {dimension_semantics = [#tpu.dimension_semantics<core_parallel>, #tpu.dimension_semantics<subcore_parallel>], iteration_bounds = array<i64: 2, 16>, scalar_prefetch = 0 : i64, scratch_operands = 9 : i64, tpu.core_type = #tpu.core_type<sc_vector_subcore>, window_params = [{transform_indices = #map}, {transform_indices = #map1}, {transform_indices = #map1}, {transform_indices = #map2}, {transform_indices = #map1}]} {
    %mul3A = arith.constant 2 : i32
    %mul3A_0 = arith.muli %arg1, %mul3A : i32
    %add3A = arith.addi %mul3A_0, %arg0 : i32
    %mul3A_1 = arith.constant 128 : i32
    %mul3A_2 = arith.muli %add3A, %mul3A_1 : i32
    %dma_start3A = arith.constant 0 : i32
    %dma_start3A_3 = arith.constant 0 : i32
    %dma_start3A_4 = arith.constant 0 : i32
    %dma_start3A_5 = tpu.memref_slice %arg11[%dma_start3A, %dma_start3A_3, %dma_start3A_4] : memref<2x64x768xf32, #tpu.memory_space<vmem>> -> memref<1x64x768xf32, #tpu.memory_space<vmem>>
    %dma_start3A_6 = tpu.memref_squeeze %dma_start3A_5 : memref<1x64x768xf32, #tpu.memory_space<vmem>> -> memref<64x768xf32, #tpu.memory_space<vmem>>
    %dma_start3A_7 = arith.constant 0 : i32
    %dma_start3A_8 = tpu.memref_slice %arg4[%mul3A_2, %dma_start3A_7] : memref<4096x768xf32, #tpu.memory_space<hbm>> -> memref<64x768xf32, #tpu.memory_space<hbm>>
    %dma_start3A_9 = arith.constant 0 : i32
    %dma_start3A_10 = arith.constant 0 : i32
    %dma_start3A_11 = tpu.memref_slice %arg11[%dma_start3A, %dma_start3A_9, %dma_start3A_10] : memref<2x64x768xf32, #tpu.memory_space<vmem>> -> memref<1x64x768xf32, #tpu.memory_space<vmem>>
    %dma_start3A_12 = tpu.memref_squeeze %dma_start3A_11 : memref<1x64x768xf32, #tpu.memory_space<vmem>> -> memref<64x768xf32, #tpu.memory_space<vmem>>
    %dma_start3A_13 = arith.constant 0 : i32
    %dma_start3A_14 = tpu.memref_slice %arg4[%mul3A_2, %dma_start3A_13] : memref<4096x768xf32, #tpu.memory_space<hbm>> -> memref<64x768xf32, #tpu.memory_space<hbm>>
    tpu.enqueue_dma source(%dma_start3A_14 : memref<64x768xf32, #tpu.memory_space<hbm>>) target(%dma_start3A_12 : memref<64x768xf32, #tpu.memory_space<vmem>>) target_semaphore(%arg12 : memref<!tpu.dma_semaphore, #tpu.memory_space<semaphore_mem>>)
    %add3A_15 = arith.constant 64 : i32
    %add3A_16 = arith.addi %mul3A_2, %add3A_15 : i32
    %dma_start3A_17 = arith.constant 1 : i32
    %dma_start3A_18 = arith.constant 0 : i32
    %dma_start3A_19 = arith.constant 0 : i32
    %dma_start3A_20 = tpu.memref_slice %arg11[%dma_start3A_17, %dma_start3A_18, %dma_start3A_19] : memref<2x64x768xf32, #tpu.memory_space<vmem>> -> memref<1x64x768xf32, #tpu.memory_space<vmem>>
    %dma_start3A_21 = tpu.memref_squeeze %dma_start3A_20 : memref<1x64x768xf32, #tpu.memory_space<vmem>> -> memref<64x768xf32, #tpu.memory_space<vmem>>
    %dma_start3A_22 = arith.constant 0 : i32
    %dma_start3A_23 = tpu.memref_slice %arg4[%add3A_16, %dma_start3A_22] : memref<4096x768xf32, #tpu.memory_space<hbm>> -> memref<64x768xf32, #tpu.memory_space<hbm>>
    %dma_start3A_24 = arith.constant 0 : i32
    %dma_start3A_25 = arith.constant 0 : i32
    %dma_start3A_26 = tpu.memref_slice %arg11[%dma_start3A_17, %dma_start3A_24, %dma_start3A_25] : memref<2x64x768xf32, #tpu.memory_space<vmem>> -> memref<1x64x768xf32, #tpu.memory_space<vmem>>
    %dma_start3A_27 = tpu.memref_squeeze %dma_start3A_26 : memref<1x64x768xf32, #tpu.memory_space<vmem>> -> memref<64x768xf32, #tpu.memory_space<vmem>>
    %dma_start3A_28 = arith.constant 0 : i32
    %dma_start3A_29 = tpu.memref_slice %arg4[%add3A_16, %dma_start3A_28] : memref<4096x768xf32, #tpu.memory_space<hbm>> -> memref<64x768xf32, #tpu.memory_space<hbm>>
    tpu.enqueue_dma source(%dma_start3A_29 : memref<64x768xf32, #tpu.memory_space<hbm>>) target(%dma_start3A_27 : memref<64x768xf32, #tpu.memory_space<vmem>>) target_semaphore(%arg13 : memref<!tpu.dma_semaphore, #tpu.memory_space<semaphore_mem>>)
    "tpu.region"() ({
      %run_scoped3A = tpu.sem_alloc : memref<!tpu.dma_semaphore, #tpu.memory_space<semaphore_mem>>
      %dma_start3A_130 = tpu.memref_slice %arg2[%mul3A_2] : memref<4096xi32, #tpu.memory_space<hbm>> -> memref<128xi32, #tpu.memory_space<hbm>>
      %dma_start3A_131 = tpu.memref_slice %arg2[%mul3A_2] : memref<4096xi32, #tpu.memory_space<hbm>> -> memref<128xi32, #tpu.memory_space<hbm>>
      tpu.enqueue_dma source(%dma_start3A_131 : memref<128xi32, #tpu.memory_space<hbm>>) target(%arg7 : memref<128xi32, #tpu.memory_space<vmem>>) target_semaphore(%run_scoped3A : memref<!tpu.dma_semaphore, #tpu.memory_space<semaphore_mem>>)
      %dma_wait3A_132 = tpu.memref_slice %arg2[%mul3A_2] : memref<4096xi32, #tpu.memory_space<hbm>> -> memref<128xi32, #tpu.memory_space<hbm>>
      %dma_wait3A_133 = tpu.memref_slice %arg2[%mul3A_2] : memref<4096xi32, #tpu.memory_space<hbm>> -> memref<128xi32, #tpu.memory_space<hbm>>
      tpu.wait_dma2 semaphore(%run_scoped3A : memref<!tpu.dma_semaphore, #tpu.memory_space<semaphore_mem>>) src(%dma_wait3A_133 : memref<128xi32, #tpu.memory_space<hbm>>) dst(%arg7 : memref<128xi32, #tpu.memory_space<vmem>>)
      tpu.yield
    }) : () -> ()
    "tpu.region"() ({
      %run_scoped3A = tpu.sem_alloc : memref<!tpu.dma_semaphore, #tpu.memory_space<semaphore_mem>>
      tpu.enqueue_dma source(%arg3 : memref<32x64xi32, #tpu.memory_space<hbm>>) target(%arg8 : memref<32x64xi32, #tpu.memory_space<vmem>>) target_semaphore(%run_scoped3A : memref<!tpu.dma_semaphore, #tpu.memory_space<semaphore_mem>>)
      tpu.wait_dma2 semaphore(%run_scoped3A : memref<!tpu.dma_semaphore, #tpu.memory_space<semaphore_mem>>) src(%arg3 : memref<32x64xi32, #tpu.memory_space<hbm>>) dst(%arg8 : memref<32x64xi32, #tpu.memory_space<vmem>>)
      tpu.yield
    }) : () -> ()
    %broadcast_in_dim3A = arith.constant 0 : i32
    %broadcast_in_dim3A_30 = vector.broadcast %broadcast_in_dim3A : i32 to vector<16xi32>
    %swap3A = arith.constant 0 : index
    %swap3A_31 = tpu.vector_load %arg9[%swap3A] {strides = array<i32>} : memref<64xi32, #tpu.memory_space<vmem>>, vector<16xi32>,
    tpu.vector_store %arg9[%swap3A], %broadcast_in_dim3A_30 {strides = array<i32>} : memref<64xi32, #tpu.memory_space<vmem>>, vector<16xi32>,
    %broadcast_in_dim3A_32 = arith.constant 0 : i32
    %broadcast_in_dim3A_33 = vector.broadcast %broadcast_in_dim3A_32 : i32 to vector<16xi32>
    %swap3A_34 = arith.constant 16 : index
    %swap3A_35 = tpu.vector_load %arg9[%swap3A_34] {strides = array<i32>} : memref<64xi32, #tpu.memory_space<vmem>>, vector<16xi32>,
    tpu.vector_store %arg9[%swap3A_34], %broadcast_in_dim3A_33 {strides = array<i32>} : memref<64xi32, #tpu.memory_space<vmem>>, vector<16xi32>,
    %broadcast_in_dim3A_36 = arith.constant 0 : i32
    %broadcast_in_dim3A_37 = vector.broadcast %broadcast_in_dim3A_36 : i32 to vector<16xi32>
    %swap3A_38 = arith.constant 32 : index
    %swap3A_39 = tpu.vector_load %arg9[%swap3A_38] {strides = array<i32>} : memref<64xi32, #tpu.memory_space<vmem>>, vector<16xi32>,
    tpu.vector_store %arg9[%swap3A_38], %broadcast_in_dim3A_37 {strides = array<i32>} : memref<64xi32, #tpu.memory_space<vmem>>, vector<16xi32>,
    %broadcast_in_dim3A_40 = arith.constant 0 : i32
    %broadcast_in_dim3A_41 = vector.broadcast %broadcast_in_dim3A_40 : i32 to vector<16xi32>
    %swap3A_42 = arith.constant 48 : index
    %swap3A_43 = tpu.vector_load %arg9[%swap3A_42] {strides = array<i32>} : memref<64xi32, #tpu.memory_space<vmem>>, vector<16xi32>,
    tpu.vector_store %arg9[%swap3A_42], %broadcast_in_dim3A_41 {strides = array<i32>} : memref<64xi32, #tpu.memory_space<vmem>>, vector<16xi32>,
    %while3A = arith.constant 0 : i32
    %while3A_44 = arith.constant 0 : i32
    %while3A_45 = arith.subi %add3A, %while3A_44 : i32
    %while3A_46 = arith.addi %while3A_44, %while3A_45 : i32
    %while3A_47 = arith.constant 1 : i32
    %while3A_48 = arith.divsi %while3A_45, %while3A_47 : i32
    %while3A_49 = arith.muli %while3A_48, %while3A_47 : i32
    %while3A_50 = arith.addi %while3A_44, %while3A_49 : i32
    %while3A_51 = arith.constant 1 : i32
    scf.for %while3A_130 = %while3A_44 to %while3A_50 step %while3A_51  : i32 {
      %get3A = arith.constant 0 : index
      %get3A_131 = tpu.vector_load %arg9[%get3A] {strides = array<i32>} : memref<64xi32, #tpu.memory_space<vmem>>, vector<16xi32>,
      %get3A_132 = arith.index_cast %while3A_130 : i32 to index
      %get3A_133 = arith.constant 0 : index
      %get3A_134 = tpu.vector_load %arg8[%get3A_132, %get3A_133] {strides = array<i32>} : memref<32x64xi32, #tpu.memory_space<vmem>>, vector<16xi32>,
      %add3A_135 = arith.addi %get3A_131, %get3A_134 : vector<16xi32>
      %swap3A_136 = arith.constant 0 : index
      %swap3A_137 = tpu.vector_load %arg9[%swap3A_136] {strides = array<i32>} : memref<64xi32, #tpu.memory_space<vmem>>, vector<16xi32>,
      tpu.vector_store %arg9[%swap3A_136], %add3A_135 {strides = array<i32>} : memref<64xi32, #tpu.memory_space<vmem>>, vector<16xi32>,
      %get3A_138 = arith.constant 16 : index
      %get3A_139 = tpu.vector_load %arg9[%get3A_138] {strides = array<i32>} : memref<64xi32, #tpu.memory_space<vmem>>, vector<16xi32>,
      %get3A_140 = arith.index_cast %while3A_130 : i32 to index
      %get3A_141 = arith.constant 16 : index
      %get3A_142 = tpu.vector_load %arg8[%get3A_140, %get3A_141] {strides = array<i32>} : memref<32x64xi32, #tpu.memory_space<vmem>>, vector<16xi32>,
      %add3A_143 = arith.addi %get3A_139, %get3A_142 : vector<16xi32>
      %swap3A_144 = arith.constant 16 : index
      %swap3A_145 = tpu.vector_load %arg9[%swap3A_144] {strides = array<i32>} : memref<64xi32, #tpu.memory_space<vmem>>, vector<16xi32>,
      tpu.vector_store %arg9[%swap3A_144], %add3A_143 {strides = array<i32>} : memref<64xi32, #tpu.memory_space<vmem>>, vector<16xi32>,
      %get3A_146 = arith.constant 32 : index
      %get3A_147 = tpu.vector_load %arg9[%get3A_146] {strides = array<i32>} : memref<64xi32, #tpu.memory_space<vmem>>, vector<16xi32>,
      %get3A_148 = arith.index_cast %while3A_130 : i32 to index
      %get3A_149 = arith.constant 32 : index
      %get3A_150 = tpu.vector_load %arg8[%get3A_148, %get3A_149] {strides = array<i32>} : memref<32x64xi32, #tpu.memory_space<vmem>>, vector<16xi32>,
      %add3A_151 = arith.addi %get3A_147, %get3A_150 : vector<16xi32>
      %swap3A_152 = arith.constant 32 : index
      %swap3A_153 = tpu.vector_load %arg9[%swap3A_152] {strides = array<i32>} : memref<64xi32, #tpu.memory_space<vmem>>, vector<16xi32>,
      tpu.vector_store %arg9[%swap3A_152], %add3A_151 {strides = array<i32>} : memref<64xi32, #tpu.memory_space<vmem>>, vector<16xi32>,
      %get3A_154 = arith.constant 48 : index
      %get3A_155 = tpu.vector_load %arg9[%get3A_154] {strides = array<i32>} : memref<64xi32, #tpu.memory_space<vmem>>, vector<16xi32>,
      %get3A_156 = arith.index_cast %while3A_130 : i32 to index
      %get3A_157 = arith.constant 48 : index
      %get3A_158 = tpu.vector_load %arg8[%get3A_156, %get3A_157] {strides = array<i32>} : memref<32x64xi32, #tpu.memory_space<vmem>>, vector<16xi32>,
      %add3A_159 = arith.addi %get3A_155, %get3A_158 : vector<16xi32>
      %swap3A_160 = arith.constant 48 : index
      %swap3A_161 = tpu.vector_load %arg9[%swap3A_160] {strides = array<i32>} : memref<64xi32, #tpu.memory_space<vmem>>, vector<16xi32>,
      tpu.vector_store %arg9[%swap3A_160], %add3A_159 {strides = array<i32>} : memref<64xi32, #tpu.memory_space<vmem>>, vector<16xi32>,
    }
    %while3A_52 = arith.constant 1 : i32
    scf.for %while3A_130 = %while3A_50 to %while3A_46 step %while3A_52  : i32 {
      %get3A = arith.constant 0 : index
      %get3A_131 = tpu.vector_load %arg9[%get3A] {strides = array<i32>} : memref<64xi32, #tpu.memory_space<vmem>>, vector<16xi32>,
      %get3A_132 = arith.index_cast %while3A_130 : i32 to index
      %get3A_133 = arith.constant 0 : index
      %get3A_134 = tpu.vector_load %arg8[%get3A_132, %get3A_133] {strides = array<i32>} : memref<32x64xi32, #tpu.memory_space<vmem>>, vector<16xi32>,
      %add3A_135 = arith.addi %get3A_131, %get3A_134 : vector<16xi32>
      %swap3A_136 = arith.constant 0 : index
      %swap3A_137 = tpu.vector_load %arg9[%swap3A_136] {strides = array<i32>} : memref<64xi32, #tpu.memory_space<vmem>>, vector<16xi32>,
      tpu.vector_store %arg9[%swap3A_136], %add3A_135 {strides = array<i32>} : memref<64xi32, #tpu.memory_space<vmem>>, vector<16xi32>,
      %get3A_138 = arith.constant 16 : index
      %get3A_139 = tpu.vector_load %arg9[%get3A_138] {strides = array<i32>} : memref<64xi32, #tpu.memory_space<vmem>>, vector<16xi32>,
      %get3A_140 = arith.index_cast %while3A_130 : i32 to index
      %get3A_141 = arith.constant 16 : index
      %get3A_142 = tpu.vector_load %arg8[%get3A_140, %get3A_141] {strides = array<i32>} : memref<32x64xi32, #tpu.memory_space<vmem>>, vector<16xi32>,
      %add3A_143 = arith.addi %get3A_139, %get3A_142 : vector<16xi32>
      %swap3A_144 = arith.constant 16 : index
      %swap3A_145 = tpu.vector_load %arg9[%swap3A_144] {strides = array<i32>} : memref<64xi32, #tpu.memory_space<vmem>>, vector<16xi32>,
      tpu.vector_store %arg9[%swap3A_144], %add3A_143 {strides = array<i32>} : memref<64xi32, #tpu.memory_space<vmem>>, vector<16xi32>,
      %get3A_146 = arith.constant 32 : index
      %get3A_147 = tpu.vector_load %arg9[%get3A_146] {strides = array<i32>} : memref<64xi32, #tpu.memory_space<vmem>>, vector<16xi32>,
      %get3A_148 = arith.index_cast %while3A_130 : i32 to index
      %get3A_149 = arith.constant 32 : index
      %get3A_150 = tpu.vector_load %arg8[%get3A_148, %get3A_149] {strides = array<i32>} : memref<32x64xi32, #tpu.memory_space<vmem>>, vector<16xi32>,
      %add3A_151 = arith.addi %get3A_147, %get3A_150 : vector<16xi32>
      %swap3A_152 = arith.constant 32 : index
      %swap3A_153 = tpu.vector_load %arg9[%swap3A_152] {strides = array<i32>} : memref<64xi32, #tpu.memory_space<vmem>>, vector<16xi32>,
      tpu.vector_store %arg9[%swap3A_152], %add3A_151 {strides = array<i32>} : memref<64xi32, #tpu.memory_space<vmem>>, vector<16xi32>,
      %get3A_154 = arith.constant 48 : index
      %get3A_155 = tpu.vector_load %arg9[%get3A_154] {strides = array<i32>} : memref<64xi32, #tpu.memory_space<vmem>>, vector<16xi32>,
      %get3A_156 = arith.index_cast %while3A_130 : i32 to index
      %get3A_157 = arith.constant 48 : index
      %get3A_158 = tpu.vector_load %arg8[%get3A_156, %get3A_157] {strides = array<i32>} : memref<32x64xi32, #tpu.memory_space<vmem>>, vector<16xi32>,
      %add3A_159 = arith.addi %get3A_155, %get3A_158 : vector<16xi32>
      %swap3A_160 = arith.constant 48 : index
      %swap3A_161 = tpu.vector_load %arg9[%swap3A_160] {strides = array<i32>} : memref<64xi32, #tpu.memory_space<vmem>>, vector<16xi32>,
      tpu.vector_store %arg9[%swap3A_160], %add3A_159 {strides = array<i32>} : memref<64xi32, #tpu.memory_space<vmem>>, vector<16xi32>,
    }
    %iota3A = tpu.iota {dimensions = array<i32: 0>} : vector<16xi32>
    %scan3A = arith.constant 0 : i32
    %scan3A_53 = arith.constant 8 : i32
    %scan3A_54 = arith.addi %scan3A, %scan3A_53 : i32
    %scan3A_55 = arith.constant 1 : i32
    scf.for %scan3A_130 = %scan3A to %scan3A_54 step %scan3A_55  : i32 {
      %mul3A_131 = arith.constant 1 : i32
      %mul3A_132 = arith.muli %scan3A_130, %mul3A_131 : i32
      %add3A_133 = arith.constant 0 : i32
      %add3A_134 = arith.addi %add3A_133, %mul3A_132 : i32
      %mul3A_135 = arith.constant 16 : i32
      %mul3A_136 = arith.muli %add3A_134, %mul3A_135 : i32
      %get3A = arith.index_cast %mul3A_136 : i32 to index
      %get3A_137 = tpu.vector_load %arg7[%get3A] {strides = array<i32>} : memref<128xi32, #tpu.memory_space<vmem>>, vector<16xi32>,
      %broadcast_in_dim3A_138 = arith.constant 0 : i32
      %broadcast_in_dim3A_139 = vector.broadcast %broadcast_in_dim3A_138 : i32 to vector<16xi32>
      %slice3A = vector.extract_strided_slice %get3A_137 {offsets = [0], sizes = [1], strides = [1]} : vector<16xi32> to vector<1xi32>
      %squeeze3A = vector.extract %slice3A[0] : i32 from vector<1xi32>
      %jit3A = arith.constant 16 : i32
      %div3A = arith.divsi %squeeze3A, %jit3A : i32
      %sign3A = arith.constant 0 : i32
      %sign3A_140 = arith.cmpi sgt, %squeeze3A, %sign3A : i32
      %sign3A_141 = arith.extui %sign3A_140 : i1 to i32
      %sign3A_142 = arith.constant 0 : i32
      %sign3A_143 = arith.cmpi slt, %squeeze3A, %sign3A_142 : i32
      %sign3A_144 = arith.extui %sign3A_143 : i1 to i32
      %sign3A_145 = arith.subi %sign3A_141, %sign3A_144 : i32
      %sign3A_146 = arith.constant 0 : i32
      %sign3A_147 = arith.cmpi sgt, %jit3A, %sign3A_146 : i32
      %sign3A_148 = arith.extui %sign3A_147 : i1 to i32
      %sign3A_149 = arith.constant 0 : i32
      %sign3A_150 = arith.cmpi slt, %jit3A, %sign3A_149 : i32
      %sign3A_151 = arith.extui %sign3A_150 : i1 to i32
      %sign3A_152 = arith.subi %sign3A_148, %sign3A_151 : i32
      %ne3A = arith.cmpi ne, %sign3A_145, %sign3A_152 : i32
      %rem3A = arith.remsi %squeeze3A, %jit3A : i32
      %ne3A_153 = arith.constant 0 : i32
      %ne3A_154 = arith.cmpi ne, %rem3A, %ne3A_153 : i32
      %and3A = arith.andi %ne3A, %ne3A_154 : i1
      %sub3A = arith.constant 1 : i32
      %sub3A_155 = arith.subi %div3A, %sub3A : i32
      %select_n3A = arith.select %and3A, %sub3A_155, %div3A : i32
      %mul3A_156 = arith.constant 16 : i32
      %mul3A_157 = arith.muli %select_n3A, %mul3A_156 : i32
      %get3A_158 = arith.index_cast %mul3A_157 : i32 to index
      %get3A_159 = tpu.vector_load %arg9[%get3A_158] {strides = array<i32>} : memref<64xi32, #tpu.memory_space<vmem>>, vector<16xi32>,
      %sub3A_160 = arith.subi %squeeze3A, %mul3A_157 : i32
      %eq3A = vector.broadcast %sub3A_160 : i32 to vector<16xi32>
      %eq3A_161 = arith.cmpi eq, %iota3A, %eq3A : vector<16xi32>
      %jit3A_162 = arith.constant -1 : i32
      %broadcast_in_dim3A_163 = vector.broadcast %jit3A_162 : i32 to vector<16xi32>
      %select_n3A_164 = arith.select %eq3A_161, %get3A_159, %broadcast_in_dim3A_163 : vector<16xi1>, vector<16xi32>
      %reduce_max3A = arith.constant true
      %reduce_max3A_165 = vector.broadcast %reduce_max3A : i1 to vector<16xi1>
      %reduce_max3A_166 = arith.constant -2147483648 : i32
      %reduce_max3A_167 = vector.broadcast %reduce_max3A_166 : i32 to vector<16xi32>
      %reduce_max3A_168 = arith.xori %select_n3A_164, %reduce_max3A_167 : vector<16xi32>
      %reduce_max3A_169 = tpu.scan <max>, %reduce_max3A_168 masked %reduce_max3A_165 : vector<16xi32>, vector<16xi1> -> vector<16xi32>
      %reduce_max3A_170 = arith.xori %reduce_max3A_169, %reduce_max3A_167 : vector<16xi32>
      %reduce_max3A_171 = vector.extract %reduce_max3A_170[15] : i32 from vector<16xi32>
      %add3A_172 = arith.constant 1 : i32
      %add3A_173 = vector.broadcast %add3A_172 : i32 to vector<16xi32>
      %add3A_174 = arith.addi %get3A_159, %add3A_173 : vector<16xi32>
      %select_n3A_175 = arith.select %eq3A_161, %add3A_174, %get3A_159 : vector<16xi1>, vector<16xi32>
      %swap3A_176 = arith.index_cast %mul3A_157 : i32 to index
      %swap3A_177 = tpu.vector_load %arg9[%swap3A_176] {strides = array<i32>} : memref<64xi32, #tpu.memory_space<vmem>>, vector<16xi32>,
      tpu.vector_store %arg9[%swap3A_176], %select_n3A_175 {strides = array<i32>} : memref<64xi32, #tpu.memory_space<vmem>>, vector<16xi32>,
      %lt3A = arith.constant 256 : i32
      %lt3A_178 = arith.cmpi slt, %reduce_max3A_171, %lt3A : i32
      %mul3A_179 = arith.constant 256 : i32
      %mul3A_180 = arith.muli %squeeze3A, %mul3A_179 : i32
      %add3A_181 = arith.addi %mul3A_180, %reduce_max3A_171 : i32
      %jit3A_182 = arith.constant 16384 : i32
      %select_n3A_183 = arith.select %lt3A_178, %add3A_181, %jit3A_182 : i32
      %eq3A_184 = arith.constant 0 : i32
      %eq3A_185 = vector.broadcast %eq3A_184 : i32 to vector<16xi32>
      %eq3A_186 = arith.cmpi eq, %iota3A, %eq3A_185 : vector<16xi32>
      %broadcast_in_dim3A_187 = vector.broadcast %select_n3A_183 : i32 to vector<16xi32>
      %select_n3A_188 = arith.select %eq3A_186, %broadcast_in_dim3A_187, %broadcast_in_dim3A_139 : vector<16xi1>, vector<16xi32>
      %slice3A_189 = vector.extract_strided_slice %get3A_137 {offsets = [1], sizes = [1], strides = [1]} : vector<16xi32> to vector<1xi32>
      %squeeze3A_190 = vector.extract %slice3A_189[0] : i32 from vector<1xi32>
      %jit3A_191 = arith.constant 16 : i32
      %div3A_192 = arith.divsi %squeeze3A_190, %jit3A_191 : i32
      %sign3A_193 = arith.constant 0 : i32
      %sign3A_194 = arith.cmpi sgt, %squeeze3A_190, %sign3A_193 : i32
      %sign3A_195 = arith.extui %sign3A_194 : i1 to i32
      %sign3A_196 = arith.constant 0 : i32
      %sign3A_197 = arith.cmpi slt, %squeeze3A_190, %sign3A_196 : i32
      %sign3A_198 = arith.extui %sign3A_197 : i1 to i32
      %sign3A_199 = arith.subi %sign3A_195, %sign3A_198 : i32
      %sign3A_200 = arith.constant 0 : i32
      %sign3A_201 = arith.cmpi sgt, %jit3A_191, %sign3A_200 : i32
      %sign3A_202 = arith.extui %sign3A_201 : i1 to i32
      %sign3A_203 = arith.constant 0 : i32
      %sign3A_204 = arith.cmpi slt, %jit3A_191, %sign3A_203 : i32
      %sign3A_205 = arith.extui %sign3A_204 : i1 to i32
      %sign3A_206 = arith.subi %sign3A_202, %sign3A_205 : i32
      %ne3A_207 = arith.cmpi ne, %sign3A_199, %sign3A_206 : i32
      %rem3A_208 = arith.remsi %squeeze3A_190, %jit3A_191 : i32
      %ne3A_209 = arith.constant 0 : i32
      %ne3A_210 = arith.cmpi ne, %rem3A_208, %ne3A_209 : i32
      %and3A_211 = arith.andi %ne3A_207, %ne3A_210 : i1
      %sub3A_212 = arith.constant 1 : i32
      %sub3A_213 = arith.subi %div3A_192, %sub3A_212 : i32
      %select_n3A_214 = arith.select %and3A_211, %sub3A_213, %div3A_192 : i32
      %mul3A_215 = arith.constant 16 : i32
      %mul3A_216 = arith.muli %select_n3A_214, %mul3A_215 : i32
      %get3A_217 = arith.index_cast %mul3A_216 : i32 to index
      %get3A_218 = tpu.vector_load %arg9[%get3A_217] {strides = array<i32>} : memref<64xi32, #tpu.memory_space<vmem>>, vector<16xi32>,
      %sub3A_219 = arith.subi %squeeze3A_190, %mul3A_216 : i32
      %eq3A_220 = vector.broadcast %sub3A_219 : i32 to vector<16xi32>
      %eq3A_221 = arith.cmpi eq, %iota3A, %eq3A_220 : vector<16xi32>
      %jit3A_222 = arith.constant -1 : i32
      %broadcast_in_dim3A_223 = vector.broadcast %jit3A_222 : i32 to vector<16xi32>
      %select_n3A_224 = arith.select %eq3A_221, %get3A_218, %broadcast_in_dim3A_223 : vector<16xi1>, vector<16xi32>
      %reduce_max3A_225 = arith.constant true
      %reduce_max3A_226 = vector.broadcast %reduce_max3A_225 : i1 to vector<16xi1>
      %reduce_max3A_227 = arith.constant -2147483648 : i32
      %reduce_max3A_228 = vector.broadcast %reduce_max3A_227 : i32 to vector<16xi32>
      %reduce_max3A_229 = arith.xori %select_n3A_224, %reduce_max3A_228 : vector<16xi32>
      %reduce_max3A_230 = tpu.scan <max>, %reduce_max3A_229 masked %reduce_max3A_226 : vector<16xi32>, vector<16xi1> -> vector<16xi32>
      %reduce_max3A_231 = arith.xori %reduce_max3A_230, %reduce_max3A_228 : vector<16xi32>
      %reduce_max3A_232 = vector.extract %reduce_max3A_231[15] : i32 from vector<16xi32>
      %add3A_233 = arith.constant 1 : i32
      %add3A_234 = vector.broadcast %add3A_233 : i32 to vector<16xi32>
      %add3A_235 = arith.addi %get3A_218, %add3A_234 : vector<16xi32>
      %select_n3A_236 = arith.select %eq3A_221, %add3A_235, %get3A_218 : vector<16xi1>, vector<16xi32>
      %swap3A_237 = arith.index_cast %mul3A_216 : i32 to index
      %swap3A_238 = tpu.vector_load %arg9[%swap3A_237] {strides = array<i32>} : memref<64xi32, #tpu.memory_space<vmem>>, vector<16xi32>,
      tpu.vector_store %arg9[%swap3A_237], %select_n3A_236 {strides = array<i32>} : memref<64xi32, #tpu.memory_space<vmem>>, vector<16xi32>,
      %lt3A_239 = arith.constant 256 : i32
      %lt3A_240 = arith.cmpi slt, %reduce_max3A_232, %lt3A_239 : i32
      %mul3A_241 = arith.constant 256 : i32
      %mul3A_242 = arith.muli %squeeze3A_190, %mul3A_241 : i32
      %add3A_243 = arith.addi %mul3A_242, %reduce_max3A_232 : i32
      %jit3A_244 = arith.constant 16384 : i32
      %select_n3A_245 = arith.select %lt3A_240, %add3A_243, %jit3A_244 : i32
      %eq3A_246 = arith.constant 1 : i32
      %eq3A_247 = vector.broadcast %eq3A_246 : i32 to vector<16xi32>
      %eq3A_248 = arith.cmpi eq, %iota3A, %eq3A_247 : vector<16xi32>
      %broadcast_in_dim3A_249 = vector.broadcast %select_n3A_245 : i32 to vector<16xi32>
      %select_n3A_250 = arith.select %eq3A_248, %broadcast_in_dim3A_249, %select_n3A_188 : vector<16xi1>, vector<16xi32>
      %slice3A_251 = vector.extract_strided_slice %get3A_137 {offsets = [2], sizes = [1], strides = [1]} : vector<16xi32> to vector<1xi32>
      %squeeze3A_252 = vector.extract %slice3A_251[0] : i32 from vector<1xi32>
      %jit3A_253 = arith.constant 16 : i32
      %div3A_254 = arith.divsi %squeeze3A_252, %jit3A_253 : i32
      %sign3A_255 = arith.constant 0 : i32
      %sign3A_256 = arith.cmpi sgt, %squeeze3A_252, %sign3A_255 : i32
      %sign3A_257 = arith.extui %sign3A_256 : i1 to i32
      %sign3A_258 = arith.constant 0 : i32
      %sign3A_259 = arith.cmpi slt, %squeeze3A_252, %sign3A_258 : i32
      %sign3A_260 = arith.extui %sign3A_259 : i1 to i32
      %sign3A_261 = arith.subi %sign3A_257, %sign3A_260 : i32
      %sign3A_262 = arith.constant 0 : i32
      %sign3A_263 = arith.cmpi sgt, %jit3A_253, %sign3A_262 : i32
      %sign3A_264 = arith.extui %sign3A_263 : i1 to i32
      %sign3A_265 = arith.constant 0 : i32
      %sign3A_266 = arith.cmpi slt, %jit3A_253, %sign3A_265 : i32
      %sign3A_267 = arith.extui %sign3A_266 : i1 to i32
      %sign3A_268 = arith.subi %sign3A_264, %sign3A_267 : i32
      %ne3A_269 = arith.cmpi ne, %sign3A_261, %sign3A_268 : i32
      %rem3A_270 = arith.remsi %squeeze3A_252, %jit3A_253 : i32
      %ne3A_271 = arith.constant 0 : i32
      %ne3A_272 = arith.cmpi ne, %rem3A_270, %ne3A_271 : i32
      %and3A_273 = arith.andi %ne3A_269, %ne3A_272 : i1
      %sub3A_274 = arith.constant 1 : i32
      %sub3A_275 = arith.subi %div3A_254, %sub3A_274 : i32
      %select_n3A_276 = arith.select %and3A_273, %sub3A_275, %div3A_254 : i32
      %mul3A_277 = arith.constant 16 : i32
      %mul3A_278 = arith.muli %select_n3A_276, %mul3A_277 : i32
      %get3A_279 = arith.index_cast %mul3A_278 : i32 to index
      %get3A_280 = tpu.vector_load %arg9[%get3A_279] {strides = array<i32>} : memref<64xi32, #tpu.memory_space<vmem>>, vector<16xi32>,
      %sub3A_281 = arith.subi %squeeze3A_252, %mul3A_278 : i32
      %eq3A_282 = vector.broadcast %sub3A_281 : i32 to vector<16xi32>
      %eq3A_283 = arith.cmpi eq, %iota3A, %eq3A_282 : vector<16xi32>
      %jit3A_284 = arith.constant -1 : i32
      %broadcast_in_dim3A_285 = vector.broadcast %jit3A_284 : i32 to vector<16xi32>
      %select_n3A_286 = arith.select %eq3A_283, %get3A_280, %broadcast_in_dim3A_285 : vector<16xi1>, vector<16xi32>
      %reduce_max3A_287 = arith.constant true
      %reduce_max3A_288 = vector.broadcast %reduce_max3A_287 : i1 to vector<16xi1>
      %reduce_max3A_289 = arith.constant -2147483648 : i32
      %reduce_max3A_290 = vector.broadcast %reduce_max3A_289 : i32 to vector<16xi32>
      %reduce_max3A_291 = arith.xori %select_n3A_286, %reduce_max3A_290 : vector<16xi32>
      %reduce_max3A_292 = tpu.scan <max>, %reduce_max3A_291 masked %reduce_max3A_288 : vector<16xi32>, vector<16xi1> -> vector<16xi32>
      %reduce_max3A_293 = arith.xori %reduce_max3A_292, %reduce_max3A_290 : vector<16xi32>
      %reduce_max3A_294 = vector.extract %reduce_max3A_293[15] : i32 from vector<16xi32>
      %add3A_295 = arith.constant 1 : i32
      %add3A_296 = vector.broadcast %add3A_295 : i32 to vector<16xi32>
      %add3A_297 = arith.addi %get3A_280, %add3A_296 : vector<16xi32>
      %select_n3A_298 = arith.select %eq3A_283, %add3A_297, %get3A_280 : vector<16xi1>, vector<16xi32>
      %swap3A_299 = arith.index_cast %mul3A_278 : i32 to index
      %swap3A_300 = tpu.vector_load %arg9[%swap3A_299] {strides = array<i32>} : memref<64xi32, #tpu.memory_space<vmem>>, vector<16xi32>,
      tpu.vector_store %arg9[%swap3A_299], %select_n3A_298 {strides = array<i32>} : memref<64xi32, #tpu.memory_space<vmem>>, vector<16xi32>,
      %lt3A_301 = arith.constant 256 : i32
      %lt3A_302 = arith.cmpi slt, %reduce_max3A_294, %lt3A_301 : i32
      %mul3A_303 = arith.constant 256 : i32
      %mul3A_304 = arith.muli %squeeze3A_252, %mul3A_303 : i32
      %add3A_305 = arith.addi %mul3A_304, %reduce_max3A_294 : i32
      %jit3A_306 = arith.constant 16384 : i32
      %select_n3A_307 = arith.select %lt3A_302, %add3A_305, %jit3A_306 : i32
      %eq3A_308 = arith.constant 2 : i32
      %eq3A_309 = vector.broadcast %eq3A_308 : i32 to vector<16xi32>
      %eq3A_310 = arith.cmpi eq, %iota3A, %eq3A_309 : vector<16xi32>
      %broadcast_in_dim3A_311 = vector.broadcast %select_n3A_307 : i32 to vector<16xi32>
      %select_n3A_312 = arith.select %eq3A_310, %broadcast_in_dim3A_311, %select_n3A_250 : vector<16xi1>, vector<16xi32>
      %slice3A_313 = vector.extract_strided_slice %get3A_137 {offsets = [3], sizes = [1], strides = [1]} : vector<16xi32> to vector<1xi32>
      %squeeze3A_314 = vector.extract %slice3A_313[0] : i32 from vector<1xi32>
      %jit3A_315 = arith.constant 16 : i32
      %div3A_316 = arith.divsi %squeeze3A_314, %jit3A_315 : i32
      %sign3A_317 = arith.constant 0 : i32
      %sign3A_318 = arith.cmpi sgt, %squeeze3A_314, %sign3A_317 : i32
      %sign3A_319 = arith.extui %sign3A_318 : i1 to i32
      %sign3A_320 = arith.constant 0 : i32
      %sign3A_321 = arith.cmpi slt, %squeeze3A_314, %sign3A_320 : i32
      %sign3A_322 = arith.extui %sign3A_321 : i1 to i32
      %sign3A_323 = arith.subi %sign3A_319, %sign3A_322 : i32
      %sign3A_324 = arith.constant 0 : i32
      %sign3A_325 = arith.cmpi sgt, %jit3A_315, %sign3A_324 : i32
      %sign3A_326 = arith.extui %sign3A_325 : i1 to i32
      %sign3A_327 = arith.constant 0 : i32
      %sign3A_328 = arith.cmpi slt, %jit3A_315, %sign3A_327 : i32
      %sign3A_329 = arith.extui %sign3A_328 : i1 to i32
      %sign3A_330 = arith.subi %sign3A_326, %sign3A_329 : i32
      %ne3A_331 = arith.cmpi ne, %sign3A_323, %sign3A_330 : i32
      %rem3A_332 = arith.remsi %squeeze3A_314, %jit3A_315 : i32
      %ne3A_333 = arith.constant 0 : i32
      %ne3A_334 = arith.cmpi ne, %rem3A_332, %ne3A_333 : i32
      %and3A_335 = arith.andi %ne3A_331, %ne3A_334 : i1
      %sub3A_336 = arith.constant 1 : i32
      %sub3A_337 = arith.subi %div3A_316, %sub3A_336 : i32
      %select_n3A_338 = arith.select %and3A_335, %sub3A_337, %div3A_316 : i32
      %mul3A_339 = arith.constant 16 : i32
      %mul3A_340 = arith.muli %select_n3A_338, %mul3A_339 : i32
      %get3A_341 = arith.index_cast %mul3A_340 : i32 to index
      %get3A_342 = tpu.vector_load %arg9[%get3A_341] {strides = array<i32>} : memref<64xi32, #tpu.memory_space<vmem>>, vector<16xi32>,
      %sub3A_343 = arith.subi %squeeze3A_314, %mul3A_340 : i32
      %eq3A_344 = vector.broadcast %sub3A_343 : i32 to vector<16xi32>
      %eq3A_345 = arith.cmpi eq, %iota3A, %eq3A_344 : vector<16xi32>
      %jit3A_346 = arith.constant -1 : i32
      %broadcast_in_dim3A_347 = vector.broadcast %jit3A_346 : i32 to vector<16xi32>
      %select_n3A_348 = arith.select %eq3A_345, %get3A_342, %broadcast_in_dim3A_347 : vector<16xi1>, vector<16xi32>
      %reduce_max3A_349 = arith.constant true
      %reduce_max3A_350 = vector.broadcast %reduce_max3A_349 : i1 to vector<16xi1>
      %reduce_max3A_351 = arith.constant -2147483648 : i32
      %reduce_max3A_352 = vector.broadcast %reduce_max3A_351 : i32 to vector<16xi32>
      %reduce_max3A_353 = arith.xori %select_n3A_348, %reduce_max3A_352 : vector<16xi32>
      %reduce_max3A_354 = tpu.scan <max>, %reduce_max3A_353 masked %reduce_max3A_350 : vector<16xi32>, vector<16xi1> -> vector<16xi32>
      %reduce_max3A_355 = arith.xori %reduce_max3A_354, %reduce_max3A_352 : vector<16xi32>
      %reduce_max3A_356 = vector.extract %reduce_max3A_355[15] : i32 from vector<16xi32>
      %add3A_357 = arith.constant 1 : i32
      %add3A_358 = vector.broadcast %add3A_357 : i32 to vector<16xi32>
      %add3A_359 = arith.addi %get3A_342, %add3A_358 : vector<16xi32>
      %select_n3A_360 = arith.select %eq3A_345, %add3A_359, %get3A_342 : vector<16xi1>, vector<16xi32>
      %swap3A_361 = arith.index_cast %mul3A_340 : i32 to index
      %swap3A_362 = tpu.vector_load %arg9[%swap3A_361] {strides = array<i32>} : memref<64xi32, #tpu.memory_space<vmem>>, vector<16xi32>,
      tpu.vector_store %arg9[%swap3A_361], %select_n3A_360 {strides = array<i32>} : memref<64xi32, #tpu.memory_space<vmem>>, vector<16xi32>,
      %lt3A_363 = arith.constant 256 : i32
      %lt3A_364 = arith.cmpi slt, %reduce_max3A_356, %lt3A_363 : i32
      %mul3A_365 = arith.constant 256 : i32
      %mul3A_366 = arith.muli %squeeze3A_314, %mul3A_365 : i32
      %add3A_367 = arith.addi %mul3A_366, %reduce_max3A_356 : i32
      %jit3A_368 = arith.constant 16384 : i32
      %select_n3A_369 = arith.select %lt3A_364, %add3A_367, %jit3A_368 : i32
      %eq3A_370 = arith.constant 3 : i32
      %eq3A_371 = vector.broadcast %eq3A_370 : i32 to vector<16xi32>
      %eq3A_372 = arith.cmpi eq, %iota3A, %eq3A_371 : vector<16xi32>
      %broadcast_in_dim3A_373 = vector.broadcast %select_n3A_369 : i32 to vector<16xi32>
      %select_n3A_374 = arith.select %eq3A_372, %broadcast_in_dim3A_373, %select_n3A_312 : vector<16xi1>, vector<16xi32>
      %slice3A_375 = vector.extract_strided_slice %get3A_137 {offsets = [4], sizes = [1], strides = [1]} : vector<16xi32> to vector<1xi32>
      %squeeze3A_376 = vector.extract %slice3A_375[0] : i32 from vector<1xi32>
      %jit3A_377 = arith.constant 16 : i32
      %div3A_378 = arith.divsi %squeeze3A_376, %jit3A_377 : i32
      %sign3A_379 = arith.constant 0 : i32
      %sign3A_380 = arith.cmpi sgt, %squeeze3A_376, %sign3A_379 : i32
      %sign3A_381 = arith.extui %sign3A_380 : i1 to i32
      %sign3A_382 = arith.constant 0 : i32
      %sign3A_383 = arith.cmpi slt, %squeeze3A_376, %sign3A_382 : i32
      %sign3A_384 = arith.extui %sign3A_383 : i1 to i32
      %sign3A_385 = arith.subi %sign3A_381, %sign3A_384 : i32
      %sign3A_386 = arith.constant 0 : i32
      %sign3A_387 = arith.cmpi sgt, %jit3A_377, %sign3A_386 : i32
      %sign3A_388 = arith.extui %sign3A_387 : i1 to i32
      %sign3A_389 = arith.constant 0 : i32
      %sign3A_390 = arith.cmpi slt, %jit3A_377, %sign3A_389 : i32
      %sign3A_391 = arith.extui %sign3A_390 : i1 to i32
      %sign3A_392 = arith.subi %sign3A_388, %sign3A_391 : i32
      %ne3A_393 = arith.cmpi ne, %sign3A_385, %sign3A_392 : i32
      %rem3A_394 = arith.remsi %squeeze3A_376, %jit3A_377 : i32
      %ne3A_395 = arith.constant 0 : i32
      %ne3A_396 = arith.cmpi ne, %rem3A_394, %ne3A_395 : i32
      %and3A_397 = arith.andi %ne3A_393, %ne3A_396 : i1
      %sub3A_398 = arith.constant 1 : i32
      %sub3A_399 = arith.subi %div3A_378, %sub3A_398 : i32
      %select_n3A_400 = arith.select %and3A_397, %sub3A_399, %div3A_378 : i32
      %mul3A_401 = arith.constant 16 : i32
      %mul3A_402 = arith.muli %select_n3A_400, %mul3A_401 : i32
      %get3A_403 = arith.index_cast %mul3A_402 : i32 to index
      %get3A_404 = tpu.vector_load %arg9[%get3A_403] {strides = array<i32>} : memref<64xi32, #tpu.memory_space<vmem>>, vector<16xi32>,
      %sub3A_405 = arith.subi %squeeze3A_376, %mul3A_402 : i32
      %eq3A_406 = vector.broadcast %sub3A_405 : i32 to vector<16xi32>
      %eq3A_407 = arith.cmpi eq, %iota3A, %eq3A_406 : vector<16xi32>
      %jit3A_408 = arith.constant -1 : i32
      %broadcast_in_dim3A_409 = vector.broadcast %jit3A_408 : i32 to vector<16xi32>
      %select_n3A_410 = arith.select %eq3A_407, %get3A_404, %broadcast_in_dim3A_409 : vector<16xi1>, vector<16xi32>
      %reduce_max3A_411 = arith.constant true
      %reduce_max3A_412 = vector.broadcast %reduce_max3A_411 : i1 to vector<16xi1>
      %reduce_max3A_413 = arith.constant -2147483648 : i32
      %reduce_max3A_414 = vector.broadcast %reduce_max3A_413 : i32 to vector<16xi32>
      %reduce_max3A_415 = arith.xori %select_n3A_410, %reduce_max3A_414 : vector<16xi32>
      %reduce_max3A_416 = tpu.scan <max>, %reduce_max3A_415 masked %reduce_max3A_412 : vector<16xi32>, vector<16xi1> -> vector<16xi32>
      %reduce_max3A_417 = arith.xori %reduce_max3A_416, %reduce_max3A_414 : vector<16xi32>
      %reduce_max3A_418 = vector.extract %reduce_max3A_417[15] : i32 from vector<16xi32>
      %add3A_419 = arith.constant 1 : i32
      %add3A_420 = vector.broadcast %add3A_419 : i32 to vector<16xi32>
      %add3A_421 = arith.addi %get3A_404, %add3A_420 : vector<16xi32>
      %select_n3A_422 = arith.select %eq3A_407, %add3A_421, %get3A_404 : vector<16xi1>, vector<16xi32>
      %swap3A_423 = arith.index_cast %mul3A_402 : i32 to index
      %swap3A_424 = tpu.vector_load %arg9[%swap3A_423] {strides = array<i32>} : memref<64xi32, #tpu.memory_space<vmem>>, vector<16xi32>,
      tpu.vector_store %arg9[%swap3A_423], %select_n3A_422 {strides = array<i32>} : memref<64xi32, #tpu.memory_space<vmem>>, vector<16xi32>,
      %lt3A_425 = arith.constant 256 : i32
      %lt3A_426 = arith.cmpi slt, %reduce_max3A_418, %lt3A_425 : i32
      %mul3A_427 = arith.constant 256 : i32
      %mul3A_428 = arith.muli %squeeze3A_376, %mul3A_427 : i32
      %add3A_429 = arith.addi %mul3A_428, %reduce_max3A_418 : i32
      %jit3A_430 = arith.constant 16384 : i32
      %select_n3A_431 = arith.select %lt3A_426, %add3A_429, %jit3A_430 : i32
      %eq3A_432 = arith.constant 4 : i32
      %eq3A_433 = vector.broadcast %eq3A_432 : i32 to vector<16xi32>
      %eq3A_434 = arith.cmpi eq, %iota3A, %eq3A_433 : vector<16xi32>
      %broadcast_in_dim3A_435 = vector.broadcast %select_n3A_431 : i32 to vector<16xi32>
      %select_n3A_436 = arith.select %eq3A_434, %broadcast_in_dim3A_435, %select_n3A_374 : vector<16xi1>, vector<16xi32>
      %slice3A_437 = vector.extract_strided_slice %get3A_137 {offsets = [5], sizes = [1], strides = [1]} : vector<16xi32> to vector<1xi32>
      %squeeze3A_438 = vector.extract %slice3A_437[0] : i32 from vector<1xi32>
      %jit3A_439 = arith.constant 16 : i32
      %div3A_440 = arith.divsi %squeeze3A_438, %jit3A_439 : i32
      %sign3A_441 = arith.constant 0 : i32
      %sign3A_442 = arith.cmpi sgt, %squeeze3A_438, %sign3A_441 : i32
      %sign3A_443 = arith.extui %sign3A_442 : i1 to i32
      %sign3A_444 = arith.constant 0 : i32
      %sign3A_445 = arith.cmpi slt, %squeeze3A_438, %sign3A_444 : i32
      %sign3A_446 = arith.extui %sign3A_445 : i1 to i32
      %sign3A_447 = arith.subi %sign3A_443, %sign3A_446 : i32
      %sign3A_448 = arith.constant 0 : i32
      %sign3A_449 = arith.cmpi sgt, %jit3A_439, %sign3A_448 : i32
      %sign3A_450 = arith.extui %sign3A_449 : i1 to i32
      %sign3A_451 = arith.constant 0 : i32
      %sign3A_452 = arith.cmpi slt, %jit3A_439, %sign3A_451 : i32
      %sign3A_453 = arith.extui %sign3A_452 : i1 to i32
      %sign3A_454 = arith.subi %sign3A_450, %sign3A_453 : i32
      %ne3A_455 = arith.cmpi ne, %sign3A_447, %sign3A_454 : i32
      %rem3A_456 = arith.remsi %squeeze3A_438, %jit3A_439 : i32
      %ne3A_457 = arith.constant 0 : i32
      %ne3A_458 = arith.cmpi ne, %rem3A_456, %ne3A_457 : i32
      %and3A_459 = arith.andi %ne3A_455, %ne3A_458 : i1
      %sub3A_460 = arith.constant 1 : i32
      %sub3A_461 = arith.subi %div3A_440, %sub3A_460 : i32
      %select_n3A_462 = arith.select %and3A_459, %sub3A_461, %div3A_440 : i32
      %mul3A_463 = arith.constant 16 : i32
      %mul3A_464 = arith.muli %select_n3A_462, %mul3A_463 : i32
      %get3A_465 = arith.index_cast %mul3A_464 : i32 to index
      %get3A_466 = tpu.vector_load %arg9[%get3A_465] {strides = array<i32>} : memref<64xi32, #tpu.memory_space<vmem>>, vector<16xi32>,
      %sub3A_467 = arith.subi %squeeze3A_438, %mul3A_464 : i32
      %eq3A_468 = vector.broadcast %sub3A_467 : i32 to vector<16xi32>
      %eq3A_469 = arith.cmpi eq, %iota3A, %eq3A_468 : vector<16xi32>
      %jit3A_470 = arith.constant -1 : i32
      %broadcast_in_dim3A_471 = vector.broadcast %jit3A_470 : i32 to vector<16xi32>
      %select_n3A_472 = arith.select %eq3A_469, %get3A_466, %broadcast_in_dim3A_471 : vector<16xi1>, vector<16xi32>
      %reduce_max3A_473 = arith.constant true
      %reduce_max3A_474 = vector.broadcast %reduce_max3A_473 : i1 to vector<16xi1>
      %reduce_max3A_475 = arith.constant -2147483648 : i32
      %reduce_max3A_476 = vector.broadcast %reduce_max3A_475 : i32 to vector<16xi32>
      %reduce_max3A_477 = arith.xori %select_n3A_472, %reduce_max3A_476 : vector<16xi32>
      %reduce_max3A_478 = tpu.scan <max>, %reduce_max3A_477 masked %reduce_max3A_474 : vector<16xi32>, vector<16xi1> -> vector<16xi32>
      %reduce_max3A_479 = arith.xori %reduce_max3A_478, %reduce_max3A_476 : vector<16xi32>
      %reduce_max3A_480 = vector.extract %reduce_max3A_479[15] : i32 from vector<16xi32>
      %add3A_481 = arith.constant 1 : i32
      %add3A_482 = vector.broadcast %add3A_481 : i32 to vector<16xi32>
      %add3A_483 = arith.addi %get3A_466, %add3A_482 : vector<16xi32>
      %select_n3A_484 = arith.select %eq3A_469, %add3A_483, %get3A_466 : vector<16xi1>, vector<16xi32>
      %swap3A_485 = arith.index_cast %mul3A_464 : i32 to index
      %swap3A_486 = tpu.vector_load %arg9[%swap3A_485] {strides = array<i32>} : memref<64xi32, #tpu.memory_space<vmem>>, vector<16xi32>,
      tpu.vector_store %arg9[%swap3A_485], %select_n3A_484 {strides = array<i32>} : memref<64xi32, #tpu.memory_space<vmem>>, vector<16xi32>,
      %lt3A_487 = arith.constant 256 : i32
      %lt3A_488 = arith.cmpi slt, %reduce_max3A_480, %lt3A_487 : i32
      %mul3A_489 = arith.constant 256 : i32
      %mul3A_490 = arith.muli %squeeze3A_438, %mul3A_489 : i32
      %add3A_491 = arith.addi %mul3A_490, %reduce_max3A_480 : i32
      %jit3A_492 = arith.constant 16384 : i32
      %select_n3A_493 = arith.select %lt3A_488, %add3A_491, %jit3A_492 : i32
      %eq3A_494 = arith.constant 5 : i32
      %eq3A_495 = vector.broadcast %eq3A_494 : i32 to vector<16xi32>
      %eq3A_496 = arith.cmpi eq, %iota3A, %eq3A_495 : vector<16xi32>
      %broadcast_in_dim3A_497 = vector.broadcast %select_n3A_493 : i32 to vector<16xi32>
      %select_n3A_498 = arith.select %eq3A_496, %broadcast_in_dim3A_497, %select_n3A_436 : vector<16xi1>, vector<16xi32>
      %slice3A_499 = vector.extract_strided_slice %get3A_137 {offsets = [6], sizes = [1], strides = [1]} : vector<16xi32> to vector<1xi32>
      %squeeze3A_500 = vector.extract %slice3A_499[0] : i32 from vector<1xi32>
      %jit3A_501 = arith.constant 16 : i32
      %div3A_502 = arith.divsi %squeeze3A_500, %jit3A_501 : i32
      %sign3A_503 = arith.constant 0 : i32
      %sign3A_504 = arith.cmpi sgt, %squeeze3A_500, %sign3A_503 : i32
      %sign3A_505 = arith.extui %sign3A_504 : i1 to i32
      %sign3A_506 = arith.constant 0 : i32
      %sign3A_507 = arith.cmpi slt, %squeeze3A_500, %sign3A_506 : i32
      %sign3A_508 = arith.extui %sign3A_507 : i1 to i32
      %sign3A_509 = arith.subi %sign3A_505, %sign3A_508 : i32
      %sign3A_510 = arith.constant 0 : i32
      %sign3A_511 = arith.cmpi sgt, %jit3A_501, %sign3A_510 : i32
      %sign3A_512 = arith.extui %sign3A_511 : i1 to i32
      %sign3A_513 = arith.constant 0 : i32
      %sign3A_514 = arith.cmpi slt, %jit3A_501, %sign3A_513 : i32
      %sign3A_515 = arith.extui %sign3A_514 : i1 to i32
      %sign3A_516 = arith.subi %sign3A_512, %sign3A_515 : i32
      %ne3A_517 = arith.cmpi ne, %sign3A_509, %sign3A_516 : i32
      %rem3A_518 = arith.remsi %squeeze3A_500, %jit3A_501 : i32
      %ne3A_519 = arith.constant 0 : i32
      %ne3A_520 = arith.cmpi ne, %rem3A_518, %ne3A_519 : i32
      %and3A_521 = arith.andi %ne3A_517, %ne3A_520 : i1
      %sub3A_522 = arith.constant 1 : i32
      %sub3A_523 = arith.subi %div3A_502, %sub3A_522 : i32
      %select_n3A_524 = arith.select %and3A_521, %sub3A_523, %div3A_502 : i32
      %mul3A_525 = arith.constant 16 : i32
      %mul3A_526 = arith.muli %select_n3A_524, %mul3A_525 : i32
      %get3A_527 = arith.index_cast %mul3A_526 : i32 to index
      %get3A_528 = tpu.vector_load %arg9[%get3A_527] {strides = array<i32>} : memref<64xi32, #tpu.memory_space<vmem>>, vector<16xi32>,
      %sub3A_529 = arith.subi %squeeze3A_500, %mul3A_526 : i32
      %eq3A_530 = vector.broadcast %sub3A_529 : i32 to vector<16xi32>
      %eq3A_531 = arith.cmpi eq, %iota3A, %eq3A_530 : vector<16xi32>
      %jit3A_532 = arith.constant -1 : i32
      %broadcast_in_dim3A_533 = vector.broadcast %jit3A_532 : i32 to vector<16xi32>
      %select_n3A_534 = arith.select %eq3A_531, %get3A_528, %broadcast_in_dim3A_533 : vector<16xi1>, vector<16xi32>
      %reduce_max3A_535 = arith.constant true
      %reduce_max3A_536 = vector.broadcast %reduce_max3A_535 : i1 to vector<16xi1>
      %reduce_max3A_537 = arith.constant -2147483648 : i32
      %reduce_max3A_538 = vector.broadcast %reduce_max3A_537 : i32 to vector<16xi32>
      %reduce_max3A_539 = arith.xori %select_n3A_534, %reduce_max3A_538 : vector<16xi32>
      %reduce_max3A_540 = tpu.scan <max>, %reduce_max3A_539 masked %reduce_max3A_536 : vector<16xi32>, vector<16xi1> -> vector<16xi32>
      %reduce_max3A_541 = arith.xori %reduce_max3A_540, %reduce_max3A_538 : vector<16xi32>
      %reduce_max3A_542 = vector.extract %reduce_max3A_541[15] : i32 from vector<16xi32>
      %add3A_543 = arith.constant 1 : i32
      %add3A_544 = vector.broadcast %add3A_543 : i32 to vector<16xi32>
      %add3A_545 = arith.addi %get3A_528, %add3A_544 : vector<16xi32>
      %select_n3A_546 = arith.select %eq3A_531, %add3A_545, %get3A_528 : vector<16xi1>, vector<16xi32>
      %swap3A_547 = arith.index_cast %mul3A_526 : i32 to index
      %swap3A_548 = tpu.vector_load %arg9[%swap3A_547] {strides = array<i32>} : memref<64xi32, #tpu.memory_space<vmem>>, vector<16xi32>,
      tpu.vector_store %arg9[%swap3A_547], %select_n3A_546 {strides = array<i32>} : memref<64xi32, #tpu.memory_space<vmem>>, vector<16xi32>,
      %lt3A_549 = arith.constant 256 : i32
      %lt3A_550 = arith.cmpi slt, %reduce_max3A_542, %lt3A_549 : i32
      %mul3A_551 = arith.constant 256 : i32
      %mul3A_552 = arith.muli %squeeze3A_500, %mul3A_551 : i32
      %add3A_553 = arith.addi %mul3A_552, %reduce_max3A_542 : i32
      %jit3A_554 = arith.constant 16384 : i32
      %select_n3A_555 = arith.select %lt3A_550, %add3A_553, %jit3A_554 : i32
      %eq3A_556 = arith.constant 6 : i32
      %eq3A_557 = vector.broadcast %eq3A_556 : i32 to vector<16xi32>
      %eq3A_558 = arith.cmpi eq, %iota3A, %eq3A_557 : vector<16xi32>
      %broadcast_in_dim3A_559 = vector.broadcast %select_n3A_555 : i32 to vector<16xi32>
      %select_n3A_560 = arith.select %eq3A_558, %broadcast_in_dim3A_559, %select_n3A_498 : vector<16xi1>, vector<16xi32>
      %slice3A_561 = vector.extract_strided_slice %get3A_137 {offsets = [7], sizes = [1], strides = [1]} : vector<16xi32> to vector<1xi32>
      %squeeze3A_562 = vector.extract %slice3A_561[0] : i32 from vector<1xi32>
      %jit3A_563 = arith.constant 16 : i32
      %div3A_564 = arith.divsi %squeeze3A_562, %jit3A_563 : i32
      %sign3A_565 = arith.constant 0 : i32
      %sign3A_566 = arith.cmpi sgt, %squeeze3A_562, %sign3A_565 : i32
      %sign3A_567 = arith.extui %sign3A_566 : i1 to i32
      %sign3A_568 = arith.constant 0 : i32
      %sign3A_569 = arith.cmpi slt, %squeeze3A_562, %sign3A_568 : i32
      %sign3A_570 = arith.extui %sign3A_569 : i1 to i32
      %sign3A_571 = arith.subi %sign3A_567, %sign3A_570 : i32
      %sign3A_572 = arith.constant 0 : i32
      %sign3A_573 = arith.cmpi sgt, %jit3A_563, %sign3A_572 : i32
      %sign3A_574 = arith.extui %sign3A_573 : i1 to i32
      %sign3A_575 = arith.constant 0 : i32
      %sign3A_576 = arith.cmpi slt, %jit3A_563, %sign3A_575 : i32
      %sign3A_577 = arith.extui %sign3A_576 : i1 to i32
      %sign3A_578 = arith.subi %sign3A_574, %sign3A_577 : i32
      %ne3A_579 = arith.cmpi ne, %sign3A_571, %sign3A_578 : i32
      %rem3A_580 = arith.remsi %squeeze3A_562, %jit3A_563 : i32
      %ne3A_581 = arith.constant 0 : i32
      %ne3A_582 = arith.cmpi ne, %rem3A_580, %ne3A_581 : i32
      %and3A_583 = arith.andi %ne3A_579, %ne3A_582 : i1
      %sub3A_584 = arith.constant 1 : i32
      %sub3A_585 = arith.subi %div3A_564, %sub3A_584 : i32
      %select_n3A_586 = arith.select %and3A_583, %sub3A_585, %div3A_564 : i32
      %mul3A_587 = arith.constant 16 : i32
      %mul3A_588 = arith.muli %select_n3A_586, %mul3A_587 : i32
      %get3A_589 = arith.index_cast %mul3A_588 : i32 to index
      %get3A_590 = tpu.vector_load %arg9[%get3A_589] {strides = array<i32>} : memref<64xi32, #tpu.memory_space<vmem>>, vector<16xi32>,
      %sub3A_591 = arith.subi %squeeze3A_562, %mul3A_588 : i32
      %eq3A_592 = vector.broadcast %sub3A_591 : i32 to vector<16xi32>
      %eq3A_593 = arith.cmpi eq, %iota3A, %eq3A_592 : vector<16xi32>
      %jit3A_594 = arith.constant -1 : i32
      %broadcast_in_dim3A_595 = vector.broadcast %jit3A_594 : i32 to vector<16xi32>
      %select_n3A_596 = arith.select %eq3A_593, %get3A_590, %broadcast_in_dim3A_595 : vector<16xi1>, vector<16xi32>
      %reduce_max3A_597 = arith.constant true
      %reduce_max3A_598 = vector.broadcast %reduce_max3A_597 : i1 to vector<16xi1>
      %reduce_max3A_599 = arith.constant -2147483648 : i32
      %reduce_max3A_600 = vector.broadcast %reduce_max3A_599 : i32 to vector<16xi32>
      %reduce_max3A_601 = arith.xori %select_n3A_596, %reduce_max3A_600 : vector<16xi32>
      %reduce_max3A_602 = tpu.scan <max>, %reduce_max3A_601 masked %reduce_max3A_598 : vector<16xi32>, vector<16xi1> -> vector<16xi32>
      %reduce_max3A_603 = arith.xori %reduce_max3A_602, %reduce_max3A_600 : vector<16xi32>
      %reduce_max3A_604 = vector.extract %reduce_max3A_603[15] : i32 from vector<16xi32>
      %add3A_605 = arith.constant 1 : i32
      %add3A_606 = vector.broadcast %add3A_605 : i32 to vector<16xi32>
      %add3A_607 = arith.addi %get3A_590, %add3A_606 : vector<16xi32>
      %select_n3A_608 = arith.select %eq3A_593, %add3A_607, %get3A_590 : vector<16xi1>, vector<16xi32>
      %swap3A_609 = arith.index_cast %mul3A_588 : i32 to index
      %swap3A_610 = tpu.vector_load %arg9[%swap3A_609] {strides = array<i32>} : memref<64xi32, #tpu.memory_space<vmem>>, vector<16xi32>,
      tpu.vector_store %arg9[%swap3A_609], %select_n3A_608 {strides = array<i32>} : memref<64xi32, #tpu.memory_space<vmem>>, vector<16xi32>,
      %lt3A_611 = arith.constant 256 : i32
      %lt3A_612 = arith.cmpi slt, %reduce_max3A_604, %lt3A_611 : i32
      %mul3A_613 = arith.constant 256 : i32
      %mul3A_614 = arith.muli %squeeze3A_562, %mul3A_613 : i32
      %add3A_615 = arith.addi %mul3A_614, %reduce_max3A_604 : i32
      %jit3A_616 = arith.constant 16384 : i32
      %select_n3A_617 = arith.select %lt3A_612, %add3A_615, %jit3A_616 : i32
      %eq3A_618 = arith.constant 7 : i32
      %eq3A_619 = vector.broadcast %eq3A_618 : i32 to vector<16xi32>
      %eq3A_620 = arith.cmpi eq, %iota3A, %eq3A_619 : vector<16xi32>
      %broadcast_in_dim3A_621 = vector.broadcast %select_n3A_617 : i32 to vector<16xi32>
      %select_n3A_622 = arith.select %eq3A_620, %broadcast_in_dim3A_621, %select_n3A_560 : vector<16xi1>, vector<16xi32>
      %slice3A_623 = vector.extract_strided_slice %get3A_137 {offsets = [8], sizes = [1], strides = [1]} : vector<16xi32> to vector<1xi32>
      %squeeze3A_624 = vector.extract %slice3A_623[0] : i32 from vector<1xi32>
      %jit3A_625 = arith.constant 16 : i32
      %div3A_626 = arith.divsi %squeeze3A_624, %jit3A_625 : i32
      %sign3A_627 = arith.constant 0 : i32
      %sign3A_628 = arith.cmpi sgt, %squeeze3A_624, %sign3A_627 : i32
      %sign3A_629 = arith.extui %sign3A_628 : i1 to i32
      %sign3A_630 = arith.constant 0 : i32
      %sign3A_631 = arith.cmpi slt, %squeeze3A_624, %sign3A_630 : i32
      %sign3A_632 = arith.extui %sign3A_631 : i1 to i32
      %sign3A_633 = arith.subi %sign3A_629, %sign3A_632 : i32
      %sign3A_634 = arith.constant 0 : i32
      %sign3A_635 = arith.cmpi sgt, %jit3A_625, %sign3A_634 : i32
      %sign3A_636 = arith.extui %sign3A_635 : i1 to i32
      %sign3A_637 = arith.constant 0 : i32
      %sign3A_638 = arith.cmpi slt, %jit3A_625, %sign3A_637 : i32
      %sign3A_639 = arith.extui %sign3A_638 : i1 to i32
      %sign3A_640 = arith.subi %sign3A_636, %sign3A_639 : i32
      %ne3A_641 = arith.cmpi ne, %sign3A_633, %sign3A_640 : i32
      %rem3A_642 = arith.remsi %squeeze3A_624, %jit3A_625 : i32
      %ne3A_643 = arith.constant 0 : i32
      %ne3A_644 = arith.cmpi ne, %rem3A_642, %ne3A_643 : i32
      %and3A_645 = arith.andi %ne3A_641, %ne3A_644 : i1
      %sub3A_646 = arith.constant 1 : i32
      %sub3A_647 = arith.subi %div3A_626, %sub3A_646 : i32
      %select_n3A_648 = arith.select %and3A_645, %sub3A_647, %div3A_626 : i32
      %mul3A_649 = arith.constant 16 : i32
      %mul3A_650 = arith.muli %select_n3A_648, %mul3A_649 : i32
      %get3A_651 = arith.index_cast %mul3A_650 : i32 to index
      %get3A_652 = tpu.vector_load %arg9[%get3A_651] {strides = array<i32>} : memref<64xi32, #tpu.memory_space<vmem>>, vector<16xi32>,
      %sub3A_653 = arith.subi %squeeze3A_624, %mul3A_650 : i32
      %eq3A_654 = vector.broadcast %sub3A_653 : i32 to vector<16xi32>
      %eq3A_655 = arith.cmpi eq, %iota3A, %eq3A_654 : vector<16xi32>
      %jit3A_656 = arith.constant -1 : i32
      %broadcast_in_dim3A_657 = vector.broadcast %jit3A_656 : i32 to vector<16xi32>
      %select_n3A_658 = arith.select %eq3A_655, %get3A_652, %broadcast_in_dim3A_657 : vector<16xi1>, vector<16xi32>
      %reduce_max3A_659 = arith.constant true
      %reduce_max3A_660 = vector.broadcast %reduce_max3A_659 : i1 to vector<16xi1>
      %reduce_max3A_661 = arith.constant -2147483648 : i32
      %reduce_max3A_662 = vector.broadcast %reduce_max3A_661 : i32 to vector<16xi32>
      %reduce_max3A_663 = arith.xori %select_n3A_658, %reduce_max3A_662 : vector<16xi32>
      %reduce_max3A_664 = tpu.scan <max>, %reduce_max3A_663 masked %reduce_max3A_660 : vector<16xi32>, vector<16xi1> -> vector<16xi32>
      %reduce_max3A_665 = arith.xori %reduce_max3A_664, %reduce_max3A_662 : vector<16xi32>
      %reduce_max3A_666 = vector.extract %reduce_max3A_665[15] : i32 from vector<16xi32>
      %add3A_667 = arith.constant 1 : i32
      %add3A_668 = vector.broadcast %add3A_667 : i32 to vector<16xi32>
      %add3A_669 = arith.addi %get3A_652, %add3A_668 : vector<16xi32>
      %select_n3A_670 = arith.select %eq3A_655, %add3A_669, %get3A_652 : vector<16xi1>, vector<16xi32>
      %swap3A_671 = arith.index_cast %mul3A_650 : i32 to index
      %swap3A_672 = tpu.vector_load %arg9[%swap3A_671] {strides = array<i32>} : memref<64xi32, #tpu.memory_space<vmem>>, vector<16xi32>,
      tpu.vector_store %arg9[%swap3A_671], %select_n3A_670 {strides = array<i32>} : memref<64xi32, #tpu.memory_space<vmem>>, vector<16xi32>,
      %lt3A_673 = arith.constant 256 : i32
      %lt3A_674 = arith.cmpi slt, %reduce_max3A_666, %lt3A_673 : i32
      %mul3A_675 = arith.constant 256 : i32
      %mul3A_676 = arith.muli %squeeze3A_624, %mul3A_675 : i32
      %add3A_677 = arith.addi %mul3A_676, %reduce_max3A_666 : i32
      %jit3A_678 = arith.constant 16384 : i32
      %select_n3A_679 = arith.select %lt3A_674, %add3A_677, %jit3A_678 : i32
      %eq3A_680 = arith.constant 8 : i32
      %eq3A_681 = vector.broadcast %eq3A_680 : i32 to vector<16xi32>
      %eq3A_682 = arith.cmpi eq, %iota3A, %eq3A_681 : vector<16xi32>
      %broadcast_in_dim3A_683 = vector.broadcast %select_n3A_679 : i32 to vector<16xi32>
      %select_n3A_684 = arith.select %eq3A_682, %broadcast_in_dim3A_683, %select_n3A_622 : vector<16xi1>, vector<16xi32>
      %slice3A_685 = vector.extract_strided_slice %get3A_137 {offsets = [9], sizes = [1], strides = [1]} : vector<16xi32> to vector<1xi32>
      %squeeze3A_686 = vector.extract %slice3A_685[0] : i32 from vector<1xi32>
      %jit3A_687 = arith.constant 16 : i32
      %div3A_688 = arith.divsi %squeeze3A_686, %jit3A_687 : i32
      %sign3A_689 = arith.constant 0 : i32
      %sign3A_690 = arith.cmpi sgt, %squeeze3A_686, %sign3A_689 : i32
      %sign3A_691 = arith.extui %sign3A_690 : i1 to i32
      %sign3A_692 = arith.constant 0 : i32
      %sign3A_693 = arith.cmpi slt, %squeeze3A_686, %sign3A_692 : i32
      %sign3A_694 = arith.extui %sign3A_693 : i1 to i32
      %sign3A_695 = arith.subi %sign3A_691, %sign3A_694 : i32
      %sign3A_696 = arith.constant 0 : i32
      %sign3A_697 = arith.cmpi sgt, %jit3A_687, %sign3A_696 : i32
      %sign3A_698 = arith.extui %sign3A_697 : i1 to i32
      %sign3A_699 = arith.constant 0 : i32
      %sign3A_700 = arith.cmpi slt, %jit3A_687, %sign3A_699 : i32
      %sign3A_701 = arith.extui %sign3A_700 : i1 to i32
      %sign3A_702 = arith.subi %sign3A_698, %sign3A_701 : i32
      %ne3A_703 = arith.cmpi ne, %sign3A_695, %sign3A_702 : i32
      %rem3A_704 = arith.remsi %squeeze3A_686, %jit3A_687 : i32
      %ne3A_705 = arith.constant 0 : i32
      %ne3A_706 = arith.cmpi ne, %rem3A_704, %ne3A_705 : i32
      %and3A_707 = arith.andi %ne3A_703, %ne3A_706 : i1
      %sub3A_708 = arith.constant 1 : i32
      %sub3A_709 = arith.subi %div3A_688, %sub3A_708 : i32
      %select_n3A_710 = arith.select %and3A_707, %sub3A_709, %div3A_688 : i32
      %mul3A_711 = arith.constant 16 : i32
      %mul3A_712 = arith.muli %select_n3A_710, %mul3A_711 : i32
      %get3A_713 = arith.index_cast %mul3A_712 : i32 to index
      %get3A_714 = tpu.vector_load %arg9[%get3A_713] {strides = array<i32>} : memref<64xi32, #tpu.memory_space<vmem>>, vector<16xi32>,
      %sub3A_715 = arith.subi %squeeze3A_686, %mul3A_712 : i32
      %eq3A_716 = vector.broadcast %sub3A_715 : i32 to vector<16xi32>
      %eq3A_717 = arith.cmpi eq, %iota3A, %eq3A_716 : vector<16xi32>
      %jit3A_718 = arith.constant -1 : i32
      %broadcast_in_dim3A_719 = vector.broadcast %jit3A_718 : i32 to vector<16xi32>
      %select_n3A_720 = arith.select %eq3A_717, %get3A_714, %broadcast_in_dim3A_719 : vector<16xi1>, vector<16xi32>
      %reduce_max3A_721 = arith.constant true
      %reduce_max3A_722 = vector.broadcast %reduce_max3A_721 : i1 to vector<16xi1>
      %reduce_max3A_723 = arith.constant -2147483648 : i32
      %reduce_max3A_724 = vector.broadcast %reduce_max3A_723 : i32 to vector<16xi32>
      %reduce_max3A_725 = arith.xori %select_n3A_720, %reduce_max3A_724 : vector<16xi32>
      %reduce_max3A_726 = tpu.scan <max>, %reduce_max3A_725 masked %reduce_max3A_722 : vector<16xi32>, vector<16xi1> -> vector<16xi32>
      %reduce_max3A_727 = arith.xori %reduce_max3A_726, %reduce_max3A_724 : vector<16xi32>
      %reduce_max3A_728 = vector.extract %reduce_max3A_727[15] : i32 from vector<16xi32>
      %add3A_729 = arith.constant 1 : i32
      %add3A_730 = vector.broadcast %add3A_729 : i32 to vector<16xi32>
      %add3A_731 = arith.addi %get3A_714, %add3A_730 : vector<16xi32>
      %select_n3A_732 = arith.select %eq3A_717, %add3A_731, %get3A_714 : vector<16xi1>, vector<16xi32>
      %swap3A_733 = arith.index_cast %mul3A_712 : i32 to index
      %swap3A_734 = tpu.vector_load %arg9[%swap3A_733] {strides = array<i32>} : memref<64xi32, #tpu.memory_space<vmem>>, vector<16xi32>,
      tpu.vector_store %arg9[%swap3A_733], %select_n3A_732 {strides = array<i32>} : memref<64xi32, #tpu.memory_space<vmem>>, vector<16xi32>,
      %lt3A_735 = arith.constant 256 : i32
      %lt3A_736 = arith.cmpi slt, %reduce_max3A_728, %lt3A_735 : i32
      %mul3A_737 = arith.constant 256 : i32
      %mul3A_738 = arith.muli %squeeze3A_686, %mul3A_737 : i32
      %add3A_739 = arith.addi %mul3A_738, %reduce_max3A_728 : i32
      %jit3A_740 = arith.constant 16384 : i32
      %select_n3A_741 = arith.select %lt3A_736, %add3A_739, %jit3A_740 : i32
      %eq3A_742 = arith.constant 9 : i32
      %eq3A_743 = vector.broadcast %eq3A_742 : i32 to vector<16xi32>
      %eq3A_744 = arith.cmpi eq, %iota3A, %eq3A_743 : vector<16xi32>
      %broadcast_in_dim3A_745 = vector.broadcast %select_n3A_741 : i32 to vector<16xi32>
      %select_n3A_746 = arith.select %eq3A_744, %broadcast_in_dim3A_745, %select_n3A_684 : vector<16xi1>, vector<16xi32>
      %slice3A_747 = vector.extract_strided_slice %get3A_137 {offsets = [10], sizes = [1], strides = [1]} : vector<16xi32> to vector<1xi32>
      %squeeze3A_748 = vector.extract %slice3A_747[0] : i32 from vector<1xi32>
      %jit3A_749 = arith.constant 16 : i32
      %div3A_750 = arith.divsi %squeeze3A_748, %jit3A_749 : i32
      %sign3A_751 = arith.constant 0 : i32
      %sign3A_752 = arith.cmpi sgt, %squeeze3A_748, %sign3A_751 : i32
      %sign3A_753 = arith.extui %sign3A_752 : i1 to i32
      %sign3A_754 = arith.constant 0 : i32
      %sign3A_755 = arith.cmpi slt, %squeeze3A_748, %sign3A_754 : i32
      %sign3A_756 = arith.extui %sign3A_755 : i1 to i32
      %sign3A_757 = arith.subi %sign3A_753, %sign3A_756 : i32
      %sign3A_758 = arith.constant 0 : i32
      %sign3A_759 = arith.cmpi sgt, %jit3A_749, %sign3A_758 : i32
      %sign3A_760 = arith.extui %sign3A_759 : i1 to i32
      %sign3A_761 = arith.constant 0 : i32
      %sign3A_762 = arith.cmpi slt, %jit3A_749, %sign3A_761 : i32
      %sign3A_763 = arith.extui %sign3A_762 : i1 to i32
      %sign3A_764 = arith.subi %sign3A_760, %sign3A_763 : i32
      %ne3A_765 = arith.cmpi ne, %sign3A_757, %sign3A_764 : i32
      %rem3A_766 = arith.remsi %squeeze3A_748, %jit3A_749 : i32
      %ne3A_767 = arith.constant 0 : i32
      %ne3A_768 = arith.cmpi ne, %rem3A_766, %ne3A_767 : i32
      %and3A_769 = arith.andi %ne3A_765, %ne3A_768 : i1
      %sub3A_770 = arith.constant 1 : i32
      %sub3A_771 = arith.subi %div3A_750, %sub3A_770 : i32
      %select_n3A_772 = arith.select %and3A_769, %sub3A_771, %div3A_750 : i32
      %mul3A_773 = arith.constant 16 : i32
      %mul3A_774 = arith.muli %select_n3A_772, %mul3A_773 : i32
      %get3A_775 = arith.index_cast %mul3A_774 : i32 to index
      %get3A_776 = tpu.vector_load %arg9[%get3A_775] {strides = array<i32>} : memref<64xi32, #tpu.memory_space<vmem>>, vector<16xi32>,
      %sub3A_777 = arith.subi %squeeze3A_748, %mul3A_774 : i32
      %eq3A_778 = vector.broadcast %sub3A_777 : i32 to vector<16xi32>
      %eq3A_779 = arith.cmpi eq, %iota3A, %eq3A_778 : vector<16xi32>
      %jit3A_780 = arith.constant -1 : i32
      %broadcast_in_dim3A_781 = vector.broadcast %jit3A_780 : i32 to vector<16xi32>
      %select_n3A_782 = arith.select %eq3A_779, %get3A_776, %broadcast_in_dim3A_781 : vector<16xi1>, vector<16xi32>
      %reduce_max3A_783 = arith.constant true
      %reduce_max3A_784 = vector.broadcast %reduce_max3A_783 : i1 to vector<16xi1>
      %reduce_max3A_785 = arith.constant -2147483648 : i32
      %reduce_max3A_786 = vector.broadcast %reduce_max3A_785 : i32 to vector<16xi32>
      %reduce_max3A_787 = arith.xori %select_n3A_782, %reduce_max3A_786 : vector<16xi32>
      %reduce_max3A_788 = tpu.scan <max>, %reduce_max3A_787 masked %reduce_max3A_784 : vector<16xi32>, vector<16xi1> -> vector<16xi32>
      %reduce_max3A_789 = arith.xori %reduce_max3A_788, %reduce_max3A_786 : vector<16xi32>
      %reduce_max3A_790 = vector.extract %reduce_max3A_789[15] : i32 from vector<16xi32>
      %add3A_791 = arith.constant 1 : i32
      %add3A_792 = vector.broadcast %add3A_791 : i32 to vector<16xi32>
      %add3A_793 = arith.addi %get3A_776, %add3A_792 : vector<16xi32>
      %select_n3A_794 = arith.select %eq3A_779, %add3A_793, %get3A_776 : vector<16xi1>, vector<16xi32>
      %swap3A_795 = arith.index_cast %mul3A_774 : i32 to index
      %swap3A_796 = tpu.vector_load %arg9[%swap3A_795] {strides = array<i32>} : memref<64xi32, #tpu.memory_space<vmem>>, vector<16xi32>,
      tpu.vector_store %arg9[%swap3A_795], %select_n3A_794 {strides = array<i32>} : memref<64xi32, #tpu.memory_space<vmem>>, vector<16xi32>,
      %lt3A_797 = arith.constant 256 : i32
      %lt3A_798 = arith.cmpi slt, %reduce_max3A_790, %lt3A_797 : i32
      %mul3A_799 = arith.constant 256 : i32
      %mul3A_800 = arith.muli %squeeze3A_748, %mul3A_799 : i32
      %add3A_801 = arith.addi %mul3A_800, %reduce_max3A_790 : i32
      %jit3A_802 = arith.constant 16384 : i32
      %select_n3A_803 = arith.select %lt3A_798, %add3A_801, %jit3A_802 : i32
      %eq3A_804 = arith.constant 10 : i32
      %eq3A_805 = vector.broadcast %eq3A_804 : i32 to vector<16xi32>
      %eq3A_806 = arith.cmpi eq, %iota3A, %eq3A_805 : vector<16xi32>
      %broadcast_in_dim3A_807 = vector.broadcast %select_n3A_803 : i32 to vector<16xi32>
      %select_n3A_808 = arith.select %eq3A_806, %broadcast_in_dim3A_807, %select_n3A_746 : vector<16xi1>, vector<16xi32>
      %slice3A_809 = vector.extract_strided_slice %get3A_137 {offsets = [11], sizes = [1], strides = [1]} : vector<16xi32> to vector<1xi32>
      %squeeze3A_810 = vector.extract %slice3A_809[0] : i32 from vector<1xi32>
      %jit3A_811 = arith.constant 16 : i32
      %div3A_812 = arith.divsi %squeeze3A_810, %jit3A_811 : i32
      %sign3A_813 = arith.constant 0 : i32
      %sign3A_814 = arith.cmpi sgt, %squeeze3A_810, %sign3A_813 : i32
      %sign3A_815 = arith.extui %sign3A_814 : i1 to i32
      %sign3A_816 = arith.constant 0 : i32
      %sign3A_817 = arith.cmpi slt, %squeeze3A_810, %sign3A_816 : i32
      %sign3A_818 = arith.extui %sign3A_817 : i1 to i32
      %sign3A_819 = arith.subi %sign3A_815, %sign3A_818 : i32
      %sign3A_820 = arith.constant 0 : i32
      %sign3A_821 = arith.cmpi sgt, %jit3A_811, %sign3A_820 : i32
      %sign3A_822 = arith.extui %sign3A_821 : i1 to i32
      %sign3A_823 = arith.constant 0 : i32
      %sign3A_824 = arith.cmpi slt, %jit3A_811, %sign3A_823 : i32
      %sign3A_825 = arith.extui %sign3A_824 : i1 to i32
      %sign3A_826 = arith.subi %sign3A_822, %sign3A_825 : i32
      %ne3A_827 = arith.cmpi ne, %sign3A_819, %sign3A_826 : i32
      %rem3A_828 = arith.remsi %squeeze3A_810, %jit3A_811 : i32
      %ne3A_829 = arith.constant 0 : i32
      %ne3A_830 = arith.cmpi ne, %rem3A_828, %ne3A_829 : i32
      %and3A_831 = arith.andi %ne3A_827, %ne3A_830 : i1
      %sub3A_832 = arith.constant 1 : i32
      %sub3A_833 = arith.subi %div3A_812, %sub3A_832 : i32
      %select_n3A_834 = arith.select %and3A_831, %sub3A_833, %div3A_812 : i32
      %mul3A_835 = arith.constant 16 : i32
      %mul3A_836 = arith.muli %select_n3A_834, %mul3A_835 : i32
      %get3A_837 = arith.index_cast %mul3A_836 : i32 to index
      %get3A_838 = tpu.vector_load %arg9[%get3A_837] {strides = array<i32>} : memref<64xi32, #tpu.memory_space<vmem>>, vector<16xi32>,
      %sub3A_839 = arith.subi %squeeze3A_810, %mul3A_836 : i32
      %eq3A_840 = vector.broadcast %sub3A_839 : i32 to vector<16xi32>
      %eq3A_841 = arith.cmpi eq, %iota3A, %eq3A_840 : vector<16xi32>
      %jit3A_842 = arith.constant -1 : i32
      %broadcast_in_dim3A_843 = vector.broadcast %jit3A_842 : i32 to vector<16xi32>
      %select_n3A_844 = arith.select %eq3A_841, %get3A_838, %broadcast_in_dim3A_843 : vector<16xi1>, vector<16xi32>
      %reduce_max3A_845 = arith.constant true
      %reduce_max3A_846 = vector.broadcast %reduce_max3A_845 : i1 to vector<16xi1>
      %reduce_max3A_847 = arith.constant -2147483648 : i32
      %reduce_max3A_848 = vector.broadcast %reduce_max3A_847 : i32 to vector<16xi32>
      %reduce_max3A_849 = arith.xori %select_n3A_844, %reduce_max3A_848 : vector<16xi32>
      %reduce_max3A_850 = tpu.scan <max>, %reduce_max3A_849 masked %reduce_max3A_846 : vector<16xi32>, vector<16xi1> -> vector<16xi32>
      %reduce_max3A_851 = arith.xori %reduce_max3A_850, %reduce_max3A_848 : vector<16xi32>
      %reduce_max3A_852 = vector.extract %reduce_max3A_851[15] : i32 from vector<16xi32>
      %add3A_853 = arith.constant 1 : i32
      %add3A_854 = vector.broadcast %add3A_853 : i32 to vector<16xi32>
      %add3A_855 = arith.addi %get3A_838, %add3A_854 : vector<16xi32>
      %select_n3A_856 = arith.select %eq3A_841, %add3A_855, %get3A_838 : vector<16xi1>, vector<16xi32>
      %swap3A_857 = arith.index_cast %mul3A_836 : i32 to index
      %swap3A_858 = tpu.vector_load %arg9[%swap3A_857] {strides = array<i32>} : memref<64xi32, #tpu.memory_space<vmem>>, vector<16xi32>,
      tpu.vector_store %arg9[%swap3A_857], %select_n3A_856 {strides = array<i32>} : memref<64xi32, #tpu.memory_space<vmem>>, vector<16xi32>,
      %lt3A_859 = arith.constant 256 : i32
      %lt3A_860 = arith.cmpi slt, %reduce_max3A_852, %lt3A_859 : i32
      %mul3A_861 = arith.constant 256 : i32
      %mul3A_862 = arith.muli %squeeze3A_810, %mul3A_861 : i32
      %add3A_863 = arith.addi %mul3A_862, %reduce_max3A_852 : i32
      %jit3A_864 = arith.constant 16384 : i32
      %select_n3A_865 = arith.select %lt3A_860, %add3A_863, %jit3A_864 : i32
      %eq3A_866 = arith.constant 11 : i32
      %eq3A_867 = vector.broadcast %eq3A_866 : i32 to vector<16xi32>
      %eq3A_868 = arith.cmpi eq, %iota3A, %eq3A_867 : vector<16xi32>
      %broadcast_in_dim3A_869 = vector.broadcast %select_n3A_865 : i32 to vector<16xi32>
      %select_n3A_870 = arith.select %eq3A_868, %broadcast_in_dim3A_869, %select_n3A_808 : vector<16xi1>, vector<16xi32>
      %slice3A_871 = vector.extract_strided_slice %get3A_137 {offsets = [12], sizes = [1], strides = [1]} : vector<16xi32> to vector<1xi32>
      %squeeze3A_872 = vector.extract %slice3A_871[0] : i32 from vector<1xi32>
      %jit3A_873 = arith.constant 16 : i32
      %div3A_874 = arith.divsi %squeeze3A_872, %jit3A_873 : i32
      %sign3A_875 = arith.constant 0 : i32
      %sign3A_876 = arith.cmpi sgt, %squeeze3A_872, %sign3A_875 : i32
      %sign3A_877 = arith.extui %sign3A_876 : i1 to i32
      %sign3A_878 = arith.constant 0 : i32
      %sign3A_879 = arith.cmpi slt, %squeeze3A_872, %sign3A_878 : i32
      %sign3A_880 = arith.extui %sign3A_879 : i1 to i32
      %sign3A_881 = arith.subi %sign3A_877, %sign3A_880 : i32
      %sign3A_882 = arith.constant 0 : i32
      %sign3A_883 = arith.cmpi sgt, %jit3A_873, %sign3A_882 : i32
      %sign3A_884 = arith.extui %sign3A_883 : i1 to i32
      %sign3A_885 = arith.constant 0 : i32
      %sign3A_886 = arith.cmpi slt, %jit3A_873, %sign3A_885 : i32
      %sign3A_887 = arith.extui %sign3A_886 : i1 to i32
      %sign3A_888 = arith.subi %sign3A_884, %sign3A_887 : i32
      %ne3A_889 = arith.cmpi ne, %sign3A_881, %sign3A_888 : i32
      %rem3A_890 = arith.remsi %squeeze3A_872, %jit3A_873 : i32
      %ne3A_891 = arith.constant 0 : i32
      %ne3A_892 = arith.cmpi ne, %rem3A_890, %ne3A_891 : i32
      %and3A_893 = arith.andi %ne3A_889, %ne3A_892 : i1
      %sub3A_894 = arith.constant 1 : i32
      %sub3A_895 = arith.subi %div3A_874, %sub3A_894 : i32
      %select_n3A_896 = arith.select %and3A_893, %sub3A_895, %div3A_874 : i32
      %mul3A_897 = arith.constant 16 : i32
      %mul3A_898 = arith.muli %select_n3A_896, %mul3A_897 : i32
      %get3A_899 = arith.index_cast %mul3A_898 : i32 to index
      %get3A_900 = tpu.vector_load %arg9[%get3A_899] {strides = array<i32>} : memref<64xi32, #tpu.memory_space<vmem>>, vector<16xi32>,
      %sub3A_901 = arith.subi %squeeze3A_872, %mul3A_898 : i32
      %eq3A_902 = vector.broadcast %sub3A_901 : i32 to vector<16xi32>
      %eq3A_903 = arith.cmpi eq, %iota3A, %eq3A_902 : vector<16xi32>
      %jit3A_904 = arith.constant -1 : i32
      %broadcast_in_dim3A_905 = vector.broadcast %jit3A_904 : i32 to vector<16xi32>
      %select_n3A_906 = arith.select %eq3A_903, %get3A_900, %broadcast_in_dim3A_905 : vector<16xi1>, vector<16xi32>
      %reduce_max3A_907 = arith.constant true
      %reduce_max3A_908 = vector.broadcast %reduce_max3A_907 : i1 to vector<16xi1>
      %reduce_max3A_909 = arith.constant -2147483648 : i32
      %reduce_max3A_910 = vector.broadcast %reduce_max3A_909 : i32 to vector<16xi32>
      %reduce_max3A_911 = arith.xori %select_n3A_906, %reduce_max3A_910 : vector<16xi32>
      %reduce_max3A_912 = tpu.scan <max>, %reduce_max3A_911 masked %reduce_max3A_908 : vector<16xi32>, vector<16xi1> -> vector<16xi32>
      %reduce_max3A_913 = arith.xori %reduce_max3A_912, %reduce_max3A_910 : vector<16xi32>
      %reduce_max3A_914 = vector.extract %reduce_max3A_913[15] : i32 from vector<16xi32>
      %add3A_915 = arith.constant 1 : i32
      %add3A_916 = vector.broadcast %add3A_915 : i32 to vector<16xi32>
      %add3A_917 = arith.addi %get3A_900, %add3A_916 : vector<16xi32>
      %select_n3A_918 = arith.select %eq3A_903, %add3A_917, %get3A_900 : vector<16xi1>, vector<16xi32>
      %swap3A_919 = arith.index_cast %mul3A_898 : i32 to index
      %swap3A_920 = tpu.vector_load %arg9[%swap3A_919] {strides = array<i32>} : memref<64xi32, #tpu.memory_space<vmem>>, vector<16xi32>,
      tpu.vector_store %arg9[%swap3A_919], %select_n3A_918 {strides = array<i32>} : memref<64xi32, #tpu.memory_space<vmem>>, vector<16xi32>,
      %lt3A_921 = arith.constant 256 : i32
      %lt3A_922 = arith.cmpi slt, %reduce_max3A_914, %lt3A_921 : i32
      %mul3A_923 = arith.constant 256 : i32
      %mul3A_924 = arith.muli %squeeze3A_872, %mul3A_923 : i32
      %add3A_925 = arith.addi %mul3A_924, %reduce_max3A_914 : i32
      %jit3A_926 = arith.constant 16384 : i32
      %select_n3A_927 = arith.select %lt3A_922, %add3A_925, %jit3A_926 : i32
      %eq3A_928 = arith.constant 12 : i32
      %eq3A_929 = vector.broadcast %eq3A_928 : i32 to vector<16xi32>
      %eq3A_930 = arith.cmpi eq, %iota3A, %eq3A_929 : vector<16xi32>
      %broadcast_in_dim3A_931 = vector.broadcast %select_n3A_927 : i32 to vector<16xi32>
      %select_n3A_932 = arith.select %eq3A_930, %broadcast_in_dim3A_931, %select_n3A_870 : vector<16xi1>, vector<16xi32>
      %slice3A_933 = vector.extract_strided_slice %get3A_137 {offsets = [13], sizes = [1], strides = [1]} : vector<16xi32> to vector<1xi32>
      %squeeze3A_934 = vector.extract %slice3A_933[0] : i32 from vector<1xi32>
      %jit3A_935 = arith.constant 16 : i32
      %div3A_936 = arith.divsi %squeeze3A_934, %jit3A_935 : i32
      %sign3A_937 = arith.constant 0 : i32
      %sign3A_938 = arith.cmpi sgt, %squeeze3A_934, %sign3A_937 : i32
      %sign3A_939 = arith.extui %sign3A_938 : i1 to i32
      %sign3A_940 = arith.constant 0 : i32
      %sign3A_941 = arith.cmpi slt, %squeeze3A_934, %sign3A_940 : i32
      %sign3A_942 = arith.extui %sign3A_941 : i1 to i32
      %sign3A_943 = arith.subi %sign3A_939, %sign3A_942 : i32
      %sign3A_944 = arith.constant 0 : i32
      %sign3A_945 = arith.cmpi sgt, %jit3A_935, %sign3A_944 : i32
      %sign3A_946 = arith.extui %sign3A_945 : i1 to i32
      %sign3A_947 = arith.constant 0 : i32
      %sign3A_948 = arith.cmpi slt, %jit3A_935, %sign3A_947 : i32
      %sign3A_949 = arith.extui %sign3A_948 : i1 to i32
      %sign3A_950 = arith.subi %sign3A_946, %sign3A_949 : i32
      %ne3A_951 = arith.cmpi ne, %sign3A_943, %sign3A_950 : i32
      %rem3A_952 = arith.remsi %squeeze3A_934, %jit3A_935 : i32
      %ne3A_953 = arith.constant 0 : i32
      %ne3A_954 = arith.cmpi ne, %rem3A_952, %ne3A_953 : i32
      %and3A_955 = arith.andi %ne3A_951, %ne3A_954 : i1
      %sub3A_956 = arith.constant 1 : i32
      %sub3A_957 = arith.subi %div3A_936, %sub3A_956 : i32
      %select_n3A_958 = arith.select %and3A_955, %sub3A_957, %div3A_936 : i32
      %mul3A_959 = arith.constant 16 : i32
      %mul3A_960 = arith.muli %select_n3A_958, %mul3A_959 : i32
      %get3A_961 = arith.index_cast %mul3A_960 : i32 to index
      %get3A_962 = tpu.vector_load %arg9[%get3A_961] {strides = array<i32>} : memref<64xi32, #tpu.memory_space<vmem>>, vector<16xi32>,
      %sub3A_963 = arith.subi %squeeze3A_934, %mul3A_960 : i32
      %eq3A_964 = vector.broadcast %sub3A_963 : i32 to vector<16xi32>
      %eq3A_965 = arith.cmpi eq, %iota3A, %eq3A_964 : vector<16xi32>
      %jit3A_966 = arith.constant -1 : i32
      %broadcast_in_dim3A_967 = vector.broadcast %jit3A_966 : i32 to vector<16xi32>
      %select_n3A_968 = arith.select %eq3A_965, %get3A_962, %broadcast_in_dim3A_967 : vector<16xi1>, vector<16xi32>
      %reduce_max3A_969 = arith.constant true
      %reduce_max3A_970 = vector.broadcast %reduce_max3A_969 : i1 to vector<16xi1>
      %reduce_max3A_971 = arith.constant -2147483648 : i32
      %reduce_max3A_972 = vector.broadcast %reduce_max3A_971 : i32 to vector<16xi32>
      %reduce_max3A_973 = arith.xori %select_n3A_968, %reduce_max3A_972 : vector<16xi32>
      %reduce_max3A_974 = tpu.scan <max>, %reduce_max3A_973 masked %reduce_max3A_970 : vector<16xi32>, vector<16xi1> -> vector<16xi32>
      %reduce_max3A_975 = arith.xori %reduce_max3A_974, %reduce_max3A_972 : vector<16xi32>
      %reduce_max3A_976 = vector.extract %reduce_max3A_975[15] : i32 from vector<16xi32>
      %add3A_977 = arith.constant 1 : i32
      %add3A_978 = vector.broadcast %add3A_977 : i32 to vector<16xi32>
      %add3A_979 = arith.addi %get3A_962, %add3A_978 : vector<16xi32>
      %select_n3A_980 = arith.select %eq3A_965, %add3A_979, %get3A_962 : vector<16xi1>, vector<16xi32>
      %swap3A_981 = arith.index_cast %mul3A_960 : i32 to index
      %swap3A_982 = tpu.vector_load %arg9[%swap3A_981] {strides = array<i32>} : memref<64xi32, #tpu.memory_space<vmem>>, vector<16xi32>,
      tpu.vector_store %arg9[%swap3A_981], %select_n3A_980 {strides = array<i32>} : memref<64xi32, #tpu.memory_space<vmem>>, vector<16xi32>,
      %lt3A_983 = arith.constant 256 : i32
      %lt3A_984 = arith.cmpi slt, %reduce_max3A_976, %lt3A_983 : i32
      %mul3A_985 = arith.constant 256 : i32
      %mul3A_986 = arith.muli %squeeze3A_934, %mul3A_985 : i32
      %add3A_987 = arith.addi %mul3A_986, %reduce_max3A_976 : i32
      %jit3A_988 = arith.constant 16384 : i32
      %select_n3A_989 = arith.select %lt3A_984, %add3A_987, %jit3A_988 : i32
      %eq3A_990 = arith.constant 13 : i32
      %eq3A_991 = vector.broadcast %eq3A_990 : i32 to vector<16xi32>
      %eq3A_992 = arith.cmpi eq, %iota3A, %eq3A_991 : vector<16xi32>
      %broadcast_in_dim3A_993 = vector.broadcast %select_n3A_989 : i32 to vector<16xi32>
      %select_n3A_994 = arith.select %eq3A_992, %broadcast_in_dim3A_993, %select_n3A_932 : vector<16xi1>, vector<16xi32>
      %slice3A_995 = vector.extract_strided_slice %get3A_137 {offsets = [14], sizes = [1], strides = [1]} : vector<16xi32> to vector<1xi32>
      %squeeze3A_996 = vector.extract %slice3A_995[0] : i32 from vector<1xi32>
      %jit3A_997 = arith.constant 16 : i32
      %div3A_998 = arith.divsi %squeeze3A_996, %jit3A_997 : i32
      %sign3A_999 = arith.constant 0 : i32
      %sign3A_1000 = arith.cmpi sgt, %squeeze3A_996, %sign3A_999 : i32
      %sign3A_1001 = arith.extui %sign3A_1000 : i1 to i32
      %sign3A_1002 = arith.constant 0 : i32
      %sign3A_1003 = arith.cmpi slt, %squeeze3A_996, %sign3A_1002 : i32
      %sign3A_1004 = arith.extui %sign3A_1003 : i1 to i32
      %sign3A_1005 = arith.subi %sign3A_1001, %sign3A_1004 : i32
      %sign3A_1006 = arith.constant 0 : i32
      %sign3A_1007 = arith.cmpi sgt, %jit3A_997, %sign3A_1006 : i32
      %sign3A_1008 = arith.extui %sign3A_1007 : i1 to i32
      %sign3A_1009 = arith.constant 0 : i32
      %sign3A_1010 = arith.cmpi slt, %jit3A_997, %sign3A_1009 : i32
      %sign3A_1011 = arith.extui %sign3A_1010 : i1 to i32
      %sign3A_1012 = arith.subi %sign3A_1008, %sign3A_1011 : i32
      %ne3A_1013 = arith.cmpi ne, %sign3A_1005, %sign3A_1012 : i32
      %rem3A_1014 = arith.remsi %squeeze3A_996, %jit3A_997 : i32
      %ne3A_1015 = arith.constant 0 : i32
      %ne3A_1016 = arith.cmpi ne, %rem3A_1014, %ne3A_1015 : i32
      %and3A_1017 = arith.andi %ne3A_1013, %ne3A_1016 : i1
      %sub3A_1018 = arith.constant 1 : i32
      %sub3A_1019 = arith.subi %div3A_998, %sub3A_1018 : i32
      %select_n3A_1020 = arith.select %and3A_1017, %sub3A_1019, %div3A_998 : i32
      %mul3A_1021 = arith.constant 16 : i32
      %mul3A_1022 = arith.muli %select_n3A_1020, %mul3A_1021 : i32
      %get3A_1023 = arith.index_cast %mul3A_1022 : i32 to index
      %get3A_1024 = tpu.vector_load %arg9[%get3A_1023] {strides = array<i32>} : memref<64xi32, #tpu.memory_space<vmem>>, vector<16xi32>,
      %sub3A_1025 = arith.subi %squeeze3A_996, %mul3A_1022 : i32
      %eq3A_1026 = vector.broadcast %sub3A_1025 : i32 to vector<16xi32>
      %eq3A_1027 = arith.cmpi eq, %iota3A, %eq3A_1026 : vector<16xi32>
      %jit3A_1028 = arith.constant -1 : i32
      %broadcast_in_dim3A_1029 = vector.broadcast %jit3A_1028 : i32 to vector<16xi32>
      %select_n3A_1030 = arith.select %eq3A_1027, %get3A_1024, %broadcast_in_dim3A_1029 : vector<16xi1>, vector<16xi32>
      %reduce_max3A_1031 = arith.constant true
      %reduce_max3A_1032 = vector.broadcast %reduce_max3A_1031 : i1 to vector<16xi1>
      %reduce_max3A_1033 = arith.constant -2147483648 : i32
      %reduce_max3A_1034 = vector.broadcast %reduce_max3A_1033 : i32 to vector<16xi32>
      %reduce_max3A_1035 = arith.xori %select_n3A_1030, %reduce_max3A_1034 : vector<16xi32>
      %reduce_max3A_1036 = tpu.scan <max>, %reduce_max3A_1035 masked %reduce_max3A_1032 : vector<16xi32>, vector<16xi1> -> vector<16xi32>
      %reduce_max3A_1037 = arith.xori %reduce_max3A_1036, %reduce_max3A_1034 : vector<16xi32>
      %reduce_max3A_1038 = vector.extract %reduce_max3A_1037[15] : i32 from vector<16xi32>
      %add3A_1039 = arith.constant 1 : i32
      %add3A_1040 = vector.broadcast %add3A_1039 : i32 to vector<16xi32>
      %add3A_1041 = arith.addi %get3A_1024, %add3A_1040 : vector<16xi32>
      %select_n3A_1042 = arith.select %eq3A_1027, %add3A_1041, %get3A_1024 : vector<16xi1>, vector<16xi32>
      %swap3A_1043 = arith.index_cast %mul3A_1022 : i32 to index
      %swap3A_1044 = tpu.vector_load %arg9[%swap3A_1043] {strides = array<i32>} : memref<64xi32, #tpu.memory_space<vmem>>, vector<16xi32>,
      tpu.vector_store %arg9[%swap3A_1043], %select_n3A_1042 {strides = array<i32>} : memref<64xi32, #tpu.memory_space<vmem>>, vector<16xi32>,
      %lt3A_1045 = arith.constant 256 : i32
      %lt3A_1046 = arith.cmpi slt, %reduce_max3A_1038, %lt3A_1045 : i32
      %mul3A_1047 = arith.constant 256 : i32
      %mul3A_1048 = arith.muli %squeeze3A_996, %mul3A_1047 : i32
      %add3A_1049 = arith.addi %mul3A_1048, %reduce_max3A_1038 : i32
      %jit3A_1050 = arith.constant 16384 : i32
      %select_n3A_1051 = arith.select %lt3A_1046, %add3A_1049, %jit3A_1050 : i32
      %eq3A_1052 = arith.constant 14 : i32
      %eq3A_1053 = vector.broadcast %eq3A_1052 : i32 to vector<16xi32>
      %eq3A_1054 = arith.cmpi eq, %iota3A, %eq3A_1053 : vector<16xi32>
      %broadcast_in_dim3A_1055 = vector.broadcast %select_n3A_1051 : i32 to vector<16xi32>
      %select_n3A_1056 = arith.select %eq3A_1054, %broadcast_in_dim3A_1055, %select_n3A_994 : vector<16xi1>, vector<16xi32>
      %slice3A_1057 = vector.extract_strided_slice %get3A_137 {offsets = [15], sizes = [1], strides = [1]} : vector<16xi32> to vector<1xi32>
      %squeeze3A_1058 = vector.extract %slice3A_1057[0] : i32 from vector<1xi32>
      %jit3A_1059 = arith.constant 16 : i32
      %div3A_1060 = arith.divsi %squeeze3A_1058, %jit3A_1059 : i32
      %sign3A_1061 = arith.constant 0 : i32
      %sign3A_1062 = arith.cmpi sgt, %squeeze3A_1058, %sign3A_1061 : i32
      %sign3A_1063 = arith.extui %sign3A_1062 : i1 to i32
      %sign3A_1064 = arith.constant 0 : i32
      %sign3A_1065 = arith.cmpi slt, %squeeze3A_1058, %sign3A_1064 : i32
      %sign3A_1066 = arith.extui %sign3A_1065 : i1 to i32
      %sign3A_1067 = arith.subi %sign3A_1063, %sign3A_1066 : i32
      %sign3A_1068 = arith.constant 0 : i32
      %sign3A_1069 = arith.cmpi sgt, %jit3A_1059, %sign3A_1068 : i32
      %sign3A_1070 = arith.extui %sign3A_1069 : i1 to i32
      %sign3A_1071 = arith.constant 0 : i32
      %sign3A_1072 = arith.cmpi slt, %jit3A_1059, %sign3A_1071 : i32
      %sign3A_1073 = arith.extui %sign3A_1072 : i1 to i32
      %sign3A_1074 = arith.subi %sign3A_1070, %sign3A_1073 : i32
      %ne3A_1075 = arith.cmpi ne, %sign3A_1067, %sign3A_1074 : i32
      %rem3A_1076 = arith.remsi %squeeze3A_1058, %jit3A_1059 : i32
      %ne3A_1077 = arith.constant 0 : i32
      %ne3A_1078 = arith.cmpi ne, %rem3A_1076, %ne3A_1077 : i32
      %and3A_1079 = arith.andi %ne3A_1075, %ne3A_1078 : i1
      %sub3A_1080 = arith.constant 1 : i32
      %sub3A_1081 = arith.subi %div3A_1060, %sub3A_1080 : i32
      %select_n3A_1082 = arith.select %and3A_1079, %sub3A_1081, %div3A_1060 : i32
      %mul3A_1083 = arith.constant 16 : i32
      %mul3A_1084 = arith.muli %select_n3A_1082, %mul3A_1083 : i32
      %get3A_1085 = arith.index_cast %mul3A_1084 : i32 to index
      %get3A_1086 = tpu.vector_load %arg9[%get3A_1085] {strides = array<i32>} : memref<64xi32, #tpu.memory_space<vmem>>, vector<16xi32>,
      %sub3A_1087 = arith.subi %squeeze3A_1058, %mul3A_1084 : i32
      %eq3A_1088 = vector.broadcast %sub3A_1087 : i32 to vector<16xi32>
      %eq3A_1089 = arith.cmpi eq, %iota3A, %eq3A_1088 : vector<16xi32>
      %jit3A_1090 = arith.constant -1 : i32
      %broadcast_in_dim3A_1091 = vector.broadcast %jit3A_1090 : i32 to vector<16xi32>
      %select_n3A_1092 = arith.select %eq3A_1089, %get3A_1086, %broadcast_in_dim3A_1091 : vector<16xi1>, vector<16xi32>
      %reduce_max3A_1093 = arith.constant true
      %reduce_max3A_1094 = vector.broadcast %reduce_max3A_1093 : i1 to vector<16xi1>
      %reduce_max3A_1095 = arith.constant -2147483648 : i32
      %reduce_max3A_1096 = vector.broadcast %reduce_max3A_1095 : i32 to vector<16xi32>
      %reduce_max3A_1097 = arith.xori %select_n3A_1092, %reduce_max3A_1096 : vector<16xi32>
      %reduce_max3A_1098 = tpu.scan <max>, %reduce_max3A_1097 masked %reduce_max3A_1094 : vector<16xi32>, vector<16xi1> -> vector<16xi32>
      %reduce_max3A_1099 = arith.xori %reduce_max3A_1098, %reduce_max3A_1096 : vector<16xi32>
      %reduce_max3A_1100 = vector.extract %reduce_max3A_1099[15] : i32 from vector<16xi32>
      %add3A_1101 = arith.constant 1 : i32
      %add3A_1102 = vector.broadcast %add3A_1101 : i32 to vector<16xi32>
      %add3A_1103 = arith.addi %get3A_1086, %add3A_1102 : vector<16xi32>
      %select_n3A_1104 = arith.select %eq3A_1089, %add3A_1103, %get3A_1086 : vector<16xi1>, vector<16xi32>
      %swap3A_1105 = arith.index_cast %mul3A_1084 : i32 to index
      %swap3A_1106 = tpu.vector_load %arg9[%swap3A_1105] {strides = array<i32>} : memref<64xi32, #tpu.memory_space<vmem>>, vector<16xi32>,
      tpu.vector_store %arg9[%swap3A_1105], %select_n3A_1104 {strides = array<i32>} : memref<64xi32, #tpu.memory_space<vmem>>, vector<16xi32>,
      %lt3A_1107 = arith.constant 256 : i32
      %lt3A_1108 = arith.cmpi slt, %reduce_max3A_1100, %lt3A_1107 : i32
      %mul3A_1109 = arith.constant 256 : i32
      %mul3A_1110 = arith.muli %squeeze3A_1058, %mul3A_1109 : i32
      %add3A_1111 = arith.addi %mul3A_1110, %reduce_max3A_1100 : i32
      %jit3A_1112 = arith.constant 16384 : i32
      %select_n3A_1113 = arith.select %lt3A_1108, %add3A_1111, %jit3A_1112 : i32
      %eq3A_1114 = arith.constant 15 : i32
      %eq3A_1115 = vector.broadcast %eq3A_1114 : i32 to vector<16xi32>
      %eq3A_1116 = arith.cmpi eq, %iota3A, %eq3A_1115 : vector<16xi32>
      %broadcast_in_dim3A_1117 = vector.broadcast %select_n3A_1113 : i32 to vector<16xi32>
      %select_n3A_1118 = arith.select %eq3A_1116, %broadcast_in_dim3A_1117, %select_n3A_1056 : vector<16xi1>, vector<16xi32>
      %jit3A_1119 = arith.constant 4 : i32
      %div3A_1120 = arith.divsi %add3A_134, %jit3A_1119 : i32
      %sign3A_1121 = arith.constant 0 : i32
      %sign3A_1122 = arith.cmpi sgt, %add3A_134, %sign3A_1121 : i32
      %sign3A_1123 = arith.extui %sign3A_1122 : i1 to i32
      %sign3A_1124 = arith.constant 0 : i32
      %sign3A_1125 = arith.cmpi slt, %add3A_134, %sign3A_1124 : i32
      %sign3A_1126 = arith.extui %sign3A_1125 : i1 to i32
      %sign3A_1127 = arith.subi %sign3A_1123, %sign3A_1126 : i32
      %sign3A_1128 = arith.constant 0 : i32
      %sign3A_1129 = arith.cmpi sgt, %jit3A_1119, %sign3A_1128 : i32
      %sign3A_1130 = arith.extui %sign3A_1129 : i1 to i32
      %sign3A_1131 = arith.constant 0 : i32
      %sign3A_1132 = arith.cmpi slt, %jit3A_1119, %sign3A_1131 : i32
      %sign3A_1133 = arith.extui %sign3A_1132 : i1 to i32
      %sign3A_1134 = arith.subi %sign3A_1130, %sign3A_1133 : i32
      %ne3A_1135 = arith.cmpi ne, %sign3A_1127, %sign3A_1134 : i32
      %rem3A_1136 = arith.remsi %add3A_134, %jit3A_1119 : i32
      %ne3A_1137 = arith.constant 0 : i32
      %ne3A_1138 = arith.cmpi ne, %rem3A_1136, %ne3A_1137 : i32
      %and3A_1139 = arith.andi %ne3A_1135, %ne3A_1138 : i1
      %sub3A_1140 = arith.constant 1 : i32
      %sub3A_1141 = arith.subi %div3A_1120, %sub3A_1140 : i32
      %select_n3A_1142 = arith.select %and3A_1139, %sub3A_1141, %div3A_1120 : i32
      %jit3A_1143 = arith.constant 4 : i32
      %eq3A_1144 = arith.constant 0 : i32
      %eq3A_1145 = arith.cmpi eq, %jit3A_1143, %eq3A_1144 : i32
      %jit3A_1146 = arith.constant 1 : i32
      %select_n3A_1147 = arith.select %eq3A_1145, %jit3A_1146, %jit3A_1143 : i32
      %rem3A_1148 = arith.remsi %add3A_134, %select_n3A_1147 : i32
      %ne3A_1149 = arith.constant 0 : i32
      %ne3A_1150 = arith.cmpi ne, %rem3A_1148, %ne3A_1149 : i32
      %lt3A_1151 = arith.constant 0 : i32
      %lt3A_1152 = arith.cmpi slt, %rem3A_1148, %lt3A_1151 : i32
      %lt3A_1153 = arith.constant 0 : i32
      %lt3A_1154 = arith.cmpi slt, %select_n3A_1147, %lt3A_1153 : i32
      %ne3A_1155 = arith.xori %lt3A_1152, %lt3A_1154 : i1
      %and3A_1156 = arith.andi %ne3A_1155, %ne3A_1150 : i1
      %add3A_1157 = arith.addi %rem3A_1148, %select_n3A_1147 : i32
      %select_n3A_1158 = arith.select %and3A_1156, %add3A_1157, %rem3A_1148 : i32
      %mul3A_1159 = arith.constant 16 : i32
      %mul3A_1160 = arith.muli %select_n3A_1158, %mul3A_1159 : i32
      %swap3A_1161 = arith.index_cast %select_n3A_1142 : i32 to index
      %swap3A_1162 = arith.index_cast %mul3A_1160 : i32 to index
      %swap3A_1163 = tpu.vector_load %arg10[%swap3A_1161, %swap3A_1162] {strides = array<i32>} : memref<2x64xi32, #tpu.memory_space<vmem>>, vector<16xi32>,
      tpu.vector_store %arg10[%swap3A_1161, %swap3A_1162], %select_n3A_1118 {strides = array<i32>} : memref<2x64xi32, #tpu.memory_space<vmem>>, vector<16xi32>,
    }
    %scan3A_56 = arith.constant 8 : i32
    "tpu.region"() ({
      %run_scoped3A = tpu.sem_alloc : memref<!tpu.dma_semaphore, #tpu.memory_space<semaphore_mem>>
      %dma_start3A_130 = arith.constant 0 : i32
      %dma_start3A_131 = arith.constant 0 : i32
      %dma_start3A_132 = tpu.memref_slice %arg5[%add3A, %dma_start3A_130, %dma_start3A_131] : memref<32x2x64xi32, #tpu.memory_space<hbm>> -> memref<1x2x64xi32, #tpu.memory_space<hbm>>
      %dma_start3A_133 = tpu.memref_squeeze %dma_start3A_132 : memref<1x2x64xi32, #tpu.memory_space<hbm>> -> memref<2x64xi32, #tpu.memory_space<hbm>>
      %dma_start3A_134 = arith.constant 0 : i32
      %dma_start3A_135 = arith.constant 0 : i32
      %dma_start3A_136 = tpu.memref_slice %arg5[%add3A, %dma_start3A_134, %dma_start3A_135] : memref<32x2x64xi32, #tpu.memory_space<hbm>> -> memref<1x2x64xi32, #tpu.memory_space<hbm>>
      %dma_start3A_137 = tpu.memref_squeeze %dma_start3A_136 : memref<1x2x64xi32, #tpu.memory_space<hbm>> -> memref<2x64xi32, #tpu.memory_space<hbm>>
      tpu.enqueue_dma source(%arg10 : memref<2x64xi32, #tpu.memory_space<vmem>>) target(%dma_start3A_137 : memref<2x64xi32, #tpu.memory_space<hbm>>) target_semaphore(%run_scoped3A : memref<!tpu.dma_semaphore, #tpu.memory_space<semaphore_mem>>)
      %dma_wait3A_138 = arith.constant 0 : i32
      %dma_wait3A_139 = arith.constant 0 : i32
      %dma_wait3A_140 = tpu.memref_slice %arg5[%add3A, %dma_wait3A_138, %dma_wait3A_139] : memref<32x2x64xi32, #tpu.memory_space<hbm>> -> memref<1x2x64xi32, #tpu.memory_space<hbm>>
      %dma_wait3A_141 = tpu.memref_squeeze %dma_wait3A_140 : memref<1x2x64xi32, #tpu.memory_space<hbm>> -> memref<2x64xi32, #tpu.memory_space<hbm>>
      %dma_wait3A_142 = arith.constant 0 : i32
      %dma_wait3A_143 = arith.constant 0 : i32
      %dma_wait3A_144 = tpu.memref_slice %arg5[%add3A, %dma_wait3A_142, %dma_wait3A_143] : memref<32x2x64xi32, #tpu.memory_space<hbm>> -> memref<1x2x64xi32, #tpu.memory_space<hbm>>
      %dma_wait3A_145 = tpu.memref_squeeze %dma_wait3A_144 : memref<1x2x64xi32, #tpu.memory_space<hbm>> -> memref<2x64xi32, #tpu.memory_space<hbm>>
      tpu.wait_dma2 semaphore(%run_scoped3A : memref<!tpu.dma_semaphore, #tpu.memory_space<semaphore_mem>>) src(%arg10 : memref<2x64xi32, #tpu.memory_space<vmem>>) dst(%dma_wait3A_145 : memref<2x64xi32, #tpu.memory_space<hbm>>)
      tpu.yield
    }) : () -> ()
    %dma_wait3A = arith.constant 0 : i32
    %dma_wait3A_57 = arith.constant 0 : i32
    %dma_wait3A_58 = arith.constant 0 : i32
    %dma_wait3A_59 = tpu.memref_slice %arg11[%dma_wait3A, %dma_wait3A_57, %dma_wait3A_58] : memref<2x64x768xf32, #tpu.memory_space<vmem>> -> memref<1x64x768xf32, #tpu.memory_space<vmem>>
    %dma_wait3A_60 = tpu.memref_squeeze %dma_wait3A_59 : memref<1x64x768xf32, #tpu.memory_space<vmem>> -> memref<64x768xf32, #tpu.memory_space<vmem>>
    %dma_wait3A_61 = arith.constant 0 : i32
    %dma_wait3A_62 = tpu.memref_slice %arg4[%mul3A_2, %dma_wait3A_61] : memref<4096x768xf32, #tpu.memory_space<hbm>> -> memref<64x768xf32, #tpu.memory_space<hbm>>
    %dma_wait3A_63 = arith.constant 0 : i32
    %dma_wait3A_64 = arith.constant 0 : i32
    %dma_wait3A_65 = tpu.memref_slice %arg11[%dma_wait3A, %dma_wait3A_63, %dma_wait3A_64] : memref<2x64x768xf32, #tpu.memory_space<vmem>> -> memref<1x64x768xf32, #tpu.memory_space<vmem>>
    %dma_wait3A_66 = tpu.memref_squeeze %dma_wait3A_65 : memref<1x64x768xf32, #tpu.memory_space<vmem>> -> memref<64x768xf32, #tpu.memory_space<vmem>>
    %dma_wait3A_67 = arith.constant 0 : i32
    %dma_wait3A_68 = tpu.memref_slice %arg4[%mul3A_2, %dma_wait3A_67] : memref<4096x768xf32, #tpu.memory_space<hbm>> -> memref<64x768xf32, #tpu.memory_space<hbm>>
    tpu.wait_dma2 semaphore(%arg12 : memref<!tpu.dma_semaphore, #tpu.memory_space<semaphore_mem>>) src(%dma_wait3A_68 : memref<64x768xf32, #tpu.memory_space<hbm>>) dst(%dma_wait3A_66 : memref<64x768xf32, #tpu.memory_space<vmem>>)
    %dma_start3A_69 = arith.constant 0 : i32
    %dma_start3A_70 = arith.constant 0 : i32
    %dma_start3A_71 = arith.constant 0 : i32
    %dma_start3A_72 = arith.constant 0 : i32
    %dma_start3A_73 = tpu.memref_slice %arg11[%dma_start3A_69, %dma_start3A_71, %dma_start3A_72] : memref<2x64x768xf32, #tpu.memory_space<vmem>> -> memref<1x64x768xf32, #tpu.memory_space<vmem>>
    %dma_start3A_74 = tpu.memref_squeeze %dma_start3A_73 : memref<1x64x768xf32, #tpu.memory_space<vmem>> -> memref<64x768xf32, #tpu.memory_space<vmem>>
    %dma_start3A_75 = arith.constant 0 : i32
    %dma_start3A_76 = tpu.memref_slice %arg10[%dma_start3A_70, %dma_start3A_75] : memref<2x64xi32, #tpu.memory_space<vmem>> -> memref<1x64xi32, #tpu.memory_space<vmem>>
    %dma_start3A_77 = tpu.memref_squeeze %dma_start3A_76 : memref<1x64xi32, #tpu.memory_space<vmem>> -> memref<64xi32, #tpu.memory_space<vmem>>
    %dma_start3A_78 = arith.constant 0 : i32
    %dma_start3A_79 = arith.constant 0 : i32
    %dma_start3A_80 = tpu.memref_slice %arg6[%dma_start3A_78, %dma_start3A_79] : memref<16392x768xf32, #tpu.memory_space<hbm>> -> memref<16392x768xf32, #tpu.memory_space<hbm>>
    tpu.enqueue_indirect_dma source(%dma_start3A_74 : memref<64x768xf32, #tpu.memory_space<vmem>>) target(%dma_start3A_80 : memref<16392x768xf32, #tpu.memory_space<hbm>>) offsets(%dma_start3A_77 : memref<64xi32, #tpu.memory_space<vmem>>) semaphore(%arg14 : memref<!tpu.dma_semaphore, #tpu.memory_space<semaphore_mem>>)
    %dma_wait3A_81 = arith.constant 1 : i32
    %dma_wait3A_82 = arith.constant 0 : i32
    %dma_wait3A_83 = arith.constant 0 : i32
    %dma_wait3A_84 = tpu.memref_slice %arg11[%dma_wait3A_81, %dma_wait3A_82, %dma_wait3A_83] : memref<2x64x768xf32, #tpu.memory_space<vmem>> -> memref<1x64x768xf32, #tpu.memory_space<vmem>>
    %dma_wait3A_85 = tpu.memref_squeeze %dma_wait3A_84 : memref<1x64x768xf32, #tpu.memory_space<vmem>> -> memref<64x768xf32, #tpu.memory_space<vmem>>
    %dma_wait3A_86 = arith.constant 0 : i32
    %dma_wait3A_87 = tpu.memref_slice %arg4[%add3A_16, %dma_wait3A_86] : memref<4096x768xf32, #tpu.memory_space<hbm>> -> memref<64x768xf32, #tpu.memory_space<hbm>>
    %dma_wait3A_88 = arith.constant 0 : i32
    %dma_wait3A_89 = arith.constant 0 : i32
    %dma_wait3A_90 = tpu.memref_slice %arg11[%dma_wait3A_81, %dma_wait3A_88, %dma_wait3A_89] : memref<2x64x768xf32, #tpu.memory_space<vmem>> -> memref<1x64x768xf32, #tpu.memory_space<vmem>>
    %dma_wait3A_91 = tpu.memref_squeeze %dma_wait3A_90 : memref<1x64x768xf32, #tpu.memory_space<vmem>> -> memref<64x768xf32, #tpu.memory_space<vmem>>
    %dma_wait3A_92 = arith.constant 0 : i32
    %dma_wait3A_93 = tpu.memref_slice %arg4[%add3A_16, %dma_wait3A_92] : memref<4096x768xf32, #tpu.memory_space<hbm>> -> memref<64x768xf32, #tpu.memory_space<hbm>>
    tpu.wait_dma2 semaphore(%arg13 : memref<!tpu.dma_semaphore, #tpu.memory_space<semaphore_mem>>) src(%dma_wait3A_93 : memref<64x768xf32, #tpu.memory_space<hbm>>) dst(%dma_wait3A_91 : memref<64x768xf32, #tpu.memory_space<vmem>>)
    %dma_start3A_94 = arith.constant 1 : i32
    %dma_start3A_95 = arith.constant 1 : i32
    %dma_start3A_96 = arith.constant 0 : i32
    %dma_start3A_97 = arith.constant 0 : i32
    %dma_start3A_98 = tpu.memref_slice %arg11[%dma_start3A_94, %dma_start3A_96, %dma_start3A_97] : memref<2x64x768xf32, #tpu.memory_space<vmem>> -> memref<1x64x768xf32, #tpu.memory_space<vmem>>
    %dma_start3A_99 = tpu.memref_squeeze %dma_start3A_98 : memref<1x64x768xf32, #tpu.memory_space<vmem>> -> memref<64x768xf32, #tpu.memory_space<vmem>>
    %dma_start3A_100 = arith.constant 0 : i32
    %dma_start3A_101 = tpu.memref_slice %arg10[%dma_start3A_95, %dma_start3A_100] : memref<2x64xi32, #tpu.memory_space<vmem>> -> memref<1x64xi32, #tpu.memory_space<vmem>>
    %dma_start3A_102 = tpu.memref_squeeze %dma_start3A_101 : memref<1x64xi32, #tpu.memory_space<vmem>> -> memref<64xi32, #tpu.memory_space<vmem>>
    %dma_start3A_103 = arith.constant 0 : i32
    %dma_start3A_104 = arith.constant 0 : i32
    %dma_start3A_105 = tpu.memref_slice %arg6[%dma_start3A_103, %dma_start3A_104] : memref<16392x768xf32, #tpu.memory_space<hbm>> -> memref<16392x768xf32, #tpu.memory_space<hbm>>
    tpu.enqueue_indirect_dma source(%dma_start3A_99 : memref<64x768xf32, #tpu.memory_space<vmem>>) target(%dma_start3A_105 : memref<16392x768xf32, #tpu.memory_space<hbm>>) offsets(%dma_start3A_102 : memref<64xi32, #tpu.memory_space<vmem>>) semaphore(%arg15 : memref<!tpu.dma_semaphore, #tpu.memory_space<semaphore_mem>>)
    %dma_wait3A_106 = arith.constant 0 : i32
    %dma_wait3A_107 = arith.constant 0 : i32
    %dma_wait3A_108 = arith.constant 0 : i32
    %dma_wait3A_109 = arith.constant 0 : i32
    %dma_wait3A_110 = tpu.memref_slice %arg11[%dma_wait3A_106, %dma_wait3A_108, %dma_wait3A_109] : memref<2x64x768xf32, #tpu.memory_space<vmem>> -> memref<1x64x768xf32, #tpu.memory_space<vmem>>
    %dma_wait3A_111 = tpu.memref_squeeze %dma_wait3A_110 : memref<1x64x768xf32, #tpu.memory_space<vmem>> -> memref<64x768xf32, #tpu.memory_space<vmem>>
    %dma_wait3A_112 = arith.constant 0 : i32
    %dma_wait3A_113 = tpu.memref_slice %arg10[%dma_wait3A_107, %dma_wait3A_112] : memref<2x64xi32, #tpu.memory_space<vmem>> -> memref<1x64xi32, #tpu.memory_space<vmem>>
    %dma_wait3A_114 = tpu.memref_squeeze %dma_wait3A_113 : memref<1x64xi32, #tpu.memory_space<vmem>> -> memref<64xi32, #tpu.memory_space<vmem>>
    %dma_wait3A_115 = arith.constant 0 : i32
    %dma_wait3A_116 = arith.constant 0 : i32
    %dma_wait3A_117 = tpu.memref_slice %arg6[%dma_wait3A_115, %dma_wait3A_116] : memref<16392x768xf32, #tpu.memory_space<hbm>> -> memref<16392x768xf32, #tpu.memory_space<hbm>>
    tpu.wait_indirect_dma semaphore(%arg14 : memref<!tpu.dma_semaphore, #tpu.memory_space<semaphore_mem>>) src(%dma_wait3A_111 : memref<64x768xf32, #tpu.memory_space<vmem>>) dst(%dma_wait3A_117 : memref<16392x768xf32, #tpu.memory_space<hbm>>)
    %dma_wait3A_118 = arith.constant 1 : i32
    %dma_wait3A_119 = arith.constant 1 : i32
    %dma_wait3A_120 = arith.constant 0 : i32
    %dma_wait3A_121 = arith.constant 0 : i32
    %dma_wait3A_122 = tpu.memref_slice %arg11[%dma_wait3A_118, %dma_wait3A_120, %dma_wait3A_121] : memref<2x64x768xf32, #tpu.memory_space<vmem>> -> memref<1x64x768xf32, #tpu.memory_space<vmem>>
    %dma_wait3A_123 = tpu.memref_squeeze %dma_wait3A_122 : memref<1x64x768xf32, #tpu.memory_space<vmem>> -> memref<64x768xf32, #tpu.memory_space<vmem>>
    %dma_wait3A_124 = arith.constant 0 : i32
    %dma_wait3A_125 = tpu.memref_slice %arg10[%dma_wait3A_119, %dma_wait3A_124] : memref<2x64xi32, #tpu.memory_space<vmem>> -> memref<1x64xi32, #tpu.memory_space<vmem>>
    %dma_wait3A_126 = tpu.memref_squeeze %dma_wait3A_125 : memref<1x64xi32, #tpu.memory_space<vmem>> -> memref<64xi32, #tpu.memory_space<vmem>>
    %dma_wait3A_127 = arith.constant 0 : i32
    %dma_wait3A_128 = arith.constant 0 : i32
    %dma_wait3A_129 = tpu.memref_slice %arg6[%dma_wait3A_127, %dma_wait3A_128] : memref<16392x768xf32, #tpu.memory_space<hbm>> -> memref<16392x768xf32, #tpu.memory_space<hbm>>
    tpu.wait_indirect_dma semaphore(%arg15 : memref<!tpu.dma_semaphore, #tpu.memory_space<semaphore_mem>>) src(%dma_wait3A_123 : memref<64x768xf32, #tpu.memory_space<vmem>>) dst(%dma_wait3A_129 : memref<16392x768xf32, #tpu.memory_space<hbm>>)
    return
  }
}

#map = affine_map<(d0, d1) -> (0)>
#map1 = affine_map<(d0, d1) -> (0, 0)>
module attributes {stable_mosaic.version = 14 : i64} {
  func.func @k(%arg0: i32, %arg1: i32, %arg2: memref<4096xi32, #tpu.memory_space<hbm>>, %arg3: memref<32x64xi32, #tpu.memory_space<hbm>>, %arg4: memref<128xi32, #tpu.memory_space<vmem>>, %arg5: memref<64xi32, #tpu.memory_space<vmem>>) attributes {dimension_semantics = [#tpu.dimension_semantics<core_parallel>, #tpu.dimension_semantics<subcore_parallel>], iteration_bounds = array<i64: 2, 16>, scalar_prefetch = 0 : i64, scratch_operands = 2 : i64, tpu.core_type = #tpu.core_type<sc_vector_subcore>, window_params = [{transform_indices = #map}, {transform_indices = #map1}]} {
    %mul3A = arith.constant 2 : i32
    %mul3A_0 = arith.muli %arg1, %mul3A : i32
    %add3A = arith.addi %mul3A_0, %arg0 : i32
    %iota3A = tpu.iota {dimensions = array<i32: 0>} : vector<16xi32>
    %mul3A_1 = arith.constant 128 : i32
    %mul3A_2 = arith.muli %add3A, %mul3A_1 : i32
    "tpu.region"() ({
      %run_scoped3A = tpu.sem_alloc : memref<!tpu.dma_semaphore, #tpu.memory_space<semaphore_mem>>
      %dma_start3A = tpu.memref_slice %arg2[%mul3A_2] : memref<4096xi32, #tpu.memory_space<hbm>> -> memref<128xi32, #tpu.memory_space<hbm>>
      %dma_start3A_21 = tpu.memref_slice %arg2[%mul3A_2] : memref<4096xi32, #tpu.memory_space<hbm>> -> memref<128xi32, #tpu.memory_space<hbm>>
      tpu.enqueue_dma source(%dma_start3A_21 : memref<128xi32, #tpu.memory_space<hbm>>) target(%arg4 : memref<128xi32, #tpu.memory_space<vmem>>) target_semaphore(%run_scoped3A : memref<!tpu.dma_semaphore, #tpu.memory_space<semaphore_mem>>)
      %dma_wait3A = tpu.memref_slice %arg2[%mul3A_2] : memref<4096xi32, #tpu.memory_space<hbm>> -> memref<128xi32, #tpu.memory_space<hbm>>
      %dma_wait3A_22 = tpu.memref_slice %arg2[%mul3A_2] : memref<4096xi32, #tpu.memory_space<hbm>> -> memref<128xi32, #tpu.memory_space<hbm>>
      tpu.wait_dma2 semaphore(%run_scoped3A : memref<!tpu.dma_semaphore, #tpu.memory_space<semaphore_mem>>) src(%dma_wait3A_22 : memref<128xi32, #tpu.memory_space<hbm>>) dst(%arg4 : memref<128xi32, #tpu.memory_space<vmem>>)
      tpu.yield
    }) : () -> ()
    %broadcast_in_dim3A = arith.constant 0 : i32
    %broadcast_in_dim3A_3 = vector.broadcast %broadcast_in_dim3A : i32 to vector<16xi32>
    %swap3A = arith.constant 0 : index
    %swap3A_4 = tpu.vector_load %arg5[%swap3A] {strides = array<i32>} : memref<64xi32, #tpu.memory_space<vmem>>, vector<16xi32>,
    tpu.vector_store %arg5[%swap3A], %broadcast_in_dim3A_3 {strides = array<i32>} : memref<64xi32, #tpu.memory_space<vmem>>, vector<16xi32>,
    %broadcast_in_dim3A_5 = arith.constant 0 : i32
    %broadcast_in_dim3A_6 = vector.broadcast %broadcast_in_dim3A_5 : i32 to vector<16xi32>
    %swap3A_7 = arith.constant 16 : index
    %swap3A_8 = tpu.vector_load %arg5[%swap3A_7] {strides = array<i32>} : memref<64xi32, #tpu.memory_space<vmem>>, vector<16xi32>,
    tpu.vector_store %arg5[%swap3A_7], %broadcast_in_dim3A_6 {strides = array<i32>} : memref<64xi32, #tpu.memory_space<vmem>>, vector<16xi32>,
    %broadcast_in_dim3A_9 = arith.constant 0 : i32
    %broadcast_in_dim3A_10 = vector.broadcast %broadcast_in_dim3A_9 : i32 to vector<16xi32>
    %swap3A_11 = arith.constant 32 : index
    %swap3A_12 = tpu.vector_load %arg5[%swap3A_11] {strides = array<i32>} : memref<64xi32, #tpu.memory_space<vmem>>, vector<16xi32>,
    tpu.vector_store %arg5[%swap3A_11], %broadcast_in_dim3A_10 {strides = array<i32>} : memref<64xi32, #tpu.memory_space<vmem>>, vector<16xi32>,
    %broadcast_in_dim3A_13 = arith.constant 0 : i32
    %broadcast_in_dim3A_14 = vector.broadcast %broadcast_in_dim3A_13 : i32 to vector<16xi32>
    %swap3A_15 = arith.constant 48 : index
    %swap3A_16 = tpu.vector_load %arg5[%swap3A_15] {strides = array<i32>} : memref<64xi32, #tpu.memory_space<vmem>>, vector<16xi32>,
    tpu.vector_store %arg5[%swap3A_15], %broadcast_in_dim3A_14 {strides = array<i32>} : memref<64xi32, #tpu.memory_space<vmem>>, vector<16xi32>,
    %scan3A = arith.constant 0 : i32
    %scan3A_17 = arith.constant 8 : i32
    %scan3A_18 = arith.addi %scan3A, %scan3A_17 : i32
    %scan3A_19 = arith.constant 1 : i32
    scf.for %scan3A_21 = %scan3A to %scan3A_18 step %scan3A_19  : i32 {
      %mul3A_22 = arith.constant 1 : i32
      %mul3A_23 = arith.muli %scan3A_21, %mul3A_22 : i32
      %add3A_24 = arith.constant 0 : i32
      %add3A_25 = arith.addi %add3A_24, %mul3A_23 : i32
      %mul3A_26 = arith.constant 16 : i32
      %mul3A_27 = arith.muli %add3A_25, %mul3A_26 : i32
      %get3A = arith.index_cast %mul3A_27 : i32 to index
      %get3A_28 = tpu.vector_load %arg4[%get3A] {strides = array<i32>} : memref<128xi32, #tpu.memory_space<vmem>>, vector<16xi32>,
      %slice3A = vector.extract_strided_slice %get3A_28 {offsets = [0], sizes = [1], strides = [1]} : vector<16xi32> to vector<1xi32>
      %squeeze3A = vector.extract %slice3A[0] : i32 from vector<1xi32>
      %jit3A = arith.constant 16 : i32
      %div3A = arith.divsi %squeeze3A, %jit3A : i32
      %sign3A = arith.constant 0 : i32
      %sign3A_29 = arith.cmpi sgt, %squeeze3A, %sign3A : i32
      %sign3A_30 = arith.extui %sign3A_29 : i1 to i32
      %sign3A_31 = arith.constant 0 : i32
      %sign3A_32 = arith.cmpi slt, %squeeze3A, %sign3A_31 : i32
      %sign3A_33 = arith.extui %sign3A_32 : i1 to i32
      %sign3A_34 = arith.subi %sign3A_30, %sign3A_33 : i32
      %sign3A_35 = arith.constant 0 : i32
      %sign3A_36 = arith.cmpi sgt, %jit3A, %sign3A_35 : i32
      %sign3A_37 = arith.extui %sign3A_36 : i1 to i32
      %sign3A_38 = arith.constant 0 : i32
      %sign3A_39 = arith.cmpi slt, %jit3A, %sign3A_38 : i32
      %sign3A_40 = arith.extui %sign3A_39 : i1 to i32
      %sign3A_41 = arith.subi %sign3A_37, %sign3A_40 : i32
      %ne3A = arith.cmpi ne, %sign3A_34, %sign3A_41 : i32
      %rem3A = arith.remsi %squeeze3A, %jit3A : i32
      %ne3A_42 = arith.constant 0 : i32
      %ne3A_43 = arith.cmpi ne, %rem3A, %ne3A_42 : i32
      %and3A = arith.andi %ne3A, %ne3A_43 : i1
      %sub3A = arith.constant 1 : i32
      %sub3A_44 = arith.subi %div3A, %sub3A : i32
      %select_n3A = arith.select %and3A, %sub3A_44, %div3A : i32
      %mul3A_45 = arith.constant 16 : i32
      %mul3A_46 = arith.muli %select_n3A, %mul3A_45 : i32
      %get3A_47 = arith.index_cast %mul3A_46 : i32 to index
      %get3A_48 = tpu.vector_load %arg5[%get3A_47] {strides = array<i32>} : memref<64xi32, #tpu.memory_space<vmem>>, vector<16xi32>,
      %sub3A_49 = arith.subi %squeeze3A, %mul3A_46 : i32
      %eq3A = vector.broadcast %sub3A_49 : i32 to vector<16xi32>
      %eq3A_50 = arith.cmpi eq, %iota3A, %eq3A : vector<16xi32>
      %add3A_51 = arith.constant 1 : i32
      %add3A_52 = vector.broadcast %add3A_51 : i32 to vector<16xi32>
      %add3A_53 = arith.addi %get3A_48, %add3A_52 : vector<16xi32>
      %select_n3A_54 = arith.select %eq3A_50, %add3A_53, %get3A_48 : vector<16xi1>, vector<16xi32>
      %swap3A_55 = arith.index_cast %mul3A_46 : i32 to index
      %swap3A_56 = tpu.vector_load %arg5[%swap3A_55] {strides = array<i32>} : memref<64xi32, #tpu.memory_space<vmem>>, vector<16xi32>,
      tpu.vector_store %arg5[%swap3A_55], %select_n3A_54 {strides = array<i32>} : memref<64xi32, #tpu.memory_space<vmem>>, vector<16xi32>,
      %slice3A_57 = vector.extract_strided_slice %get3A_28 {offsets = [1], sizes = [1], strides = [1]} : vector<16xi32> to vector<1xi32>
      %squeeze3A_58 = vector.extract %slice3A_57[0] : i32 from vector<1xi32>
      %jit3A_59 = arith.constant 16 : i32
      %div3A_60 = arith.divsi %squeeze3A_58, %jit3A_59 : i32
      %sign3A_61 = arith.constant 0 : i32
      %sign3A_62 = arith.cmpi sgt, %squeeze3A_58, %sign3A_61 : i32
      %sign3A_63 = arith.extui %sign3A_62 : i1 to i32
      %sign3A_64 = arith.constant 0 : i32
      %sign3A_65 = arith.cmpi slt, %squeeze3A_58, %sign3A_64 : i32
      %sign3A_66 = arith.extui %sign3A_65 : i1 to i32
      %sign3A_67 = arith.subi %sign3A_63, %sign3A_66 : i32
      %sign3A_68 = arith.constant 0 : i32
      %sign3A_69 = arith.cmpi sgt, %jit3A_59, %sign3A_68 : i32
      %sign3A_70 = arith.extui %sign3A_69 : i1 to i32
      %sign3A_71 = arith.constant 0 : i32
      %sign3A_72 = arith.cmpi slt, %jit3A_59, %sign3A_71 : i32
      %sign3A_73 = arith.extui %sign3A_72 : i1 to i32
      %sign3A_74 = arith.subi %sign3A_70, %sign3A_73 : i32
      %ne3A_75 = arith.cmpi ne, %sign3A_67, %sign3A_74 : i32
      %rem3A_76 = arith.remsi %squeeze3A_58, %jit3A_59 : i32
      %ne3A_77 = arith.constant 0 : i32
      %ne3A_78 = arith.cmpi ne, %rem3A_76, %ne3A_77 : i32
      %and3A_79 = arith.andi %ne3A_75, %ne3A_78 : i1
      %sub3A_80 = arith.constant 1 : i32
      %sub3A_81 = arith.subi %div3A_60, %sub3A_80 : i32
      %select_n3A_82 = arith.select %and3A_79, %sub3A_81, %div3A_60 : i32
      %mul3A_83 = arith.constant 16 : i32
      %mul3A_84 = arith.muli %select_n3A_82, %mul3A_83 : i32
      %get3A_85 = arith.index_cast %mul3A_84 : i32 to index
      %get3A_86 = tpu.vector_load %arg5[%get3A_85] {strides = array<i32>} : memref<64xi32, #tpu.memory_space<vmem>>, vector<16xi32>,
      %sub3A_87 = arith.subi %squeeze3A_58, %mul3A_84 : i32
      %eq3A_88 = vector.broadcast %sub3A_87 : i32 to vector<16xi32>
      %eq3A_89 = arith.cmpi eq, %iota3A, %eq3A_88 : vector<16xi32>
      %add3A_90 = arith.constant 1 : i32
      %add3A_91 = vector.broadcast %add3A_90 : i32 to vector<16xi32>
      %add3A_92 = arith.addi %get3A_86, %add3A_91 : vector<16xi32>
      %select_n3A_93 = arith.select %eq3A_89, %add3A_92, %get3A_86 : vector<16xi1>, vector<16xi32>
      %swap3A_94 = arith.index_cast %mul3A_84 : i32 to index
      %swap3A_95 = tpu.vector_load %arg5[%swap3A_94] {strides = array<i32>} : memref<64xi32, #tpu.memory_space<vmem>>, vector<16xi32>,
      tpu.vector_store %arg5[%swap3A_94], %select_n3A_93 {strides = array<i32>} : memref<64xi32, #tpu.memory_space<vmem>>, vector<16xi32>,
      %slice3A_96 = vector.extract_strided_slice %get3A_28 {offsets = [2], sizes = [1], strides = [1]} : vector<16xi32> to vector<1xi32>
      %squeeze3A_97 = vector.extract %slice3A_96[0] : i32 from vector<1xi32>
      %jit3A_98 = arith.constant 16 : i32
      %div3A_99 = arith.divsi %squeeze3A_97, %jit3A_98 : i32
      %sign3A_100 = arith.constant 0 : i32
      %sign3A_101 = arith.cmpi sgt, %squeeze3A_97, %sign3A_100 : i32
      %sign3A_102 = arith.extui %sign3A_101 : i1 to i32
      %sign3A_103 = arith.constant 0 : i32
      %sign3A_104 = arith.cmpi slt, %squeeze3A_97, %sign3A_103 : i32
      %sign3A_105 = arith.extui %sign3A_104 : i1 to i32
      %sign3A_106 = arith.subi %sign3A_102, %sign3A_105 : i32
      %sign3A_107 = arith.constant 0 : i32
      %sign3A_108 = arith.cmpi sgt, %jit3A_98, %sign3A_107 : i32
      %sign3A_109 = arith.extui %sign3A_108 : i1 to i32
      %sign3A_110 = arith.constant 0 : i32
      %sign3A_111 = arith.cmpi slt, %jit3A_98, %sign3A_110 : i32
      %sign3A_112 = arith.extui %sign3A_111 : i1 to i32
      %sign3A_113 = arith.subi %sign3A_109, %sign3A_112 : i32
      %ne3A_114 = arith.cmpi ne, %sign3A_106, %sign3A_113 : i32
      %rem3A_115 = arith.remsi %squeeze3A_97, %jit3A_98 : i32
      %ne3A_116 = arith.constant 0 : i32
      %ne3A_117 = arith.cmpi ne, %rem3A_115, %ne3A_116 : i32
      %and3A_118 = arith.andi %ne3A_114, %ne3A_117 : i1
      %sub3A_119 = arith.constant 1 : i32
      %sub3A_120 = arith.subi %div3A_99, %sub3A_119 : i32
      %select_n3A_121 = arith.select %and3A_118, %sub3A_120, %div3A_99 : i32
      %mul3A_122 = arith.constant 16 : i32
      %mul3A_123 = arith.muli %select_n3A_121, %mul3A_122 : i32
      %get3A_124 = arith.index_cast %mul3A_123 : i32 to index
      %get3A_125 = tpu.vector_load %arg5[%get3A_124] {strides = array<i32>} : memref<64xi32, #tpu.memory_space<vmem>>, vector<16xi32>,
      %sub3A_126 = arith.subi %squeeze3A_97, %mul3A_123 : i32
      %eq3A_127 = vector.broadcast %sub3A_126 : i32 to vector<16xi32>
      %eq3A_128 = arith.cmpi eq, %iota3A, %eq3A_127 : vector<16xi32>
      %add3A_129 = arith.constant 1 : i32
      %add3A_130 = vector.broadcast %add3A_129 : i32 to vector<16xi32>
      %add3A_131 = arith.addi %get3A_125, %add3A_130 : vector<16xi32>
      %select_n3A_132 = arith.select %eq3A_128, %add3A_131, %get3A_125 : vector<16xi1>, vector<16xi32>
      %swap3A_133 = arith.index_cast %mul3A_123 : i32 to index
      %swap3A_134 = tpu.vector_load %arg5[%swap3A_133] {strides = array<i32>} : memref<64xi32, #tpu.memory_space<vmem>>, vector<16xi32>,
      tpu.vector_store %arg5[%swap3A_133], %select_n3A_132 {strides = array<i32>} : memref<64xi32, #tpu.memory_space<vmem>>, vector<16xi32>,
      %slice3A_135 = vector.extract_strided_slice %get3A_28 {offsets = [3], sizes = [1], strides = [1]} : vector<16xi32> to vector<1xi32>
      %squeeze3A_136 = vector.extract %slice3A_135[0] : i32 from vector<1xi32>
      %jit3A_137 = arith.constant 16 : i32
      %div3A_138 = arith.divsi %squeeze3A_136, %jit3A_137 : i32
      %sign3A_139 = arith.constant 0 : i32
      %sign3A_140 = arith.cmpi sgt, %squeeze3A_136, %sign3A_139 : i32
      %sign3A_141 = arith.extui %sign3A_140 : i1 to i32
      %sign3A_142 = arith.constant 0 : i32
      %sign3A_143 = arith.cmpi slt, %squeeze3A_136, %sign3A_142 : i32
      %sign3A_144 = arith.extui %sign3A_143 : i1 to i32
      %sign3A_145 = arith.subi %sign3A_141, %sign3A_144 : i32
      %sign3A_146 = arith.constant 0 : i32
      %sign3A_147 = arith.cmpi sgt, %jit3A_137, %sign3A_146 : i32
      %sign3A_148 = arith.extui %sign3A_147 : i1 to i32
      %sign3A_149 = arith.constant 0 : i32
      %sign3A_150 = arith.cmpi slt, %jit3A_137, %sign3A_149 : i32
      %sign3A_151 = arith.extui %sign3A_150 : i1 to i32
      %sign3A_152 = arith.subi %sign3A_148, %sign3A_151 : i32
      %ne3A_153 = arith.cmpi ne, %sign3A_145, %sign3A_152 : i32
      %rem3A_154 = arith.remsi %squeeze3A_136, %jit3A_137 : i32
      %ne3A_155 = arith.constant 0 : i32
      %ne3A_156 = arith.cmpi ne, %rem3A_154, %ne3A_155 : i32
      %and3A_157 = arith.andi %ne3A_153, %ne3A_156 : i1
      %sub3A_158 = arith.constant 1 : i32
      %sub3A_159 = arith.subi %div3A_138, %sub3A_158 : i32
      %select_n3A_160 = arith.select %and3A_157, %sub3A_159, %div3A_138 : i32
      %mul3A_161 = arith.constant 16 : i32
      %mul3A_162 = arith.muli %select_n3A_160, %mul3A_161 : i32
      %get3A_163 = arith.index_cast %mul3A_162 : i32 to index
      %get3A_164 = tpu.vector_load %arg5[%get3A_163] {strides = array<i32>} : memref<64xi32, #tpu.memory_space<vmem>>, vector<16xi32>,
      %sub3A_165 = arith.subi %squeeze3A_136, %mul3A_162 : i32
      %eq3A_166 = vector.broadcast %sub3A_165 : i32 to vector<16xi32>
      %eq3A_167 = arith.cmpi eq, %iota3A, %eq3A_166 : vector<16xi32>
      %add3A_168 = arith.constant 1 : i32
      %add3A_169 = vector.broadcast %add3A_168 : i32 to vector<16xi32>
      %add3A_170 = arith.addi %get3A_164, %add3A_169 : vector<16xi32>
      %select_n3A_171 = arith.select %eq3A_167, %add3A_170, %get3A_164 : vector<16xi1>, vector<16xi32>
      %swap3A_172 = arith.index_cast %mul3A_162 : i32 to index
      %swap3A_173 = tpu.vector_load %arg5[%swap3A_172] {strides = array<i32>} : memref<64xi32, #tpu.memory_space<vmem>>, vector<16xi32>,
      tpu.vector_store %arg5[%swap3A_172], %select_n3A_171 {strides = array<i32>} : memref<64xi32, #tpu.memory_space<vmem>>, vector<16xi32>,
      %slice3A_174 = vector.extract_strided_slice %get3A_28 {offsets = [4], sizes = [1], strides = [1]} : vector<16xi32> to vector<1xi32>
      %squeeze3A_175 = vector.extract %slice3A_174[0] : i32 from vector<1xi32>
      %jit3A_176 = arith.constant 16 : i32
      %div3A_177 = arith.divsi %squeeze3A_175, %jit3A_176 : i32
      %sign3A_178 = arith.constant 0 : i32
      %sign3A_179 = arith.cmpi sgt, %squeeze3A_175, %sign3A_178 : i32
      %sign3A_180 = arith.extui %sign3A_179 : i1 to i32
      %sign3A_181 = arith.constant 0 : i32
      %sign3A_182 = arith.cmpi slt, %squeeze3A_175, %sign3A_181 : i32
      %sign3A_183 = arith.extui %sign3A_182 : i1 to i32
      %sign3A_184 = arith.subi %sign3A_180, %sign3A_183 : i32
      %sign3A_185 = arith.constant 0 : i32
      %sign3A_186 = arith.cmpi sgt, %jit3A_176, %sign3A_185 : i32
      %sign3A_187 = arith.extui %sign3A_186 : i1 to i32
      %sign3A_188 = arith.constant 0 : i32
      %sign3A_189 = arith.cmpi slt, %jit3A_176, %sign3A_188 : i32
      %sign3A_190 = arith.extui %sign3A_189 : i1 to i32
      %sign3A_191 = arith.subi %sign3A_187, %sign3A_190 : i32
      %ne3A_192 = arith.cmpi ne, %sign3A_184, %sign3A_191 : i32
      %rem3A_193 = arith.remsi %squeeze3A_175, %jit3A_176 : i32
      %ne3A_194 = arith.constant 0 : i32
      %ne3A_195 = arith.cmpi ne, %rem3A_193, %ne3A_194 : i32
      %and3A_196 = arith.andi %ne3A_192, %ne3A_195 : i1
      %sub3A_197 = arith.constant 1 : i32
      %sub3A_198 = arith.subi %div3A_177, %sub3A_197 : i32
      %select_n3A_199 = arith.select %and3A_196, %sub3A_198, %div3A_177 : i32
      %mul3A_200 = arith.constant 16 : i32
      %mul3A_201 = arith.muli %select_n3A_199, %mul3A_200 : i32
      %get3A_202 = arith.index_cast %mul3A_201 : i32 to index
      %get3A_203 = tpu.vector_load %arg5[%get3A_202] {strides = array<i32>} : memref<64xi32, #tpu.memory_space<vmem>>, vector<16xi32>,
      %sub3A_204 = arith.subi %squeeze3A_175, %mul3A_201 : i32
      %eq3A_205 = vector.broadcast %sub3A_204 : i32 to vector<16xi32>
      %eq3A_206 = arith.cmpi eq, %iota3A, %eq3A_205 : vector<16xi32>
      %add3A_207 = arith.constant 1 : i32
      %add3A_208 = vector.broadcast %add3A_207 : i32 to vector<16xi32>
      %add3A_209 = arith.addi %get3A_203, %add3A_208 : vector<16xi32>
      %select_n3A_210 = arith.select %eq3A_206, %add3A_209, %get3A_203 : vector<16xi1>, vector<16xi32>
      %swap3A_211 = arith.index_cast %mul3A_201 : i32 to index
      %swap3A_212 = tpu.vector_load %arg5[%swap3A_211] {strides = array<i32>} : memref<64xi32, #tpu.memory_space<vmem>>, vector<16xi32>,
      tpu.vector_store %arg5[%swap3A_211], %select_n3A_210 {strides = array<i32>} : memref<64xi32, #tpu.memory_space<vmem>>, vector<16xi32>,
      %slice3A_213 = vector.extract_strided_slice %get3A_28 {offsets = [5], sizes = [1], strides = [1]} : vector<16xi32> to vector<1xi32>
      %squeeze3A_214 = vector.extract %slice3A_213[0] : i32 from vector<1xi32>
      %jit3A_215 = arith.constant 16 : i32
      %div3A_216 = arith.divsi %squeeze3A_214, %jit3A_215 : i32
      %sign3A_217 = arith.constant 0 : i32
      %sign3A_218 = arith.cmpi sgt, %squeeze3A_214, %sign3A_217 : i32
      %sign3A_219 = arith.extui %sign3A_218 : i1 to i32
      %sign3A_220 = arith.constant 0 : i32
      %sign3A_221 = arith.cmpi slt, %squeeze3A_214, %sign3A_220 : i32
      %sign3A_222 = arith.extui %sign3A_221 : i1 to i32
      %sign3A_223 = arith.subi %sign3A_219, %sign3A_222 : i32
      %sign3A_224 = arith.constant 0 : i32
      %sign3A_225 = arith.cmpi sgt, %jit3A_215, %sign3A_224 : i32
      %sign3A_226 = arith.extui %sign3A_225 : i1 to i32
      %sign3A_227 = arith.constant 0 : i32
      %sign3A_228 = arith.cmpi slt, %jit3A_215, %sign3A_227 : i32
      %sign3A_229 = arith.extui %sign3A_228 : i1 to i32
      %sign3A_230 = arith.subi %sign3A_226, %sign3A_229 : i32
      %ne3A_231 = arith.cmpi ne, %sign3A_223, %sign3A_230 : i32
      %rem3A_232 = arith.remsi %squeeze3A_214, %jit3A_215 : i32
      %ne3A_233 = arith.constant 0 : i32
      %ne3A_234 = arith.cmpi ne, %rem3A_232, %ne3A_233 : i32
      %and3A_235 = arith.andi %ne3A_231, %ne3A_234 : i1
      %sub3A_236 = arith.constant 1 : i32
      %sub3A_237 = arith.subi %div3A_216, %sub3A_236 : i32
      %select_n3A_238 = arith.select %and3A_235, %sub3A_237, %div3A_216 : i32
      %mul3A_239 = arith.constant 16 : i32
      %mul3A_240 = arith.muli %select_n3A_238, %mul3A_239 : i32
      %get3A_241 = arith.index_cast %mul3A_240 : i32 to index
      %get3A_242 = tpu.vector_load %arg5[%get3A_241] {strides = array<i32>} : memref<64xi32, #tpu.memory_space<vmem>>, vector<16xi32>,
      %sub3A_243 = arith.subi %squeeze3A_214, %mul3A_240 : i32
      %eq3A_244 = vector.broadcast %sub3A_243 : i32 to vector<16xi32>
      %eq3A_245 = arith.cmpi eq, %iota3A, %eq3A_244 : vector<16xi32>
      %add3A_246 = arith.constant 1 : i32
      %add3A_247 = vector.broadcast %add3A_246 : i32 to vector<16xi32>
      %add3A_248 = arith.addi %get3A_242, %add3A_247 : vector<16xi32>
      %select_n3A_249 = arith.select %eq3A_245, %add3A_248, %get3A_242 : vector<16xi1>, vector<16xi32>
      %swap3A_250 = arith.index_cast %mul3A_240 : i32 to index
      %swap3A_251 = tpu.vector_load %arg5[%swap3A_250] {strides = array<i32>} : memref<64xi32, #tpu.memory_space<vmem>>, vector<16xi32>,
      tpu.vector_store %arg5[%swap3A_250], %select_n3A_249 {strides = array<i32>} : memref<64xi32, #tpu.memory_space<vmem>>, vector<16xi32>,
      %slice3A_252 = vector.extract_strided_slice %get3A_28 {offsets = [6], sizes = [1], strides = [1]} : vector<16xi32> to vector<1xi32>
      %squeeze3A_253 = vector.extract %slice3A_252[0] : i32 from vector<1xi32>
      %jit3A_254 = arith.constant 16 : i32
      %div3A_255 = arith.divsi %squeeze3A_253, %jit3A_254 : i32
      %sign3A_256 = arith.constant 0 : i32
      %sign3A_257 = arith.cmpi sgt, %squeeze3A_253, %sign3A_256 : i32
      %sign3A_258 = arith.extui %sign3A_257 : i1 to i32
      %sign3A_259 = arith.constant 0 : i32
      %sign3A_260 = arith.cmpi slt, %squeeze3A_253, %sign3A_259 : i32
      %sign3A_261 = arith.extui %sign3A_260 : i1 to i32
      %sign3A_262 = arith.subi %sign3A_258, %sign3A_261 : i32
      %sign3A_263 = arith.constant 0 : i32
      %sign3A_264 = arith.cmpi sgt, %jit3A_254, %sign3A_263 : i32
      %sign3A_265 = arith.extui %sign3A_264 : i1 to i32
      %sign3A_266 = arith.constant 0 : i32
      %sign3A_267 = arith.cmpi slt, %jit3A_254, %sign3A_266 : i32
      %sign3A_268 = arith.extui %sign3A_267 : i1 to i32
      %sign3A_269 = arith.subi %sign3A_265, %sign3A_268 : i32
      %ne3A_270 = arith.cmpi ne, %sign3A_262, %sign3A_269 : i32
      %rem3A_271 = arith.remsi %squeeze3A_253, %jit3A_254 : i32
      %ne3A_272 = arith.constant 0 : i32
      %ne3A_273 = arith.cmpi ne, %rem3A_271, %ne3A_272 : i32
      %and3A_274 = arith.andi %ne3A_270, %ne3A_273 : i1
      %sub3A_275 = arith.constant 1 : i32
      %sub3A_276 = arith.subi %div3A_255, %sub3A_275 : i32
      %select_n3A_277 = arith.select %and3A_274, %sub3A_276, %div3A_255 : i32
      %mul3A_278 = arith.constant 16 : i32
      %mul3A_279 = arith.muli %select_n3A_277, %mul3A_278 : i32
      %get3A_280 = arith.index_cast %mul3A_279 : i32 to index
      %get3A_281 = tpu.vector_load %arg5[%get3A_280] {strides = array<i32>} : memref<64xi32, #tpu.memory_space<vmem>>, vector<16xi32>,
      %sub3A_282 = arith.subi %squeeze3A_253, %mul3A_279 : i32
      %eq3A_283 = vector.broadcast %sub3A_282 : i32 to vector<16xi32>
      %eq3A_284 = arith.cmpi eq, %iota3A, %eq3A_283 : vector<16xi32>
      %add3A_285 = arith.constant 1 : i32
      %add3A_286 = vector.broadcast %add3A_285 : i32 to vector<16xi32>
      %add3A_287 = arith.addi %get3A_281, %add3A_286 : vector<16xi32>
      %select_n3A_288 = arith.select %eq3A_284, %add3A_287, %get3A_281 : vector<16xi1>, vector<16xi32>
      %swap3A_289 = arith.index_cast %mul3A_279 : i32 to index
      %swap3A_290 = tpu.vector_load %arg5[%swap3A_289] {strides = array<i32>} : memref<64xi32, #tpu.memory_space<vmem>>, vector<16xi32>,
      tpu.vector_store %arg5[%swap3A_289], %select_n3A_288 {strides = array<i32>} : memref<64xi32, #tpu.memory_space<vmem>>, vector<16xi32>,
      %slice3A_291 = vector.extract_strided_slice %get3A_28 {offsets = [7], sizes = [1], strides = [1]} : vector<16xi32> to vector<1xi32>
      %squeeze3A_292 = vector.extract %slice3A_291[0] : i32 from vector<1xi32>
      %jit3A_293 = arith.constant 16 : i32
      %div3A_294 = arith.divsi %squeeze3A_292, %jit3A_293 : i32
      %sign3A_295 = arith.constant 0 : i32
      %sign3A_296 = arith.cmpi sgt, %squeeze3A_292, %sign3A_295 : i32
      %sign3A_297 = arith.extui %sign3A_296 : i1 to i32
      %sign3A_298 = arith.constant 0 : i32
      %sign3A_299 = arith.cmpi slt, %squeeze3A_292, %sign3A_298 : i32
      %sign3A_300 = arith.extui %sign3A_299 : i1 to i32
      %sign3A_301 = arith.subi %sign3A_297, %sign3A_300 : i32
      %sign3A_302 = arith.constant 0 : i32
      %sign3A_303 = arith.cmpi sgt, %jit3A_293, %sign3A_302 : i32
      %sign3A_304 = arith.extui %sign3A_303 : i1 to i32
      %sign3A_305 = arith.constant 0 : i32
      %sign3A_306 = arith.cmpi slt, %jit3A_293, %sign3A_305 : i32
      %sign3A_307 = arith.extui %sign3A_306 : i1 to i32
      %sign3A_308 = arith.subi %sign3A_304, %sign3A_307 : i32
      %ne3A_309 = arith.cmpi ne, %sign3A_301, %sign3A_308 : i32
      %rem3A_310 = arith.remsi %squeeze3A_292, %jit3A_293 : i32
      %ne3A_311 = arith.constant 0 : i32
      %ne3A_312 = arith.cmpi ne, %rem3A_310, %ne3A_311 : i32
      %and3A_313 = arith.andi %ne3A_309, %ne3A_312 : i1
      %sub3A_314 = arith.constant 1 : i32
      %sub3A_315 = arith.subi %div3A_294, %sub3A_314 : i32
      %select_n3A_316 = arith.select %and3A_313, %sub3A_315, %div3A_294 : i32
      %mul3A_317 = arith.constant 16 : i32
      %mul3A_318 = arith.muli %select_n3A_316, %mul3A_317 : i32
      %get3A_319 = arith.index_cast %mul3A_318 : i32 to index
      %get3A_320 = tpu.vector_load %arg5[%get3A_319] {strides = array<i32>} : memref<64xi32, #tpu.memory_space<vmem>>, vector<16xi32>,
      %sub3A_321 = arith.subi %squeeze3A_292, %mul3A_318 : i32
      %eq3A_322 = vector.broadcast %sub3A_321 : i32 to vector<16xi32>
      %eq3A_323 = arith.cmpi eq, %iota3A, %eq3A_322 : vector<16xi32>
      %add3A_324 = arith.constant 1 : i32
      %add3A_325 = vector.broadcast %add3A_324 : i32 to vector<16xi32>
      %add3A_326 = arith.addi %get3A_320, %add3A_325 : vector<16xi32>
      %select_n3A_327 = arith.select %eq3A_323, %add3A_326, %get3A_320 : vector<16xi1>, vector<16xi32>
      %swap3A_328 = arith.index_cast %mul3A_318 : i32 to index
      %swap3A_329 = tpu.vector_load %arg5[%swap3A_328] {strides = array<i32>} : memref<64xi32, #tpu.memory_space<vmem>>, vector<16xi32>,
      tpu.vector_store %arg5[%swap3A_328], %select_n3A_327 {strides = array<i32>} : memref<64xi32, #tpu.memory_space<vmem>>, vector<16xi32>,
      %slice3A_330 = vector.extract_strided_slice %get3A_28 {offsets = [8], sizes = [1], strides = [1]} : vector<16xi32> to vector<1xi32>
      %squeeze3A_331 = vector.extract %slice3A_330[0] : i32 from vector<1xi32>
      %jit3A_332 = arith.constant 16 : i32
      %div3A_333 = arith.divsi %squeeze3A_331, %jit3A_332 : i32
      %sign3A_334 = arith.constant 0 : i32
      %sign3A_335 = arith.cmpi sgt, %squeeze3A_331, %sign3A_334 : i32
      %sign3A_336 = arith.extui %sign3A_335 : i1 to i32
      %sign3A_337 = arith.constant 0 : i32
      %sign3A_338 = arith.cmpi slt, %squeeze3A_331, %sign3A_337 : i32
      %sign3A_339 = arith.extui %sign3A_338 : i1 to i32
      %sign3A_340 = arith.subi %sign3A_336, %sign3A_339 : i32
      %sign3A_341 = arith.constant 0 : i32
      %sign3A_342 = arith.cmpi sgt, %jit3A_332, %sign3A_341 : i32
      %sign3A_343 = arith.extui %sign3A_342 : i1 to i32
      %sign3A_344 = arith.constant 0 : i32
      %sign3A_345 = arith.cmpi slt, %jit3A_332, %sign3A_344 : i32
      %sign3A_346 = arith.extui %sign3A_345 : i1 to i32
      %sign3A_347 = arith.subi %sign3A_343, %sign3A_346 : i32
      %ne3A_348 = arith.cmpi ne, %sign3A_340, %sign3A_347 : i32
      %rem3A_349 = arith.remsi %squeeze3A_331, %jit3A_332 : i32
      %ne3A_350 = arith.constant 0 : i32
      %ne3A_351 = arith.cmpi ne, %rem3A_349, %ne3A_350 : i32
      %and3A_352 = arith.andi %ne3A_348, %ne3A_351 : i1
      %sub3A_353 = arith.constant 1 : i32
      %sub3A_354 = arith.subi %div3A_333, %sub3A_353 : i32
      %select_n3A_355 = arith.select %and3A_352, %sub3A_354, %div3A_333 : i32
      %mul3A_356 = arith.constant 16 : i32
      %mul3A_357 = arith.muli %select_n3A_355, %mul3A_356 : i32
      %get3A_358 = arith.index_cast %mul3A_357 : i32 to index
      %get3A_359 = tpu.vector_load %arg5[%get3A_358] {strides = array<i32>} : memref<64xi32, #tpu.memory_space<vmem>>, vector<16xi32>,
      %sub3A_360 = arith.subi %squeeze3A_331, %mul3A_357 : i32
      %eq3A_361 = vector.broadcast %sub3A_360 : i32 to vector<16xi32>
      %eq3A_362 = arith.cmpi eq, %iota3A, %eq3A_361 : vector<16xi32>
      %add3A_363 = arith.constant 1 : i32
      %add3A_364 = vector.broadcast %add3A_363 : i32 to vector<16xi32>
      %add3A_365 = arith.addi %get3A_359, %add3A_364 : vector<16xi32>
      %select_n3A_366 = arith.select %eq3A_362, %add3A_365, %get3A_359 : vector<16xi1>, vector<16xi32>
      %swap3A_367 = arith.index_cast %mul3A_357 : i32 to index
      %swap3A_368 = tpu.vector_load %arg5[%swap3A_367] {strides = array<i32>} : memref<64xi32, #tpu.memory_space<vmem>>, vector<16xi32>,
      tpu.vector_store %arg5[%swap3A_367], %select_n3A_366 {strides = array<i32>} : memref<64xi32, #tpu.memory_space<vmem>>, vector<16xi32>,
      %slice3A_369 = vector.extract_strided_slice %get3A_28 {offsets = [9], sizes = [1], strides = [1]} : vector<16xi32> to vector<1xi32>
      %squeeze3A_370 = vector.extract %slice3A_369[0] : i32 from vector<1xi32>
      %jit3A_371 = arith.constant 16 : i32
      %div3A_372 = arith.divsi %squeeze3A_370, %jit3A_371 : i32
      %sign3A_373 = arith.constant 0 : i32
      %sign3A_374 = arith.cmpi sgt, %squeeze3A_370, %sign3A_373 : i32
      %sign3A_375 = arith.extui %sign3A_374 : i1 to i32
      %sign3A_376 = arith.constant 0 : i32
      %sign3A_377 = arith.cmpi slt, %squeeze3A_370, %sign3A_376 : i32
      %sign3A_378 = arith.extui %sign3A_377 : i1 to i32
      %sign3A_379 = arith.subi %sign3A_375, %sign3A_378 : i32
      %sign3A_380 = arith.constant 0 : i32
      %sign3A_381 = arith.cmpi sgt, %jit3A_371, %sign3A_380 : i32
      %sign3A_382 = arith.extui %sign3A_381 : i1 to i32
      %sign3A_383 = arith.constant 0 : i32
      %sign3A_384 = arith.cmpi slt, %jit3A_371, %sign3A_383 : i32
      %sign3A_385 = arith.extui %sign3A_384 : i1 to i32
      %sign3A_386 = arith.subi %sign3A_382, %sign3A_385 : i32
      %ne3A_387 = arith.cmpi ne, %sign3A_379, %sign3A_386 : i32
      %rem3A_388 = arith.remsi %squeeze3A_370, %jit3A_371 : i32
      %ne3A_389 = arith.constant 0 : i32
      %ne3A_390 = arith.cmpi ne, %rem3A_388, %ne3A_389 : i32
      %and3A_391 = arith.andi %ne3A_387, %ne3A_390 : i1
      %sub3A_392 = arith.constant 1 : i32
      %sub3A_393 = arith.subi %div3A_372, %sub3A_392 : i32
      %select_n3A_394 = arith.select %and3A_391, %sub3A_393, %div3A_372 : i32
      %mul3A_395 = arith.constant 16 : i32
      %mul3A_396 = arith.muli %select_n3A_394, %mul3A_395 : i32
      %get3A_397 = arith.index_cast %mul3A_396 : i32 to index
      %get3A_398 = tpu.vector_load %arg5[%get3A_397] {strides = array<i32>} : memref<64xi32, #tpu.memory_space<vmem>>, vector<16xi32>,
      %sub3A_399 = arith.subi %squeeze3A_370, %mul3A_396 : i32
      %eq3A_400 = vector.broadcast %sub3A_399 : i32 to vector<16xi32>
      %eq3A_401 = arith.cmpi eq, %iota3A, %eq3A_400 : vector<16xi32>
      %add3A_402 = arith.constant 1 : i32
      %add3A_403 = vector.broadcast %add3A_402 : i32 to vector<16xi32>
      %add3A_404 = arith.addi %get3A_398, %add3A_403 : vector<16xi32>
      %select_n3A_405 = arith.select %eq3A_401, %add3A_404, %get3A_398 : vector<16xi1>, vector<16xi32>
      %swap3A_406 = arith.index_cast %mul3A_396 : i32 to index
      %swap3A_407 = tpu.vector_load %arg5[%swap3A_406] {strides = array<i32>} : memref<64xi32, #tpu.memory_space<vmem>>, vector<16xi32>,
      tpu.vector_store %arg5[%swap3A_406], %select_n3A_405 {strides = array<i32>} : memref<64xi32, #tpu.memory_space<vmem>>, vector<16xi32>,
      %slice3A_408 = vector.extract_strided_slice %get3A_28 {offsets = [10], sizes = [1], strides = [1]} : vector<16xi32> to vector<1xi32>
      %squeeze3A_409 = vector.extract %slice3A_408[0] : i32 from vector<1xi32>
      %jit3A_410 = arith.constant 16 : i32
      %div3A_411 = arith.divsi %squeeze3A_409, %jit3A_410 : i32
      %sign3A_412 = arith.constant 0 : i32
      %sign3A_413 = arith.cmpi sgt, %squeeze3A_409, %sign3A_412 : i32
      %sign3A_414 = arith.extui %sign3A_413 : i1 to i32
      %sign3A_415 = arith.constant 0 : i32
      %sign3A_416 = arith.cmpi slt, %squeeze3A_409, %sign3A_415 : i32
      %sign3A_417 = arith.extui %sign3A_416 : i1 to i32
      %sign3A_418 = arith.subi %sign3A_414, %sign3A_417 : i32
      %sign3A_419 = arith.constant 0 : i32
      %sign3A_420 = arith.cmpi sgt, %jit3A_410, %sign3A_419 : i32
      %sign3A_421 = arith.extui %sign3A_420 : i1 to i32
      %sign3A_422 = arith.constant 0 : i32
      %sign3A_423 = arith.cmpi slt, %jit3A_410, %sign3A_422 : i32
      %sign3A_424 = arith.extui %sign3A_423 : i1 to i32
      %sign3A_425 = arith.subi %sign3A_421, %sign3A_424 : i32
      %ne3A_426 = arith.cmpi ne, %sign3A_418, %sign3A_425 : i32
      %rem3A_427 = arith.remsi %squeeze3A_409, %jit3A_410 : i32
      %ne3A_428 = arith.constant 0 : i32
      %ne3A_429 = arith.cmpi ne, %rem3A_427, %ne3A_428 : i32
      %and3A_430 = arith.andi %ne3A_426, %ne3A_429 : i1
      %sub3A_431 = arith.constant 1 : i32
      %sub3A_432 = arith.subi %div3A_411, %sub3A_431 : i32
      %select_n3A_433 = arith.select %and3A_430, %sub3A_432, %div3A_411 : i32
      %mul3A_434 = arith.constant 16 : i32
      %mul3A_435 = arith.muli %select_n3A_433, %mul3A_434 : i32
      %get3A_436 = arith.index_cast %mul3A_435 : i32 to index
      %get3A_437 = tpu.vector_load %arg5[%get3A_436] {strides = array<i32>} : memref<64xi32, #tpu.memory_space<vmem>>, vector<16xi32>,
      %sub3A_438 = arith.subi %squeeze3A_409, %mul3A_435 : i32
      %eq3A_439 = vector.broadcast %sub3A_438 : i32 to vector<16xi32>
      %eq3A_440 = arith.cmpi eq, %iota3A, %eq3A_439 : vector<16xi32>
      %add3A_441 = arith.constant 1 : i32
      %add3A_442 = vector.broadcast %add3A_441 : i32 to vector<16xi32>
      %add3A_443 = arith.addi %get3A_437, %add3A_442 : vector<16xi32>
      %select_n3A_444 = arith.select %eq3A_440, %add3A_443, %get3A_437 : vector<16xi1>, vector<16xi32>
      %swap3A_445 = arith.index_cast %mul3A_435 : i32 to index
      %swap3A_446 = tpu.vector_load %arg5[%swap3A_445] {strides = array<i32>} : memref<64xi32, #tpu.memory_space<vmem>>, vector<16xi32>,
      tpu.vector_store %arg5[%swap3A_445], %select_n3A_444 {strides = array<i32>} : memref<64xi32, #tpu.memory_space<vmem>>, vector<16xi32>,
      %slice3A_447 = vector.extract_strided_slice %get3A_28 {offsets = [11], sizes = [1], strides = [1]} : vector<16xi32> to vector<1xi32>
      %squeeze3A_448 = vector.extract %slice3A_447[0] : i32 from vector<1xi32>
      %jit3A_449 = arith.constant 16 : i32
      %div3A_450 = arith.divsi %squeeze3A_448, %jit3A_449 : i32
      %sign3A_451 = arith.constant 0 : i32
      %sign3A_452 = arith.cmpi sgt, %squeeze3A_448, %sign3A_451 : i32
      %sign3A_453 = arith.extui %sign3A_452 : i1 to i32
      %sign3A_454 = arith.constant 0 : i32
      %sign3A_455 = arith.cmpi slt, %squeeze3A_448, %sign3A_454 : i32
      %sign3A_456 = arith.extui %sign3A_455 : i1 to i32
      %sign3A_457 = arith.subi %sign3A_453, %sign3A_456 : i32
      %sign3A_458 = arith.constant 0 : i32
      %sign3A_459 = arith.cmpi sgt, %jit3A_449, %sign3A_458 : i32
      %sign3A_460 = arith.extui %sign3A_459 : i1 to i32
      %sign3A_461 = arith.constant 0 : i32
      %sign3A_462 = arith.cmpi slt, %jit3A_449, %sign3A_461 : i32
      %sign3A_463 = arith.extui %sign3A_462 : i1 to i32
      %sign3A_464 = arith.subi %sign3A_460, %sign3A_463 : i32
      %ne3A_465 = arith.cmpi ne, %sign3A_457, %sign3A_464 : i32
      %rem3A_466 = arith.remsi %squeeze3A_448, %jit3A_449 : i32
      %ne3A_467 = arith.constant 0 : i32
      %ne3A_468 = arith.cmpi ne, %rem3A_466, %ne3A_467 : i32
      %and3A_469 = arith.andi %ne3A_465, %ne3A_468 : i1
      %sub3A_470 = arith.constant 1 : i32
      %sub3A_471 = arith.subi %div3A_450, %sub3A_470 : i32
      %select_n3A_472 = arith.select %and3A_469, %sub3A_471, %div3A_450 : i32
      %mul3A_473 = arith.constant 16 : i32
      %mul3A_474 = arith.muli %select_n3A_472, %mul3A_473 : i32
      %get3A_475 = arith.index_cast %mul3A_474 : i32 to index
      %get3A_476 = tpu.vector_load %arg5[%get3A_475] {strides = array<i32>} : memref<64xi32, #tpu.memory_space<vmem>>, vector<16xi32>,
      %sub3A_477 = arith.subi %squeeze3A_448, %mul3A_474 : i32
      %eq3A_478 = vector.broadcast %sub3A_477 : i32 to vector<16xi32>
      %eq3A_479 = arith.cmpi eq, %iota3A, %eq3A_478 : vector<16xi32>
      %add3A_480 = arith.constant 1 : i32
      %add3A_481 = vector.broadcast %add3A_480 : i32 to vector<16xi32>
      %add3A_482 = arith.addi %get3A_476, %add3A_481 : vector<16xi32>
      %select_n3A_483 = arith.select %eq3A_479, %add3A_482, %get3A_476 : vector<16xi1>, vector<16xi32>
      %swap3A_484 = arith.index_cast %mul3A_474 : i32 to index
      %swap3A_485 = tpu.vector_load %arg5[%swap3A_484] {strides = array<i32>} : memref<64xi32, #tpu.memory_space<vmem>>, vector<16xi32>,
      tpu.vector_store %arg5[%swap3A_484], %select_n3A_483 {strides = array<i32>} : memref<64xi32, #tpu.memory_space<vmem>>, vector<16xi32>,
      %slice3A_486 = vector.extract_strided_slice %get3A_28 {offsets = [12], sizes = [1], strides = [1]} : vector<16xi32> to vector<1xi32>
      %squeeze3A_487 = vector.extract %slice3A_486[0] : i32 from vector<1xi32>
      %jit3A_488 = arith.constant 16 : i32
      %div3A_489 = arith.divsi %squeeze3A_487, %jit3A_488 : i32
      %sign3A_490 = arith.constant 0 : i32
      %sign3A_491 = arith.cmpi sgt, %squeeze3A_487, %sign3A_490 : i32
      %sign3A_492 = arith.extui %sign3A_491 : i1 to i32
      %sign3A_493 = arith.constant 0 : i32
      %sign3A_494 = arith.cmpi slt, %squeeze3A_487, %sign3A_493 : i32
      %sign3A_495 = arith.extui %sign3A_494 : i1 to i32
      %sign3A_496 = arith.subi %sign3A_492, %sign3A_495 : i32
      %sign3A_497 = arith.constant 0 : i32
      %sign3A_498 = arith.cmpi sgt, %jit3A_488, %sign3A_497 : i32
      %sign3A_499 = arith.extui %sign3A_498 : i1 to i32
      %sign3A_500 = arith.constant 0 : i32
      %sign3A_501 = arith.cmpi slt, %jit3A_488, %sign3A_500 : i32
      %sign3A_502 = arith.extui %sign3A_501 : i1 to i32
      %sign3A_503 = arith.subi %sign3A_499, %sign3A_502 : i32
      %ne3A_504 = arith.cmpi ne, %sign3A_496, %sign3A_503 : i32
      %rem3A_505 = arith.remsi %squeeze3A_487, %jit3A_488 : i32
      %ne3A_506 = arith.constant 0 : i32
      %ne3A_507 = arith.cmpi ne, %rem3A_505, %ne3A_506 : i32
      %and3A_508 = arith.andi %ne3A_504, %ne3A_507 : i1
      %sub3A_509 = arith.constant 1 : i32
      %sub3A_510 = arith.subi %div3A_489, %sub3A_509 : i32
      %select_n3A_511 = arith.select %and3A_508, %sub3A_510, %div3A_489 : i32
      %mul3A_512 = arith.constant 16 : i32
      %mul3A_513 = arith.muli %select_n3A_511, %mul3A_512 : i32
      %get3A_514 = arith.index_cast %mul3A_513 : i32 to index
      %get3A_515 = tpu.vector_load %arg5[%get3A_514] {strides = array<i32>} : memref<64xi32, #tpu.memory_space<vmem>>, vector<16xi32>,
      %sub3A_516 = arith.subi %squeeze3A_487, %mul3A_513 : i32
      %eq3A_517 = vector.broadcast %sub3A_516 : i32 to vector<16xi32>
      %eq3A_518 = arith.cmpi eq, %iota3A, %eq3A_517 : vector<16xi32>
      %add3A_519 = arith.constant 1 : i32
      %add3A_520 = vector.broadcast %add3A_519 : i32 to vector<16xi32>
      %add3A_521 = arith.addi %get3A_515, %add3A_520 : vector<16xi32>
      %select_n3A_522 = arith.select %eq3A_518, %add3A_521, %get3A_515 : vector<16xi1>, vector<16xi32>
      %swap3A_523 = arith.index_cast %mul3A_513 : i32 to index
      %swap3A_524 = tpu.vector_load %arg5[%swap3A_523] {strides = array<i32>} : memref<64xi32, #tpu.memory_space<vmem>>, vector<16xi32>,
      tpu.vector_store %arg5[%swap3A_523], %select_n3A_522 {strides = array<i32>} : memref<64xi32, #tpu.memory_space<vmem>>, vector<16xi32>,
      %slice3A_525 = vector.extract_strided_slice %get3A_28 {offsets = [13], sizes = [1], strides = [1]} : vector<16xi32> to vector<1xi32>
      %squeeze3A_526 = vector.extract %slice3A_525[0] : i32 from vector<1xi32>
      %jit3A_527 = arith.constant 16 : i32
      %div3A_528 = arith.divsi %squeeze3A_526, %jit3A_527 : i32
      %sign3A_529 = arith.constant 0 : i32
      %sign3A_530 = arith.cmpi sgt, %squeeze3A_526, %sign3A_529 : i32
      %sign3A_531 = arith.extui %sign3A_530 : i1 to i32
      %sign3A_532 = arith.constant 0 : i32
      %sign3A_533 = arith.cmpi slt, %squeeze3A_526, %sign3A_532 : i32
      %sign3A_534 = arith.extui %sign3A_533 : i1 to i32
      %sign3A_535 = arith.subi %sign3A_531, %sign3A_534 : i32
      %sign3A_536 = arith.constant 0 : i32
      %sign3A_537 = arith.cmpi sgt, %jit3A_527, %sign3A_536 : i32
      %sign3A_538 = arith.extui %sign3A_537 : i1 to i32
      %sign3A_539 = arith.constant 0 : i32
      %sign3A_540 = arith.cmpi slt, %jit3A_527, %sign3A_539 : i32
      %sign3A_541 = arith.extui %sign3A_540 : i1 to i32
      %sign3A_542 = arith.subi %sign3A_538, %sign3A_541 : i32
      %ne3A_543 = arith.cmpi ne, %sign3A_535, %sign3A_542 : i32
      %rem3A_544 = arith.remsi %squeeze3A_526, %jit3A_527 : i32
      %ne3A_545 = arith.constant 0 : i32
      %ne3A_546 = arith.cmpi ne, %rem3A_544, %ne3A_545 : i32
      %and3A_547 = arith.andi %ne3A_543, %ne3A_546 : i1
      %sub3A_548 = arith.constant 1 : i32
      %sub3A_549 = arith.subi %div3A_528, %sub3A_548 : i32
      %select_n3A_550 = arith.select %and3A_547, %sub3A_549, %div3A_528 : i32
      %mul3A_551 = arith.constant 16 : i32
      %mul3A_552 = arith.muli %select_n3A_550, %mul3A_551 : i32
      %get3A_553 = arith.index_cast %mul3A_552 : i32 to index
      %get3A_554 = tpu.vector_load %arg5[%get3A_553] {strides = array<i32>} : memref<64xi32, #tpu.memory_space<vmem>>, vector<16xi32>,
      %sub3A_555 = arith.subi %squeeze3A_526, %mul3A_552 : i32
      %eq3A_556 = vector.broadcast %sub3A_555 : i32 to vector<16xi32>
      %eq3A_557 = arith.cmpi eq, %iota3A, %eq3A_556 : vector<16xi32>
      %add3A_558 = arith.constant 1 : i32
      %add3A_559 = vector.broadcast %add3A_558 : i32 to vector<16xi32>
      %add3A_560 = arith.addi %get3A_554, %add3A_559 : vector<16xi32>
      %select_n3A_561 = arith.select %eq3A_557, %add3A_560, %get3A_554 : vector<16xi1>, vector<16xi32>
      %swap3A_562 = arith.index_cast %mul3A_552 : i32 to index
      %swap3A_563 = tpu.vector_load %arg5[%swap3A_562] {strides = array<i32>} : memref<64xi32, #tpu.memory_space<vmem>>, vector<16xi32>,
      tpu.vector_store %arg5[%swap3A_562], %select_n3A_561 {strides = array<i32>} : memref<64xi32, #tpu.memory_space<vmem>>, vector<16xi32>,
      %slice3A_564 = vector.extract_strided_slice %get3A_28 {offsets = [14], sizes = [1], strides = [1]} : vector<16xi32> to vector<1xi32>
      %squeeze3A_565 = vector.extract %slice3A_564[0] : i32 from vector<1xi32>
      %jit3A_566 = arith.constant 16 : i32
      %div3A_567 = arith.divsi %squeeze3A_565, %jit3A_566 : i32
      %sign3A_568 = arith.constant 0 : i32
      %sign3A_569 = arith.cmpi sgt, %squeeze3A_565, %sign3A_568 : i32
      %sign3A_570 = arith.extui %sign3A_569 : i1 to i32
      %sign3A_571 = arith.constant 0 : i32
      %sign3A_572 = arith.cmpi slt, %squeeze3A_565, %sign3A_571 : i32
      %sign3A_573 = arith.extui %sign3A_572 : i1 to i32
      %sign3A_574 = arith.subi %sign3A_570, %sign3A_573 : i32
      %sign3A_575 = arith.constant 0 : i32
      %sign3A_576 = arith.cmpi sgt, %jit3A_566, %sign3A_575 : i32
      %sign3A_577 = arith.extui %sign3A_576 : i1 to i32
      %sign3A_578 = arith.constant 0 : i32
      %sign3A_579 = arith.cmpi slt, %jit3A_566, %sign3A_578 : i32
      %sign3A_580 = arith.extui %sign3A_579 : i1 to i32
      %sign3A_581 = arith.subi %sign3A_577, %sign3A_580 : i32
      %ne3A_582 = arith.cmpi ne, %sign3A_574, %sign3A_581 : i32
      %rem3A_583 = arith.remsi %squeeze3A_565, %jit3A_566 : i32
      %ne3A_584 = arith.constant 0 : i32
      %ne3A_585 = arith.cmpi ne, %rem3A_583, %ne3A_584 : i32
      %and3A_586 = arith.andi %ne3A_582, %ne3A_585 : i1
      %sub3A_587 = arith.constant 1 : i32
      %sub3A_588 = arith.subi %div3A_567, %sub3A_587 : i32
      %select_n3A_589 = arith.select %and3A_586, %sub3A_588, %div3A_567 : i32
      %mul3A_590 = arith.constant 16 : i32
      %mul3A_591 = arith.muli %select_n3A_589, %mul3A_590 : i32
      %get3A_592 = arith.index_cast %mul3A_591 : i32 to index
      %get3A_593 = tpu.vector_load %arg5[%get3A_592] {strides = array<i32>} : memref<64xi32, #tpu.memory_space<vmem>>, vector<16xi32>,
      %sub3A_594 = arith.subi %squeeze3A_565, %mul3A_591 : i32
      %eq3A_595 = vector.broadcast %sub3A_594 : i32 to vector<16xi32>
      %eq3A_596 = arith.cmpi eq, %iota3A, %eq3A_595 : vector<16xi32>
      %add3A_597 = arith.constant 1 : i32
      %add3A_598 = vector.broadcast %add3A_597 : i32 to vector<16xi32>
      %add3A_599 = arith.addi %get3A_593, %add3A_598 : vector<16xi32>
      %select_n3A_600 = arith.select %eq3A_596, %add3A_599, %get3A_593 : vector<16xi1>, vector<16xi32>
      %swap3A_601 = arith.index_cast %mul3A_591 : i32 to index
      %swap3A_602 = tpu.vector_load %arg5[%swap3A_601] {strides = array<i32>} : memref<64xi32, #tpu.memory_space<vmem>>, vector<16xi32>,
      tpu.vector_store %arg5[%swap3A_601], %select_n3A_600 {strides = array<i32>} : memref<64xi32, #tpu.memory_space<vmem>>, vector<16xi32>,
      %slice3A_603 = vector.extract_strided_slice %get3A_28 {offsets = [15], sizes = [1], strides = [1]} : vector<16xi32> to vector<1xi32>
      %squeeze3A_604 = vector.extract %slice3A_603[0] : i32 from vector<1xi32>
      %jit3A_605 = arith.constant 16 : i32
      %div3A_606 = arith.divsi %squeeze3A_604, %jit3A_605 : i32
      %sign3A_607 = arith.constant 0 : i32
      %sign3A_608 = arith.cmpi sgt, %squeeze3A_604, %sign3A_607 : i32
      %sign3A_609 = arith.extui %sign3A_608 : i1 to i32
      %sign3A_610 = arith.constant 0 : i32
      %sign3A_611 = arith.cmpi slt, %squeeze3A_604, %sign3A_610 : i32
      %sign3A_612 = arith.extui %sign3A_611 : i1 to i32
      %sign3A_613 = arith.subi %sign3A_609, %sign3A_612 : i32
      %sign3A_614 = arith.constant 0 : i32
      %sign3A_615 = arith.cmpi sgt, %jit3A_605, %sign3A_614 : i32
      %sign3A_616 = arith.extui %sign3A_615 : i1 to i32
      %sign3A_617 = arith.constant 0 : i32
      %sign3A_618 = arith.cmpi slt, %jit3A_605, %sign3A_617 : i32
      %sign3A_619 = arith.extui %sign3A_618 : i1 to i32
      %sign3A_620 = arith.subi %sign3A_616, %sign3A_619 : i32
      %ne3A_621 = arith.cmpi ne, %sign3A_613, %sign3A_620 : i32
      %rem3A_622 = arith.remsi %squeeze3A_604, %jit3A_605 : i32
      %ne3A_623 = arith.constant 0 : i32
      %ne3A_624 = arith.cmpi ne, %rem3A_622, %ne3A_623 : i32
      %and3A_625 = arith.andi %ne3A_621, %ne3A_624 : i1
      %sub3A_626 = arith.constant 1 : i32
      %sub3A_627 = arith.subi %div3A_606, %sub3A_626 : i32
      %select_n3A_628 = arith.select %and3A_625, %sub3A_627, %div3A_606 : i32
      %mul3A_629 = arith.constant 16 : i32
      %mul3A_630 = arith.muli %select_n3A_628, %mul3A_629 : i32
      %get3A_631 = arith.index_cast %mul3A_630 : i32 to index
      %get3A_632 = tpu.vector_load %arg5[%get3A_631] {strides = array<i32>} : memref<64xi32, #tpu.memory_space<vmem>>, vector<16xi32>,
      %sub3A_633 = arith.subi %squeeze3A_604, %mul3A_630 : i32
      %eq3A_634 = vector.broadcast %sub3A_633 : i32 to vector<16xi32>
      %eq3A_635 = arith.cmpi eq, %iota3A, %eq3A_634 : vector<16xi32>
      %add3A_636 = arith.constant 1 : i32
      %add3A_637 = vector.broadcast %add3A_636 : i32 to vector<16xi32>
      %add3A_638 = arith.addi %get3A_632, %add3A_637 : vector<16xi32>
      %select_n3A_639 = arith.select %eq3A_635, %add3A_638, %get3A_632 : vector<16xi1>, vector<16xi32>
      %swap3A_640 = arith.index_cast %mul3A_630 : i32 to index
      %swap3A_641 = tpu.vector_load %arg5[%swap3A_640] {strides = array<i32>} : memref<64xi32, #tpu.memory_space<vmem>>, vector<16xi32>,
      tpu.vector_store %arg5[%swap3A_640], %select_n3A_639 {strides = array<i32>} : memref<64xi32, #tpu.memory_space<vmem>>, vector<16xi32>,
    }
    %scan3A_20 = arith.constant 8 : i32
    "tpu.region"() ({
      %run_scoped3A = tpu.sem_alloc : memref<!tpu.dma_semaphore, #tpu.memory_space<semaphore_mem>>
      %dma_start3A = arith.constant 0 : i32
      %dma_start3A_21 = tpu.memref_slice %arg3[%add3A, %dma_start3A] : memref<32x64xi32, #tpu.memory_space<hbm>> -> memref<1x64xi32, #tpu.memory_space<hbm>>
      %dma_start3A_22 = tpu.memref_squeeze %dma_start3A_21 : memref<1x64xi32, #tpu.memory_space<hbm>> -> memref<64xi32, #tpu.memory_space<hbm>>
      %dma_start3A_23 = arith.constant 0 : i32
      %dma_start3A_24 = tpu.memref_slice %arg3[%add3A, %dma_start3A_23] : memref<32x64xi32, #tpu.memory_space<hbm>> -> memref<1x64xi32, #tpu.memory_space<hbm>>
      %dma_start3A_25 = tpu.memref_squeeze %dma_start3A_24 : memref<1x64xi32, #tpu.memory_space<hbm>> -> memref<64xi32, #tpu.memory_space<hbm>>
      tpu.enqueue_dma source(%arg5 : memref<64xi32, #tpu.memory_space<vmem>>) target(%dma_start3A_25 : memref<64xi32, #tpu.memory_space<hbm>>) target_semaphore(%run_scoped3A : memref<!tpu.dma_semaphore, #tpu.memory_space<semaphore_mem>>)
      %dma_wait3A = arith.constant 0 : i32
      %dma_wait3A_26 = tpu.memref_slice %arg3[%add3A, %dma_wait3A] : memref<32x64xi32, #tpu.memory_space<hbm>> -> memref<1x64xi32, #tpu.memory_space<hbm>>
      %dma_wait3A_27 = tpu.memref_squeeze %dma_wait3A_26 : memref<1x64xi32, #tpu.memory_space<hbm>> -> memref<64xi32, #tpu.memory_space<hbm>>
      %dma_wait3A_28 = arith.constant 0 : i32
      %dma_wait3A_29 = tpu.memref_slice %arg3[%add3A, %dma_wait3A_28] : memref<32x64xi32, #tpu.memory_space<hbm>> -> memref<1x64xi32, #tpu.memory_space<hbm>>
      %dma_wait3A_30 = tpu.memref_squeeze %dma_wait3A_29 : memref<1x64xi32, #tpu.memory_space<hbm>> -> memref<64xi32, #tpu.memory_space<hbm>>
      tpu.wait_dma2 semaphore(%run_scoped3A : memref<!tpu.dma_semaphore, #tpu.memory_space<semaphore_mem>>) src(%arg5 : memref<64xi32, #tpu.memory_space<vmem>>) dst(%dma_wait3A_30 : memref<64xi32, #tpu.memory_space<hbm>>)
      tpu.yield
    }) : () -> ()
    return
  }
}

#map = affine_map<(d0, d1) -> (0, 0, 0)>
#map1 = affine_map<(d0, d1) -> (0, 0)>
module attributes {stable_mosaic.version = 14 : i64} {
  func.func @k(%arg0: i32, %arg1: i32, %arg2: memref<32x2x64xi32, #tpu.memory_space<hbm>>, %arg3: memref<16640x768xf32, #tpu.memory_space<hbm>>, %arg4: memref<4096x768xf32, #tpu.memory_space<hbm>>, %arg5: memref<2x64xi32, #tpu.memory_space<vmem>>, %arg6: memref<2x64x768xf32, #tpu.memory_space<vmem>>, %arg7: memref<!tpu.dma_semaphore, #tpu.memory_space<semaphore_mem>>, %arg8: memref<!tpu.dma_semaphore, #tpu.memory_space<semaphore_mem>>, %arg9: memref<!tpu.dma_semaphore, #tpu.memory_space<semaphore_mem>>, %arg10: memref<!tpu.dma_semaphore, #tpu.memory_space<semaphore_mem>>) attributes {dimension_semantics = [#tpu.dimension_semantics<core_parallel>, #tpu.dimension_semantics<subcore_parallel>], iteration_bounds = array<i64: 2, 16>, scalar_prefetch = 0 : i64, scratch_operands = 6 : i64, tpu.core_type = #tpu.core_type<sc_vector_subcore>, window_params = [{transform_indices = #map}, {transform_indices = #map1}, {transform_indices = #map1}]} {
    %mul3A = arith.constant 2 : i32
    %mul3A_0 = arith.muli %arg1, %mul3A : i32
    %add3A = arith.addi %mul3A_0, %arg0 : i32
    %mul3A_1 = arith.constant 128 : i32
    %mul3A_2 = arith.muli %add3A, %mul3A_1 : i32
    "tpu.region"() ({
      %run_scoped3A = tpu.sem_alloc : memref<!tpu.dma_semaphore, #tpu.memory_space<semaphore_mem>>
      %dma_start3A_103 = arith.constant 0 : i32
      %dma_start3A_104 = arith.constant 0 : i32
      %dma_start3A_105 = tpu.memref_slice %arg2[%add3A, %dma_start3A_103, %dma_start3A_104] : memref<32x2x64xi32, #tpu.memory_space<hbm>> -> memref<1x2x64xi32, #tpu.memory_space<hbm>>
      %dma_start3A_106 = tpu.memref_squeeze %dma_start3A_105 : memref<1x2x64xi32, #tpu.memory_space<hbm>> -> memref<2x64xi32, #tpu.memory_space<hbm>>
      %dma_start3A_107 = arith.constant 0 : i32
      %dma_start3A_108 = arith.constant 0 : i32
      %dma_start3A_109 = tpu.memref_slice %arg2[%add3A, %dma_start3A_107, %dma_start3A_108] : memref<32x2x64xi32, #tpu.memory_space<hbm>> -> memref<1x2x64xi32, #tpu.memory_space<hbm>>
      %dma_start3A_110 = tpu.memref_squeeze %dma_start3A_109 : memref<1x2x64xi32, #tpu.memory_space<hbm>> -> memref<2x64xi32, #tpu.memory_space<hbm>>
      tpu.enqueue_dma source(%dma_start3A_110 : memref<2x64xi32, #tpu.memory_space<hbm>>) target(%arg5 : memref<2x64xi32, #tpu.memory_space<vmem>>) target_semaphore(%run_scoped3A : memref<!tpu.dma_semaphore, #tpu.memory_space<semaphore_mem>>)
      %dma_wait3A_111 = arith.constant 0 : i32
      %dma_wait3A_112 = arith.constant 0 : i32
      %dma_wait3A_113 = tpu.memref_slice %arg2[%add3A, %dma_wait3A_111, %dma_wait3A_112] : memref<32x2x64xi32, #tpu.memory_space<hbm>> -> memref<1x2x64xi32, #tpu.memory_space<hbm>>
      %dma_wait3A_114 = tpu.memref_squeeze %dma_wait3A_113 : memref<1x2x64xi32, #tpu.memory_space<hbm>> -> memref<2x64xi32, #tpu.memory_space<hbm>>
      %dma_wait3A_115 = arith.constant 0 : i32
      %dma_wait3A_116 = arith.constant 0 : i32
      %dma_wait3A_117 = tpu.memref_slice %arg2[%add3A, %dma_wait3A_115, %dma_wait3A_116] : memref<32x2x64xi32, #tpu.memory_space<hbm>> -> memref<1x2x64xi32, #tpu.memory_space<hbm>>
      %dma_wait3A_118 = tpu.memref_squeeze %dma_wait3A_117 : memref<1x2x64xi32, #tpu.memory_space<hbm>> -> memref<2x64xi32, #tpu.memory_space<hbm>>
      tpu.wait_dma2 semaphore(%run_scoped3A : memref<!tpu.dma_semaphore, #tpu.memory_space<semaphore_mem>>) src(%dma_wait3A_118 : memref<2x64xi32, #tpu.memory_space<hbm>>) dst(%arg5 : memref<2x64xi32, #tpu.memory_space<vmem>>)
      tpu.yield
    }) : () -> ()
    %dma_start3A = arith.constant 0 : i32
    %dma_start3A_3 = arith.constant 0 : i32
    %dma_start3A_4 = arith.constant 0 : i32
    %dma_start3A_5 = arith.constant 0 : i32
    %dma_start3A_6 = tpu.memref_slice %arg6[%dma_start3A_3, %dma_start3A_4, %dma_start3A_5] : memref<2x64x768xf32, #tpu.memory_space<vmem>> -> memref<1x64x768xf32, #tpu.memory_space<vmem>>
    %dma_start3A_7 = tpu.memref_squeeze %dma_start3A_6 : memref<1x64x768xf32, #tpu.memory_space<vmem>> -> memref<64x768xf32, #tpu.memory_space<vmem>>
    %dma_start3A_8 = arith.constant 0 : i32
    %dma_start3A_9 = tpu.memref_slice %arg5[%dma_start3A, %dma_start3A_8] : memref<2x64xi32, #tpu.memory_space<vmem>> -> memref<1x64xi32, #tpu.memory_space<vmem>>
    %dma_start3A_10 = tpu.memref_squeeze %dma_start3A_9 : memref<1x64xi32, #tpu.memory_space<vmem>> -> memref<64xi32, #tpu.memory_space<vmem>>
    %dma_start3A_11 = arith.constant 0 : i32
    %dma_start3A_12 = arith.constant 0 : i32
    %dma_start3A_13 = tpu.memref_slice %arg3[%dma_start3A_11, %dma_start3A_12] : memref<16640x768xf32, #tpu.memory_space<hbm>> -> memref<16640x768xf32, #tpu.memory_space<hbm>>
    tpu.enqueue_indirect_dma source(%dma_start3A_13 : memref<16640x768xf32, #tpu.memory_space<hbm>>) target(%dma_start3A_7 : memref<64x768xf32, #tpu.memory_space<vmem>>) offsets(%dma_start3A_10 : memref<64xi32, #tpu.memory_space<vmem>>) semaphore(%arg7 : memref<!tpu.dma_semaphore, #tpu.memory_space<semaphore_mem>>)
    %dma_start3A_14 = arith.constant 1 : i32
    %dma_start3A_15 = arith.constant 1 : i32
    %dma_start3A_16 = arith.constant 0 : i32
    %dma_start3A_17 = arith.constant 0 : i32
    %dma_start3A_18 = tpu.memref_slice %arg6[%dma_start3A_15, %dma_start3A_16, %dma_start3A_17] : memref<2x64x768xf32, #tpu.memory_space<vmem>> -> memref<1x64x768xf32, #tpu.memory_space<vmem>>
    %dma_start3A_19 = tpu.memref_squeeze %dma_start3A_18 : memref<1x64x768xf32, #tpu.memory_space<vmem>> -> memref<64x768xf32, #tpu.memory_space<vmem>>
    %dma_start3A_20 = arith.constant 0 : i32
    %dma_start3A_21 = tpu.memref_slice %arg5[%dma_start3A_14, %dma_start3A_20] : memref<2x64xi32, #tpu.memory_space<vmem>> -> memref<1x64xi32, #tpu.memory_space<vmem>>
    %dma_start3A_22 = tpu.memref_squeeze %dma_start3A_21 : memref<1x64xi32, #tpu.memory_space<vmem>> -> memref<64xi32, #tpu.memory_space<vmem>>
    %dma_start3A_23 = arith.constant 0 : i32
    %dma_start3A_24 = arith.constant 0 : i32
    %dma_start3A_25 = tpu.memref_slice %arg3[%dma_start3A_23, %dma_start3A_24] : memref<16640x768xf32, #tpu.memory_space<hbm>> -> memref<16640x768xf32, #tpu.memory_space<hbm>>
    tpu.enqueue_indirect_dma source(%dma_start3A_25 : memref<16640x768xf32, #tpu.memory_space<hbm>>) target(%dma_start3A_19 : memref<64x768xf32, #tpu.memory_space<vmem>>) offsets(%dma_start3A_22 : memref<64xi32, #tpu.memory_space<vmem>>) semaphore(%arg8 : memref<!tpu.dma_semaphore, #tpu.memory_space<semaphore_mem>>)
    %dma_wait3A = arith.constant 0 : i32
    %dma_wait3A_26 = arith.constant 0 : i32
    %dma_wait3A_27 = arith.constant 0 : i32
    %dma_wait3A_28 = arith.constant 0 : i32
    %dma_wait3A_29 = tpu.memref_slice %arg6[%dma_wait3A_26, %dma_wait3A_27, %dma_wait3A_28] : memref<2x64x768xf32, #tpu.memory_space<vmem>> -> memref<1x64x768xf32, #tpu.memory_space<vmem>>
    %dma_wait3A_30 = tpu.memref_squeeze %dma_wait3A_29 : memref<1x64x768xf32, #tpu.memory_space<vmem>> -> memref<64x768xf32, #tpu.memory_space<vmem>>
    %dma_wait3A_31 = arith.constant 0 : i32
    %dma_wait3A_32 = tpu.memref_slice %arg5[%dma_wait3A, %dma_wait3A_31] : memref<2x64xi32, #tpu.memory_space<vmem>> -> memref<1x64xi32, #tpu.memory_space<vmem>>
    %dma_wait3A_33 = tpu.memref_squeeze %dma_wait3A_32 : memref<1x64xi32, #tpu.memory_space<vmem>> -> memref<64xi32, #tpu.memory_space<vmem>>
    %dma_wait3A_34 = arith.constant 0 : i32
    %dma_wait3A_35 = arith.constant 0 : i32
    %dma_wait3A_36 = tpu.memref_slice %arg3[%dma_wait3A_34, %dma_wait3A_35] : memref<16640x768xf32, #tpu.memory_space<hbm>> -> memref<16640x768xf32, #tpu.memory_space<hbm>>
    tpu.wait_indirect_dma semaphore(%arg7 : memref<!tpu.dma_semaphore, #tpu.memory_space<semaphore_mem>>) src(%dma_wait3A_36 : memref<16640x768xf32, #tpu.memory_space<hbm>>) dst(%dma_wait3A_30 : memref<64x768xf32, #tpu.memory_space<vmem>>)
    %dma_start3A_37 = arith.constant 0 : i32
    %dma_start3A_38 = arith.constant 0 : i32
    %dma_start3A_39 = arith.constant 0 : i32
    %dma_start3A_40 = tpu.memref_slice %arg6[%dma_start3A_37, %dma_start3A_38, %dma_start3A_39] : memref<2x64x768xf32, #tpu.memory_space<vmem>> -> memref<1x64x768xf32, #tpu.memory_space<vmem>>
    %dma_start3A_41 = tpu.memref_squeeze %dma_start3A_40 : memref<1x64x768xf32, #tpu.memory_space<vmem>> -> memref<64x768xf32, #tpu.memory_space<vmem>>
    %dma_start3A_42 = arith.constant 0 : i32
    %dma_start3A_43 = tpu.memref_slice %arg4[%mul3A_2, %dma_start3A_42] : memref<4096x768xf32, #tpu.memory_space<hbm>> -> memref<64x768xf32, #tpu.memory_space<hbm>>
    %dma_start3A_44 = arith.constant 0 : i32
    %dma_start3A_45 = tpu.memref_slice %arg4[%mul3A_2, %dma_start3A_44] : memref<4096x768xf32, #tpu.memory_space<hbm>> -> memref<64x768xf32, #tpu.memory_space<hbm>>
    %dma_start3A_46 = arith.constant 0 : i32
    %dma_start3A_47 = arith.constant 0 : i32
    %dma_start3A_48 = tpu.memref_slice %arg6[%dma_start3A_37, %dma_start3A_46, %dma_start3A_47] : memref<2x64x768xf32, #tpu.memory_space<vmem>> -> memref<1x64x768xf32, #tpu.memory_space<vmem>>
    %dma_start3A_49 = tpu.memref_squeeze %dma_start3A_48 : memref<1x64x768xf32, #tpu.memory_space<vmem>> -> memref<64x768xf32, #tpu.memory_space<vmem>>
    tpu.enqueue_dma source(%dma_start3A_49 : memref<64x768xf32, #tpu.memory_space<vmem>>) target(%dma_start3A_45 : memref<64x768xf32, #tpu.memory_space<hbm>>) target_semaphore(%arg9 : memref<!tpu.dma_semaphore, #tpu.memory_space<semaphore_mem>>)
    %dma_wait3A_50 = arith.constant 1 : i32
    %dma_wait3A_51 = arith.constant 1 : i32
    %dma_wait3A_52 = arith.constant 0 : i32
    %dma_wait3A_53 = arith.constant 0 : i32
    %dma_wait3A_54 = tpu.memref_slice %arg6[%dma_wait3A_51, %dma_wait3A_52, %dma_wait3A_53] : memref<2x64x768xf32, #tpu.memory_space<vmem>> -> memref<1x64x768xf32, #tpu.memory_space<vmem>>
    %dma_wait3A_55 = tpu.memref_squeeze %dma_wait3A_54 : memref<1x64x768xf32, #tpu.memory_space<vmem>> -> memref<64x768xf32, #tpu.memory_space<vmem>>
    %dma_wait3A_56 = arith.constant 0 : i32
    %dma_wait3A_57 = tpu.memref_slice %arg5[%dma_wait3A_50, %dma_wait3A_56] : memref<2x64xi32, #tpu.memory_space<vmem>> -> memref<1x64xi32, #tpu.memory_space<vmem>>
    %dma_wait3A_58 = tpu.memref_squeeze %dma_wait3A_57 : memref<1x64xi32, #tpu.memory_space<vmem>> -> memref<64xi32, #tpu.memory_space<vmem>>
    %dma_wait3A_59 = arith.constant 0 : i32
    %dma_wait3A_60 = arith.constant 0 : i32
    %dma_wait3A_61 = tpu.memref_slice %arg3[%dma_wait3A_59, %dma_wait3A_60] : memref<16640x768xf32, #tpu.memory_space<hbm>> -> memref<16640x768xf32, #tpu.memory_space<hbm>>
    tpu.wait_indirect_dma semaphore(%arg8 : memref<!tpu.dma_semaphore, #tpu.memory_space<semaphore_mem>>) src(%dma_wait3A_61 : memref<16640x768xf32, #tpu.memory_space<hbm>>) dst(%dma_wait3A_55 : memref<64x768xf32, #tpu.memory_space<vmem>>)
    %add3A_62 = arith.constant 64 : i32
    %add3A_63 = arith.addi %mul3A_2, %add3A_62 : i32
    %dma_start3A_64 = arith.constant 1 : i32
    %dma_start3A_65 = arith.constant 0 : i32
    %dma_start3A_66 = arith.constant 0 : i32
    %dma_start3A_67 = tpu.memref_slice %arg6[%dma_start3A_64, %dma_start3A_65, %dma_start3A_66] : memref<2x64x768xf32, #tpu.memory_space<vmem>> -> memref<1x64x768xf32, #tpu.memory_space<vmem>>
    %dma_start3A_68 = tpu.memref_squeeze %dma_start3A_67 : memref<1x64x768xf32, #tpu.memory_space<vmem>> -> memref<64x768xf32, #tpu.memory_space<vmem>>
    %dma_start3A_69 = arith.constant 0 : i32
    %dma_start3A_70 = tpu.memref_slice %arg4[%add3A_63, %dma_start3A_69] : memref<4096x768xf32, #tpu.memory_space<hbm>> -> memref<64x768xf32, #tpu.memory_space<hbm>>
    %dma_start3A_71 = arith.constant 0 : i32
    %dma_start3A_72 = tpu.memref_slice %arg4[%add3A_63, %dma_start3A_71] : memref<4096x768xf32, #tpu.memory_space<hbm>> -> memref<64x768xf32, #tpu.memory_space<hbm>>
    %dma_start3A_73 = arith.constant 0 : i32
    %dma_start3A_74 = arith.constant 0 : i32
    %dma_start3A_75 = tpu.memref_slice %arg6[%dma_start3A_64, %dma_start3A_73, %dma_start3A_74] : memref<2x64x768xf32, #tpu.memory_space<vmem>> -> memref<1x64x768xf32, #tpu.memory_space<vmem>>
    %dma_start3A_76 = tpu.memref_squeeze %dma_start3A_75 : memref<1x64x768xf32, #tpu.memory_space<vmem>> -> memref<64x768xf32, #tpu.memory_space<vmem>>
    tpu.enqueue_dma source(%dma_start3A_76 : memref<64x768xf32, #tpu.memory_space<vmem>>) target(%dma_start3A_72 : memref<64x768xf32, #tpu.memory_space<hbm>>) target_semaphore(%arg10 : memref<!tpu.dma_semaphore, #tpu.memory_space<semaphore_mem>>)
    %dma_wait3A_77 = arith.constant 0 : i32
    %dma_wait3A_78 = arith.constant 0 : i32
    %dma_wait3A_79 = arith.constant 0 : i32
    %dma_wait3A_80 = tpu.memref_slice %arg6[%dma_wait3A_77, %dma_wait3A_78, %dma_wait3A_79] : memref<2x64x768xf32, #tpu.memory_space<vmem>> -> memref<1x64x768xf32, #tpu.memory_space<vmem>>
    %dma_wait3A_81 = tpu.memref_squeeze %dma_wait3A_80 : memref<1x64x768xf32, #tpu.memory_space<vmem>> -> memref<64x768xf32, #tpu.memory_space<vmem>>
    %dma_wait3A_82 = arith.constant 0 : i32
    %dma_wait3A_83 = tpu.memref_slice %arg4[%mul3A_2, %dma_wait3A_82] : memref<4096x768xf32, #tpu.memory_space<hbm>> -> memref<64x768xf32, #tpu.memory_space<hbm>>
    %dma_wait3A_84 = arith.constant 0 : i32
    %dma_wait3A_85 = tpu.memref_slice %arg4[%mul3A_2, %dma_wait3A_84] : memref<4096x768xf32, #tpu.memory_space<hbm>> -> memref<64x768xf32, #tpu.memory_space<hbm>>
    %dma_wait3A_86 = arith.constant 0 : i32
    %dma_wait3A_87 = arith.constant 0 : i32
    %dma_wait3A_88 = tpu.memref_slice %arg6[%dma_wait3A_77, %dma_wait3A_86, %dma_wait3A_87] : memref<2x64x768xf32, #tpu.memory_space<vmem>> -> memref<1x64x768xf32, #tpu.memory_space<vmem>>
    %dma_wait3A_89 = tpu.memref_squeeze %dma_wait3A_88 : memref<1x64x768xf32, #tpu.memory_space<vmem>> -> memref<64x768xf32, #tpu.memory_space<vmem>>
    tpu.wait_dma2 semaphore(%arg9 : memref<!tpu.dma_semaphore, #tpu.memory_space<semaphore_mem>>) src(%dma_wait3A_89 : memref<64x768xf32, #tpu.memory_space<vmem>>) dst(%dma_wait3A_85 : memref<64x768xf32, #tpu.memory_space<hbm>>)
    %dma_wait3A_90 = arith.constant 1 : i32
    %dma_wait3A_91 = arith.constant 0 : i32
    %dma_wait3A_92 = arith.constant 0 : i32
    %dma_wait3A_93 = tpu.memref_slice %arg6[%dma_wait3A_90, %dma_wait3A_91, %dma_wait3A_92] : memref<2x64x768xf32, #tpu.memory_space<vmem>> -> memref<1x64x768xf32, #tpu.memory_space<vmem>>
    %dma_wait3A_94 = tpu.memref_squeeze %dma_wait3A_93 : memref<1x64x768xf32, #tpu.memory_space<vmem>> -> memref<64x768xf32, #tpu.memory_space<vmem>>
    %dma_wait3A_95 = arith.constant 0 : i32
    %dma_wait3A_96 = tpu.memref_slice %arg4[%add3A_63, %dma_wait3A_95] : memref<4096x768xf32, #tpu.memory_space<hbm>> -> memref<64x768xf32, #tpu.memory_space<hbm>>
    %dma_wait3A_97 = arith.constant 0 : i32
    %dma_wait3A_98 = tpu.memref_slice %arg4[%add3A_63, %dma_wait3A_97] : memref<4096x768xf32, #tpu.memory_space<hbm>> -> memref<64x768xf32, #tpu.memory_space<hbm>>
    %dma_wait3A_99 = arith.constant 0 : i32
    %dma_wait3A_100 = arith.constant 0 : i32
    %dma_wait3A_101 = tpu.memref_slice %arg6[%dma_wait3A_90, %dma_wait3A_99, %dma_wait3A_100] : memref<2x64x768xf32, #tpu.memory_space<vmem>> -> memref<1x64x768xf32, #tpu.memory_space<vmem>>
    %dma_wait3A_102 = tpu.memref_squeeze %dma_wait3A_101 : memref<1x64x768xf32, #tpu.memory_space<vmem>> -> memref<64x768xf32, #tpu.memory_space<vmem>>
    tpu.wait_dma2 semaphore(%arg10 : memref<!tpu.dma_semaphore, #tpu.memory_space<semaphore_mem>>) src(%dma_wait3A_102 : memref<64x768xf32, #tpu.memory_space<vmem>>) dst(%dma_wait3A_98 : memref<64x768xf32, #tpu.memory_space<hbm>>)
    return
  }
}

module attributes {stable_mosaic.version = 14 : i64} {
  func.func @body(%arg0: i32, %arg1: memref<256x768xf32, #tpu.memory_space<vmem>>, %arg2: memref<1x1024x768xf32, #tpu.memory_space<vmem>>, %arg3: memref<1x1024x768xf32, #tpu.memory_space<vmem>>, %arg4: memref<1x768x1024xf32, #tpu.memory_space<vmem>>, %arg5: memref<1x256x768xf32, #tpu.memory_space<vmem>>) attributes {dimension_semantics = [#tpu.dimension_semantics<arbitrary>], iteration_bounds = array<i64: 65>, scalar_prefetch = 0 : i64, scratch_operands = 0 : i64, tpu.core_type = #tpu.core_type<tc>, window_params = [{transform_indices = @transform_0, window_bounds = array<i64: 256, 768>}, {transform_indices = @transform_1, window_bounds = array<i64: 1, 1024, 768>}, {transform_indices = @transform_2, window_bounds = array<i64: 1, 1024, 768>}, {transform_indices = @transform_3, window_bounds = array<i64: 1, 768, 1024>}, {transform_indices = @transform_4, window_bounds = array<i64: 1, 256, 768>}]} {
    %eq3A = arith.constant 64 : i32
    %eq3A_0 = arith.cmpi eq, %arg0, %eq3A : i32
    %convert_element_type3A = arith.extui %eq3A_0 : i1 to i32
    %cond3A = arith.constant 0 : i32
    %cond3A_1 = arith.cmpi ne, %convert_element_type3A, %cond3A : i32
    scf.if %cond3A_1 {
      %broadcast_in_dim3A = arith.constant 0.000000e+00 : f32
      %broadcast_in_dim3A_6 = vector.broadcast %broadcast_in_dim3A : f32 to vector<1x256x768xf32>
      %swap3A = arith.constant 0 : index
      %swap3A_7 = arith.constant 0 : index
      %swap3A_8 = arith.constant 0 : index
      %swap3A_9 = vector.load %arg5[%swap3A, %swap3A_7, %swap3A_8] : memref<1x256x768xf32, #tpu.memory_space<vmem>>, vector<1x256x768xf32>
      tpu.vector_store %arg5[%swap3A, %swap3A_7, %swap3A_8], %broadcast_in_dim3A_6 {strides = array<i32>} : memref<1x256x768xf32, #tpu.memory_space<vmem>>, vector<1x256x768xf32>,
    } else {
    }
    %lt3A = arith.constant 64 : i32
    %lt3A_2 = arith.cmpi slt, %arg0, %lt3A : i32
    %convert_element_type3A_3 = arith.extui %lt3A_2 : i1 to i32
    %cond3A_4 = arith.constant 0 : i32
    %cond3A_5 = arith.cmpi ne, %convert_element_type3A_3, %cond3A_4 : i32
    scf.if %cond3A_5 {
      %get3A = arith.constant 0 : index
      %get3A_6 = arith.constant 0 : index
      %get3A_7 = vector.load %arg1[%get3A, %get3A_6] : memref<256x768xf32, #tpu.memory_space<vmem>>, vector<256x768xf32>
      %convert_element_type3A_8 = arith.truncf %get3A_7 : vector<256x768xf32> to vector<256x768xbf16>
      %get3A_9 = arith.constant 0 : index
      %get3A_10 = arith.constant 0 : index
      %get3A_11 = arith.constant 0 : index
      %get3A_12 = vector.load %arg2[%get3A_9, %get3A_10, %get3A_11] : memref<1x1024x768xf32, #tpu.memory_space<vmem>>, vector<1x1024x768xf32>
      %get3A_13 = vector.shape_cast %get3A_12 : vector<1x1024x768xf32> to vector<1024x768xf32>
      %convert_element_type3A_14 = arith.truncf %get3A_13 : vector<1024x768xf32> to vector<1024x768xbf16>
      %dot_general3A = arith.constant dense<0.000000e+00> : vector<256x1024xf32>
      %dot_general3A_15 = tpu.matmul %convert_element_type3A_8, %convert_element_type3A_14, %dot_general3A {dimension_numbers = #tpu.dot_dimension_numbers<[1], [1], [0], [0], [0, 0, 1, 0], [], []>, transpose_lhs_hint = false} : vector<256x768xbf16>, vector<1024x768xbf16>, vector<256x1024xf32> -> vector<256x1024xf32>
      %get3A_16 = arith.constant 0 : index
      %get3A_17 = arith.constant 0 : index
      %get3A_18 = arith.constant 0 : index
      %get3A_19 = vector.load %arg3[%get3A_16, %get3A_17, %get3A_18] : memref<1x1024x768xf32, #tpu.memory_space<vmem>>, vector<1x1024x768xf32>
      %get3A_20 = vector.shape_cast %get3A_19 : vector<1x1024x768xf32> to vector<1024x768xf32>
      %convert_element_type3A_21 = arith.truncf %get3A_20 : vector<1024x768xf32> to vector<1024x768xbf16>
      %dot_general3A_22 = arith.constant dense<0.000000e+00> : vector<256x1024xf32>
      %dot_general3A_23 = tpu.matmul %convert_element_type3A_8, %convert_element_type3A_21, %dot_general3A_22 {dimension_numbers = #tpu.dot_dimension_numbers<[1], [1], [0], [0], [0, 0, 1, 0], [], []>, transpose_lhs_hint = false} : vector<256x768xbf16>, vector<1024x768xbf16>, vector<256x1024xf32> -> vector<256x1024xf32>
      %logistic3A = arith.negf %dot_general3A_15 : vector<256x1024xf32>
      %logistic3A_24 = math.exp %logistic3A : vector<256x1024xf32>
      %logistic3A_25 = arith.constant 1.000000e+00 : f32
      %logistic3A_26 = vector.broadcast %logistic3A_25 : f32 to vector<256x1024xf32>
      %logistic3A_27 = arith.addf %logistic3A_26, %logistic3A_24 : vector<256x1024xf32>
      %logistic3A_28 = arith.divf %logistic3A_26, %logistic3A_27 : vector<256x1024xf32>
      %mul3A = arith.mulf %dot_general3A_15, %logistic3A_28 : vector<256x1024xf32>
      %mul3A_29 = arith.mulf %mul3A, %dot_general3A_23 : vector<256x1024xf32>
      %convert_element_type3A_30 = arith.truncf %mul3A_29 : vector<256x1024xf32> to vector<256x1024xbf16>
      %get3A_31 = arith.constant 0 : index
      %get3A_32 = arith.constant 0 : index
      %get3A_33 = arith.constant 0 : index
      %get3A_34 = vector.load %arg4[%get3A_31, %get3A_32, %get3A_33] : memref<1x768x1024xf32, #tpu.memory_space<vmem>>, vector<1x768x1024xf32>
      %get3A_35 = vector.shape_cast %get3A_34 : vector<1x768x1024xf32> to vector<768x1024xf32>
      %convert_element_type3A_36 = arith.truncf %get3A_35 : vector<768x1024xf32> to vector<768x1024xbf16>
      %dot_general3A_37 = arith.constant dense<0.000000e+00> : vector<256x768xf32>
      %dot_general3A_38 = tpu.matmul %convert_element_type3A_30, %convert_element_type3A_36, %dot_general3A_37 {dimension_numbers = #tpu.dot_dimension_numbers<[1], [1], [0], [0], [0, 0, 1, 0], [], []>, transpose_lhs_hint = false} : vector<256x1024xbf16>, vector<768x1024xbf16>, vector<256x768xf32> -> vector<256x768xf32>
      %slice3A = vector.extract_strided_slice %get3A_7 {offsets = [0, 0], sizes = [256, 1], strides = [1, 1]} : vector<256x768xf32> to vector<256x1xf32>
      %mul3A_39 = vector.broadcast %slice3A : vector<256x1xf32> to vector<256x768xf32>
      %mul3A_40 = arith.mulf %dot_general3A_38, %mul3A_39 : vector<256x768xf32>
      %swap3A = arith.constant 0 : index
      %swap3A_41 = arith.constant 0 : index
      %swap3A_42 = arith.constant 0 : index
      %swap3A_43 = vector.load %arg5[%swap3A, %swap3A_41, %swap3A_42] : memref<1x256x768xf32, #tpu.memory_space<vmem>>, vector<1x256x768xf32>
      %swap3A_44 = vector.shape_cast %swap3A_43 : vector<1x256x768xf32> to vector<256x768xf32>
      %swap3A_45 = vector.shape_cast %mul3A_40 : vector<256x768xf32> to vector<1x256x768xf32>
      tpu.vector_store %arg5[%swap3A, %swap3A_41, %swap3A_42], %swap3A_45 {strides = array<i32>} : memref<1x256x768xf32, #tpu.memory_space<vmem>>, vector<1x256x768xf32>,
    } else {
    }
    return
  }
  func.func @transform_0(%arg0: i32) -> (i32, i32) {
    %min3A = arith.constant 63 : i32
    %min3A_0 = arith.minsi %arg0, %min3A : i32
    %c0_i32 = arith.constant 0 : i32
    %c0_i32_1 = arith.constant 0 : i32
    return %min3A_0, %c0_i32 : i32, i32
  }
  func.func @transform_1(%arg0: i32) -> (i32, i32, i32) {
    %min3A = arith.constant 63 : i32
    %min3A_0 = arith.minsi %arg0, %min3A : i32
    %c0_i32 = arith.constant 0 : i32
    %c0_i32_1 = arith.constant 0 : i32
    %c0_i32_2 = arith.constant 0 : i32
    return %min3A_0, %c0_i32, %c0_i32_1 : i32, i32, i32
  }
  func.func @transform_2(%arg0: i32) -> (i32, i32, i32) {
    %min3A = arith.constant 63 : i32
    %min3A_0 = arith.minsi %arg0, %min3A : i32
    %c0_i32 = arith.constant 0 : i32
    %c0_i32_1 = arith.constant 0 : i32
    %c0_i32_2 = arith.constant 0 : i32
    return %min3A_0, %c0_i32, %c0_i32_1 : i32, i32, i32
  }
  func.func @transform_3(%arg0: i32) -> (i32, i32, i32) {
    %min3A = arith.constant 63 : i32
    %min3A_0 = arith.minsi %arg0, %min3A : i32
    %c0_i32 = arith.constant 0 : i32
    %c0_i32_1 = arith.constant 0 : i32
    %c0_i32_2 = arith.constant 0 : i32
    return %min3A_0, %c0_i32, %c0_i32_1 : i32, i32, i32
  }
  func.func @transform_4(%arg0: i32) -> (i32, i32, i32) {
    %c0_i32 = arith.constant 0 : i32
    %c0_i32_0 = arith.constant 0 : i32
    %c0_i32_1 = arith.constant 0 : i32
    return %arg0, %c0_i32, %c0_i32_0 : i32, i32, i32
  }
}

</mosaic_0001>

<sc_bundles>
// kernel: kernel.12.cloned.1.call-start
scs
__scs_entry_jumppad:
0x0: {  	(pc) =	sbr.rel $0x88, $3  }
0x1: {  	(tag) =	ssettag $0x0;
	lr =	simm.s32 $0x1  }
0x2: {  	[smem:$0x3F9C] =	sst lr;
	_ =	strace $0xD0000000  }
0x3: {  	_ = 	snop  }
0x4: {  	_ = 	snop  }
0x5: {  	_ = 	snop  }
0x6: {  	_ = 	snop  }
0x7: {  	_ = 	snop  }
__scs_overlays_trampoline_lowered:
0x8: {  	[smem:$0x3FAB] =	sst s0  }
0x9: {  	[smem:$0x3FAC] =	sst s1  }
0xa: {  	[smem:$0x3FAD] =	sst s2  }
0xb: {  	[smem:$0x3FAE] =	sst s3  }
0xc: {  	[smem:$0x3FAF] =	sst s4  }
0xd: {  	[smem:$0x3FB0] =	sst s5  }
0xe: {  	[smem:$0x3FB1] =	sst s6  }
0xf: {  	[smem:$0x3FB2] =	sst s7  }
0x10: {  	[smem:$0x3FB3] =	sst s8  }
0x11: {  	[smem:$0x3FB4] =	sst s9;
	s0 =	simm.s32 @!p0 $0x0  }
0x12: {  	s1 =	sld [smem:$0x3F9A];
	s0 =	simm.s32 @p0 $0x1  }
0x13: {  	[smem:$0x3FB5] =	sst s0;
	s0 =	simm.s32 @!p1 $0x0  }
0x14: {  	s2 =	sld [smem:$0x3F99];
	s0 =	simm.s32 @p1 $0x1  }
0x15: {  	[smem:$0x3FB6] =	sst s0;
	s0 =	simm.s32 @!p2 $0x0  }
0x16: {  	s3 =	sld [smem:$0x3FDB];
	s0 =	simm.s32 @p2 $0x1  }
0x17: {  	s4 =	simm.s32 $0x1BF5;
	[smem:$0x3FB8] =	sst s0  }
0x18: {  	s0 =	sld [smem:$0x3F9B];
	_ =	swait.ge [sflag:s4], $0x0  }
0x19: {  	s7 =	sld [smem:$0x3F9C]  }
0x1a: {  	s8 =	sadd.s32 $0xFFFFE003, lr  }
0x1b: {  	s9 =	sadd.s32 $0xFFFFFEF7, lr;
	s5 =	simm.s32 $0xFFFFFFFF;
	p2 =	slt.u32 s8, $0xFFFFF086  }
0x1c: {  	p1 =	slt.u32 s9, $0xF7A;
	s5 =	simm.s32 @!p2 $0x0  }
0x1d: {  	s5 =	simm.s32 @p1 $0x1;
	p0 =	seq.s32 s7, s2  }
0x1e: {  	s7 =	smul.u32 @!p0 $0xF7A, s2;
	p2 =	seq.s32 @!p0 s5, $0x0  }
0x1f: {  	s9 =	smul.u32 $0xF7A, s1;
	s8 =	simm.s32 @!p0 $0x1BF5;
	p2 =	por !p2, p0  }
0x20: {  	[sflag:s8] =	ssyncset.s32 @!p0 $0xFFFFF086;
	s6 =	sadd.s32 @!p0 s3, s7;
	s7 =	simm.s32 @!p0 $0x108  }
0x21: {  	s3 =	sadd.s32 s3, s9;
	s6 =	sadd.s32 @!p0 $0x88, s6;
	s7 =	simm.s32 @p2 $0x1082  }
0x22: {  	[simem:s7], [sflag:s8] =	dma.local @!p0 [hbm:s6], $0xF7A  }
0x23: {  	s9 =	sor.u32 $0xD0000000, s2;
	s6 =	simm.s32 $0x108;
	_ =	swait.ge @!p0 [sflag:s8], $0x0  }
0x24: {  	s3 =	sadd.s32 $0x88, s3;
	s6 =	simm.s32 @!p1 $0x1082;
	[sflag:s4] =	ssyncset.s32 $0xFFFFF086  }
0x25: {  	[simem:s6], [sflag:s4] =	dma.local [hbm:s3], $0xF7A  }
0x26: {  	[smem:$0x3F9C] =	sst s1;
	(tag) =	ssettag s2;
	_ =	strace s9  }
0x27: {  	s1 =	sld [smem:$0x3FAC]  }
0x28: {  	s2 =	sld [smem:$0x3FAD]  }
0x29: {  	s4 =	sld [smem:$0x3FAF]  }
0x2a: {  	p0 =	seq.s32 s5, $0x0;
	s5 =	sld [smem:$0x3FB0]  }
0x2b: {  	s6 =	sld [smem:$0x3FB1]  }
0x2c: {  	s7 =	sld [smem:$0x3FB2]  }
0x2d: {  	s3 =	simm.s32 $0x108;
	s8 =	sld [smem:$0x3FB3]  }
0x2e: {  	s3 =	simm.s32 @!p0 $0x1082;
	s9 =	sld [smem:$0x3FB4]  }
0x2f: {  	lr =	sadd.s32 s0, s3;
	s0 =	sld [smem:$0x3FAB]  }
0x30: {  	s3 =	sld [smem:$0x3FAE]  }
0x31: {  	[smem:$0x3FB7] =	sst s10  }
0x32: {  	s10 =	sld [smem:$0x3FB5];
	_ =	sdelay $0x3  }
0x33: {  	p0 =	seq.s32 s10, $0x1;
	s10 =	sld [smem:$0x3FB7];
	_ =	sdelay $0x3  }
0x34: {  	[smem:$0x3FB7] =	sst s10  }
0x35: {  	s10 =	sld [smem:$0x3FB6];
	_ =	sdelay $0x3  }
0x36: {  	p1 =	seq.s32 s10, $0x1;
	s10 =	sld [smem:$0x3FB7];
	_ =	sdelay $0x3  }
0x37: {  	[smem:$0x3FB7] =	sst s10  }
0x38: {  	s10 =	sld [smem:$0x3FB8]  }
0x39: {  	_ = 	snop;
	(pc) =	sbr.ind lr, $3  }
0x3a: {  	_ = 	snop  }
0x3b: {  	_ = 	snop  }
0x3c: {  	p2 =	seq.s32 s10, $0x1;
	s10 =	sld [smem:$0x3FB7]  }
0x3d: {  	_ =	shalt  }
0x3e: {  	_ =	shalt  }
0x3f: {  	_ =	shalt  }
0x40: {  	_ =	shalt  }
0x41: {  	_ =	shalt  }
0x42: {  	_ =	shalt  }
0x43: {  	_ =	shalt  }
0x44: {  	_ =	shalt  }
0x45: {  	_ =	shalt  }
0x46: {  	_ =	shalt  }
0x47: {  	_ =	shalt  }
0x48: {  	_ =	shalt  }
0x49: {  	_ =	shalt  }
0x4a: {  	_ =	shalt  }
0x4b: {  	_ =	shalt  }
0x4c: {  	_ =	shalt  }
0x4d: {  	_ =	shalt  }
0x4e: {  	_ =	shalt  }
0x4f: {  	_ =	shalt  }
0x50: {  	_ =	shalt  }
0x51: {  	_ =	shalt  }
0x52: {  	_ =	shalt  }
0x53: {  	_ =	shalt  }
0x54: {  	_ =	shalt  }
0x55: {  	_ =	shalt  }
0x56: {  	_ =	shalt  }
0x57: {  	_ =	shalt  }
0x58: {  	_ =	shalt  }
0x59: {  	_ =	shalt  }
0x5a: {  	_ =	shalt  }
0x5b: {  	_ =	shalt  }
0x5c: {  	_ =	shalt  }
0x5d: {  	_ =	shalt  }
0x5e: {  	_ =	shalt  }
0x5f: {  	_ =	shalt  }
0x60: {  	_ =	shalt  }
0x61: {  	_ =	shalt  }
0x62: {  	_ =	shalt  }
0x63: {  	_ =	shalt  }
0x64: {  	_ =	shalt  }
0x65: {  	_ =	shalt  }
0x66: {  	_ =	shalt  }
0x67: {  	_ =	shalt  }
0x68: {  	_ =	shalt  }
0x69: {  	_ =	shalt  }
0x6a: {  	_ =	shalt  }
0x6b: {  	_ =	shalt  }
0x6c: {  	_ =	shalt  }
0x6d: {  	_ =	shalt  }
0x6e: {  	_ =	shalt  }
0x6f: {  	_ =	shalt  }
0x70: {  	_ =	shalt  }
0x71: {  	_ =	shalt  }
0x72: {  	_ =	shalt  }
0x73: {  	_ =	shalt  }
0x74: {  	_ =	shalt  }
0x75: {  	_ =	shalt  }
0x76: {  	_ =	shalt  }
0x77: {  	_ =	shalt  }
0x78: {  	_ =	shalt  }
0x79: {  	_ =	shalt  }
0x7a: {  	_ =	shalt  }
0x7b: {  	_ =	shalt  }
0x7c: {  	_ =	shalt  }
0x7d: {  	_ =	shalt  }
0x7e: {  	_ =	shalt  }
0x7f: {  	_ =	shalt  }
0x80: {  	_ =	shalt  }
0x81: {  	_ =	shalt  }
0x82: {  	_ =	shalt  }
0x83: {  	_ =	shalt  }
0x84: {  	_ =	shalt  }
0x85: {  	_ =	shalt  }
0x86: {  	_ =	shalt  }
0x87: {  	_ =	shalt  }
.Lfunc_end0:
.L_simem_size_0:
called_computation.2_lowered:
.L_overlay_start_0:
0x88: {  	s2 =	sld [smem:$0x3FD9]  }
0x89: {  	s3 =	sld [smem:$0x3FFE];
	_ =	sdelay $0x1  }
0x8a: {  	s1 =	srdreg.scid  }
0x8b: {  	s0 =	sand.u32 $0x1, s1  }
0x8c: {  	s17 =	sshll.u32 s0, $0xA;
	s2 =	sadd.s32 s3, s2  }
0x8d: {  	s2 =	sadd.s32 s2, s17  }
0x8e: {  	[smem:$0x3FC3] =	sst s2  }
0x8f: {  	_ = 	snop  }
0x90: {  	s2 =	sld [smem:$0x3FD0];
	(tm) =	ssettm $0x1  }
0x91: {  	s18 =	sld [smem:$0x3FFB];
	_ =	sdelay $0x3  }
0x92: {  	_ =	strace s18  }
0x93: {  	s3 =	sld [smem:$0x3FFC];
	_ =	sdelay $0x3  }
0x94: {  	_ =	strace s3  }
0x95: {  	s3 =	sld [smem:$0x3FFD];
	_ =	sdelay $0x3  }
0x96: {  	_ =	strace s3  }
0x97: {  	_ =	strace $0x8FFFFFFF  }
0x98: {  	s19 =	sld [smem:$0x3FDB];
	_ =	sdelay $0x1  }
0x99: {  	s4 =	simm.s32 $_scs_section_size  }
0x9a: {  	s5 =	simm.s32 $_size__tile_overlayer_lowered;
	s6 =	simm.s32 $_tile_overlayer_lowered  }
0x9b: {  	s22 =	simm.s32 $0x1BFF;
	s21 =	sshll.u32 s6, $0x1;
	s3 =	sadd.s32 s4, s19  }
0x9c: {  	s7 =	simm.s32 $0x0;
	s20 =	sshll.u32 s5, $0x1;
	s5 =	sadd.s32 s21, s3  }
0x9d: {  	[timem:s7], [sflag:s22] =	dma.local [hbm:s5], s20  }
0x9e: {  	_ =	swait.ge [sflag:s22], s20  }
0x9f: {  	s4 =	ssub.s32 $0x0, s20;
	[sflag:s22] =	ssyncset.done $0x0  }
0xa0: {  	[sflag:s22] =	ssyncadd.s32 s4;
	_ =	sdelay $0x1  }
0xa1: {  	s23 =	simm.s32 $0x1B8B  }
0xa2: {  	_ =	swait.ge [sflag:s23], $0x1  }
0xa3: {  	[sflag:s23] =	ssyncset.done $0x0  }
0xa4: {  	s25 =	simm.s32 $0x1B8E;
	s24 =	sld [smem:$0x3FFE];
	[sflag:s23] =	ssyncadd.s32 $0xFFFFFFFF  }
0xa5: {  	s26 =	simm.s32 $execute0_lowered;
	[smem:$0x3FD2] =	sst s25  }
0xa6: {  	s5 =	sshll.u32 s26, $0x1;
	_ =	strace $0x8000004C;
	[dreg:$0x1] =	wrdreg $0xFFFFFFFF  }
0xa7: {  	s28 =	simm.s32 $_size_execute0_lowered;
	s3 =	sadd.s32 s3, s5;
	[dreg:$0x0] =	wrdreg $0x0  }
0xa8: {  	s5 =	sshll.u32 s28, $0x1;
	[dreg:$0x2] =	wrdreg s3  }
0xa9: {  	[dreg:$0x3] =	wrdreg s5  }
0xaa: {  	[dreg:$0x4] =	wrdreg $0xC0  }
0xab: {  	_ =	task [dreg:s7], $0x5FFFF  }
0xac: {  	[dreg:$0x1] =	wrdreg $0xFFFFFFFF  }
0xad: {  	[dreg:$0x0] =	wrdreg $0x60  }
0xae: {  	[dreg:$0x2] =	wrdreg s24  }
0xaf: {  	[dreg:$0x3] =	wrdreg s2  }
0xb0: {  	[dreg:$0x4] =	wrdreg $0x9  }
0xb1: {  	_ =	task.clear_ibuf [dreg:s7], $0x5FFFF;
	_ =	strace $0x9000004C  }
0xb2: {  	s29 =	simm.s32 $0x9;
	_ =	strace $0x8000004E  }
0xb3: {  	_ =	swait.ge [sflag:s29], $0x1  }
0xb4: {  	[sflag:s29] =	ssyncadd.s32 $0xFFFFFFFF  }
0xb5: {  	_ =	strace $0x9000004E  }
0xb6: {  	_ =	sfence  }
0xb7: {  	s30 =	sld [smem:$0x0];
	_ =	sdelay $0x2  }
0xb8: {  	s31 =	sshll.u32 s1, $0xD;
	s1 =	sshrl.u32 s1, $0x2  }
0xb9: {  	s3 =	sand.u32 $0x4000, s31;
	s1 =	sadd.s32 s1, s30  }
0xba: {  	s0 =	sor.u32 s3, s0;
	s1 =	sshll.u32 s1, $0x11  }
0xbb: {  	s0 =	sor.u32 s1, s0  }
0xbc: {  	s0 =	sadd.s32 $0x8F2B, s0  }
0xbd: {  	[sflag:s0] =	ssyncadd.remote.s32 $0x1  }
0xbe: {  	_ =	sfence.sel $0xFFFF  }
0xbf: {  	[dreg:$0x0] =	wrdreg $0xFFFFFFFF;
	(pc) =	sbr.abs _section_cstart, $3  }
0xc0: {  	[dreg:$0x1] =	wrdreg $0xFFFFFFFF  }
0xc1: {  	_ =	task.clear_ibuf [dreg:s7], $0x2FFFF;
	_ =	strace $0x9FFFFFFF  }
0xc2: {  	(tm) =	ssettm $0x7FFFFFFF  }
0xc3: {  	_ =	shalt  }
tec
execute0_lowered:
.L_overlay_start_1:
0x0: {  	(tag) =	ssettag $0x1  }
0x1: {  	s1 =	rddreg [dreg:$0x0];
	s2 =	srdreg.scid  }
0x2: {  	s3 =	rddreg [dreg:$0x1];
	s4 =	sand.u32 $0x1, s2;
	s2 =	simm.s32 $0x0  }
0x3: {  	s21 =	simm.s32 $0x900;
	[smem:$0x7FF] =	sst s2  }
0x4: {  	s22 =	simm.s32 $0x1100;
	_ =	strace $0x8000004D;
	[dreg:$0x6] =	wrdreg s21  }
0x5: {  	s23 =	simm.s32 $0x1900;
	[dreg:$0x7] =	wrdreg s22  }
0x6: {  	s24 =	simm.s32 $0x2100;
	[dreg:$0x8] =	wrdreg s23  }
0x7: {  	s25 =	simm.s32 $0x2900;
	[dreg:$0x9] =	wrdreg s24  }
0x8: {  	s0 =	stileid.u32;
	s26 =	simm.s32 $0x3100;
	[dreg:$0xa] =	wrdreg s25  }
0x9: {  	s20 =	sshll.u32 s0, $0x1;
	s0 =	simm.s32 $0x3900;
	[dreg:$0xb] =	wrdreg s26  }
0xa: {  	s8 =	simm.s32 $0x5900;
	[dreg:$0xc] =	wrdreg s0  }
0xb: {  	s9 =	simm.s32 $0x6100;
	[dreg:$0x10] =	wrdreg s8  }
0xc: {  	s10 =	simm.s32 $0x6900;
	[dreg:$0x11] =	wrdreg s9  }
0xd: {  	s11 =	simm.s32 $0x7100;
	s12 =	simm.s32 $0x7900;
	[dreg:$0x12] =	wrdreg s10  }
0xe: {  	s13 =	simm.s32 $0x8100;
	s14 =	simm.s32 $0x8900;
	[dreg:$0x13] =	wrdreg s11  }
0xf: {  	s15 =	simm.s32 $0x9100;
	s16 =	simm.s32 $0x9900;
	[dreg:$0x14] =	wrdreg s12  }
0x10: {  	s17 =	simm.s32 $0xA100;
	s18 =	simm.s32 $0xA900;
	[dreg:$0x15] =	wrdreg s13  }
0x11: {  	s28 =	simm.s32 $0x17900;
	s29 =	simm.s32 $0x1;
	[dreg:$0x16] =	wrdreg s14  }
0x12: {  	s30 =	simm.s32 $0x2;
	s31 =	simm.s32 $0x3;
	[dreg:$0x17] =	wrdreg s15  }
0x13: {  	s5 =	sor.u32 s4, s20;
	s4 =	ssub.s32 $0x2, s4;
	[dreg:$0x18] =	wrdreg s16  }
0x14: {  	s20 =	simm.s32 $0xB100;
	s7 =	smul.u32 $0x18000, s5;
	[dreg:$0x19] =	wrdreg s17  }
0x15: {  	s6 =	sshll.u32 s5, $0x5;
	s5 =	smul.u32 $0x3000, s5;
	[dreg:$0x1a] =	wrdreg s18  }
0x16: {  	s19 =	sshrl.u32 s4, $0x1;
	[dreg:$0x1b] =	wrdreg s20;
	s21 =	simm.s32 $0xB900  }
0x17: {  	s22 =	simm.s32 $0xC900;
	s23 =	simm.s32 $0xD100;
	s24 =	simm.s32 $0xD900  }
0x18: {  	s25 =	simm.s32 $0xE100;
	s8 =	simm.s32 $0x100;
	s26 =	simm.s32 $0xE900  }
0x19: {  	s9 =	simm.s32 $0xC100;
	s11 =	simm.s32 $0xF900;
	[dreg:$0x1c] =	wrdreg s21  }
0x1a: {  	s12 =	simm.s32 $0x10100;
	s13 =	simm.s32 $0x10900;
	[dreg:$0x1d] =	wrdreg s22  }
0x1b: {  	s14 =	simm.s32 $0x11100;
	s15 =	simm.s32 $0x11900;
	[dreg:$0x1e] =	wrdreg s23  }
0x1c: {  	s16 =	simm.s32 $0x12100;
	s17 =	simm.s32 $0x12900;
	[dreg:$0x1f] =	wrdreg s24  }
0x1d: {  	s18 =	simm.s32 $0x13100;
	s20 =	simm.s32 $0x14100;
	[smem:$0x7FC] =	sst s25  }
0x1e: {  	s6 =	sadd.s32 s6, s1;
	[smem:$0x7FD] =	sst s26;
	s21 =	simm.s32 $0x14900  }
0x1f: {  	s22 =	simm.s32 $0x15100;
	s23 =	simm.s32 $0x15900;
	s6 =	sadd.s32 $0x180600, s6  }
0x20: {  	s24 =	simm.s32 $0x16100;
	s5 =	sadd.s32 s3, s5;
	[dreg:$0x3] =	wrdreg s6  }
0x21: {  	s25 =	simm.s32 $0x16900;
	[dreg:$0x4] =	wrdreg s5;
	s5 =	simm.s32 $0x4100  }
0x22: {  	s7 =	sshrl.u32 s7, $0x3;
	s6 =	simm.s32 $0x4900;
	[dreg:$0xd] =	wrdreg s5  }
0x23: {  	s3 =	sadd.s32 s3, s7;
	s7 =	simm.s32 $0x5100;
	[dreg:$0xe] =	wrdreg s6  }
0x24: {  	s26 =	simm.s32 $0x17100;
	s3 =	sadd.s32 $0x1800, s3;
	[dreg:$0xf] =	wrdreg s7  }
0x25: {  	v2 =	vlaneseq.u32;
	s6 =	ssub.s32 s4, s19;
	s4 =	sadd.s32 $0x180B00, s1;
	s5 =	sadd.s32 $0x180C00, s1  }
0x26: {  	vm0 =	vmmov $0xffff;
	v1 =	vshrl.u32 v2, $0x3;
	s7 =	simm.s32 $0x5;
	s19 =	simm.s32 $0x13900;
	[dreg:$0x5] =	wrdreg s3  }
0x27: {  	v0 =	vand.u32 $0x7, v2;
	v2 =	vor.u32 $0x8, v2;
	v1 =	vmul.u32 $0x8, v1;
	s3 =	sadd.s32 $0x180A00, s1;
	s6 =	smax.u32 s6, $0x1;
	s1 =	simm.s32 $0x4  }
.LBB2_1:
0x28: {  	s0 =	rddreg [dreg:$0x3]  }
0x29: {  	[tilespmem:s2], [sflag:$0x5] =	stream.linear.gather [hbm4b:s0+s2], $0x100, $0x38;
	[tilespmem:$0x18100] =	vst v63  }
0x2a: {  	_ =	swait.ge [sflag:s7], $0x100  }
0x2b: {  	[sflag:s7] =	ssyncset.done $0x0  }
0x2c: {  	[sflag:s7] =	ssyncadd.s32 $0xFFFFFF00  }
0x2d: {  	v3 =	vld [tilespmem:$0x0];
	_ =	sdelay $0x4  }
0x2e: {  	v4 =	vshrl.u32 v3, $0x3  }
0x2f: {  	v4 =	vmul.u32 $0x30, v4  }
0x30: {  	v3 =	vand.u32 $0x7, v3  }
0x31: {  	v3 =	vor.u32 v3, v4  }
0x32: {  	v4 =	vperm.xlane v3, v0;
	_ =	sdelay $0x1  }
0x33: {  	v4 =	vadd.s32 v1, v4;
	_ =	sdelay $0x3  }
0x34: {  	v3 =	vperm.xlane v3, v2  }
0x35: {  	[tilespmem:s8], [sflag:$0x1] =	stream.indirect_vreg.gather [hbm4b:s3+s2], $0x80, v4, vm0, $0xb8;
	[tilespmem:$0x18100] =	vst v63  }
0x36: {  	s0 =	rddreg [dreg:$0x6];
	v3 =	vadd.s32 v1, v3  }
0x37: {  	[tilespmem:s0], [sflag:$0x1] =	stream.indirect_vreg.gather [hbm4b:s4+s2], $0x80, v4, vm0, $0xb8;
	[tilespmem:$0x18100] =	vst v63  }
0x38: {  	s10 =	rddreg [dreg:$0x7]  }
0x39: {  	[tilespmem:s10], [sflag:$0x1] =	stream.indirect_vreg.gather [hbm4b:s5+s2], $0x80, v4, vm0, $0xb8;
	[tilespmem:$0x18100] =	vst v63  }
0x3a: {  	s0 =	rddreg [dreg:$0x8]  }
0x3b: {  	[tilespmem:s0], [sflag:$0x1] =	stream.indirect_vreg.gather [hbm4b:s3+s2], $0x80, v3, vm0, $0xb8;
	[tilespmem:$0x18100] =	vst v63  }
0x3c: {  	s10 =	rddreg [dreg:$0x9]  }
0x3d: {  	[tilespmem:s10], [sflag:$0x1] =	stream.indirect_vreg.gather [hbm4b:s4+s2], $0x80, v3, vm0, $0xb8;
	[tilespmem:$0x18100] =	vst v63  }
0x3e: {  	s0 =	rddreg [dreg:$0xa]  }
0x3f: {  	[tilespmem:s0], [sflag:$0x1] =	stream.indirect_vreg.gather [hbm4b:s5+s2], $0x80, v3, vm0, $0xb8;
	[tilespmem:$0x18100] =	vst v63  }
0x40: {  	v3 =	vld [tilespmem:$0x10];
	_ =	sdelay $0x4  }
0x41: {  	v57 =	vshrl.u32 v3, $0x3  }
0x42: {  	v4 =	vmul.u32 $0x30, v57  }
0x43: {  	v3 =	vand.u32 $0x7, v3  }
0x44: {  	v3 =	vor.u32 v3, v4  }
0x45: {  	v4 =	vperm.xlane v3, v0;
	_ =	sdelay $0x1  }
0x46: {  	v4 =	vadd.s32 v1, v4;
	_ =	sdelay $0x3  }
0x47: {  	s0 =	rddreg [dreg:$0xb];
	v3 =	vperm.xlane v3, v2  }
0x48: {  	[tilespmem:s0], [sflag:$0x1] =	stream.indirect_vreg.gather [hbm4b:s3+s2], $0x80, v4, vm0, $0xb8;
	[tilespmem:$0x18100] =	vst v63  }
0x49: {  	s10 =	rddreg [dreg:$0xc];
	v3 =	vadd.s32 v1, v3  }
0x4a: {  	[tilespmem:s10], [sflag:$0x1] =	stream.indirect_vreg.gather [hbm4b:s4+s2], $0x80, v4, vm0, $0xb8;
	[tilespmem:$0x18100] =	vst v63  }
0x4b: {  	s0 =	rddreg [dreg:$0xd]  }
0x4c: {  	[tilespmem:s0], [sflag:$0x1] =	stream.indirect_vreg.gather [hbm4b:s5+s2], $0x80, v4, vm0, $0xb8;
	[tilespmem:$0x18100] =	vst v63  }
0x4d: {  	s10 =	rddreg [dreg:$0xe]  }
0x4e: {  	[tilespmem:s10], [sflag:$0x1] =	stream.indirect_vreg.gather [hbm4b:s3+s2], $0x80, v3, vm0, $0xb8;
	[tilespmem:$0x18100] =	vst v63  }
0x4f: {  	s0 =	rddreg [dreg:$0xf]  }
0x50: {  	[tilespmem:s0], [sflag:$0x1] =	stream.indirect_vreg.gather [hbm4b:s4+s2], $0x80, v3, vm0, $0xb8;
	[tilespmem:$0x18100] =	vst v63  }
0x51: {  	s10 =	rddreg [dreg:$0x10]  }
0x52: {  	[tilespmem:s10], [sflag:$0x1] =	stream.indirect_vreg.gather [hbm4b:s5+s2], $0x80, v3, vm0, $0xb8;
	[tilespmem:$0x18100] =	vst v63  }
0x53: {  	v3 =	vld [tilespmem:$0x20];
	_ =	sdelay $0x4  }
0x54: {  	v58 =	vshrl.u32 v3, $0x3  }
0x55: {  	v4 =	vmul.u32 $0x30, v58  }
0x56: {  	v3 =	vand.u32 $0x7, v3  }
0x57: {  	v3 =	vor.u32 v3, v4  }
0x58: {  	v4 =	vperm.xlane v3, v0;
	_ =	sdelay $0x1  }
0x59: {  	v4 =	vadd.s32 v1, v4;
	_ =	sdelay $0x3  }
0x5a: {  	s0 =	rddreg [dreg:$0x11];
	v3 =	vperm.xlane v3, v2  }
0x5b: {  	[tilespmem:s0], [sflag:$0x1] =	stream.indirect_vreg.gather [hbm4b:s3+s2], $0x80, v4, vm0, $0xb8;
	[tilespmem:$0x18100] =	vst v63  }
0x5c: {  	s10 =	rddreg [dreg:$0x12];
	v3 =	vadd.s32 v1, v3  }
0x5d: {  	[tilespmem:s10], [sflag:$0x1] =	stream.indirect_vreg.gather [hbm4b:s4+s2], $0x80, v4, vm0, $0xb8;
	[tilespmem:$0x18100] =	vst v63  }
0x5e: {  	s0 =	rddreg [dreg:$0x13]  }
0x5f: {  	[tilespmem:s0], [sflag:$0x1] =	stream.indirect_vreg.gather [hbm4b:s5+s2], $0x80, v4, vm0, $0xb8;
	[tilespmem:$0x18100] =	vst v63  }
0x60: {  	s10 =	rddreg [dreg:$0x14]  }
0x61: {  	[tilespmem:s10], [sflag:$0x1] =	stream.indirect_vreg.gather [hbm4b:s3+s2], $0x80, v3, vm0, $0xb8;
	[tilespmem:$0x18100] =	vst v63  }
0x62: {  	s0 =	rddreg [dreg:$0x15]  }
0x63: {  	[tilespmem:s0], [sflag:$0x1] =	stream.indirect_vreg.gather [hbm4b:s4+s2], $0x80, v3, vm0, $0xb8;
	[tilespmem:$0x18100] =	vst v63  }
0x64: {  	s10 =	rddreg [dreg:$0x16]  }
0x65: {  	[tilespmem:s10], [sflag:$0x1] =	stream.indirect_vreg.gather [hbm4b:s5+s2], $0x80, v3, vm0, $0xb8;
	[tilespmem:$0x18100] =	vst v63  }
0x66: {  	v3 =	vld [tilespmem:$0x30];
	_ =	sdelay $0x4  }
0x67: {  	v59 =	vshrl.u32 v3, $0x3  }
0x68: {  	v4 =	vmul.u32 $0x30, v59  }
0x69: {  	v3 =	vand.u32 $0x7, v3  }
0x6a: {  	v3 =	vor.u32 v3, v4  }
0x6b: {  	v4 =	vperm.xlane v3, v0;
	_ =	sdelay $0x1  }
0x6c: {  	v4 =	vadd.s32 v1, v4;
	_ =	sdelay $0x3  }
0x6d: {  	s0 =	rddreg [dreg:$0x17];
	v3 =	vperm.xlane v3, v2  }
0x6e: {  	[tilespmem:s0], [sflag:$0x1] =	stream.indirect_vreg.gather [hbm4b:s3+s2], $0x80, v4, vm0, $0xb8;
	[tilespmem:$0x18100] =	vst v63  }
0x6f: {  	s10 =	rddreg [dreg:$0x18];
	v3 =	vadd.s32 v1, v3  }
0x70: {  	[tilespmem:s10], [sflag:$0x1] =	stream.indirect_vreg.gather [hbm4b:s4+s2], $0x80, v4, vm0, $0xb8;
	[tilespmem:$0x18100] =	vst v63  }
0x71: {  	s0 =	rddreg [dreg:$0x19]  }
0x72: {  	[tilespmem:s0], [sflag:$0x1] =	stream.indirect_vreg.gather [hbm4b:s5+s2], $0x80, v4, vm0, $0xb8;
	[tilespmem:$0x18100] =	vst v63  }
0x73: {  	s10 =	rddreg [dreg:$0x1a]  }
0x74: {  	[tilespmem:s10], [sflag:$0x1] =	stream.indirect_vreg.gather [hbm4b:s3+s2], $0x80, v3, vm0, $0xb8;
	[tilespmem:$0x18100] =	vst v63  }
0x75: {  	s0 =	rddreg [dreg:$0x1b]  }
0x76: {  	[tilespmem:s0], [sflag:$0x1] =	stream.indirect_vreg.gather [hbm4b:s4+s2], $0x80, v3, vm0, $0xb8;
	[tilespmem:$0x18100] =	vst v63  }
0x77: {  	s10 =	rddreg [dreg:$0x1c]  }
0x78: {  	[tilespmem:s10], [sflag:$0x1] =	stream.indirect_vreg.gather [hbm4b:s5+s2], $0x80, v3, vm0, $0xb8;
	[tilespmem:$0x18100] =	vst v63  }
0x79: {  	v3 =	vld [tilespmem:$0x80];
	_ =	sdelay $0x4  }
0x7a: {  	v60 =	vshrl.u32 v3, $0x3  }
0x7b: {  	v4 =	vmul.u32 $0x30, v60  }
0x7c: {  	v3 =	vand.u32 $0x7, v3  }
0x7d: {  	v3 =	vor.u32 v3, v4  }
0x7e: {  	v4 =	vperm.xlane v3, v0;
	_ =	sdelay $0x1  }
0x7f: {  	v4 =	vadd.s32 v1, v4;
	_ =	sdelay $0x3  }
0x80: {  	s0 =	rddreg [dreg:$0x1d];
	v3 =	vperm.xlane v3, v2  }
0x81: {  	[tilespmem:s9], [sflag:$0x2] =	stream.indirect_vreg.gather [hbm4b:s3+s2], $0x80, v4, vm0, $0xb8;
	[tilespmem:$0x18100] =	vst v63  }
0x82: {  	s10 =	rddreg [dreg:$0x1e];
	v3 =	vadd.s32 v1, v3  }
0x83: {  	[tilespmem:s0], [sflag:$0x2] =	stream.indirect_vreg.gather [hbm4b:s4+s2], $0x80, v4, vm0, $0xb8;
	[tilespmem:$0x18100] =	vst v63  }
0x84: {  	s0 =	rddreg [dreg:$0x1f]  }
0x85: {  	[tilespmem:s10], [sflag:$0x2] =	stream.indirect_vreg.gather [hbm4b:s5+s2], $0x80, v4, vm0, $0xb8;
	[tilespmem:$0x18100] =	vst v63  }
0x86: {  	s10 =	sld [smem:$0x7FC]  }
0x87: {  	[tilespmem:s0], [sflag:$0x2] =	stream.indirect_vreg.gather [hbm4b:s3+s2], $0x80, v3, vm0, $0xb8;
	[tilespmem:$0x18100] =	vst v63  }
0x88: {  	s0 =	sld [smem:$0x7FD]  }
0x89: {  	[tilespmem:s10], [sflag:$0x2] =	stream.indirect_vreg.gather [hbm4b:s4+s2], $0x80, v3, vm0, $0xb8;
	[tilespmem:$0x18100] =	vst v63  }
0x8a: {  	_ = 	snop  }
0x8b: {  	[tilespmem:s0], [sflag:$0x2] =	stream.indirect_vreg.gather [hbm4b:s5+s2], $0x80, v3, vm0, $0xb8;
	[tilespmem:$0x18100] =	vst v63  }
0x8c: {  	v3 =	vld [tilespmem:$0x90];
	_ =	sdelay $0x4  }
0x8d: {  	v61 =	vshrl.u32 v3, $0x3  }
0x8e: {  	v4 =	vmul.u32 $0x30, v61  }
0x8f: {  	v3 =	vand.u32 $0x7, v3  }
0x90: {  	v3 =	vor.u32 v3, v4  }
0x91: {  	v4 =	vperm.xlane v3, v0;
	_ =	sdelay $0x1  }
0x92: {  	v4 =	vadd.s32 v1, v4;
	_ =	sdelay $0x3  }
0x93: {  	s10 =	simm.s32 $0xF100;
	v3 =	vperm.xlane v3, v2  }
0x94: {  	[tilespmem:s10], [sflag:$0x2] =	stream.indirect_vreg.gather [hbm4b:s3+s2], $0x80, v4, vm0, $0xb8;
	[tilespmem:$0x18100] =	vst v63  }
0x95: {  	v3 =	vadd.s32 v1, v3  }
0x96: {  	[tilespmem:s11], [sflag:$0x2] =	stream.indirect_vreg.gather [hbm4b:s4+s2], $0x80, v4, vm0, $0xb8;
	[tilespmem:$0x18100] =	vst v63  }
0x97: {  	_ = 	snop  }
0x98: {  	[tilespmem:s12], [sflag:$0x2] =	stream.indirect_vreg.gather [hbm4b:s5+s2], $0x80, v4, vm0, $0xb8;
	[tilespmem:$0x18100] =	vst v63  }
0x99: {  	_ = 	snop  }
0x9a: {  	[tilespmem:s13], [sflag:$0x2] =	stream.indirect_vreg.gather [hbm4b:s3+s2], $0x80, v3, vm0, $0xb8;
	[tilespmem:$0x18100] =	vst v63  }
0x9b: {  	_ = 	snop  }
0x9c: {  	[tilespmem:s14], [sflag:$0x2] =	stream.indirect_vreg.gather [hbm4b:s4+s2], $0x80, v3, vm0, $0xb8;
	[tilespmem:$0x18100] =	vst v63  }
0x9d: {  	_ = 	snop  }
0x9e: {  	[tilespmem:s15], [sflag:$0x2] =	stream.indirect_vreg.gather [hbm4b:s5+s2], $0x80, v3, vm0, $0xb8;
	[tilespmem:$0x18100] =	vst v63  }
0x9f: {  	v3 =	vld [tilespmem:$0xA0];
	_ =	sdelay $0x4  }
0xa0: {  	v62 =	vshrl.u32 v3, $0x3  }
0xa1: {  	v4 =	vmul.u32 $0x30, v62  }
0xa2: {  	v3 =	vand.u32 $0x7, v3  }
0xa3: {  	v3 =	vor.u32 v3, v4  }
0xa4: {  	v4 =	vperm.xlane v3, v0;
	_ =	sdelay $0x1  }
0xa5: {  	v4 =	vadd.s32 v1, v4;
	_ =	sdelay $0x3  }
0xa6: {  	v3 =	vperm.xlane v3, v2  }
0xa7: {  	[tilespmem:s16], [sflag:$0x2] =	stream.indirect_vreg.gather [hbm4b:s3+s2], $0x80, v4, vm0, $0xb8;
	[tilespmem:$0x18100] =	vst v63  }
0xa8: {  	v3 =	vadd.s32 v1, v3  }
0xa9: {  	[tilespmem:s17], [sflag:$0x2] =	stream.indirect_vreg.gather [hbm4b:s4+s2], $0x80, v4, vm0, $0xb8;
	[tilespmem:$0x18100] =	vst v63  }
0xaa: {  	_ = 	snop  }
0xab: {  	[tilespmem:s18], [sflag:$0x2] =	stream.indirect_vreg.gather [hbm4b:s5+s2], $0x80, v4, vm0, $0xb8;
	[tilespmem:$0x18100] =	vst v63  }
0xac: {  	_ = 	snop  }
0xad: {  	[tilespmem:s19], [sflag:$0x2] =	stream.indirect_vreg.gather [hbm4b:s3+s2], $0x80, v3, vm0, $0xb8;
	[tilespmem:$0x18100] =	vst v63  }
0xae: {  	_ = 	snop  }
0xaf: {  	[tilespmem:s20], [sflag:$0x2] =	stream.indirect_vreg.gather [hbm4b:s4+s2], $0x80, v3, vm0, $0xb8;
	[tilespmem:$0x18100] =	vst v63  }
0xb0: {  	_ = 	snop  }
0xb1: {  	[tilespmem:s21], [sflag:$0x2] =	stream.indirect_vreg.gather [hbm4b:s5+s2], $0x80, v3, vm0, $0xb8;
	[tilespmem:$0x18100] =	vst v63  }
0xb2: {  	v3 =	vld [tilespmem:$0xB0];
	_ =	sdelay $0x4  }
0xb3: {  	v63 =	vshrl.u32 v3, $0x3  }
0xb4: {  	v4 =	vmul.u32 $0x30, v63  }
0xb5: {  	v3 =	vand.u32 $0x7, v3  }
0xb6: {  	v3 =	vor.u32 v3, v4  }
0xb7: {  	v4 =	vperm.xlane v3, v0;
	_ =	sdelay $0x1  }
0xb8: {  	v4 =	vadd.s32 v1, v4;
	_ =	sdelay $0x3  }
0xb9: {  	v3 =	vperm.xlane v3, v2  }
0xba: {  	[tilespmem:s22], [sflag:$0x2] =	stream.indirect_vreg.gather [hbm4b:s3+s2], $0x80, v4, vm0, $0xb8;
	[tilespmem:$0x18100] =	vst v63  }
0xbb: {  	v3 =	vadd.s32 v1, v3  }
0xbc: {  	[tilespmem:s23], [sflag:$0x2] =	stream.indirect_vreg.gather [hbm4b:s4+s2], $0x80, v4, vm0, $0xb8;
	[tilespmem:$0x18100] =	vst v63  }
0xbd: {  	_ = 	snop  }
0xbe: {  	[tilespmem:s24], [sflag:$0x2] =	stream.indirect_vreg.gather [hbm4b:s5+s2], $0x80, v4, vm0, $0xb8;
	[tilespmem:$0x18100] =	vst v63  }
0xbf: {  	_ = 	snop  }
0xc0: {  	[tilespmem:s25], [sflag:$0x2] =	stream.indirect_vreg.gather [hbm4b:s3+s2], $0x80, v3, vm0, $0xb8;
	[tilespmem:$0x18100] =	vst v63  }
0xc1: {  	_ = 	snop  }
0xc2: {  	[tilespmem:s26], [sflag:$0x2] =	stream.indirect_vreg.gather [hbm4b:s4+s2], $0x80, v3, vm0, $0xb8;
	[tilespmem:$0x18100] =	vst v63  }
0xc3: {  	_ = 	snop  }
0xc4: {  	[tilespmem:s28], [sflag:$0x2] =	stream.indirect_vreg.gather [hbm4b:s5+s2], $0x80, v3, vm0, $0xb8;
	[tilespmem:$0x18100] =	vst v63  }
0xc5: {  	_ =	swait.ge [sflag:s29], $0xC000  }
0xc6: {  	[sflag:s29] =	ssyncset.done $0x0  }
0xc7: {  	s10 =	rddreg [dreg:$0x4];
	[sflag:s29] =	ssyncadd.s32 $0xFFFF4000  }
0xc8: {  	[hbm4b:s10+s2] =	stream.linear.scatter [tilespmem:s8], [sflag:$0x3], $0xC000, $0x38;
	[tilespmem:$0x18100] =	vst v63  }
0xc9: {  	_ =	swait.ge [sflag:s30], $0xC000  }
0xca: {  	[sflag:s30] =	ssyncset.done $0x0  }
0xcb: {  	s10 =	rddreg [dreg:$0x5];
	[sflag:s30] =	ssyncadd.s32 $0xFFFF4000  }
0xcc: {  	[hbm4b:s10+s2] =	stream.linear.scatter [tilespmem:s9], [sflag:$0x4], $0xC000, $0x38;
	[tilespmem:$0x18100] =	vst v63  }
0xcd: {  	p0 =	sne.s32 s6, $0x1;
	_ =	swait.ge [sflag:s31], $0xC000  }
.Ltmp0:
0xce: {  	[sflag:s31] =	ssyncset.done $0x0;
	(pc) =	sbr.rel @p0 .LBB2_1-.Ltmp0, $4  }
0xcf: {  	[sflag:s31] =	ssyncadd.s32 $0xFFFF4000  }
0xd0: {  	_ =	swait.ge [sflag:s1], $0xC000  }
0xd1: {  	[sflag:s1] =	ssyncset.done $0x0  }
0xd2: {  	s6 =	sadd.s32 $0xFFFFFFFF, s6;
	[sflag:s1] =	ssyncadd.s32 $0xFFFF4000  }
0xd3: {  	_ =	sfence.sel $0x180000  }
0xd4: {  	[bflag:$0x0] =	sbarrier.arrive $0xFFFF  }
0xd5: {  	_ =	strace $0x9000004D  }
0xd6: {  	s0 =	stileid.u32;
	[bflag:$0x2] =	sbarrier.arrive $0xFFFF  }
0xd7: {  	p0 =	sne.s32 s0, $0x0;
	s0 =	rddreg [dreg:$0x2]  }
0xd8: {  	s0 =	sadd.s32 @!p0 $0x100000, s0  }
0xd9: {  	[sflag:s0] =	ssyncadd.tile.s32 @!p0 $0x1;
	_ =	shalt  }
.Lfunc_end2:
_tile_overlayer_lowered:
.L_overlay_start_2:
0xda: {  	(tag) =	ssettag $0x2  }
0xdb: {  	s0 =	rddreg [dreg:$0x0];
	s2 =	stileid.u32  }
0xdc: {  	s1 =	rddreg [dreg:$0x1];
	p0 =	sne.s32 s2, $0x0  }
0xdd: {  	s3 =	rddreg [dreg:$0x2];
	[bflag:$0x3] =	sbarrier.arrive $0xFFFF;
	s2 =	simm.s32 @!p0 $0x1C05  }
0xde: {  	[timem:s3], [sflag:s2] =	dma.local @!p0 [hbm:s0], s1  }
0xdf: {  	s0 =	simm.s32 @!p0 $0x5  }
0xe0: {  	_ =	swait.ge @!p0 [sflag:s0], s1  }
0xe1: {  	s1 =	ssub.s32 @!p0 $0x0, s1;
	[sflag:s0] =	ssyncset.done @!p0 $0x0  }
0xe2: {  	[sflag:s0] =	ssyncadd.s32 @!p0 s1  }
0xe3: {  	[bflag:$0x3] =	sbarrier.arrive $0xFFFF  }
0xe4: {  	_ =	shalt  }

// kernel: kernel.6.cloned.1.call-start
scs
__scs_entry_jumppad:
0x0: {  	(pc) =	sbr.rel $0x88, $3  }
0x1: {  	(tag) =	ssettag $0x0;
	lr =	simm.s32 $0x1  }
0x2: {  	[smem:$0x3F9C] =	sst lr;
	_ =	strace $0xD0000000  }
0x3: {  	_ = 	snop  }
0x4: {  	_ = 	snop  }
0x5: {  	_ = 	snop  }
0x6: {  	_ = 	snop  }
0x7: {  	_ = 	snop  }
__scs_overlays_trampoline_lowered:
0x8: {  	[smem:$0x3FAB] =	sst s0  }
0x9: {  	[smem:$0x3FAC] =	sst s1  }
0xa: {  	[smem:$0x3FAD] =	sst s2  }
0xb: {  	[smem:$0x3FAE] =	sst s3  }
0xc: {  	[smem:$0x3FAF] =	sst s4  }
0xd: {  	[smem:$0x3FB0] =	sst s5  }
0xe: {  	[smem:$0x3FB1] =	sst s6  }
0xf: {  	[smem:$0x3FB2] =	sst s7  }
0x10: {  	[smem:$0x3FB3] =	sst s8  }
0x11: {  	[smem:$0x3FB4] =	sst s9;
	s0 =	simm.s32 @!p0 $0x0  }
0x12: {  	s1 =	sld [smem:$0x3F9A];
	s0 =	simm.s32 @p0 $0x1  }
0x13: {  	[smem:$0x3FB5] =	sst s0;
	s0 =	simm.s32 @!p1 $0x0  }
0x14: {  	s2 =	sld [smem:$0x3F99];
	s0 =	simm.s32 @p1 $0x1  }
0x15: {  	[smem:$0x3FB6] =	sst s0;
	s0 =	simm.s32 @!p2 $0x0  }
0x16: {  	s3 =	sld [smem:$0x3FDB];
	s0 =	simm.s32 @p2 $0x1  }
0x17: {  	s4 =	simm.s32 $0x1BF5;
	[smem:$0x3FB8] =	sst s0  }
0x18: {  	s0 =	sld [smem:$0x3F9B];
	_ =	swait.ge [sflag:s4], $0x0  }
0x19: {  	s7 =	sld [smem:$0x3F9C]  }
0x1a: {  	s8 =	sadd.s32 $0xFFFFE003, lr  }
0x1b: {  	s9 =	sadd.s32 $0xFFFFFEF7, lr;
	s5 =	simm.s32 $0xFFFFFFFF;
	p2 =	slt.u32 s8, $0xFFFFF086  }
0x1c: {  	p1 =	slt.u32 s9, $0xF7A;
	s5 =	simm.s32 @!p2 $0x0  }
0x1d: {  	s5 =	simm.s32 @p1 $0x1;
	p0 =	seq.s32 s7, s2  }
0x1e: {  	s7 =	smul.u32 @!p0 $0xF7A, s2;
	p2 =	seq.s32 @!p0 s5, $0x0  }
0x1f: {  	s9 =	smul.u32 $0xF7A, s1;
	s8 =	simm.s32 @!p0 $0x1BF5;
	p2 =	por !p2, p0  }
0x20: {  	[sflag:s8] =	ssyncset.s32 @!p0 $0xFFFFF086;
	s6 =	sadd.s32 @!p0 s3, s7;
	s7 =	simm.s32 @!p0 $0x108  }
0x21: {  	s3 =	sadd.s32 s3, s9;
	s6 =	sadd.s32 @!p0 $0x88, s6;
	s7 =	simm.s32 @p2 $0x1082  }
0x22: {  	[simem:s7], [sflag:s8] =	dma.local @!p0 [hbm:s6], $0xF7A  }
0x23: {  	s9 =	sor.u32 $0xD0000000, s2;
	s6 =	simm.s32 $0x108;
	_ =	swait.ge @!p0 [sflag:s8], $0x0  }
0x24: {  	s3 =	sadd.s32 $0x88, s3;
	s6 =	simm.s32 @!p1 $0x1082;
	[sflag:s4] =	ssyncset.s32 $0xFFFFF086  }
0x25: {  	[simem:s6], [sflag:s4] =	dma.local [hbm:s3], $0xF7A  }
0x26: {  	[smem:$0x3F9C] =	sst s1;
	(tag) =	ssettag s2;
	_ =	strace s9  }
0x27: {  	s1 =	sld [smem:$0x3FAC]  }
0x28: {  	s2 =	sld [smem:$0x3FAD]  }
0x29: {  	s4 =	sld [smem:$0x3FAF]  }
0x2a: {  	p0 =	seq.s32 s5, $0x0;
	s5 =	sld [smem:$0x3FB0]  }
0x2b: {  	s6 =	sld [smem:$0x3FB1]  }
0x2c: {  	s7 =	sld [smem:$0x3FB2]  }
0x2d: {  	s3 =	simm.s32 $0x108;
	s8 =	sld [smem:$0x3FB3]  }
0x2e: {  	s3 =	simm.s32 @!p0 $0x1082;
	s9 =	sld [smem:$0x3FB4]  }
0x2f: {  	lr =	sadd.s32 s0, s3;
	s0 =	sld [smem:$0x3FAB]  }
0x30: {  	s3 =	sld [smem:$0x3FAE]  }
0x31: {  	[smem:$0x3FB7] =	sst s10  }
0x32: {  	s10 =	sld [smem:$0x3FB5];
	_ =	sdelay $0x3  }
0x33: {  	p0 =	seq.s32 s10, $0x1;
	s10 =	sld [smem:$0x3FB7];
	_ =	sdelay $0x3  }
0x34: {  	[smem:$0x3FB7] =	sst s10  }
0x35: {  	s10 =	sld [smem:$0x3FB6];
	_ =	sdelay $0x3  }
0x36: {  	p1 =	seq.s32 s10, $0x1;
	s10 =	sld [smem:$0x3FB7];
	_ =	sdelay $0x3  }
0x37: {  	[smem:$0x3FB7] =	sst s10  }
0x38: {  	s10 =	sld [smem:$0x3FB8]  }
0x39: {  	_ = 	snop;
	(pc) =	sbr.ind lr, $3  }
0x3a: {  	_ = 	snop  }
0x3b: {  	_ = 	snop  }
0x3c: {  	p2 =	seq.s32 s10, $0x1;
	s10 =	sld [smem:$0x3FB7]  }
0x3d: {  	_ =	shalt  }
0x3e: {  	_ =	shalt  }
0x3f: {  	_ =	shalt  }
0x40: {  	_ =	shalt  }
0x41: {  	_ =	shalt  }
0x42: {  	_ =	shalt  }
0x43: {  	_ =	shalt  }
0x44: {  	_ =	shalt  }
0x45: {  	_ =	shalt  }
0x46: {  	_ =	shalt  }
0x47: {  	_ =	shalt  }
0x48: {  	_ =	shalt  }
0x49: {  	_ =	shalt  }
0x4a: {  	_ =	shalt  }
0x4b: {  	_ =	shalt  }
0x4c: {  	_ =	shalt  }
0x4d: {  	_ =	shalt  }
0x4e: {  	_ =	shalt  }
0x4f: {  	_ =	shalt  }
0x50: {  	_ =	shalt  }
0x51: {  	_ =	shalt  }
0x52: {  	_ =	shalt  }
0x53: {  	_ =	shalt  }
0x54: {  	_ =	shalt  }
0x55: {  	_ =	shalt  }
0x56: {  	_ =	shalt  }
0x57: {  	_ =	shalt  }
0x58: {  	_ =	shalt  }
0x59: {  	_ =	shalt  }
0x5a: {  	_ =	shalt  }
0x5b: {  	_ =	shalt  }
0x5c: {  	_ =	shalt  }
0x5d: {  	_ =	shalt  }
0x5e: {  	_ =	shalt  }
0x5f: {  	_ =	shalt  }
0x60: {  	_ =	shalt  }
0x61: {  	_ =	shalt  }
0x62: {  	_ =	shalt  }
0x63: {  	_ =	shalt  }
0x64: {  	_ =	shalt  }
0x65: {  	_ =	shalt  }
0x66: {  	_ =	shalt  }
0x67: {  	_ =	shalt  }
0x68: {  	_ =	shalt  }
0x69: {  	_ =	shalt  }
0x6a: {  	_ =	shalt  }
0x6b: {  	_ =	shalt  }
0x6c: {  	_ =	shalt  }
0x6d: {  	_ =	shalt  }
0x6e: {  	_ =	shalt  }
0x6f: {  	_ =	shalt  }
0x70: {  	_ =	shalt  }
0x71: {  	_ =	shalt  }
0x72: {  	_ =	shalt  }
0x73: {  	_ =	shalt  }
0x74: {  	_ =	shalt  }
0x75: {  	_ =	shalt  }
0x76: {  	_ =	shalt  }
0x77: {  	_ =	shalt  }
0x78: {  	_ =	shalt  }
0x79: {  	_ =	shalt  }
0x7a: {  	_ =	shalt  }
0x7b: {  	_ =	shalt  }
0x7c: {  	_ =	shalt  }
0x7d: {  	_ =	shalt  }
0x7e: {  	_ =	shalt  }
0x7f: {  	_ =	shalt  }
0x80: {  	_ =	shalt  }
0x81: {  	_ =	shalt  }
0x82: {  	_ =	shalt  }
0x83: {  	_ =	shalt  }
0x84: {  	_ =	shalt  }
0x85: {  	_ =	shalt  }
0x86: {  	_ =	shalt  }
0x87: {  	_ =	shalt  }
.Lfunc_end0:
.L_simem_size_0:
called_computation_lowered:
.L_overlay_start_0:
0x88: {  	s2 =	sld [smem:$0x3FD9]  }
0x89: {  	s3 =	sld [smem:$0x3FFE];
	_ =	sdelay $0x1  }
0x8a: {  	s1 =	srdreg.scid  }
0x8b: {  	s0 =	sand.u32 $0x1, s1  }
0x8c: {  	s17 =	sshll.u32 s0, $0xA;
	s2 =	sadd.s32 s3, s2  }
0x8d: {  	s2 =	sadd.s32 s2, s17  }
0x8e: {  	[smem:$0x3FC3] =	sst s2  }
0x8f: {  	_ = 	snop  }
0x90: {  	s2 =	sld [smem:$0x3FD0];
	(tm) =	ssettm $0x1  }
0x91: {  	s18 =	sld [smem:$0x3FFB];
	_ =	sdelay $0x3  }
0x92: {  	_ =	strace s18  }
0x93: {  	s3 =	sld [smem:$0x3FFC];
	_ =	sdelay $0x3  }
0x94: {  	_ =	strace s3  }
0x95: {  	s3 =	sld [smem:$0x3FFD];
	_ =	sdelay $0x3  }
0x96: {  	_ =	strace s3  }
0x97: {  	_ =	strace $0x8FFFFFFF  }
0x98: {  	s19 =	sld [smem:$0x3FDB];
	_ =	sdelay $0x1  }
0x99: {  	s4 =	simm.s32 $_scs_section_size  }
0x9a: {  	s5 =	simm.s32 $_size__tile_overlayer_lowered;
	s6 =	simm.s32 $_tile_overlayer_lowered  }
0x9b: {  	s22 =	simm.s32 $0x1BFF;
	s21 =	sshll.u32 s6, $0x1;
	s3 =	sadd.s32 s4, s19  }
0x9c: {  	s7 =	simm.s32 $0x0;
	s20 =	sshll.u32 s5, $0x1;
	s5 =	sadd.s32 s21, s3  }
0x9d: {  	[timem:s7], [sflag:s22] =	dma.local [hbm:s5], s20  }
0x9e: {  	_ =	swait.ge [sflag:s22], s20  }
0x9f: {  	s4 =	ssub.s32 $0x0, s20;
	[sflag:s22] =	ssyncset.done $0x0  }
0xa0: {  	[sflag:s22] =	ssyncadd.s32 s4;
	_ =	sdelay $0x1  }
0xa1: {  	s23 =	simm.s32 $0x1B8B  }
0xa2: {  	_ =	swait.ge [sflag:s23], $0x1  }
0xa3: {  	[sflag:s23] =	ssyncset.done $0x0  }
0xa4: {  	s25 =	simm.s32 $0x1B8E;
	s24 =	sld [smem:$0x3FFE];
	[sflag:s23] =	ssyncadd.s32 $0xFFFFFFFF  }
0xa5: {  	s26 =	simm.s32 $execute0_lowered;
	[smem:$0x3FD2] =	sst s25  }
0xa6: {  	s5 =	sshll.u32 s26, $0x1;
	_ =	strace $0x80000046;
	[dreg:$0x1] =	wrdreg $0xFFFFFFFF  }
0xa7: {  	s28 =	simm.s32 $_size_execute0_lowered;
	s3 =	sadd.s32 s3, s5;
	[dreg:$0x0] =	wrdreg $0x0  }
0xa8: {  	s5 =	sshll.u32 s28, $0x1;
	[dreg:$0x2] =	wrdreg s3  }
0xa9: {  	[dreg:$0x3] =	wrdreg s5  }
0xaa: {  	[dreg:$0x4] =	wrdreg $0xC0  }
0xab: {  	_ =	task [dreg:s7], $0x5FFFF  }
0xac: {  	[dreg:$0x1] =	wrdreg $0xFFFFFFFF  }
0xad: {  	[dreg:$0x0] =	wrdreg $0x60  }
0xae: {  	[dreg:$0x2] =	wrdreg s2  }
0xaf: {  	[dreg:$0x3] =	wrdreg s24  }
0xb0: {  	[dreg:$0x4] =	wrdreg $0x9  }
0xb1: {  	_ =	task.clear_ibuf [dreg:s7], $0x5FFFF;
	_ =	strace $0x90000046  }
0xb2: {  	s29 =	simm.s32 $0x9;
	_ =	strace $0x80000048  }
0xb3: {  	_ =	swait.ge [sflag:s29], $0x1  }
0xb4: {  	[sflag:s29] =	ssyncadd.s32 $0xFFFFFFFF  }
0xb5: {  	_ =	strace $0x90000048  }
0xb6: {  	_ =	sfence  }
0xb7: {  	s30 =	sld [smem:$0x0];
	_ =	sdelay $0x2  }
0xb8: {  	s31 =	sshll.u32 s1, $0xD;
	s1 =	sshrl.u32 s1, $0x2  }
0xb9: {  	s3 =	sand.u32 $0x4000, s31;
	s1 =	sadd.s32 s1, s30  }
0xba: {  	s0 =	sor.u32 s3, s0;
	s1 =	sshll.u32 s1, $0x11  }
0xbb: {  	s0 =	sor.u32 s1, s0  }
0xbc: {  	s0 =	sadd.s32 $0x8F2B, s0  }
0xbd: {  	[sflag:s0] =	ssyncadd.remote.s32 $0x1  }
0xbe: {  	_ =	sfence.sel $0xFFFF  }
0xbf: {  	[dreg:$0x0] =	wrdreg $0xFFFFFFFF;
	(pc) =	sbr.abs _section_cstart, $3  }
0xc0: {  	[dreg:$0x1] =	wrdreg $0xFFFFFFFF  }
0xc1: {  	_ =	task.clear_ibuf [dreg:s7], $0x2FFFF;
	_ =	strace $0x9FFFFFFF  }
0xc2: {  	(tm) =	ssettm $0x7FFFFFFF  }
0xc3: {  	_ =	shalt  }
tec
execute0_lowered:
.L_overlay_start_1:
0x0: {  	(tag) =	ssettag $0x1  }
0x1: {  	s3 =	rddreg [dreg:$0x0]  }
0x2: {  	s4 =	rddreg [dreg:$0x1];
	s1 =	srdreg.scid  }
0x3: {  	s0 =	rddreg [dreg:$0x2];
	s2 =	simm.s32 $0x0;
	s5 =	sand.u32 $0x1, s1  }
0x4: {  	[smem:$0x7FF] =	sst s2;
	s1 =	stileid.u32;
	s6 =	ssub.s32 $0x2, s5  }
0x5: {  	s8 =	sshll.u32 s1, $0x5;
	s5 =	sshll.u32 s5, $0x4;
	_ =	strace $0x80000047  }
0x6: {  	s7 =	sshrl.u32 s6, $0x1;
	s5 =	sor.u32 s5, s8;
	s8 =	simm.s32 $0x0  }
0x7: {  	s6 =	ssub.s32 s6, s7;
	s3 =	sadd.s32 s3, s5;
	s4 =	sadd.s32 s4, s5  }
0x8: {  	v0 =	vimm.s32 $0x0;
	v1 =	vlaneseq.u32;
	s7 =	simm.s32 $0x80;
	s5 =	smax.u32 s6, $0x1;
	s6 =	simm.s32 $0x1  }
.LBB2_1:
0x9: {  	[tilespmem:s2], [sflag:$0x1] =	stream.linear.gather [hbm4b:s3+s2], $0x80, $0x38;
	[tilespmem:$0x100] =	vst v63  }
0xa: {  	_ =	swait.ge [sflag:s6], $0x80  }
0xb: {  	[sflag:s6] =	ssyncset.done $0x0  }
0xc: {  	[sflag:s6] =	ssyncadd.s32 $0xFFFFFF80  }
0xd: {  	[tilespmem:$0x80] =	vst v0  }
0xe: {  	[tilespmem:$0x90] =	vst v0  }
0xf: {  	[tilespmem:$0xA0] =	vst v0  }
0x10: {  	s9 =	simm.s32 $0x0;
	[tilespmem:$0xB0] =	vst v0  }
0x11: {  	v2 =	vld [tilespmem:s9+$0x0];
	_ =	sdelay $0x4  }
0x12: {  	(v2sf) =	vpush v2, $0x0;
	_ =	sdelay $0x6  }
0x13: {  	(v2sf) =	vpush v2, $0x1;
	_ =	sdelay $0x6  }
0x14: {  	(v2sf) =	vpush v2, $0x2  }
0x15: {  	s16 =	spop (v2sf)  }
0x16: {  	s10 =	sand.u32 $0xF, s16  }
0x17: {  	s11 =	sshra.s32 s16, $0x1F;
	p0 =	slt.s32 s16, $0x1;
	p1 =	sne.s32 s10, $0x0  }
0x18: {  	s17 =	sshrl.u32 s11, $0x1C;
	p0 =	por !p0, !p1  }
0x19: {  	s11 =	simm.s32 $0x1;
	s10 =	sadd.s32 s17, s16;
	p0 =	por !p0, !p0  }
0x1a: {  	s10 =	sshrl.u32 s10, $0x4;
	s11 =	simm.s32 @!p0 $0x0  }
0x1b: {  	(v2sf) =	vpush v2, $0x3;
	s10 =	ssub.s32 s10, s11  }
0x1c: {  	s12 =	spop (v2sf);
	s10 =	sshll.u32 s10, $0x4  }
0x1d: {  	s18 =	sand.u32 $0xF, s12;
	s19 =	sshra.s32 s12, $0x1F;
	v3 =	vld [tilespmem:s10+$0x80]  }
0x1e: {  	p2 =	slt.s32 s12, $0x1;
	p1 =	sne.s32 s18, $0x0;
	s9 =	ssub.s32 s16, s10  }
0x1f: {  	p0 =	por !p2, !p1;
	s11 =	sshrl.u32 s19, $0x1C;
	v4 =	vmov s9  }
0x20: {  	p0 =	por !p0, !p0;
	s20 =	sadd.s32 s11, s12;
	s11 =	simm.s32 $0x1;
	vm0 =	veq.s32 v4, v1  }
0x21: {  	s11 =	simm.s32 @!p0 $0x0;
	s9 =	sshrl.u32 s20, $0x4;
	v4 =	vsel vm0, $0x1, v0  }
0x22: {  	(v2sf) =	vpush v2, $0x4;
	s9 =	ssub.s32 s9, s11;
	v3 =	vadd.s32 v4, v3  }
0x23: {  	s21 =	spop (v2sf);
	s9 =	sshll.u32 s9, $0x4;
	[tilespmem:s10+$0x80] =	vst v3  }
0x24: {  	s22 =	sshra.s32 s21, $0x1F;
	s13 =	sand.u32 $0xF, s21;
	v3 =	vld [tilespmem:s9+$0x80]  }
0x25: {  	p3 =	slt.s32 s21, $0x1;
	p4 =	sne.s32 s13, $0x0;
	s12 =	ssub.s32 s12, s9  }
0x26: {  	p0 =	por !p3, !p4;
	v54 =	vmov s12;
	s10 =	sshrl.u32 s22, $0x1C  }
0x27: {  	p0 =	por !p0, !p0;
	s12 =	simm.s32 $0x1;
	vm0 =	veq.s32 v54, v1;
	s10 =	sadd.s32 s10, s21  }
0x28: {  	s12 =	simm.s32 @!p0 $0x0;
	v4 =	vsel vm0, $0x1, v0;
	s10 =	sshrl.u32 s10, $0x4  }
0x29: {  	(v2sf) =	vpush v2, $0x5;
	s10 =	ssub.s32 s10, s12;
	v3 =	vadd.s32 v4, v3  }
0x2a: {  	s23 =	spop (v2sf);
	s24 =	sshll.u32 s10, $0x4;
	[tilespmem:s9+$0x80] =	vst v3  }
0x2b: {  	s25 =	sshra.s32 s23, $0x1F;
	s26 =	sand.u32 $0xF, s23;
	v3 =	vld [tilespmem:s24+$0x80]  }
0x2c: {  	p5 =	slt.s32 s23, $0x1;
	p6 =	sne.s32 s26, $0x0;
	s11 =	ssub.s32 s21, s24  }
0x2d: {  	s10 =	sshrl.u32 s25, $0x1C;
	p0 =	por !p5, !p6;
	v55 =	vmov s11  }
0x2e: {  	s10 =	sadd.s32 s10, s23;
	p0 =	por !p0, !p0;
	s11 =	simm.s32 $0x1;
	vm0 =	veq.s32 v55, v1  }
0x2f: {  	s10 =	sshrl.u32 s10, $0x4;
	s11 =	simm.s32 @!p0 $0x0;
	v4 =	vsel vm0, $0x1, v0  }
0x30: {  	(v2sf) =	vpush v2, $0x6;
	s10 =	ssub.s32 s10, s11;
	v3 =	vadd.s32 v4, v3  }
0x31: {  	s28 =	spop (v2sf);
	s29 =	sshll.u32 s10, $0x4;
	[tilespmem:s24+$0x80] =	vst v3  }
0x32: {  	s30 =	sshra.s32 s28, $0x1F;
	s31 =	sand.u32 $0xF, s28;
	v3 =	vld [tilespmem:s29+$0x80]  }
0x33: {  	p1 =	slt.s32 s28, $0x1;
	p2 =	sne.s32 s31, $0x0;
	s12 =	ssub.s32 s23, s29  }
0x34: {  	p0 =	por !p1, !p2;
	s10 =	sshrl.u32 s30, $0x1C;
	v56 =	vmov s12  }
0x35: {  	p0 =	por !p0, !p0;
	s10 =	sadd.s32 s10, s28;
	s12 =	simm.s32 $0x1;
	vm0 =	veq.s32 v56, v1  }
0x36: {  	s10 =	sshrl.u32 s10, $0x4;
	s12 =	simm.s32 @!p0 $0x0;
	v4 =	vsel vm0, $0x1, v0  }
0x37: {  	(v2sf) =	vpush v2, $0x7;
	s10 =	ssub.s32 s10, s12;
	v3 =	vadd.s32 v4, v3  }
0x38: {  	s14 =	spop (v2sf);
	s15 =	sshll.u32 s10, $0x4;
	[tilespmem:s29+$0x80] =	vst v3  }
0x39: {  	s16 =	sshra.s32 s14, $0x1F;
	s17 =	sand.u32 $0xF, s14;
	v3 =	vld [tilespmem:s15+$0x80]  }
0x3a: {  	p4 =	slt.s32 s14, $0x1;
	p3 =	sne.s32 s17, $0x0;
	s11 =	ssub.s32 s28, s15  }
0x3b: {  	p0 =	por !p4, !p3;
	s10 =	sshrl.u32 s16, $0x1C;
	v57 =	vmov s11  }
0x3c: {  	p0 =	por !p0, !p0;
	s10 =	sadd.s32 s10, s14;
	s11 =	simm.s32 $0x1;
	vm0 =	veq.s32 v57, v1  }
0x3d: {  	s10 =	sshrl.u32 s10, $0x4;
	s11 =	simm.s32 @!p0 $0x0;
	v4 =	vsel vm0, $0x1, v0  }
0x3e: {  	(v2sf) =	vpush v2, $0x8;
	s10 =	ssub.s32 s10, s11;
	v3 =	vadd.s32 v4, v3  }
0x3f: {  	s18 =	spop (v2sf);
	s19 =	sshll.u32 s10, $0x4;
	[tilespmem:s15+$0x80] =	vst v3  }
0x40: {  	p5 =	slt.s32 s18, $0x1;
	s20 =	sand.u32 $0xF, s18;
	v3 =	vld [tilespmem:s19+$0x80]  }
0x41: {  	s21 =	sshra.s32 s18, $0x1F;
	p6 =	sne.s32 s20, $0x0;
	s22 =	ssub.s32 s14, s19  }
0x42: {  	s23 =	sshrl.u32 s21, $0x1C;
	p0 =	por !p5, !p6;
	v58 =	vmov s22  }
0x43: {  	s12 =	simm.s32 $0x1;
	s24 =	sadd.s32 s23, s18;
	p0 =	por !p0, !p0;
	vm0 =	veq.s32 v58, v1  }
0x44: {  	s10 =	sshrl.u32 s24, $0x4;
	s12 =	simm.s32 @!p0 $0x0;
	v4 =	vsel vm0, $0x1, v0  }
0x45: {  	(v2sf) =	vpush v2, $0x9;
	s10 =	ssub.s32 s10, s12;
	v3 =	vadd.s32 v4, v3  }
0x46: {  	s25 =	spop (v2sf);
	s28 =	sshll.u32 s10, $0x4;
	[tilespmem:s19+$0x80] =	vst v3  }
0x47: {  	s26 =	sand.u32 $0xF, s25;
	p2 =	slt.s32 s25, $0x1;
	v3 =	vld [tilespmem:s28+$0x80]  }
0x48: {  	p1 =	sne.s32 s26, $0x0;
	s29 =	sshra.s32 s25, $0x1F;
	s11 =	ssub.s32 s18, s28  }
0x49: {  	p0 =	por !p2, !p1;
	s10 =	sshrl.u32 s29, $0x1C;
	v59 =	vmov s11  }
0x4a: {  	p0 =	por !p0, !p0;
	s10 =	sadd.s32 s10, s25;
	s11 =	simm.s32 $0x1;
	vm0 =	veq.s32 v59, v1  }
0x4b: {  	s10 =	sshrl.u32 s10, $0x4;
	s11 =	simm.s32 @!p0 $0x0;
	v4 =	vsel vm0, $0x1, v0  }
0x4c: {  	(v2sf) =	vpush v2, $0xA;
	s10 =	ssub.s32 s10, s11;
	v3 =	vadd.s32 v4, v3  }
0x4d: {  	s30 =	spop (v2sf);
	s31 =	sshll.u32 s10, $0x4;
	[tilespmem:s28+$0x80] =	vst v3  }
0x4e: {  	p3 =	slt.s32 s30, $0x1;
	s15 =	sand.u32 $0xF, s30;
	v3 =	vld [tilespmem:s31+$0x80]  }
0x4f: {  	s14 =	sshra.s32 s30, $0x1F;
	p4 =	sne.s32 s15, $0x0;
	s16 =	ssub.s32 s25, s31  }
0x50: {  	s10 =	sshrl.u32 s14, $0x1C;
	p0 =	por !p3, !p4;
	v60 =	vmov s16  }
0x51: {  	s12 =	simm.s32 $0x1;
	s10 =	sadd.s32 s10, s30;
	p0 =	por !p0, !p0;
	vm0 =	veq.s32 v60, v1  }
0x52: {  	s10 =	sshrl.u32 s10, $0x4;
	s12 =	simm.s32 @!p0 $0x0;
	v4 =	vsel vm0, $0x1, v0  }
0x53: {  	(v2sf) =	vpush v2, $0xB;
	s10 =	ssub.s32 s10, s12;
	v3 =	vadd.s32 v4, v3  }
0x54: {  	s17 =	spop (v2sf);
	s18 =	sshll.u32 s10, $0x4;
	[tilespmem:s31+$0x80] =	vst v3  }
0x55: {  	s20 =	sand.u32 $0xF, s17;
	p6 =	slt.s32 s17, $0x1;
	v3 =	vld [tilespmem:s18+$0x80]  }
0x56: {  	p5 =	sne.s32 s20, $0x0;
	s19 =	sshra.s32 s17, $0x1F;
	s11 =	ssub.s32 s30, s18  }
0x57: {  	p0 =	por !p6, !p5;
	s10 =	sshrl.u32 s19, $0x1C;
	v61 =	vmov s11  }
0x58: {  	p0 =	por !p0, !p0;
	s11 =	simm.s32 $0x1;
	s10 =	sadd.s32 s10, s17;
	vm0 =	veq.s32 v61, v1  }
0x59: {  	s11 =	simm.s32 @!p0 $0x0;
	s10 =	sshrl.u32 s10, $0x4;
	v4 =	vsel vm0, $0x1, v0  }
0x5a: {  	(v2sf) =	vpush v2, $0xC;
	s10 =	ssub.s32 s10, s11;
	v3 =	vadd.s32 v4, v3  }
0x5b: {  	s21 =	spop (v2sf);
	s22 =	sshll.u32 s10, $0x4;
	[tilespmem:s18+$0x80] =	vst v3  }
0x5c: {  	s23 =	sshra.s32 s21, $0x1F;
	s24 =	sand.u32 $0xF, s21;
	v3 =	vld [tilespmem:s22+$0x80]  }
0x5d: {  	p2 =	slt.s32 s21, $0x1;
	p1 =	sne.s32 s24, $0x0;
	s12 =	ssub.s32 s17, s22  }
0x5e: {  	p0 =	por !p2, !p1;
	s10 =	sshrl.u32 s23, $0x1C;
	v62 =	vmov s12  }
0x5f: {  	p0 =	por !p0, !p0;
	s10 =	sadd.s32 s10, s21;
	s12 =	simm.s32 $0x1;
	vm0 =	veq.s32 v62, v1  }
0x60: {  	s10 =	sshrl.u32 s10, $0x4;
	s12 =	simm.s32 @!p0 $0x0;
	v4 =	vsel vm0, $0x1, v0  }
0x61: {  	(v2sf) =	vpush v2, $0xD;
	s10 =	ssub.s32 s10, s12;
	v3 =	vadd.s32 v4, v3  }
0x62: {  	s25 =	spop (v2sf);
	s26 =	sshll.u32 s10, $0x4;
	[tilespmem:s22+$0x80] =	vst v3  }
0x63: {  	s29 =	sand.u32 $0xF, s25;
	p3 =	slt.s32 s25, $0x1;
	v3 =	vld [tilespmem:s26+$0x80]  }
0x64: {  	p4 =	sne.s32 s29, $0x0;
	s28 =	sshra.s32 s25, $0x1F;
	s11 =	ssub.s32 s21, s26  }
0x65: {  	p0 =	por !p3, !p4;
	s10 =	sshrl.u32 s28, $0x1C;
	v63 =	vmov s11  }
0x66: {  	p0 =	por !p0, !p0;
	s10 =	sadd.s32 s10, s25;
	s11 =	simm.s32 $0x1;
	vm0 =	veq.s32 v63, v1  }
0x67: {  	s10 =	sshrl.u32 s10, $0x4;
	s11 =	simm.s32 @!p0 $0x0;
	v4 =	vsel vm0, $0x1, v0  }
0x68: {  	(v2sf) =	vpush v2, $0xE;
	s10 =	ssub.s32 s10, s11;
	v3 =	vadd.s32 v4, v3  }
0x69: {  	s30 =	spop (v2sf);
	s31 =	sshll.u32 s10, $0x4;
	[tilespmem:s26+$0x80] =	vst v3  }
0x6a: {  	s13 =	sand.u32 $0xF, s30;
	s14 =	sshra.s32 s30, $0x1F;
	v3 =	vld [tilespmem:s31+$0x80]  }
0x6b: {  	p5 =	slt.s32 s30, $0x1;
	p6 =	sne.s32 s13, $0x0;
	s15 =	ssub.s32 s25, s31  }
0x6c: {  	(v2sf) =	vpush v2, $0xF;
	s16 =	sshrl.u32 s14, $0x1C;
	p0 =	por !p5, !p6;
	v2 =	vmov s15  }
0x6d: {  	s12 =	simm.s32 $0x1;
	s17 =	sadd.s32 s16, s30;
	p0 =	por !p0, !p0;
	vm0 =	veq.s32 v2, v1  }
0x6e: {  	s10 =	sshrl.u32 s17, $0x4;
	s12 =	simm.s32 @!p0 $0x0;
	v2 =	vsel vm0, $0x1, v0  }
0x6f: {  	s10 =	ssub.s32 s10, s12;
	v2 =	vadd.s32 v2, v3  }
0x70: {  	s19 =	sshll.u32 s10, $0x4;
	s18 =	spop (v2sf);
	[tilespmem:s31+$0x80] =	vst v2  }
0x71: {  	s11 =	ssub.s32 s30, s19;
	s21 =	sand.u32 $0xF, s18;
	v2 =	vld [tilespmem:s19+$0x80]  }
0x72: {  	s20 =	sshra.s32 s18, $0x1F;
	p1 =	slt.s32 s18, $0x1;
	p2 =	sne.s32 s21, $0x0  }
0x73: {  	s10 =	sshrl.u32 s20, $0x1C;
	p0 =	por !p1, !p2;
	v3 =	vmov s11  }
0x74: {  	s10 =	sadd.s32 s10, s18;
	p0 =	por !p0, !p0;
	s11 =	simm.s32 $0x1;
	vm0 =	veq.s32 v3, v1  }
0x75: {  	s10 =	sshrl.u32 s10, $0x4;
	s11 =	simm.s32 @!p0 $0x0;
	v3 =	vsel vm0, $0x1, v0  }
0x76: {  	s10 =	ssub.s32 s10, s11;
	v2 =	vadd.s32 v3, v2  }
0x77: {  	s22 =	spop (v2sf);
	s23 =	sshll.u32 s10, $0x4;
	[tilespmem:s19+$0x80] =	vst v2  }
0x78: {  	p3 =	slt.s32 s22, $0x1;
	s24 =	sand.u32 $0xF, s22;
	v2 =	vld [tilespmem:s23+$0x80]  }
0x79: {  	s25 =	sshra.s32 s22, $0x1F;
	p4 =	sne.s32 s24, $0x0;
	s12 =	ssub.s32 s18, s23  }
0x7a: {  	s26 =	sshrl.u32 s25, $0x1C;
	p0 =	por !p3, !p4;
	v3 =	vmov s12  }
0x7b: {  	s13 =	simm.s32 $0x1;
	p0 =	por !p0, !p0;
	s10 =	sadd.s32 s26, s22;
	vm0 =	veq.s32 v3, v1  }
0x7c: {  	s13 =	simm.s32 @!p0 $0x0;
	s10 =	sshrl.u32 s10, $0x4;
	v3 =	vsel vm0, $0x1, v0  }
0x7d: {  	s28 =	spop (v2sf);
	s10 =	ssub.s32 s10, s13;
	v2 =	vadd.s32 v3, v2  }
0x7e: {  	s14 =	sand.u32 $0xF, s28;
	s30 =	sshll.u32 s10, $0x4;
	[tilespmem:s23+$0x80] =	vst v2  }
0x7f: {  	p5 =	slt.s32 s28, $0x1;
	s29 =	sshra.s32 s28, $0x1F;
	p6 =	sne.s32 s14, $0x0;
	v2 =	vld [tilespmem:s30+$0x80]  }
0x80: {  	p0 =	por !p5, !p6;
	s13 =	sshrl.u32 s29, $0x1C;
	s11 =	ssub.s32 s22, s30  }
0x81: {  	p0 =	por !p0, !p0;
	s31 =	sadd.s32 s13, s28;
	s13 =	simm.s32 $0x1;
	v3 =	vmov s11  }
0x82: {  	s10 =	sshrl.u32 s31, $0x4;
	s13 =	simm.s32 @!p0 $0x0;
	vm0 =	veq.s32 v3, v1  }
0x83: {  	s10 =	ssub.s32 s10, s13;
	v3 =	vsel vm0, $0x1, v0  }
0x84: {  	s11 =	sshll.u32 s10, $0x4;
	v2 =	vadd.s32 v3, v2  }
0x85: {  	s10 =	ssub.s32 s28, s11;
	[tilespmem:s30+$0x80] =	vst v2  }
0x86: {  	v3 =	vmov s10;
	v2 =	vld [tilespmem:s11+$0x80]  }
0x87: {  	s9 =	simm.s32 $0x40;
	s10 =	simm.s32 $0x80;
	vm0 =	veq.s32 v3, v1  }
.LBB2_2:
0x88: {  	p0 =	sne.s32 s10, $0x1C0  }
0x89: {  	s12 =	sshra.s32 s9, $0x2;
	s9 =	smov.u32 s10;
	s10 =	sadd.s32 $0x40, s10  }
0x8a: {  	v3 =	vsel vm0, $0x1, v0  }
0x8b: {  	v2 =	vadd.s32 v3, v2  }
0x8c: {  	[tilespmem:s11+$0x80] =	vst v2  }
0x8d: {  	v2 =	vld [tilespmem:s12+$0x0];
	_ =	sdelay $0x4  }
0x8e: {  	(v2sf) =	vpush v2, $0x0;
	_ =	sdelay $0x1  }
0x8f: {  	(v2sf) =	vpush v2, $0x1;
	_ =	sdelay $0x6  }
0x90: {  	(v2sf) =	vpush v2, $0x2  }
0x91: {  	(v2sf) =	vpush v2, $0x3;
	_ =	sdelay $0x4  }
0x92: {  	s11 =	spop (v2sf)  }
0x93: {  	s12 =	sshra.s32 s11, $0x1F;
	p1 =	slt.s32 s11, $0x1;
	s13 =	sand.u32 $0xF, s11  }
0x94: {  	s12 =	sshrl.u32 s12, $0x1C;
	p2 =	sne.s32 s13, $0x0;
	s13 =	spop (v2sf)  }
0x95: {  	s12 =	sadd.s32 s12, s11;
	p1 =	por !p1, !p2;
	s14 =	sand.u32 $0xF, s13  }
0x96: {  	(v2sf) =	vpush v2, $0x4;
	p1 =	por !p1, !p1;
	p2 =	sne.s32 s14, $0x0;
	s14 =	simm.s32 $0x1  }
0x97: {  	s12 =	sshrl.u32 s12, $0x4;
	(v2sf) =	vpush v2, $0x5;
	s14 =	simm.s32 @!p1 $0x0  }
0x98: {  	s15 =	sshra.s32 s13, $0x1F;
	p1 =	slt.s32 s13, $0x1;
	s12 =	ssub.s32 s12, s14  }
0x99: {  	s14 =	sshrl.u32 s15, $0x1C;
	p1 =	por !p1, !p2;
	s15 =	simm.s32 $0x1  }
0x9a: {  	s12 =	sshll.u32 s12, $0x4;
	s14 =	sadd.s32 s14, s13;
	p1 =	por !p1, !p1  }
0x9b: {  	v3 =	vld [tilespmem:s12+$0x80];
	s11 =	ssub.s32 s11, s12;
	s14 =	sshrl.u32 s14, $0x4;
	s15 =	simm.s32 @!p1 $0x0  }
0x9c: {  	s15 =	ssub.s32 s14, s15;
	s14 =	spop (v2sf)  }
0x9d: {  	v4 =	vmov s11;
	s16 =	sshra.s32 s14, $0x1F  }
0x9e: {  	vm0 =	veq.s32 v4, v1;
	s17 =	sand.u32 $0xF, s14;
	s11 =	spop (v2sf);
	p1 =	slt.s32 s14, $0x1  }
0x9f: {  	s15 =	sshll.u32 s15, $0x4;
	p2 =	sne.s32 s17, $0x0;
	s17 =	sshra.s32 s11, $0x1F;
	(v2sf) =	vpush v2, $0x6  }
0xa0: {  	v4 =	vsel vm0, $0x1, v0;
	s16 =	sshrl.u32 s16, $0x1C;
	s18 =	sand.u32 $0xF, s11;
	p1 =	por !p1, !p2  }
0xa1: {  	p2 =	slt.s32 s11, $0x1;
	p3 =	sne.s32 s18, $0x0;
	v3 =	vadd.s32 v4, v3;
	p1 =	por !p1, !p1  }
0xa2: {  	s13 =	ssub.s32 s13, s15;
	[tilespmem:s12+$0x80] =	vst v3;
	s12 =	simm.s32 $0x1  }
0xa3: {  	s17 =	sshrl.u32 s17, $0x1C;
	s16 =	sadd.s32 s16, s14;
	s12 =	simm.s32 @!p1 $0x0  }
0xa4: {  	v4 =	vmov s13;
	s13 =	sshrl.u32 s16, $0x4;
	s16 =	sadd.s32 s17, s11;
	p1 =	por !p2, !p3;
	v3 =	vld [tilespmem:s15+$0x80];
	(v2sf) =	vpush v2, $0x7  }
0xa5: {  	p1 =	por !p1, !p1;
	s17 =	ssub.s32 s13, s12;
	s13 =	simm.s32 $0x1  }
0xa6: {  	s23 =	simm.s32 $0x1;
	vm0 =	veq.s32 v4, v1;
	s12 =	sshrl.u32 s16, $0x4;
	s13 =	simm.s32 @!p1 $0x0  }
0xa7: {  	s17 =	sshll.u32 s17, $0x4;
	s16 =	ssub.s32 s12, s13;
	s13 =	spop (v2sf)  }
0xa8: {  	s14 =	ssub.s32 s14, s17;
	s18 =	sshra.s32 s13, $0x1F;
	s19 =	sand.u32 $0xF, s13  }
0xa9: {  	v4 =	vsel vm0, $0x1, v0;
	s12 =	spop (v2sf);
	(v2sf) =	vpush v2, $0x8;
	p1 =	slt.s32 s13, $0x1;
	p2 =	sne.s32 s19, $0x0  }
0xaa: {  	v3 =	vadd.s32 v4, v3;
	s19 =	sshra.s32 s12, $0x1F;
	s18 =	sshrl.u32 s18, $0x1C;
	p1 =	por !p1, !p2  }
0xab: {  	v4 =	vmov s14;
	[tilespmem:s15+$0x80] =	vst v3;
	s15 =	sand.u32 $0xF, s12;
	s14 =	sadd.s32 s18, s13;
	s18 =	simm.s32 $0x1  }
0xac: {  	p2 =	slt.s32 s12, $0x1;
	v3 =	vld [tilespmem:s17+$0x80];
	p1 =	por !p1, !p1;
	s14 =	sshrl.u32 s14, $0x4  }
0xad: {  	s18 =	simm.s32 @!p1 $0x0;
	p1 =	sne.s32 s15, $0x0;
	s15 =	sshrl.u32 s19, $0x1C  }
0xae: {  	vm0 =	veq.s32 v4, v1;
	s19 =	simm.s32 $0x1;
	(v2sf) =	vpush v2, $0x9;
	s20 =	ssub.s32 s14, s18;
	p1 =	por !p2, !p1  }
0xaf: {  	s14 =	sadd.s32 s15, s12;
	s18 =	simm.s32 $0x1;
	p1 =	por !p1, !p1  }
0xb0: {  	v4 =	vsel vm0, $0x1, v0;
	s14 =	sshrl.u32 s14, $0x4;
	s20 =	sshll.u32 s20, $0x4;
	s15 =	spop (v2sf)  }
0xb1: {  	s18 =	simm.s32 @!p1 $0x0;
	s13 =	ssub.s32 s13, s20;
	v3 =	vadd.s32 v4, v3;
	p1 =	slt.s32 s15, $0x1  }
0xb2: {  	s18 =	ssub.s32 s14, s18;
	s14 =	sand.u32 $0xF, s15;
	[tilespmem:s17+$0x80] =	vst v3;
	s17 =	sshll.u32 s16, $0x4  }
0xb3: {  	s16 =	sshra.s32 s15, $0x1F;
	p2 =	sne.s32 s14, $0x0;
	v3 =	vld [tilespmem:s17+$0x80];
	s11 =	ssub.s32 s11, s17;
	(v2sf) =	vpush v2, $0xA  }
0xb4: {  	p1 =	por !p1, !p2;
	v4 =	vmov s11;
	s11 =	sshrl.u32 s16, $0x1C;
	s16 =	spop (v2sf)  }
0xb5: {  	p1 =	por !p1, !p1;
	vm0 =	veq.s32 v4, v1;
	s11 =	sadd.s32 s11, s15;
	s14 =	sand.u32 $0xF, s16;
	(v2sf) =	vpush v2, $0xB  }
0xb6: {  	s19 =	simm.s32 @!p1 $0x0;
	s11 =	sshrl.u32 s11, $0x4;
	p1 =	sne.s32 s14, $0x0  }
0xb7: {  	p2 =	slt.s32 s16, $0x1;
	v4 =	vsel vm0, $0x1, v0;
	s19 =	ssub.s32 s11, s19;
	s11 =	sshra.s32 s16, $0x1F  }
0xb8: {  	p1 =	por !p2, !p1;
	v3 =	vadd.s32 v4, v3;
	s11 =	sshrl.u32 s11, $0x1C;
	s14 =	spop (v2sf)  }
0xb9: {  	p1 =	por !p1, !p1;
	[tilespmem:s17+$0x80] =	vst v3;
	s11 =	sadd.s32 s11, s16;
	s17 =	simm.s32 $0x1  }
0xba: {  	s24 =	sshll.u32 s19, $0x4;
	v3 =	vld [tilespmem:s20+$0x80];
	s11 =	sshrl.u32 s11, $0x4;
	s17 =	simm.s32 @!p1 $0x0  }
0xbb: {  	v4 =	vmov s13;
	s13 =	sand.u32 $0xF, s14;
	s17 =	ssub.s32 s11, s17;
	s11 =	sshra.s32 s14, $0x1F;
	(v2sf) =	vpush v2, $0xC  }
0xbc: {  	vm0 =	veq.s32 v4, v1;
	p1 =	slt.s32 s14, $0x1;
	p2 =	sne.s32 s13, $0x0;
	s11 =	sshrl.u32 s11, $0x1C  }
0xbd: {  	p1 =	por !p1, !p2;
	s13 =	sadd.s32 s11, s14;
	s11 =	spop (v2sf)  }
0xbe: {  	v4 =	vsel vm0, $0x1, v0;
	p1 =	por !p1, !p1;
	s21 =	sshra.s32 s11, $0x1F;
	s22 =	sand.u32 $0xF, s11  }
0xbf: {  	s23 =	simm.s32 @!p1 $0x0;
	s13 =	sshrl.u32 s13, $0x4;
	v3 =	vadd.s32 v4, v3;
	p1 =	sne.s32 s22, $0x0  }
0xc0: {  	p2 =	slt.s32 s11, $0x1;
	s22 =	sshll.u32 s18, $0x4;
	[tilespmem:s20+$0x80] =	vst v3;
	s20 =	ssub.s32 s13, s23  }
0xc1: {  	s12 =	ssub.s32 s12, s22;
	s13 =	sshrl.u32 s21, $0x1C;
	p1 =	por !p2, !p1  }
0xc2: {  	s18 =	simm.s32 $0x1;
	v3 =	vld [tilespmem:s22+$0x80];
	(v2sf) =	vpush v2, $0xD;
	v4 =	vmov s12;
	s12 =	sadd.s32 s13, s11;
	p1 =	por !p1, !p1  }
0xc3: {  	s13 =	spop (v2sf);
	s12 =	sshrl.u32 s12, $0x4;
	s18 =	simm.s32 @!p1 $0x0  }
0xc4: {  	s15 =	ssub.s32 s15, s24;
	vm0 =	veq.s32 v4, v1;
	s21 =	sshra.s32 s13, $0x1F;
	s18 =	ssub.s32 s12, s18  }
0xc5: {  	s23 =	sand.u32 $0xF, s13;
	p2 =	slt.s32 s13, $0x1;
	s12 =	spop (v2sf);
	(v2sf) =	vpush v2, $0xE  }
0xc6: {  	v4 =	vsel vm0, $0x1, v0;
	s21 =	sshrl.u32 s21, $0x1C;
	p1 =	sne.s32 s23, $0x0;
	s23 =	sshra.s32 s12, $0x1F  }
0xc7: {  	s21 =	sadd.s32 s21, s13;
	p3 =	slt.s32 s12, $0x1;
	v3 =	vadd.s32 v4, v3;
	s23 =	sshrl.u32 s23, $0x1C  }
0xc8: {  	p1 =	por !p2, !p1;
	s19 =	sshrl.u32 s21, $0x4;
	s21 =	sand.u32 $0xF, s12;
	[tilespmem:s22+$0x80] =	vst v3  }
0xc9: {  	p1 =	por !p1, !p1;
	p4 =	sne.s32 s21, $0x0;
	s21 =	sadd.s32 s23, s12;
	v3 =	vld [tilespmem:s24+$0x80]  }
0xca: {  	v4 =	vmov s15;
	s22 =	simm.s32 $0x1;
	s23 =	simm.s32 $0x1;
	p2 =	por !p3, !p4;
	(v2sf) =	vpush v2, $0xF  }
0xcb: {  	vm0 =	veq.s32 v4, v1;
	s22 =	simm.s32 @!p1 $0x0;
	p2 =	por !p2, !p2;
	s15 =	spop (v2sf)  }
0xcc: {  	s21 =	sshrl.u32 s21, $0x4;
	s22 =	ssub.s32 s19, s22;
	s23 =	simm.s32 @!p2 $0x0  }
0xcd: {  	v2 =	vsel vm0, $0x1, v0;
	s19 =	ssub.s32 s21, s23;
	s21 =	sand.u32 $0xF, s15;
	s23 =	sshra.s32 s15, $0x1F  }
0xce: {  	p1 =	slt.s32 s15, $0x1;
	p2 =	sne.s32 s21, $0x0;
	s21 =	simm.s32 $0x1;
	v2 =	vadd.s32 v2, v3  }
0xcf: {  	p1 =	por !p1, !p2;
	[tilespmem:s24+$0x80] =	vst v2;
	s24 =	sshll.u32 s17, $0x4;
	s17 =	sshrl.u32 s23, $0x1C  }
0xd0: {  	p1 =	por !p1, !p1;
	v2 =	vld [tilespmem:s24+$0x80];
	s16 =	ssub.s32 s16, s24;
	s17 =	sadd.s32 s17, s15  }
0xd1: {  	s21 =	simm.s32 @!p1 $0x0;
	v3 =	vmov s16;
	s16 =	sshrl.u32 s17, $0x4;
	s17 =	spop (v2sf)  }
0xd2: {  	vm0 =	veq.s32 v3, v1;
	s21 =	ssub.s32 s16, s21;
	s16 =	sshra.s32 s17, $0x1F;
	s23 =	sand.u32 $0xF, s17  }
0xd3: {  	p1 =	slt.s32 s17, $0x1;
	s16 =	sshrl.u32 s16, $0x1C;
	p2 =	sne.s32 s23, $0x0  }
0xd4: {  	v3 =	vsel vm0, $0x1, v0;
	s23 =	sadd.s32 s16, s17;
	p1 =	por !p1, !p2;
	s16 =	spop (v2sf)  }
0xd5: {  	v2 =	vadd.s32 v3, v2;
	p2 =	por !p1, !p1;
	p1 =	slt.s32 s16, $0x1;
	s25 =	sand.u32 $0xF, s16  }
0xd6: {  	[tilespmem:s24+$0x80] =	vst v2;
	s24 =	sshll.u32 s20, $0x4;
	s20 =	simm.s32 $0x1  }
0xd7: {  	s26 =	sshra.s32 s16, $0x1F;
	s23 =	sshrl.u32 s23, $0x4;
	s20 =	simm.s32 @!p2 $0x0  }
0xd8: {  	s14 =	ssub.s32 s14, s24;
	p2 =	sne.s32 s25, $0x0;
	s25 =	simm.s32 $0x1;
	v2 =	vld [tilespmem:s24+$0x80]  }
0xd9: {  	v3 =	vmov s14;
	s20 =	ssub.s32 s23, s20;
	s14 =	sshrl.u32 s26, $0x1C;
	p1 =	por !p1, !p2  }
0xda: {  	vm0 =	veq.s32 v3, v1;
	s23 =	sadd.s32 s14, s16;
	p1 =	por !p1, !p1;
	s14 =	spop (v2sf)  }
0xdb: {  	s23 =	sshrl.u32 s23, $0x4;
	s25 =	simm.s32 @!p1 $0x0;
	p1 =	slt.s32 s14, $0x1  }
0xdc: {  	v3 =	vsel vm0, $0x1, v0;
	s23 =	ssub.s32 s23, s25;
	s25 =	sshra.s32 s14, $0x1F;
	s26 =	sand.u32 $0xF, s14  }
0xdd: {  	s18 =	sshll.u32 s18, $0x4;
	s25 =	sshrl.u32 s25, $0x1C;
	p2 =	sne.s32 s26, $0x0;
	v2 =	vadd.s32 v3, v2  }
0xde: {  	s11 =	ssub.s32 s11, s18;
	p1 =	por !p1, !p2;
	[tilespmem:s24+$0x80] =	vst v2;
	s24 =	sadd.s32 s25, s14  }
0xdf: {  	v3 =	vmov s11;
	p1 =	por !p1, !p1;
	v2 =	vld [tilespmem:s18+$0x80];
	s11 =	sshrl.u32 s24, $0x4;
	s24 =	simm.s32 $0x1  }
0xe0: {  	s24 =	simm.s32 @!p1 $0x0  }
0xe1: {  	vm0 =	veq.s32 v3, v1;
	s11 =	ssub.s32 s11, s24;
	_ =	sdelay $0x1  }
0xe2: {  	v3 =	vsel vm0, $0x1, v0  }
0xe3: {  	v2 =	vadd.s32 v3, v2  }
0xe4: {  	[tilespmem:s18+$0x80] =	vst v2;
	s18 =	sshll.u32 s22, $0x4  }
0xe5: {  	v2 =	vld [tilespmem:s18+$0x80];
	s13 =	ssub.s32 s13, s18  }
0xe6: {  	v3 =	vmov s13  }
0xe7: {  	vm0 =	veq.s32 v3, v1;
	_ =	sdelay $0x1  }
0xe8: {  	v3 =	vsel vm0, $0x1, v0  }
0xe9: {  	v2 =	vadd.s32 v3, v2  }
0xea: {  	s13 =	sshll.u32 s19, $0x4;
	[tilespmem:s18+$0x80] =	vst v2  }
0xeb: {  	s12 =	ssub.s32 s12, s13;
	v2 =	vld [tilespmem:s13+$0x80]  }
0xec: {  	v3 =	vmov s12  }
0xed: {  	vm0 =	veq.s32 v3, v1;
	_ =	sdelay $0x1  }
0xee: {  	v3 =	vsel vm0, $0x1, v0  }
0xef: {  	v2 =	vadd.s32 v3, v2  }
0xf0: {  	s12 =	sshll.u32 s21, $0x4;
	[tilespmem:s13+$0x80] =	vst v2  }
0xf1: {  	s13 =	ssub.s32 s15, s12;
	v2 =	vld [tilespmem:s12+$0x80]  }
0xf2: {  	v3 =	vmov s13  }
0xf3: {  	vm0 =	veq.s32 v3, v1;
	_ =	sdelay $0x1  }
0xf4: {  	v3 =	vsel vm0, $0x1, v0  }
0xf5: {  	v2 =	vadd.s32 v3, v2  }
0xf6: {  	[tilespmem:s12+$0x80] =	vst v2;
	s12 =	sshll.u32 s20, $0x4  }
0xf7: {  	v2 =	vld [tilespmem:s12+$0x80];
	s13 =	ssub.s32 s17, s12  }
0xf8: {  	v3 =	vmov s13  }
0xf9: {  	vm0 =	veq.s32 v3, v1;
	_ =	sdelay $0x1  }
0xfa: {  	v3 =	vsel vm0, $0x1, v0  }
0xfb: {  	v2 =	vadd.s32 v3, v2  }
0xfc: {  	[tilespmem:s12+$0x80] =	vst v2;
	s12 =	sshll.u32 s23, $0x4  }
0xfd: {  	v2 =	vld [tilespmem:s12+$0x80];
	s13 =	ssub.s32 s16, s12  }
0xfe: {  	v3 =	vmov s13  }
0xff: {  	vm0 =	veq.s32 v3, v1;
	_ =	sdelay $0x1  }
0x100: {  	v3 =	vsel vm0, $0x1, v0  }
.Ltmp0:
0x101: {  	v2 =	vadd.s32 v3, v2;
	(pc) =	sbr.rel @p0 .LBB2_2-.Ltmp0, $4  }
0x102: {  	s11 =	sshll.u32 s11, $0x4;
	[tilespmem:s12+$0x80] =	vst v2  }
0x103: {  	s12 =	ssub.s32 s14, s11;
	v2 =	vld [tilespmem:s11+$0x80]  }
0x104: {  	v3 =	vmov s12  }
0x105: {  	vm0 =	veq.s32 v3, v1  }
0x106: {  	_ = 	snop  }
0x107: {  	v3 =	vsel vm0, $0x1, v0  }
0x108: {  	v2 =	vadd.s32 v3, v2  }
0x109: {  	s9 =	sshra.s32 s9, $0x2;
	[tilespmem:s11+$0x80] =	vst v2  }
0x10a: {  	v2 =	vld [tilespmem:s9+$0x0];
	_ =	sdelay $0x4  }
0x10b: {  	(v2sf) =	vpush v2, $0x0;
	_ =	sdelay $0x6  }
0x10c: {  	(v2sf) =	vpush v2, $0x1;
	_ =	sdelay $0x6  }
0x10d: {  	(v2sf) =	vpush v2, $0x2  }
0x10e: {  	s28 =	spop (v2sf)  }
0x10f: {  	s10 =	sand.u32 $0xF, s28  }
0x110: {  	s29 =	sshra.s32 s28, $0x1F;
	p0 =	slt.s32 s28, $0x1;
	p1 =	sne.s32 s10, $0x0  }
0x111: {  	s30 =	sshrl.u32 s29, $0x1C;
	p0 =	por !p0, !p1  }
0x112: {  	s11 =	simm.s32 $0x1;
	s10 =	sadd.s32 s30, s28;
	p0 =	por !p0, !p0  }
0x113: {  	s10 =	sshrl.u32 s10, $0x4;
	s11 =	simm.s32 @!p0 $0x0  }
0x114: {  	(v2sf) =	vpush v2, $0x3;
	s10 =	ssub.s32 s10, s11  }
0x115: {  	s12 =	spop (v2sf);
	s10 =	sshll.u32 s10, $0x4  }
0x116: {  	s31 =	sand.u32 $0xF, s12;
	s13 =	sshra.s32 s12, $0x1F;
	v3 =	vld [tilespmem:s10+$0x80]  }
0x117: {  	p2 =	slt.s32 s12, $0x1;
	p1 =	sne.s32 s31, $0x0;
	s9 =	ssub.s32 s28, s10  }
0x118: {  	p0 =	por !p2, !p1;
	s11 =	sshrl.u32 s13, $0x1C;
	v4 =	vmov s9  }
0x119: {  	p0 =	por !p0, !p0;
	s14 =	sadd.s32 s11, s12;
	s11 =	simm.s32 $0x1;
	vm12 =	veq.s32 v4, v1  }
0x11a: {  	s11 =	simm.s32 @!p0 $0x0;
	s9 =	sshrl.u32 s14, $0x4;
	v4 =	vsel vm12, $0x1, v0  }
0x11b: {  	(v2sf) =	vpush v2, $0x4;
	s9 =	ssub.s32 s9, s11;
	v3 =	vadd.s32 v4, v3  }
0x11c: {  	s15 =	spop (v2sf);
	s9 =	sshll.u32 s9, $0x4;
	[tilespmem:s10+$0x80] =	vst v3  }
0x11d: {  	s16 =	sshra.s32 s15, $0x1F;
	s13 =	sand.u32 $0xF, s15;
	v3 =	vld [tilespmem:s9+$0x80]  }
0x11e: {  	p3 =	slt.s32 s15, $0x1;
	p4 =	sne.s32 s13, $0x0;
	s12 =	ssub.s32 s12, s9  }
0x11f: {  	p0 =	por !p3, !p4;
	v53 =	vmov s12;
	s10 =	sshrl.u32 s16, $0x1C  }
0x120: {  	p0 =	por !p0, !p0;
	s12 =	simm.s32 $0x1;
	vm13 =	veq.s32 v53, v1;
	s10 =	sadd.s32 s10, s15  }
0x121: {  	s12 =	simm.s32 @!p0 $0x0;
	v4 =	vsel vm13, $0x1, v0;
	s10 =	sshrl.u32 s10, $0x4  }
0x122: {  	(v2sf) =	vpush v2, $0x5;
	s10 =	ssub.s32 s10, s12;
	v3 =	vadd.s32 v4, v3  }
0x123: {  	s17 =	spop (v2sf);
	s18 =	sshll.u32 s10, $0x4;
	[tilespmem:s9+$0x80] =	vst v3  }
0x124: {  	s19 =	sshra.s32 s17, $0x1F;
	s20 =	sand.u32 $0xF, s17;
	v3 =	vld [tilespmem:s18+$0x80]  }
0x125: {  	p5 =	slt.s32 s17, $0x1;
	p6 =	sne.s32 s20, $0x0;
	s11 =	ssub.s32 s15, s18  }
0x126: {  	s10 =	sshrl.u32 s19, $0x1C;
	p0 =	por !p5, !p6;
	v54 =	vmov s11  }
0x127: {  	s10 =	sadd.s32 s10, s17;
	p0 =	por !p0, !p0;
	s11 =	simm.s32 $0x1;
	vm14 =	veq.s32 v54, v1  }
0x128: {  	s10 =	sshrl.u32 s10, $0x4;
	s11 =	simm.s32 @!p0 $0x0;
	v4 =	vsel vm14, $0x1, v0  }
0x129: {  	(v2sf) =	vpush v2, $0x6;
	s10 =	ssub.s32 s10, s11;
	v3 =	vadd.s32 v4, v3  }
0x12a: {  	s21 =	spop (v2sf);
	s22 =	sshll.u32 s10, $0x4;
	[tilespmem:s18+$0x80] =	vst v3  }
0x12b: {  	s23 =	sshra.s32 s21, $0x1F;
	s24 =	sand.u32 $0xF, s21;
	v3 =	vld [tilespmem:s22+$0x80]  }
0x12c: {  	p1 =	slt.s32 s21, $0x1;
	p2 =	sne.s32 s24, $0x0;
	s12 =	ssub.s32 s17, s22  }
0x12d: {  	p0 =	por !p1, !p2;
	s10 =	sshrl.u32 s23, $0x1C;
	v55 =	vmov s12  }
0x12e: {  	p0 =	por !p0, !p0;
	s10 =	sadd.s32 s10, s21;
	s12 =	simm.s32 $0x1;
	vm15 =	veq.s32 v55, v1  }
0x12f: {  	s10 =	sshrl.u32 s10, $0x4;
	s12 =	simm.s32 @!p0 $0x0;
	v4 =	vsel vm15, $0x1, v0  }
0x130: {  	(v2sf) =	vpush v2, $0x7;
	s10 =	ssub.s32 s10, s12;
	v3 =	vadd.s32 v4, v3  }
0x131: {  	s25 =	spop (v2sf);
	s26 =	sshll.u32 s10, $0x4;
	[tilespmem:s22+$0x80] =	vst v3  }
0x132: {  	s28 =	sshra.s32 s25, $0x1F;
	s29 =	sand.u32 $0xF, s25;
	v3 =	vld [tilespmem:s26+$0x80]  }
0x133: {  	p4 =	slt.s32 s25, $0x1;
	p3 =	sne.s32 s29, $0x0;
	s11 =	ssub.s32 s21, s26  }
0x134: {  	p0 =	por !p4, !p3;
	s10 =	sshrl.u32 s28, $0x1C;
	v56 =	vmov s11  }
0x135: {  	p0 =	por !p0, !p0;
	s10 =	sadd.s32 s10, s25;
	s11 =	simm.s32 $0x1;
	vm4 =	veq.s32 v56, v1  }
0x136: {  	s10 =	sshrl.u32 s10, $0x4;
	s11 =	simm.s32 @!p0 $0x0;
	v4 =	vsel vm4, $0x1, v0  }
0x137: {  	(v2sf) =	vpush v2, $0x8;
	s10 =	ssub.s32 s10, s11;
	v3 =	vadd.s32 v4, v3  }
0x138: {  	s30 =	spop (v2sf);
	s31 =	sshll.u32 s10, $0x4;
	[tilespmem:s26+$0x80] =	vst v3  }
0x139: {  	p5 =	slt.s32 s30, $0x1;
	s13 =	sand.u32 $0xF, s30;
	v3 =	vld [tilespmem:s31+$0x80]  }
0x13a: {  	s14 =	sshra.s32 s30, $0x1F;
	p6 =	sne.s32 s13, $0x0;
	s15 =	ssub.s32 s25, s31  }
0x13b: {  	s16 =	sshrl.u32 s14, $0x1C;
	p0 =	por !p5, !p6;
	v57 =	vmov s15  }
0x13c: {  	s12 =	simm.s32 $0x1;
	s17 =	sadd.s32 s16, s30;
	p0 =	por !p0, !p0;
	vm5 =	veq.s32 v57, v1  }
0x13d: {  	s10 =	sshrl.u32 s17, $0x4;
	s12 =	simm.s32 @!p0 $0x0;
	v4 =	vsel vm5, $0x1, v0  }
0x13e: {  	(v2sf) =	vpush v2, $0x9;
	s10 =	ssub.s32 s10, s12;
	v3 =	vadd.s32 v4, v3  }
0x13f: {  	s18 =	spop (v2sf);
	s20 =	sshll.u32 s10, $0x4;
	[tilespmem:s31+$0x80] =	vst v3  }
0x140: {  	s19 =	sand.u32 $0xF, s18;
	s21 =	sshra.s32 s18, $0x1F;
	v3 =	vld [tilespmem:s20+$0x80]  }
0x141: {  	p2 =	slt.s32 s18, $0x1;
	p1 =	sne.s32 s19, $0x0;
	s11 =	ssub.s32 s30, s20  }
0x142: {  	p0 =	por !p2, !p1;
	s10 =	sshrl.u32 s21, $0x1C;
	v58 =	vmov s11  }
0x143: {  	p0 =	por !p0, !p0;
	s10 =	sadd.s32 s10, s18;
	s11 =	simm.s32 $0x1;
	vm6 =	veq.s32 v58, v1  }
0x144: {  	s10 =	sshrl.u32 s10, $0x4;
	s11 =	simm.s32 @!p0 $0x0;
	v4 =	vsel vm6, $0x1, v0  }
0x145: {  	(v2sf) =	vpush v2, $0xA;
	s10 =	ssub.s32 s10, s11;
	v3 =	vadd.s32 v4, v3  }
0x146: {  	s22 =	spop (v2sf);
	s23 =	sshll.u32 s10, $0x4;
	[tilespmem:s20+$0x80] =	vst v3  }
0x147: {  	s24 =	sshra.s32 s22, $0x1F;
	s25 =	sand.u32 $0xF, s22;
	v3 =	vld [tilespmem:s23+$0x80]  }
0x148: {  	p3 =	slt.s32 s22, $0x1;
	p4 =	sne.s32 s25, $0x0;
	s26 =	ssub.s32 s18, s23  }
0x149: {  	p0 =	por !p3, !p4;
	s10 =	sshrl.u32 s24, $0x1C;
	v59 =	vmov s26  }
0x14a: {  	s12 =	simm.s32 $0x1;
	p0 =	por !p0, !p0;
	s10 =	sadd.s32 s10, s22;
	vm7 =	veq.s32 v59, v1  }
0x14b: {  	s12 =	simm.s32 @!p0 $0x0;
	s10 =	sshrl.u32 s10, $0x4;
	v4 =	vsel vm7, $0x1, v0  }
0x14c: {  	(v2sf) =	vpush v2, $0xB;
	s10 =	ssub.s32 s10, s12;
	v3 =	vadd.s32 v4, v3  }
0x14d: {  	s28 =	spop (v2sf);
	s29 =	sshll.u32 s10, $0x4;
	[tilespmem:s23+$0x80] =	vst v3  }
0x14e: {  	s30 =	sshra.s32 s28, $0x1F;
	s31 =	sand.u32 $0xF, s28;
	v3 =	vld [tilespmem:s29+$0x80]  }
0x14f: {  	p6 =	slt.s32 s28, $0x1;
	s11 =	ssub.s32 s22, s29;
	p5 =	sne.s32 s31, $0x0  }
0x150: {  	s10 =	sshrl.u32 s30, $0x1C;
	v60 =	vmov s11;
	p0 =	por !p6, !p5  }
0x151: {  	s10 =	sadd.s32 s10, s28;
	s11 =	simm.s32 $0x1;
	vm8 =	veq.s32 v60, v1;
	p0 =	por !p0, !p0  }
0x152: {  	s10 =	sshrl.u32 s10, $0x4;
	s11 =	simm.s32 @!p0 $0x0;
	v4 =	vsel vm8, $0x1, v0  }
0x153: {  	(v2sf) =	vpush v2, $0xC;
	s10 =	ssub.s32 s10, s11;
	v3 =	vadd.s32 v4, v3  }
0x154: {  	s14 =	spop (v2sf);
	s15 =	sshll.u32 s10, $0x4;
	[tilespmem:s29+$0x80] =	vst v3  }
0x155: {  	s16 =	sshra.s32 s14, $0x1F;
	s17 =	sand.u32 $0xF, s14;
	v3 =	vld [tilespmem:s15+$0x80]  }
0x156: {  	p2 =	slt.s32 s14, $0x1;
	p1 =	sne.s32 s17, $0x0;
	s12 =	ssub.s32 s28, s15  }
0x157: {  	p0 =	por !p2, !p1;
	s10 =	sshrl.u32 s16, $0x1C;
	v61 =	vmov s12  }
0x158: {  	p0 =	por !p0, !p0;
	s10 =	sadd.s32 s10, s14;
	s12 =	simm.s32 $0x1;
	vm9 =	veq.s32 v61, v1  }
0x159: {  	s10 =	sshrl.u32 s10, $0x4;
	s12 =	simm.s32 @!p0 $0x0;
	v4 =	vsel vm9, $0x1, v0  }
0x15a: {  	(v2sf) =	vpush v2, $0xD;
	s10 =	ssub.s32 s10, s12;
	v3 =	vadd.s32 v4, v3  }
0x15b: {  	s18 =	spop (v2sf);
	s19 =	sshll.u32 s10, $0x4;
	[tilespmem:s15+$0x80] =	vst v3  }
0x15c: {  	s21 =	sand.u32 $0xF, s18;
	p3 =	slt.s32 s18, $0x1;
	v3 =	vld [tilespmem:s19+$0x80]  }
0x15d: {  	p4 =	sne.s32 s21, $0x0;
	s20 =	sshra.s32 s18, $0x1F;
	s11 =	ssub.s32 s14, s19  }
0x15e: {  	p0 =	por !p3, !p4;
	s10 =	sshrl.u32 s20, $0x1C;
	v62 =	vmov s11  }
0x15f: {  	p0 =	por !p0, !p0;
	s10 =	sadd.s32 s10, s18;
	s11 =	simm.s32 $0x1;
	vm10 =	veq.s32 v62, v1  }
0x160: {  	s10 =	sshrl.u32 s10, $0x4;
	s11 =	simm.s32 @!p0 $0x0;
	v4 =	vsel vm10, $0x1, v0  }
0x161: {  	(v2sf) =	vpush v2, $0xE;
	s10 =	ssub.s32 s10, s11;
	v3 =	vadd.s32 v4, v3  }
0x162: {  	s22 =	spop (v2sf);
	s23 =	sshll.u32 s10, $0x4;
	[tilespmem:s19+$0x80] =	vst v3  }
0x163: {  	s24 =	sand.u32 $0xF, s22;
	s25 =	sshra.s32 s22, $0x1F;
	v3 =	vld [tilespmem:s23+$0x80]  }
0x164: {  	p5 =	slt.s32 s22, $0x1;
	p6 =	sne.s32 s24, $0x0;
	s26 =	ssub.s32 s18, s23  }
0x165: {  	s28 =	sshrl.u32 s25, $0x1C;
	p0 =	por !p5, !p6;
	v63 =	vmov s26  }
0x166: {  	s12 =	simm.s32 $0x1;
	p0 =	por !p0, !p0;
	vm11 =	veq.s32 v63, v1;
	s29 =	sadd.s32 s28, s22  }
0x167: {  	s12 =	simm.s32 @!p0 $0x0;
	s10 =	sshrl.u32 s29, $0x4;
	v4 =	vsel vm11, $0x1, v0  }
0x168: {  	(v2sf) =	vpush v2, $0xF;
	s10 =	ssub.s32 s10, s12;
	v2 =	vadd.s32 v4, v3  }
0x169: {  	s30 =	spop (v2sf);
	s31 =	sshll.u32 s10, $0x4;
	[tilespmem:s23+$0x80] =	vst v2  }
0x16a: {  	s14 =	sshra.s32 s30, $0x1F;
	s15 =	sand.u32 $0xF, s30;
	v2 =	vld [tilespmem:s31+$0x80]  }
0x16b: {  	p1 =	slt.s32 s30, $0x1;
	s11 =	ssub.s32 s22, s31;
	p2 =	sne.s32 s15, $0x0  }
0x16c: {  	s10 =	sshrl.u32 s14, $0x1C;
	p0 =	por !p1, !p2;
	v3 =	vmov s11  }
0x16d: {  	s10 =	sadd.s32 s10, s30;
	p0 =	por !p0, !p0;
	s11 =	simm.s32 $0x1;
	vm12 =	veq.s32 v3, v1  }
0x16e: {  	s10 =	sshrl.u32 s10, $0x4;
	s11 =	simm.s32 @!p0 $0x0;
	v3 =	vsel vm12, $0x1, v0  }
0x16f: {  	s10 =	ssub.s32 s10, s11;
	v2 =	vadd.s32 v3, v2  }
0x170: {  	s16 =	spop (v2sf);
	s17 =	sshll.u32 s10, $0x4;
	[tilespmem:s31+$0x80] =	vst v2  }
0x171: {  	p3 =	slt.s32 s16, $0x1;
	s18 =	sand.u32 $0xF, s16;
	v2 =	vld [tilespmem:s17+$0x80]  }
0x172: {  	p4 =	sne.s32 s18, $0x0;
	s19 =	sshra.s32 s16, $0x1F;
	s20 =	ssub.s32 s30, s17  }
0x173: {  	s21 =	sshrl.u32 s19, $0x1C;
	p0 =	por !p3, !p4;
	v3 =	vmov s20  }
0x174: {  	s12 =	simm.s32 $0x1;
	s22 =	sadd.s32 s21, s16;
	p0 =	por !p0, !p0;
	vm13 =	veq.s32 v3, v1  }
0x175: {  	s10 =	sshrl.u32 s22, $0x4;
	s12 =	simm.s32 @!p0 $0x0;
	v3 =	vsel vm13, $0x1, v0  }
0x176: {  	s10 =	ssub.s32 s10, s12;
	v2 =	vadd.s32 v3, v2  }
0x177: {  	s23 =	spop (v2sf);
	s24 =	sshll.u32 s10, $0x4;
	[tilespmem:s17+$0x80] =	vst v2  }
0x178: {  	p5 =	slt.s32 s23, $0x1;
	s25 =	sand.u32 $0xF, s23;
	v2 =	vld [tilespmem:s24+$0x80]  }
0x179: {  	s26 =	sshra.s32 s23, $0x1F;
	p6 =	sne.s32 s25, $0x0;
	s28 =	ssub.s32 s16, s24  }
0x17a: {  	s29 =	sshrl.u32 s26, $0x1C;
	p0 =	por !p5, !p6;
	v3 =	vmov s28  }
0x17b: {  	s11 =	simm.s32 $0x1;
	s30 =	sadd.s32 s29, s23;
	p0 =	por !p0, !p0;
	vm14 =	veq.s32 v3, v1  }
0x17c: {  	s10 =	sshrl.u32 s30, $0x4;
	s11 =	simm.s32 @!p0 $0x0;
	v3 =	vsel vm14, $0x1, v0  }
0x17d: {  	s10 =	ssub.s32 s10, s11;
	v2 =	vadd.s32 v3, v2  }
0x17e: {  	s31 =	sshll.u32 s10, $0x4;
	[tilespmem:s24+$0x80] =	vst v2  }
0x17f: {  	v2 =	vld [tilespmem:s31+$0x80]  }
0x180: {  	s10 =	ssub.s32 s23, s31  }
0x181: {  	v3 =	vmov s10  }
0x182: {  	vm15 =	veq.s32 v3, v1  }
0x183: {  	s8 =	sadd.s32 $0x1, s8;
	v3 =	vsel vm15, $0x1, v0  }
0x184: {  	p0 =	sne.s32 s8, s5;
	v2 =	vadd.s32 v3, v2  }
.Ltmp1:
0x185: {  	[tilespmem:s31+$0x80] =	vst v2;
	(pc) =	sbr.rel @p0 .LBB2_1-.Ltmp1, $4  }
0x186: {  	[hbm4b:s4+s2] =	stream.linear.scatter [tilespmem:s7], [sflag:$0x1], $0x80, $0x38;
	[tilespmem:$0x100] =	vst v63  }
0x187: {  	_ =	swait.ge [sflag:s6], $0x80  }
0x188: {  	[sflag:s6] =	ssyncset.done $0x0  }
0x189: {  	[sflag:s6] =	ssyncadd.s32 $0xFFFFFF80  }
0x18a: {  	_ =	sfence.sel $0x180000  }
0x18b: {  	[bflag:$0x0] =	sbarrier.arrive $0xFFFF  }
0x18c: {  	p0 =	sne.s32 s1, $0x0;
	_ =	strace $0x90000047  }
0x18d: {  	s0 =	sadd.s32 @!p0 $0x100000, s0;
	[bflag:$0x2] =	sbarrier.arrive $0xFFFF  }
0x18e: {  	[sflag:s0] =	ssyncadd.tile.s32 @!p0 $0x1;
	_ =	shalt  }
.Lfunc_end2:
_tile_overlayer_lowered:
.L_overlay_start_2:
0x18f: {  	(tag) =	ssettag $0x2  }
0x190: {  	s0 =	rddreg [dreg:$0x0];
	s2 =	stileid.u32  }
0x191: {  	s1 =	rddreg [dreg:$0x1];
	p0 =	sne.s32 s2, $0x0  }
0x192: {  	s3 =	rddreg [dreg:$0x2];
	[bflag:$0x3] =	sbarrier.arrive $0xFFFF;
	s2 =	simm.s32 @!p0 $0x1C01  }
0x193: {  	[timem:s3], [sflag:s2] =	dma.local @!p0 [hbm:s0], s1  }
0x194: {  	s0 =	simm.s32 @!p0 $0x1  }
0x195: {  	_ =	swait.ge @!p0 [sflag:s0], s1  }
0x196: {  	s1 =	ssub.s32 @!p0 $0x0, s1;
	[sflag:s0] =	ssyncset.done @!p0 $0x0  }
0x197: {  	[sflag:s0] =	ssyncadd.s32 @!p0 s1  }
0x198: {  	[bflag:$0x3] =	sbarrier.arrive $0xFFFF  }
0x199: {  	_ =	shalt  }

// kernel: kernel.9.cloned.1.call-start
scs
__scs_entry_jumppad:
0x0: {  	(pc) =	sbr.rel $0x88, $3  }
0x1: {  	(tag) =	ssettag $0x0;
	lr =	simm.s32 $0x1  }
0x2: {  	[smem:$0x3F9C] =	sst lr;
	_ =	strace $0xD0000000  }
0x3: {  	_ = 	snop  }
0x4: {  	_ = 	snop  }
0x5: {  	_ = 	snop  }
0x6: {  	_ = 	snop  }
0x7: {  	_ = 	snop  }
__scs_overlays_trampoline_lowered:
0x8: {  	[smem:$0x3FAB] =	sst s0  }
0x9: {  	[smem:$0x3FAC] =	sst s1  }
0xa: {  	[smem:$0x3FAD] =	sst s2  }
0xb: {  	[smem:$0x3FAE] =	sst s3  }
0xc: {  	[smem:$0x3FAF] =	sst s4  }
0xd: {  	[smem:$0x3FB0] =	sst s5  }
0xe: {  	[smem:$0x3FB1] =	sst s6  }
0xf: {  	[smem:$0x3FB2] =	sst s7  }
0x10: {  	[smem:$0x3FB3] =	sst s8  }
0x11: {  	[smem:$0x3FB4] =	sst s9;
	s0 =	simm.s32 @!p0 $0x0  }
0x12: {  	s1 =	sld [smem:$0x3F9A];
	s0 =	simm.s32 @p0 $0x1  }
0x13: {  	[smem:$0x3FB5] =	sst s0;
	s0 =	simm.s32 @!p1 $0x0  }
0x14: {  	s2 =	sld [smem:$0x3F99];
	s0 =	simm.s32 @p1 $0x1  }
0x15: {  	[smem:$0x3FB6] =	sst s0;
	s0 =	simm.s32 @!p2 $0x0  }
0x16: {  	s3 =	sld [smem:$0x3FDB];
	s0 =	simm.s32 @p2 $0x1  }
0x17: {  	s4 =	simm.s32 $0x1BF5;
	[smem:$0x3FB8] =	sst s0  }
0x18: {  	s0 =	sld [smem:$0x3F9B];
	_ =	swait.ge [sflag:s4], $0x0  }
0x19: {  	s7 =	sld [smem:$0x3F9C]  }
0x1a: {  	s8 =	sadd.s32 $0xFFFFE003, lr  }
0x1b: {  	s9 =	sadd.s32 $0xFFFFFEF7, lr;
	s5 =	simm.s32 $0xFFFFFFFF;
	p2 =	slt.u32 s8, $0xFFFFF086  }
0x1c: {  	p1 =	slt.u32 s9, $0xF7A;
	s5 =	simm.s32 @!p2 $0x0  }
0x1d: {  	s5 =	simm.s32 @p1 $0x1;
	p0 =	seq.s32 s7, s2  }
0x1e: {  	s7 =	smul.u32 @!p0 $0xF7A, s2;
	p2 =	seq.s32 @!p0 s5, $0x0  }
0x1f: {  	s9 =	smul.u32 $0xF7A, s1;
	s8 =	simm.s32 @!p0 $0x1BF5;
	p2 =	por !p2, p0  }
0x20: {  	[sflag:s8] =	ssyncset.s32 @!p0 $0xFFFFF086;
	s6 =	sadd.s32 @!p0 s3, s7;
	s7 =	simm.s32 @!p0 $0x108  }
0x21: {  	s3 =	sadd.s32 s3, s9;
	s6 =	sadd.s32 @!p0 $0x88, s6;
	s7 =	simm.s32 @p2 $0x1082  }
0x22: {  	[simem:s7], [sflag:s8] =	dma.local @!p0 [hbm:s6], $0xF7A  }
0x23: {  	s9 =	sor.u32 $0xD0000000, s2;
	s6 =	simm.s32 $0x108;
	_ =	swait.ge @!p0 [sflag:s8], $0x0  }
0x24: {  	s3 =	sadd.s32 $0x88, s3;
	s6 =	simm.s32 @!p1 $0x1082;
	[sflag:s4] =	ssyncset.s32 $0xFFFFF086  }
0x25: {  	[simem:s6], [sflag:s4] =	dma.local [hbm:s3], $0xF7A  }
0x26: {  	[smem:$0x3F9C] =	sst s1;
	(tag) =	ssettag s2;
	_ =	strace s9  }
0x27: {  	s1 =	sld [smem:$0x3FAC]  }
0x28: {  	s2 =	sld [smem:$0x3FAD]  }
0x29: {  	s4 =	sld [smem:$0x3FAF]  }
0x2a: {  	p0 =	seq.s32 s5, $0x0;
	s5 =	sld [smem:$0x3FB0]  }
0x2b: {  	s6 =	sld [smem:$0x3FB1]  }
0x2c: {  	s7 =	sld [smem:$0x3FB2]  }
0x2d: {  	s3 =	simm.s32 $0x108;
	s8 =	sld [smem:$0x3FB3]  }
0x2e: {  	s3 =	simm.s32 @!p0 $0x1082;
	s9 =	sld [smem:$0x3FB4]  }
0x2f: {  	lr =	sadd.s32 s0, s3;
	s0 =	sld [smem:$0x3FAB]  }
0x30: {  	s3 =	sld [smem:$0x3FAE]  }
0x31: {  	[smem:$0x3FB7] =	sst s10  }
0x32: {  	s10 =	sld [smem:$0x3FB5];
	_ =	sdelay $0x3  }
0x33: {  	p0 =	seq.s32 s10, $0x1;
	s10 =	sld [smem:$0x3FB7];
	_ =	sdelay $0x3  }
0x34: {  	[smem:$0x3FB7] =	sst s10  }
0x35: {  	s10 =	sld [smem:$0x3FB6];
	_ =	sdelay $0x3  }
0x36: {  	p1 =	seq.s32 s10, $0x1;
	s10 =	sld [smem:$0x3FB7];
	_ =	sdelay $0x3  }
0x37: {  	[smem:$0x3FB7] =	sst s10  }
0x38: {  	s10 =	sld [smem:$0x3FB8]  }
0x39: {  	_ = 	snop;
	(pc) =	sbr.ind lr, $3  }
0x3a: {  	_ = 	snop  }
0x3b: {  	_ = 	snop  }
0x3c: {  	p2 =	seq.s32 s10, $0x1;
	s10 =	sld [smem:$0x3FB7]  }
0x3d: {  	_ =	shalt  }
0x3e: {  	_ =	shalt  }
0x3f: {  	_ =	shalt  }
0x40: {  	_ =	shalt  }
0x41: {  	_ =	shalt  }
0x42: {  	_ =	shalt  }
0x43: {  	_ =	shalt  }
0x44: {  	_ =	shalt  }
0x45: {  	_ =	shalt  }
0x46: {  	_ =	shalt  }
0x47: {  	_ =	shalt  }
0x48: {  	_ =	shalt  }
0x49: {  	_ =	shalt  }
0x4a: {  	_ =	shalt  }
0x4b: {  	_ =	shalt  }
0x4c: {  	_ =	shalt  }
0x4d: {  	_ =	shalt  }
0x4e: {  	_ =	shalt  }
0x4f: {  	_ =	shalt  }
0x50: {  	_ =	shalt  }
0x51: {  	_ =	shalt  }
0x52: {  	_ =	shalt  }
0x53: {  	_ =	shalt  }
0x54: {  	_ =	shalt  }
0x55: {  	_ =	shalt  }
0x56: {  	_ =	shalt  }
0x57: {  	_ =	shalt  }
0x58: {  	_ =	shalt  }
0x59: {  	_ =	shalt  }
0x5a: {  	_ =	shalt  }
0x5b: {  	_ =	shalt  }
0x5c: {  	_ =	shalt  }
0x5d: {  	_ =	shalt  }
0x5e: {  	_ =	shalt  }
0x5f: {  	_ =	shalt  }
0x60: {  	_ =	shalt  }
0x61: {  	_ =	shalt  }
0x62: {  	_ =	shalt  }
0x63: {  	_ =	shalt  }
0x64: {  	_ =	shalt  }
0x65: {  	_ =	shalt  }
0x66: {  	_ =	shalt  }
0x67: {  	_ =	shalt  }
0x68: {  	_ =	shalt  }
0x69: {  	_ =	shalt  }
0x6a: {  	_ =	shalt  }
0x6b: {  	_ =	shalt  }
0x6c: {  	_ =	shalt  }
0x6d: {  	_ =	shalt  }
0x6e: {  	_ =	shalt  }
0x6f: {  	_ =	shalt  }
0x70: {  	_ =	shalt  }
0x71: {  	_ =	shalt  }
0x72: {  	_ =	shalt  }
0x73: {  	_ =	shalt  }
0x74: {  	_ =	shalt  }
0x75: {  	_ =	shalt  }
0x76: {  	_ =	shalt  }
0x77: {  	_ =	shalt  }
0x78: {  	_ =	shalt  }
0x79: {  	_ =	shalt  }
0x7a: {  	_ =	shalt  }
0x7b: {  	_ =	shalt  }
0x7c: {  	_ =	shalt  }
0x7d: {  	_ =	shalt  }
0x7e: {  	_ =	shalt  }
0x7f: {  	_ =	shalt  }
0x80: {  	_ =	shalt  }
0x81: {  	_ =	shalt  }
0x82: {  	_ =	shalt  }
0x83: {  	_ =	shalt  }
0x84: {  	_ =	shalt  }
0x85: {  	_ =	shalt  }
0x86: {  	_ =	shalt  }
0x87: {  	_ =	shalt  }
.Lfunc_end0:
.L_simem_size_0:
called_computation.1_lowered:
.L_overlay_start_0:
0x88: {  	s2 =	sld [smem:$0x3FD9]  }
0x89: {  	s3 =	sld [smem:$0x3FFE];
	_ =	sdelay $0x1  }
0x8a: {  	s1 =	srdreg.scid  }
0x8b: {  	s0 =	sand.u32 $0x1, s1  }
0x8c: {  	s17 =	sshll.u32 s0, $0xA;
	s2 =	sadd.s32 s3, s2  }
0x8d: {  	s2 =	sadd.s32 s2, s17  }
0x8e: {  	[smem:$0x3FC3] =	sst s2  }
0x8f: {  	_ = 	snop  }
0x90: {  	s2 =	sld [smem:$0x3FC9]  }
0x91: {  	s18 =	sld [smem:$0x3FD0];
	(tm) =	ssettm $0x1  }
0x92: {  	s4 =	sld [smem:$0x3FFB];
	_ =	sdelay $0x3  }
0x93: {  	_ =	strace s4  }
0x94: {  	s4 =	sld [smem:$0x3FFC];
	_ =	sdelay $0x3  }
0x95: {  	_ =	strace s4  }
0x96: {  	s4 =	sld [smem:$0x3FFD];
	_ =	sdelay $0x3  }
0x97: {  	_ =	strace s4  }
0x98: {  	_ =	strace $0x8FFFFFFF  }
0x99: {  	s19 =	sld [smem:$0x3FDB];
	_ =	sdelay $0x1  }
0x9a: {  	s5 =	simm.s32 $_scs_section_size  }
0x9b: {  	s6 =	simm.s32 $_size__tile_overlayer_lowered;
	s7 =	simm.s32 $_tile_overlayer_lowered  }
0x9c: {  	s22 =	simm.s32 $0x1BFF;
	s21 =	sshll.u32 s7, $0x1;
	s4 =	sadd.s32 s5, s19  }
0x9d: {  	s8 =	simm.s32 $0x0;
	s20 =	sshll.u32 s6, $0x1;
	s6 =	sadd.s32 s21, s4  }
0x9e: {  	[timem:s8], [sflag:s22] =	dma.local [hbm:s6], s20  }
0x9f: {  	_ =	swait.ge [sflag:s22], s20  }
0xa0: {  	s5 =	ssub.s32 $0x0, s20;
	[sflag:s22] =	ssyncset.done $0x0  }
0xa1: {  	[sflag:s22] =	ssyncadd.s32 s5;
	_ =	sdelay $0x1  }
0xa2: {  	s23 =	simm.s32 $0x1B8B  }
0xa3: {  	_ =	swait.ge [sflag:s23], $0x1  }
0xa4: {  	[sflag:s23] =	ssyncset.done $0x0  }
0xa5: {  	s25 =	simm.s32 $0x1B8E;
	s24 =	sld [smem:$0x3FFE];
	[sflag:s23] =	ssyncadd.s32 $0xFFFFFFFF  }
0xa6: {  	s26 =	simm.s32 $execute0_lowered;
	[smem:$0x3FD2] =	sst s25  }
0xa7: {  	s6 =	sshll.u32 s26, $0x1;
	_ =	strace $0x80000049;
	[dreg:$0x1] =	wrdreg $0xFFFFFFFF  }
0xa8: {  	s28 =	simm.s32 $_size_execute0_lowered;
	s4 =	sadd.s32 s4, s6;
	[dreg:$0x0] =	wrdreg $0x0  }
0xa9: {  	s6 =	sshll.u32 s28, $0x1;
	[dreg:$0x2] =	wrdreg s4  }
0xaa: {  	[dreg:$0x3] =	wrdreg s6  }
0xab: {  	[dreg:$0x4] =	wrdreg $0xC0  }
0xac: {  	_ =	task [dreg:s8], $0x5FFFF  }
0xad: {  	[dreg:$0x1] =	wrdreg $0xFFFFFFFF  }
0xae: {  	[dreg:$0x0] =	wrdreg $0x60  }
0xaf: {  	[dreg:$0x2] =	wrdreg s18  }
0xb0: {  	[dreg:$0x3] =	wrdreg s24  }
0xb1: {  	[dreg:$0x4] =	wrdreg s2  }
0xb2: {  	[dreg:$0x5] =	wrdreg $0x9  }
0xb3: {  	_ =	task.clear_ibuf [dreg:s8], $0x6FFFF;
	_ =	strace $0x90000049  }
0xb4: {  	s29 =	simm.s32 $0x9;
	_ =	strace $0x8000004B  }
0xb5: {  	_ =	swait.ge [sflag:s29], $0x1  }
0xb6: {  	[sflag:s29] =	ssyncadd.s32 $0xFFFFFFFF  }
0xb7: {  	_ =	strace $0x9000004B  }
0xb8: {  	_ =	sfence  }
0xb9: {  	s30 =	sld [smem:$0x0];
	_ =	sdelay $0x2  }
0xba: {  	s31 =	sshll.u32 s1, $0xD;
	s1 =	sshrl.u32 s1, $0x2  }
0xbb: {  	s3 =	sand.u32 $0x4000, s31;
	s1 =	sadd.s32 s1, s30  }
0xbc: {  	s0 =	sor.u32 s3, s0;
	s1 =	sshll.u32 s1, $0x11  }
0xbd: {  	s0 =	sor.u32 s1, s0  }
0xbe: {  	s0 =	sadd.s32 $0x8F2B, s0  }
0xbf: {  	[sflag:s0] =	ssyncadd.remote.s32 $0x1  }
0xc0: {  	_ =	sfence.sel $0xFFFF  }
0xc1: {  	[dreg:$0x0] =	wrdreg $0xFFFFFFFF;
	(pc) =	sbr.abs _section_cstart, $3  }
0xc2: {  	[dreg:$0x1] =	wrdreg $0xFFFFFFFF  }
0xc3: {  	_ =	task.clear_ibuf [dreg:s8], $0x2FFFF;
	_ =	strace $0x9FFFFFFF  }
0xc4: {  	(tm) =	ssettm $0x7FFFFFFF  }
0xc5: {  	_ =	shalt  }
tec
execute0_lowered:
.L_overlay_start_1:
0x0: {  	(tag) =	ssettag $0x1  }
0x1: {  	s0 =	rddreg [dreg:$0x0]  }
0x2: {  	s5 =	rddreg [dreg:$0x1]  }
0x3: {  	s1 =	rddreg [dreg:$0x2]  }
0x4: {  	s3 =	simm.s32 $0x0;
	s2 =	srdreg.scid;
	s4 =	stileid.u32  }
0x5: {  	[smem:$0x7FF] =	sst s3;
	s2 =	sand.u32 $0x1, s2;
	s4 =	sshll.u32 s4, $0x1  }
0x6: {  	s10 =	sadd.s32 $0x200, s5;
	s30 =	sadd.s32 $0x300, s5;
	s11 =	sadd.s32 $0x400, s5  }
0x7: {  	_ =	strace $0x8000004A;
	s9 =	sor.u32 s2, s4;
	[dreg:$0x5] =	wrdreg s10  }
0x8: {  	s2 =	ssub.s32 $0x2, s2;
	[dreg:$0xa] =	wrdreg s30;
	s6 =	smul.u32 $0x18000, s9  }
0x9: {  	s4 =	sshll.u32 s9, $0x5;
	s7 =	sshrl.u32 s2, $0x1;
	s8 =	smul.u32 $0x3000, s9  }
0xa: {  	s28 =	sshll.u32 s9, $0x4;
	[dreg:$0x4] =	wrdreg s9;
	p0 =	seq.s32 s9, $0x0  }
0xb: {  	v0 =	vlaneseq.u32;
	v1 =	vimm.s32 $0x0;
	s4 =	sadd.s32 s4, s5;
	s2 =	ssub.s32 s2, s7;
	s0 =	sadd.s32 s0, s28  }
0xc: {  	vm1 =	vcmask $0x704;
	vm2 =	vcmask $0xB08;
	vm3 =	vcmask $0xF0C;
	s5 =	simm.s32 $0x5;
	s26 =	sadd.s32 s1, s8;
	[dreg:$0x8] =	wrdreg s0  }
0xd: {  	vm4 =	vcmask $0x1310;
	vm5 =	vcmask $0x1714;
	vm6 =	vcmask $0x1B18;
	s6 =	sshrl.u32 s6, $0x3;
	s29 =	sadd.s32 $0x180600, s4;
	[dreg:$0x6] =	wrdreg s26  }
0xe: {  	vm7 =	vcmask $0x1F1C;
	vm8 =	vcmask $0x2320;
	vm9 =	vcmask $0x2724;
	s31 =	smax.u32 s2, $0x1;
	s0 =	simm.s32 @!p0 $0x0;
	[dreg:$0x9] =	wrdreg s29  }
0xf: {  	vm10 =	vcmask $0x2B28;
	vm11 =	vcmask $0x2F2C;
	vm12 =	vcmask $0x3330;
	s1 =	sadd.s32 s1, s6;
	[dreg:$0xb] =	wrdreg s31;
	s0 =	simm.s32 @p0 $0x1  }
0x10: {  	vm13 =	vcmask $0x3734;
	vm14 =	vcmask $0x3B38;
	v3 =	vshrl.u32 v0, $0x3;
	s2 =	simm.s32 $0x1200;
	s1 =	sadd.s32 $0x1800, s1;
	[smem:$0x7FD] =	sst s0  }
0x11: {  	v2 =	vand.u32 $0x7, v0;
	v4 =	vor.u32 $0x8, v0;
	v3 =	vmul.u32 $0x8, v3;
	s4 =	simm.s32 $0xD200;
	s6 =	simm.s32 $0x0;
	[dreg:$0x7] =	wrdreg s1  }
.LBB2_1:
0x12: {  	s0 =	rddreg [dreg:$0x6]  }
0x13: {  	[tilespmem:s2], [sflag:$0x1] =	stream.linear.gather [hbm4b:s0+s3], $0xC000, $0x38;
	[tilespmem:$0x19200] =	vst v63  }
0x14: {  	s28 =	rddreg [dreg:$0x7]  }
0x15: {  	[tilespmem:s4], [sflag:$0x2] =	stream.linear.gather [hbm4b:s28+s3], $0xC000, $0x38;
	[tilespmem:$0x19200] =	vst v63  }
0x16: {  	s29 =	rddreg [dreg:$0x8]  }
0x17: {  	[tilespmem:s3], [sflag:$0x5] =	stream.linear.gather [hbm4b:s29+s3], $0x80, $0x38;
	[tilespmem:$0x19200] =	vst v63  }
0x18: {  	_ =	swait.ge [sflag:s5], $0x80  }
0x19: {  	[sflag:s5] =	ssyncset.done $0x0  }
0x1a: {  	[sflag:s5] =	ssyncadd.s32 $0xFFFFFF80  }
0x1b: {  	s1 =	simm.s32 $0x80;
	s30 =	rddreg [dreg:$0x1]  }
0x1c: {  	[tilespmem:s1], [sflag:$0x5] =	stream.linear.gather [hbm4b:s30+s3], $0x1000, $0x38;
	[tilespmem:$0x19200] =	vst v63  }
0x1d: {  	_ =	swait.ge [sflag:s5], $0x1000  }
0x1e: {  	s31 =	sld [smem:$0x7FD];
	_ =	sdelay $0x2  }
0x1f: {  	[sflag:s5] =	ssyncset.done $0x0;
	p0 =	seq.s32 s31, $0x1  }
.Ltmp0:
0x20: {  	[sflag:s5] =	ssyncadd.s32 $0xFFFFF000;
	(pc) =	sbr.rel @p0 .LBB2_5-.Ltmp0, $4  }
0x21: {  	[tilespmem:$0x1080] =	vst v1  }
0x22: {  	[tilespmem:$0x1090] =	vst v1  }
0x23: {  	[tilespmem:$0x10A0] =	vst v1  }
0x24: {  	s0 =	simm.s32 $0xA0;
	[tilespmem:$0x10B0] =	vst v1  }
0x25: {  	s1 =	rddreg [dreg:$0x4]  }
0x26: {  	p1 =	sne.s32 s1, $0x1  }
.Ltmp1:
0x27: {  	_ = 	snop;
	(pc) =	sbr.rel @!p1 .LBB2_4-.Ltmp1, $3  }
0x28: {  	_ =	sdelay $0x1  }
0x29: {  	v7 =	vimm.s32 $0x0  }
0x2a: {  	v9 =	vld [tilespmem:s0+$0xFFFFFFE0];
	v8 =	vimm.s32 $0x0;
	v6 =	vimm.s32 $0x0;
	v5 =	vimm.s32 $0x0;
	s1 =	sadd.s32 $0xFFFFFFFF, s1  }
.LBB2_3:
0x2b: {  	p1 =	sne.s32 s1, $0x1;
	_ =	sdelay $0x3  }
0x2c: {  	v7 =	vadd.s32 v7, v9  }
0x2d: {  	[tilespmem:$0x1080] =	vst v7  }
0x2e: {  	v9 =	vld [tilespmem:s0+$0xFFFFFFF0];
	_ =	sdelay $0x4  }
0x2f: {  	v8 =	vadd.s32 v8, v9  }
0x30: {  	[tilespmem:$0x1090] =	vst v8  }
0x31: {  	v9 =	vld [tilespmem:s0+$0x0];
	_ =	sdelay $0x4  }
0x32: {  	v6 =	vadd.s32 v6, v9  }
0x33: {  	[tilespmem:$0x10A0] =	vst v6  }
0x34: {  	v9 =	vld [tilespmem:s0+$0x10];
	_ =	sdelay $0x2  }
.Ltmp2:
0x35: {  	(pc) =	sbr.rel @p1 .LBB2_3-.Ltmp2, $4  }
0x36: {  	_ = 	snop  }
0x37: {  	v5 =	vadd.s32 v5, v9  }
0x38: {  	s0 =	sadd.s32 $0x80, s0;
	[tilespmem:$0x10B0] =	vst v5  }
0x39: {  	s1 =	sadd.s32 $0xFFFFFFFF, s1;
	v9 =	vld [tilespmem:s0+$0xFFFFFFE0]  }
.LBB2_4:
0x3a: {  	_ =	sdelay $0x3  }
0x3b: {  	v7 =	vadd.s32 v7, v9  }
0x3c: {  	[tilespmem:$0x1080] =	vst v7  }
0x3d: {  	v7 =	vld [tilespmem:s0+$0xFFFFFFF0];
	_ =	sdelay $0x4  }
0x3e: {  	v7 =	vadd.s32 v8, v7  }
0x3f: {  	[tilespmem:$0x1090] =	vst v7  }
0x40: {  	v7 =	vld [tilespmem:s0+$0x0];
	_ =	sdelay $0x4  }
0x41: {  	v6 =	vadd.s32 v6, v7  }
0x42: {  	[tilespmem:$0x10A0] =	vst v6  }
0x43: {  	v6 =	vld [tilespmem:s0+$0x10];
	_ =	sdelay $0x4  }
0x44: {  	v5 =	vadd.s32 v5, v6  }
0x45: {  	[tilespmem:$0x10B0] =	vst v5  }
.LBB2_5:
0x46: {  	s22 =	simm.s32 $0x0  }
0x47: {  	v5 =	vld [tilespmem:s22+$0x0];
	_ =	sdelay $0x4  }
0x48: {  	(v2sf) =	vpush v5, $0x0;
	_ =	sdelay $0x6  }
0x49: {  	(v2sf) =	vpush v5, $0x1;
	_ =	sdelay $0x6  }
0x4a: {  	(v2sf) =	vpush v5, $0x2  }
0x4b: {  	s23 =	spop (v2sf)  }
0x4c: {  	s0 =	sand.u32 $0xF, s23  }
0x4d: {  	s1 =	sshra.s32 s23, $0x1F;
	p1 =	slt.s32 s23, $0x1;
	p2 =	sne.s32 s0, $0x0  }
0x4e: {  	s13 =	sshrl.u32 s1, $0x1C;
	p1 =	por !p1, !p2  }
0x4f: {  	s1 =	simm.s32 $0x1;
	s0 =	sadd.s32 s13, s23;
	p1 =	por !p1, !p1  }
0x50: {  	s0 =	sshrl.u32 s0, $0x4;
	s1 =	simm.s32 @!p1 $0x0  }
0x51: {  	(v2sf) =	vpush v5, $0x3;
	s0 =	ssub.s32 s0, s1  }
0x52: {  	s24 =	spop (v2sf);
	s0 =	sshll.u32 s0, $0x4  }
0x53: {  	s14 =	sand.u32 $0xF, s24;
	s15 =	sshra.s32 s24, $0x1F;
	v8 =	vld [tilespmem:s0+$0x1080]  }
0x54: {  	p0 =	slt.s32 s24, $0x1;
	p6 =	sne.s32 s14, $0x0;
	s2 =	ssub.s32 s23, s0  }
0x55: {  	p1 =	por !p0, !p6;
	s1 =	sshrl.u32 s15, $0x1C;
	v6 =	vmov s2  }
0x56: {  	p1 =	por !p1, !p1;
	s1 =	sadd.s32 s1, s24;
	s2 =	simm.s32 $0x1;
	vm0 =	veq.s32 v6, v0  }
0x57: {  	s1 =	sshrl.u32 s1, $0x4;
	s2 =	simm.s32 @!p1 $0x0;
	v6 =	vsel vm0, $0x1, v1  }
0x58: {  	(v2sf) =	vpush v5, $0x4;
	s1 =	ssub.s32 s1, s2;
	v6 =	vadd.s32 v6, v8  }
0x59: {  	s25 =	spop (v2sf);
	s16 =	sshll.u32 s1, $0x4;
	[tilespmem:s0+$0x1080] =	vst v6  }
0x5a: {  	s18 =	sand.u32 $0xF, s25;
	s19 =	ssub.s32 s24, s16;
	v9 =	vld [tilespmem:s16+$0x1080]  }
0x5b: {  	s17 =	sshra.s32 s25, $0x1F;
	p2 =	slt.s32 s25, $0x1;
	p3 =	sne.s32 s18, $0x0;
	v6 =	vmov s19  }
0x5c: {  	p1 =	por !p2, !p3;
	s1 =	sshrl.u32 s17, $0x1C;
	vm15 =	veq.s32 v6, v0;
	v6 =	vimm.s32 $0x0  }
0x5d: {  	p1 =	por !p1, !p1;
	s2 =	simm.s32 $0x1;
	s1 =	sadd.s32 s1, s25;
	v6 =	vsel vm15, $0xFFFFFFFF, v6  }
0x5e: {  	s2 =	simm.s32 @!p1 $0x0;
	s1 =	sshrl.u32 s1, $0x4;
	[tilespmem:$0x1FF40] =	vst v6;
	v6 =	vsel vm15, $0x1, v1  }
0x5f: {  	(v2sf) =	vpush v5, $0x5;
	s1 =	ssub.s32 s1, s2;
	v6 =	vadd.s32 v6, v9  }
0x60: {  	s28 =	spop (v2sf);
	s20 =	sshll.u32 s1, $0x4;
	[tilespmem:s16+$0x1080] =	vst v6  }
0x61: {  	s21 =	sand.u32 $0xF, s28;
	s29 =	ssub.s32 s25, s20;
	v10 =	vld [tilespmem:s20+$0x1080]  }
0x62: {  	s26 =	sshra.s32 s28, $0x1F;
	p4 =	slt.s32 s28, $0x1;
	p5 =	sne.s32 s21, $0x0;
	v6 =	vmov s29  }
0x63: {  	p1 =	por !p4, !p5;
	s2 =	sshrl.u32 s26, $0x1C;
	vm15 =	veq.s32 v6, v0;
	v6 =	vimm.s32 $0x0  }
0x64: {  	p1 =	por !p1, !p1;
	s30 =	sadd.s32 s2, s28;
	s2 =	simm.s32 $0x1;
	v6 =	vsel vm15, $0xFFFFFFFF, v6  }
0x65: {  	s1 =	sshrl.u32 s30, $0x4;
	s2 =	simm.s32 @!p1 $0x0;
	[tilespmem:$0x1FF50] =	vst v6;
	v6 =	vsel vm15, $0x1, v1  }
0x66: {  	(v2sf) =	vpush v5, $0x6;
	s1 =	ssub.s32 s1, s2;
	v6 =	vadd.s32 v6, v10  }
0x67: {  	s31 =	sshll.u32 s1, $0x4;
	s29 =	spop (v2sf);
	[tilespmem:s20+$0x1080] =	vst v6  }
0x68: {  	[dreg:$0xc] =	wrdreg s6;
	s6 =	ssub.s32 s28, s31;
	s4 =	sand.u32 $0xF, s29;
	v13 =	vld [tilespmem:s31+$0x1080]  }
0x69: {  	s5 =	sshra.s32 s29, $0x1F;
	p6 =	slt.s32 s29, $0x1;
	p0 =	sne.s32 s4, $0x0;
	v6 =	vmov s6  }
0x6a: {  	s2 =	sshrl.u32 s5, $0x1C;
	p1 =	por !p6, !p0;
	vm15 =	veq.s32 v6, v0;
	v6 =	vimm.s32 $0x0  }
0x6b: {  	s7 =	sadd.s32 s2, s29;
	s2 =	simm.s32 $0x1;
	p1 =	por !p1, !p1;
	v6 =	vsel vm15, $0xFFFFFFFF, v6  }
0x6c: {  	s1 =	sshrl.u32 s7, $0x4;
	s2 =	simm.s32 @!p1 $0x0;
	[tilespmem:$0x1FF60] =	vst v6;
	v6 =	vsel vm15, $0x1, v1  }
0x6d: {  	(v2sf) =	vpush v5, $0x7;
	s1 =	ssub.s32 s1, s2;
	v6 =	vadd.s32 v6, v13  }
0x6e: {  	s30 =	spop (v2sf);
	s1 =	sshll.u32 s1, $0x4;
	[tilespmem:s31+$0x1080] =	vst v6  }
0x6f: {  	s9 =	sand.u32 $0xF, s30;
	s10 =	ssub.s32 s29, s1;
	v12 =	vld [tilespmem:s1+$0x1080]  }
0x70: {  	s8 =	sshra.s32 s30, $0x1F;
	p2 =	slt.s32 s30, $0x1;
	p3 =	sne.s32 s9, $0x0;
	v6 =	vmov s10  }
0x71: {  	s0 =	sshrl.u32 s8, $0x1C;
	p1 =	por !p2, !p3;
	vm15 =	veq.s32 v6, v0;
	v6 =	vimm.s32 $0x0  }
0x72: {  	s0 =	sadd.s32 s0, s30;
	p1 =	por !p1, !p1;
	s2 =	simm.s32 $0x1;
	v6 =	vsel vm15, $0xFFFFFFFF, v6  }
0x73: {  	s0 =	sshrl.u32 s0, $0x4;
	s2 =	simm.s32 @!p1 $0x0;
	[tilespmem:$0x1FF70] =	vst v6;
	v6 =	vsel vm15, $0x1, v1  }
0x74: {  	(v2sf) =	vpush v5, $0x8;
	s2 =	ssub.s32 s0, s2;
	v6 =	vadd.s32 v6, v12  }
0x75: {  	s0 =	spop (v2sf);
	s12 =	sshll.u32 s2, $0x4;
	[tilespmem:s1+$0x1080] =	vst v6  }
0x76: {  	s13 =	sand.u32 $0xF, s0;
	s4 =	ssub.s32 s30, s12;
	v11 =	vld [tilespmem:s12+$0x1080]  }
0x77: {  	p4 =	slt.s32 s0, $0x1;
	s14 =	sshra.s32 s0, $0x1F;
	p5 =	sne.s32 s13, $0x0;
	v6 =	vmov s4  }
0x78: {  	s2 =	sshrl.u32 s14, $0x1C;
	p1 =	por !p4, !p5;
	vm15 =	veq.s32 v6, v0;
	v6 =	vimm.s32 $0x0  }
0x79: {  	s2 =	sadd.s32 s2, s0;
	p1 =	por !p1, !p1;
	s4 =	simm.s32 $0x1;
	v6 =	vsel vm15, $0xFFFFFFFF, v6  }
0x7a: {  	s2 =	sshrl.u32 s2, $0x4;
	s4 =	simm.s32 @!p1 $0x0;
	[tilespmem:$0x1FF80] =	vst v6;
	v6 =	vsel vm15, $0x1, v1  }
0x7b: {  	(v2sf) =	vpush v5, $0x9;
	s2 =	ssub.s32 s2, s4;
	v6 =	vadd.s32 v6, v11  }
0x7c: {  	s31 =	spop (v2sf);
	s2 =	sshll.u32 s2, $0x4;
	[tilespmem:s12+$0x1080] =	vst v6  }
0x7d: {  	s16 =	sand.u32 $0xF, s31;
	s17 =	ssub.s32 s0, s2;
	v6 =	vld [tilespmem:s2+$0x1080]  }
0x7e: {  	s15 =	sshra.s32 s31, $0x1F;
	p6 =	slt.s32 s31, $0x1;
	p0 =	sne.s32 s16, $0x0;
	v7 =	vmov s17  }
0x7f: {  	s1 =	sshrl.u32 s15, $0x1C;
	p1 =	por !p6, !p0;
	vm15 =	veq.s32 v7, v0;
	v7 =	vimm.s32 $0x0  }
0x80: {  	s1 =	sadd.s32 s1, s31;
	p1 =	por !p1, !p1;
	s4 =	simm.s32 $0x1;
	v7 =	vsel vm15, $0xFFFFFFFF, v7  }
0x81: {  	s1 =	sshrl.u32 s1, $0x4;
	s4 =	simm.s32 @!p1 $0x0;
	[tilespmem:$0x1FF90] =	vst v7;
	v7 =	vsel vm15, $0x1, v1  }
0x82: {  	(v2sf) =	vpush v5, $0xA;
	s4 =	ssub.s32 s1, s4;
	v7 =	vadd.s32 v7, v6  }
0x83: {  	s1 =	spop (v2sf);
	s4 =	sshll.u32 s4, $0x4;
	[tilespmem:s2+$0x1080] =	vst v7  }
0x84: {  	s18 =	sand.u32 $0xF, s1;
	s19 =	sshra.s32 s1, $0x1F;
	v7 =	vld [tilespmem:s4+$0x1080]  }
0x85: {  	v29 =	vld [tilespmem:$0x1FF40];
	p2 =	slt.s32 s1, $0x1;
	p3 =	sne.s32 s18, $0x0;
	s20 =	ssub.s32 s31, s4  }
0x86: {  	v30 =	vld [tilespmem:$0x1FF50];
	s6 =	sshrl.u32 s19, $0x1C;
	p1 =	por !p2, !p3;
	v14 =	vmov s20  }
0x87: {  	v25 =	vimm.s32 $0x0;
	s21 =	sadd.s32 s6, s1;
	s6 =	simm.s32 $0x1;
	p1 =	por !p1, !p1;
	vm15 =	veq.s32 v14, v0  }
0x88: {  	v33 =	vld [tilespmem:$0x1FF60];
	v14 =	vsel vm15, $0xFFFFFFFF, v25;
	s6 =	simm.s32 @!p1 $0x0;
	v26 =	vsel vm15, $0x1, v1;
	s2 =	sshrl.u32 s21, $0x4  }
0x89: {  	(v2sf) =	vpush v5, $0xB;
	v8 =	vxor.u32 $0x80000000, v8;
	[tilespmem:$0x1FFA0] =	vst v14;
	s6 =	ssub.s32 s2, s6;
	v14 =	vadd.s32 v26, v7  }
0x8a: {  	v27 =	vnsel vm0, $0x7FFFFFFF, v8;
	v9 =	vxor.u32 $0x80000000, v9;
	vm0 =	vnez.u8 v29;
	s2 =	spop (v2sf);
	s26 =	sshll.u32 s6, $0x4;
	[tilespmem:s4+$0x1080] =	vst v14  }
0x8b: {  	(xrf0) =	vmax.scan.msk.u32 $0xffff, v27;
	v9 =	vnsel vm0, $0x7FFFFFFF, v9;
	v10 =	vxor.u32 $0x80000000, v10;
	vm0 =	vnez.u8 v30;
	p4 =	slt.s32 s2, $0x1;
	s5 =	sand.u32 $0xF, s2;
	v28 =	vld [tilespmem:s26+$0x1080]  }
0x8c: {  	(xrf0) =	vmax.scan.msk.u32 $0xffff, v9;
	v9 =	vnsel vm0, $0x7FFFFFFF, v10;
	s7 =	sshra.s32 s2, $0x1F;
	p5 =	sne.s32 s5, $0x0;
	s8 =	ssub.s32 s1, s26  }
0x8d: {  	v31 =	vxor.u32 $0x80000000, v13;
	vm0 =	vnez.u8 v33;
	s7 =	sshrl.u32 s7, $0x1C;
	p1 =	por !p4, !p5;
	v32 =	vmov s8  }
0x8e: {  	(xrf0) =	vmax.scan.msk.u32 $0xffff, v9;
	v9 =	vnsel vm0, $0x7FFFFFFF, v31;
	s9 =	sadd.s32 s7, s2;
	s7 =	simm.s32 $0x1;
	p1 =	por !p1, !p1;
	vm15 =	veq.s32 v32, v0  }
0x8f: {  	(xrf0) =	vmax.scan.msk.u32 $0xffff, v9;
	v16 =	vld [tilespmem:$0x1FF70];
	s6 =	sshrl.u32 s9, $0x4;
	s7 =	simm.s32 @!p1 $0x0;
	v34 =	vsel vm15, $0x1, v1  }
0x90: {  	(v2sf) =	vpush v5, $0xC;
	s7 =	ssub.s32 s6, s7;
	v9 =	vadd.s32 v34, v28  }
0x91: {  	s6 =	spop (v2sf);
	s10 =	sshll.u32 s7, $0x4;
	[tilespmem:s26+$0x1080] =	vst v9  }
0x92: {  	v35, _, _ =	vpop (xrf0);
	s12 =	sshra.s32 s6, $0x1F;
	s8 =	sand.u32 $0xF, s6;
	v36 =	vld [tilespmem:s10+$0x1080]  }
0x93: {  	v37, _, _ =	vpop (xrf0);
	p6 =	slt.s32 s6, $0x1;
	p0 =	sne.s32 s8, $0x0;
	s13 =	ssub.s32 s2, s10  }
0x94: {  	v38, _, _ =	vpop (xrf0);
	v12 =	vxor.u32 $0x80000000, v12;
	vm0 =	vnez.u8 v16;
	s7 =	sshrl.u32 s12, $0x1C;
	p1 =	por !p6, !p0;
	v15 =	vmov s13  }
0x95: {  	v12 =	vnsel vm0, $0x7FFFFFFF, v12;
	v40, _, _ =	vpop (xrf0);
	v42 =	vld [tilespmem:$0x1FF80];
	s8 =	simm.s32 $0x1;
	s7 =	sadd.s32 s7, s6;
	vm0 =	veq.s32 v15, v0;
	p1 =	por !p1, !p1  }
0x96: {  	(v2sf) =	vpush v40, $0xF;
	s9 =	sshrl.u32 s7, $0x4;
	s8 =	simm.s32 @!p1 $0x0;
	v41 =	vsel vm0, $0x1, v1  }
0x97: {  	(xrf0) =	vmax.scan.msk.u32 $0xffff, v12;
	(v2sf) =	vpush v5, $0xD;
	s8 =	ssub.s32 s9, s8;
	v12 =	vadd.s32 v41, v36  }
0x98: {  	s7 =	spop (v2sf);
	s15 =	sshll.u32 s8, $0x4;
	[tilespmem:s10+$0x1080] =	vst v12  }
0x99: {  	v39 =	vimm.s32 $0x0;
	s14 =	sand.u32 $0xF, s7;
	p3 =	slt.s32 s7, $0x1;
	v12 =	vld [tilespmem:s15+$0x1080]  }
0x9a: {  	v11 =	vxor.u32 $0x80000000, v11;
	v15 =	vsel vm0, $0xFFFFFFFF, v39;
	s16 =	sshra.s32 s7, $0x1F;
	vm0 =	vnez.u8 v42;
	p2 =	sne.s32 s14, $0x0;
	s17 =	ssub.s32 s6, s15  }
0x9b: {  	v11 =	vnsel vm0, $0x7FFFFFFF, v11;
	p1 =	por !p3, !p2;
	s8 =	sshrl.u32 s16, $0x1C;
	v43 =	vmov s17  }
0x9c: {  	v45 =	vimm.s32 $0x0;
	s9 =	simm.s32 $0x1;
	(xrf0) =	vmax.scan.msk.u32 $0xffff, v11;
	p1 =	por !p1, !p1;
	s8 =	sadd.s32 s8, s7;
	vm0 =	veq.s32 v43, v0  }
0x9d: {  	s9 =	simm.s32 @!p1 $0x0;
	s8 =	sshrl.u32 s8, $0x4;
	v11 =	vsel vm0, $0xFFFFFFFF, v45;
	v46 =	vsel vm0, $0x1, v1  }
0x9e: {  	s9 =	ssub.s32 s8, s9;
	[tilespmem:$0x1FFC0] =	vst v11;
	v11 =	vadd.s32 v46, v12  }
0x9f: {  	s8 =	spop (v2sf);
	s18 =	sshll.u32 s9, $0x4;
	[tilespmem:s15+$0x1080] =	vst v11  }
0xa0: {  	v44, _, _ =	vpop (xrf0);
	(v2sf) =	vpush v38, $0xF;
	p4 =	slt.s32 s8, $0x1;
	s19 =	sand.u32 $0xF, s8;
	v11 =	vld [tilespmem:s18+$0x1080]  }
0xa1: {  	(v2sf) =	vpush v44, $0xF;
	s12 =	sshra.s32 s8, $0x1F;
	p5 =	sne.s32 s19, $0x0;
	s20 =	ssub.s32 s7, s18  }
0xa2: {  	(v2sf) =	vpush v5, $0xE;
	s12 =	sshrl.u32 s12, $0x1C;
	p1 =	por !p4, !p5;
	v47, _, _ =	vpop (xrf0);
	v48 =	vmov s20  }
0xa3: {  	s21 =	sadd.s32 s12, s8;
	s12 =	simm.s32 $0x1;
	(v2sf) =	vpush v47, $0xF;
	p1 =	por !p1, !p1;
	vm0 =	veq.s32 v48, v0  }
0xa4: {  	s9 =	sshrl.u32 s21, $0x4;
	s12 =	simm.s32 @!p1 $0x0;
	(v2sf) =	vpush v37, $0xF;
	v50 =	vsel vm0, $0x1, v1  }
0xa5: {  	s13 =	spop (v2sf);
	s12 =	ssub.s32 s9, s12;
	(v2sf) =	vpush v5, $0xF;
	v5 =	vadd.s32 v50, v11  }
0xa6: {  	s9 =	spop (v2sf);
	s26 =	sshll.u32 s12, $0x4;
	[tilespmem:s18+$0x1080] =	vst v5  }
0xa7: {  	s14 =	sand.u32 $0xF, s9;
	s10 =	ssub.s32 s8, s26;
	v51 =	vld [tilespmem:s26+$0x1080]  }
0xa8: {  	v49 =	vimm.s32 $0x0;
	s5 =	sshra.s32 s9, $0x1F;
	p6 =	slt.s32 s9, $0x1;
	p0 =	sne.s32 s14, $0x0;
	v5 =	vmov s10  }
0xa9: {  	v14 =	vsel vm0, $0xFFFFFFFF, v49;
	s12 =	sshrl.u32 s5, $0x1C;
	p1 =	por !p6, !p0;
	vm0 =	veq.s32 v5, v0;
	v5 =	vimm.s32 $0x0  }
0xaa: {  	s16 =	simm.s32 $0x1;
	s12 =	sadd.s32 s12, s9;
	p1 =	por !p1, !p1;
	v5 =	vsel vm0, $0xFFFFFFFF, v5  }
0xab: {  	s12 =	sshrl.u32 s12, $0x4;
	s16 =	simm.s32 @!p1 $0x0;
	[tilespmem:$0x1FFE0] =	vst v5;
	v5 =	vsel vm0, $0x1, v1  }
0xac: {  	s16 =	ssub.s32 s12, s16;
	v5 =	vadd.s32 v5, v51  }
0xad: {  	s15 =	sshll.u32 s16, $0x4;
	[tilespmem:s26+$0x1080] =	vst v5  }
0xae: {  	s26 =	ssub.s32 s9, s15;
	v52 =	vld [tilespmem:s15+$0x1080]  }
0xaf: {  	v5 =	vmov s26  }
0xb0: {  	vm0 =	veq.s32 v5, v0;
	v5 =	vimm.s32 $0x0  }
0xb1: {  	v5 =	vsel vm0, $0xFFFFFFFF, v5  }
0xb2: {  	[tilespmem:$0x1FFF0] =	vst v5;
	v5 =	vsel vm0, $0x1, v1  }
0xb3: {  	v5 =	vadd.s32 v5, v52  }
0xb4: {  	[tilespmem:s15+$0x1080] =	vst v5;
	v5 =	vxor.u32 $0x80000000, v6;
	v6 =	vld [tilespmem:$0x1FF90]  }
0xb5: {  	s14 =	spop (v2sf)  }
0xb6: {  	s17 =	spop (v2sf)  }
0xb7: {  	s12 =	spop (v2sf)  }
0xb8: {  	s18 =	sand.u32 $0xF, s12  }
0xb9: {  	s21 =	sshra.s32 s12, $0x1F;
	p3 =	slt.s32 s12, $0x1;
	p4 =	sne.s32 s18, $0x0;
	vm0 =	vnez.u8 v6  }
0xba: {  	s16 =	sshrl.u32 s21, $0x1C;
	p1 =	por !p3, !p4;
	v5 =	vnsel vm0, $0x7FFFFFFF, v5  }
0xbb: {  	s19 =	simm.s32 $0x1;
	s16 =	sadd.s32 s16, s12;
	p1 =	por !p1, !p1;
	(xrf0) =	vmax.scan.msk.u32 $0xffff, v5;
	v5 =	vxor.u32 $0x80000000, v7;
	v7 =	vld [tilespmem:$0x1FFA0]  }
0xbc: {  	s16 =	sshrl.u32 s16, $0x4;
	s19 =	simm.s32 @!p1 $0x0  }
0xbd: {  	s18 =	spop (v2sf);
	s20 =	ssub.s32 s16, s19  }
0xbe: {  	s5 =	spop (v2sf);
	s10 =	sshll.u32 s20, $0x4  }
0xbf: {  	[tilespmem:$0x1FFB0] =	vst v15;
	s16 =	spop (v2sf);
	v6 =	vld [tilespmem:s10+$0x1080]  }
0xc0: {  	v54 =	vld [tilespmem:$0x1FFB0];
	s21 =	ssub.s32 s12, s10;
	s15 =	sand.u32 $0xF, s16;
	vm0 =	vnez.u8 v7  }
0xc1: {  	p5 =	slt.s32 s16, $0x1;
	s26 =	sshra.s32 s16, $0x1F;
	v53 =	vmov s21;
	p6 =	sne.s32 s15, $0x0;
	v7 =	vxor.u32 $0x80000000, v28;
	v5 =	vnsel vm0, $0x7FFFFFFF, v5  }
0xc2: {  	v57 =	vld [tilespmem:$0x1FFC0];
	[tilespmem:$0x1FFD0] =	vst v14;
	s26 =	sshrl.u32 s26, $0x1C;
	p1 =	por !p5, !p6;
	(xrf0) =	vmax.scan.msk.u32 $0xffff, v5;
	v5 =	vnsel vm15, $0x7FFFFFFF, v7;
	vm15 =	veq.s32 v53, v0  }
0xc3: {  	v58 =	vld [tilespmem:$0x1FFD0];
	s20 =	simm.s32 $0x1;
	s26 =	sadd.s32 s26, s16;
	p1 =	por !p1, !p1;
	v7 =	vsel vm15, $0x1, v1  }
0xc4: {  	v61 =	vld [tilespmem:$0x1FFE0];
	s26 =	sshrl.u32 s26, $0x4;
	s20 =	simm.s32 @!p1 $0x0;
	(xrf0) =	vmax.scan.msk.u32 $0xffff, v5;
	v7 =	vadd.s32 v7, v6  }
0xc5: {  	v55 =	vxor.u32 $0x80000000, v12;
	v62 =	vld [tilespmem:$0x1FFF0];
	s20 =	ssub.s32 s26, s20;
	vm0 =	vnez.u8 v54;
	v5 =	vxor.u32 $0x80000000, v36  }
0xc6: {  	v56 =	vxor.u32 $0x80000000, v11;
	v59 =	vxor.u32 $0x80000000, v51;
	s4 =	sshll.u32 s20, $0x4;
	v5 =	vnsel vm0, $0x7FFFFFFF, v5;
	[tilespmem:s10+$0x1080] =	vst v7  }
0xc7: {  	v60 =	vxor.u32 $0x80000000, v52;
	vm0 =	vnez.u8 v57;
	v6 =	vxor.u32 $0x80000000, v6;
	(xrf0) =	vmax.scan.msk.u32 $0xffff, v5;
	v5 =	vld [tilespmem:s4+$0x1080];
	v7, _, _ =	vpop (xrf0)  }
0xc8: {  	v8 =	vnsel vm0, $0x7FFFFFFF, v55;
	vm0 =	vnez.u8 v58;
	(v2sf) =	vpush v7, $0xF  }
0xc9: {  	v10 =	vnsel vm0, $0x7FFFFFFF, v56;
	(xrf0) =	vmax.scan.msk.u32 $0xffff, v8;
	vm0 =	vnez.u8 v61;
	v7, _, _ =	vpop (xrf0);
	(v2sf) =	vpush v35, $0xF  }
0xca: {  	s20 =	ssub.s32 s16, s4;
	v8 =	vnsel vm0, $0x7FFFFFFF, v59;
	vm0 =	vnez.u8 v62;
	(xrf0) =	vmax.scan.msk.u32 $0xffff, v10;
	(v2sf) =	vpush v7, $0xF;
	v7, _, _ =	vpop (xrf0)  }
0xcb: {  	v9 =	vnsel vm0, $0x7FFFFFFF, v60;
	(xrf0) =	vmax.scan.msk.u32 $0xffff, v8;
	(v2sf) =	vpush v7, $0xF;
	v7 =	vmov s20  }
0xcc: {  	v6 =	vnsel vm15, $0x7FFFFFFF, v6;
	(xrf0) =	vmax.scan.msk.u32 $0xffff, v9;
	vm15 =	veq.s32 v7, v0;
	v7 =	vxor.u32 $0x80000000, v5  }
0xcd: {  	(xrf0) =	vmax.scan.msk.u32 $0xffff, v6;
	v6 =	vnsel vm15, $0x7FFFFFFF, v7;
	_ =	sdelay $0x1  }
0xce: {  	v63, _, _ =	vpop (xrf0);
	(xrf0) =	vmax.scan.msk.u32 $0xffff, v6  }
0xcf: {  	(v2sf) =	vpush v63, $0xF;
	v6, _, _ =	vpop (xrf0)  }
0xd0: {  	v7, _, _ =	vpop (xrf0);
	(v2sf) =	vpush v6, $0xF  }
0xd1: {  	v6, _, _ =	vpop (xrf0);
	(v2sf) =	vpush v7, $0xF  }
0xd2: {  	v7, _, _ =	vpop (xrf0);
	(v2sf) =	vpush v6, $0xF  }
0xd3: {  	v6, _, _ =	vpop (xrf0);
	(v2sf) =	vpush v7, $0xF  }
0xd4: {  	(v2sf) =	vpush v6, $0xF;
	v6, _, _ =	vpop (xrf0)  }
0xd5: {  	s23 =	sshll.u32 s23, $0x8;
	s24 =	sshll.u32 s24, $0x8;
	(v2sf) =	vpush v6, $0xF  }
0xd6: {  	s25 =	sshll.u32 s25, $0x8;
	s28 =	sshll.u32 s28, $0x8;
	s29 =	sshll.u32 s29, $0x8  }
0xd7: {  	s30 =	sshll.u32 s30, $0x8;
	s0 =	sshll.u32 s0, $0x8;
	s1 =	sshll.u32 s1, $0x8  }
0xd8: {  	s2 =	sshll.u32 s2, $0x8;
	s13 =	sxor.u32 $0x80000000, s13;
	s17 =	sxor.u32 $0x80000000, s17  }
0xd9: {  	s14 =	sxor.u32 $0x80000000, s14;
	p2 =	slt.s32 s17, $0x100;
	s17 =	sadd.s32 s29, s17  }
0xda: {  	s25 =	sadd.s32 s25, s14;
	s17 =	simm.s32 @!p2 $0x4000;
	s26 =	spop (v2sf)  }
0xdb: {  	p3 =	slt.s32 s14, $0x100;
	s18 =	sxor.u32 $0x80000000, s18;
	s10 =	spop (v2sf)  }
0xdc: {  	p4 =	slt.s32 s18, $0x100;
	s14 =	sadd.s32 s30, s18;
	s15 =	spop (v2sf)  }
0xdd: {  	p1 =	slt.s32 s13, $0x100;
	s13 =	sadd.s32 s28, s13;
	s28 =	spop (v2sf)  }
0xde: {  	s5 =	sxor.u32 $0x80000000, s5;
	s25 =	simm.s32 @!p3 $0x4000;
	s29 =	spop (v2sf)  }
0xdf: {  	s18 =	sadd.s32 s24, s5;
	s14 =	simm.s32 @!p4 $0x4000;
	s19 =	spop (v2sf)  }
0xe0: {  	s12 =	sshll.u32 s12, $0x8;
	p5 =	slt.s32 s5, $0x100;
	s30 =	spop (v2sf)  }
0xe1: {  	s18 =	simm.s32 @!p5 $0x4000;
	s13 =	simm.s32 @!p1 $0x4000;
	s24 =	spop (v2sf)  }
0xe2: {  	s16 =	sshll.u32 s16, $0x8;
	s20 =	sxor.u32 $0x80000000, s26;
	s21 =	spop (v2sf)  }
0xe3: {  	p6 =	slt.s32 s20, $0x100;
	s10 =	sxor.u32 $0x80000000, s10;
	s26 =	spop (v2sf)  }
0xe4: {  	s20 =	sadd.s32 s0, s20;
	p0 =	slt.s32 s10, $0x100;
	s5 =	spop (v2sf)  }
0xe5: {  	s0 =	sadd.s32 s23, s10;
	s20 =	simm.s32 @!p6 $0x4000;
	s5 =	sxor.u32 $0x80000000, s5  }
0xe6: {  	s15 =	sxor.u32 $0x80000000, s15;
	p1 =	slt.s32 s5, $0x100;
	s5 =	sadd.s32 s16, s5  }
0xe7: {  	s23 =	sshll.u32 s31, $0x8;
	s0 =	simm.s32 @!p0 $0x4000;
	s5 =	simm.s32 @!p1 $0x4000  }
0xe8: {  	vm0 =	vcmask $0x300;
	p0 =	slt.s32 s15, $0x100;
	s15 =	sadd.s32 s23, s15;
	s31 =	sxor.u32 $0x80000000, s28;
	v6 =	vmov s5  }
0xe9: {  	s23 =	sshll.u32 s7, $0x8;
	s28 =	sshll.u32 s8, $0x8;
	s15 =	simm.s32 @!p0 $0x4000;
	v6 =	vsel vm0, s0, v6  }
0xea: {  	p0 =	slt.s32 s31, $0x100;
	s1 =	sadd.s32 s1, s31;
	s10 =	sxor.u32 $0x80000000, s29;
	v6 =	vsel vm1, s18, v6  }
0xeb: {  	s1 =	simm.s32 @!p0 $0x4000;
	p0 =	slt.s32 s10, $0x100;
	s2 =	sadd.s32 s2, s10;
	v6 =	vsel vm2, s25, v6  }
0xec: {  	s2 =	simm.s32 @!p0 $0x4000;
	s29 =	sxor.u32 $0x80000000, s21;
	s31 =	sxor.u32 $0x80000000, s26;
	v6 =	vsel vm3, s13, v6  }
0xed: {  	s16 =	sxor.u32 $0x80000000, s19;
	s19 =	sxor.u32 $0x80000000, s30;
	s30 =	sshll.u32 s9, $0x8;
	v6 =	vsel vm4, s17, v6  }
0xee: {  	s9 =	sadd.s32 s12, s31;
	p0 =	slt.s32 s16, $0x100;
	s7 =	sadd.s32 s23, s19;
	v6 =	vsel vm5, s14, v6  }
0xef: {  	p1 =	slt.s32 s31, $0x100;
	s23 =	simm.s32 $0x80;
	s18 =	sshll.u32 s6, $0x8;
	v6 =	vsel vm6, s20, v6  }
0xf0: {  	s9 =	simm.s32 @!p1 $0x4000;
	s6 =	sadd.s32 s30, s29;
	s5 =	sadd.s32 s18, s16;
	v6 =	vsel vm7, s15, v6  }
0xf1: {  	s25 =	sxor.u32 $0x80000000, s24;
	s5 =	simm.s32 @!p0 $0x4000;
	p0 =	slt.s32 s19, $0x100;
	v6 =	vsel vm8, s1, v6  }
0xf2: {  	v7 =	vsel vm15, $0x1, v1;
	s0 =	sadd.s32 s28, s25;
	s7 =	simm.s32 @!p0 $0x4000;
	p0 =	slt.s32 s25, $0x100;
	v6 =	vsel vm9, s2, v6  }
0xf3: {  	v5 =	vadd.s32 v7, v5;
	s24 =	simm.s32 $0x0;
	s0 =	simm.s32 @!p0 $0x4000;
	p0 =	slt.s32 s29, $0x100;
	v6 =	vsel vm10, s5, v6  }
0xf4: {  	[tilespmem:s4+$0x1080] =	vst v5;
	s25 =	simm.s32 $0x0;
	s6 =	simm.s32 @!p0 $0x4000;
	s1 =	sand.u32 $0x30, s22;
	v5 =	vsel vm11, s7, v6  }
.LBB2_6:
0xf5: {  	v5 =	vsel vm12, s0, v5;
	s0 =	sand.u32 $0x200, s22  }
0xf6: {  	s24 =	sadd.s32 $0x10, s24;
	s25 =	sadd.s32 $0x10, s25;
	s22 =	smov.u32 s23  }
0xf7: {  	p1 =	sne.s32 s23, $0x380;
	s23 =	sadd.s32 $0x80, s23;
	v5 =	vsel vm13, s6, v5;
	s0 =	sshrl.u32 s0, $0x2  }
0xf8: {  	v5 =	vsel vm14, s9, v5;
	s0 =	sor.u32 s1, s0  }
0xf9: {  	[tilespmem:s0+$0x1100] =	vst v5  }
0xfa: {  	v5 =	vld [tilespmem:s24+$0x0];
	_ =	sdelay $0x4  }
0xfb: {  	(v2sf) =	vpush v5, $0x0;
	_ =	sdelay $0x1  }
0xfc: {  	(v2sf) =	vpush v5, $0x1;
	_ =	sdelay $0x6  }
0xfd: {  	(v2sf) =	vpush v5, $0x2  }
0xfe: {  	(v2sf) =	vpush v5, $0x3;
	_ =	sdelay $0x4  }
0xff: {  	s0 =	spop (v2sf)  }
0x100: {  	s5 =	simm.s32 $0x1;
	s9 =	simm.s32 $0x1;
	s1 =	sshra.s32 s0, $0x1F  }
0x101: {  	p0 =	slt.s32 s0, $0x1;
	s2 =	sand.u32 $0xF, s0;
	(v2sf) =	vpush v5, $0x4;
	s1 =	sshrl.u32 s1, $0x1C  }
0x102: {  	p2 =	sne.s32 s2, $0x0;
	s29 =	spop (v2sf);
	s1 =	sadd.s32 s1, s0  }
0x103: {  	p0 =	por !p0, !p2;
	s2 =	sand.u32 $0xF, s29;
	s1 =	sshrl.u32 s1, $0x4  }
0x104: {  	p0 =	por !p0, !p0;
	p2 =	sne.s32 s2, $0x0;
	s2 =	simm.s32 $0x1  }
0x105: {  	s4 =	sshra.s32 s29, $0x1F;
	s2 =	simm.s32 @!p0 $0x0;
	p0 =	slt.s32 s29, $0x1;
	(v2sf) =	vpush v5, $0x5  }
0x106: {  	s1 =	ssub.s32 s1, s2;
	s2 =	sshrl.u32 s4, $0x1C;
	p0 =	por !p0, !p2  }
0x107: {  	s1 =	sshll.u32 s1, $0x4;
	s2 =	sadd.s32 s2, s29;
	p0 =	por !p0, !p0  }
0x108: {  	v6 =	vld [tilespmem:s1+$0x1080];
	s4 =	ssub.s32 s0, s1;
	s2 =	sshrl.u32 s2, $0x4;
	s5 =	simm.s32 @!p0 $0x0  }
0x109: {  	s28 =	sshll.u32 s0, $0x8;
	v7 =	vmov s4;
	s0 =	ssub.s32 s2, s5;
	s8 =	spop (v2sf)  }
0x10a: {  	vm15 =	veq.s32 v7, v0;
	s2 =	sshra.s32 s8, $0x1F;
	s4 =	sand.u32 $0xF, s8;
	s6 =	spop (v2sf);
	(v2sf) =	vpush v5, $0x6  }
0x10b: {  	p0 =	slt.s32 s8, $0x1;
	p2 =	sne.s32 s4, $0x0;
	s4 =	sand.u32 $0xF, s6  }
0x10c: {  	v7 =	vsel vm15, $0x1, v1;
	s2 =	sshrl.u32 s2, $0x1C;
	s5 =	sshra.s32 s6, $0x1F;
	p0 =	por !p0, !p2  }
0x10d: {  	p2 =	slt.s32 s6, $0x1;
	p3 =	sne.s32 s4, $0x0;
	v8 =	vxor.u32 $0x80000000, v6;
	v6 =	vadd.s32 v7, v6;
	p0 =	por !p0, !p0  }
0x10e: {  	s0 =	sshll.u32 s0, $0x4;
	s4 =	sshrl.u32 s5, $0x1C;
	[tilespmem:s1+$0x1080] =	vst v6;
	s1 =	simm.s32 $0x1  }
0x10f: {  	s5 =	ssub.s32 s29, s0;
	s2 =	sadd.s32 s2, s8;
	v7 =	vnsel vm15, $0x7FFFFFFF, v8;
	s1 =	simm.s32 @!p0 $0x0  }
0x110: {  	s4 =	sadd.s32 s4, s6;
	s2 =	sshrl.u32 s2, $0x4;
	p0 =	por !p2, !p3;
	v6 =	vld [tilespmem:s0+$0x1080];
	(xrf0) =	vmax.scan.msk.u32 $0xffff, v7;
	(v2sf) =	vpush v5, $0x7  }
0x111: {  	v7 =	vmov s5;
	p0 =	por !p0, !p0;
	s5 =	simm.s32 $0x1;
	s7 =	spop (v2sf)  }
0x112: {  	s4 =	sshrl.u32 s4, $0x4;
	s1 =	ssub.s32 s2, s1;
	vm15 =	veq.s32 v7, v0;
	s5 =	simm.s32 @!p0 $0x0  }
0x113: {  	s2 =	ssub.s32 s4, s5;
	s4 =	sand.u32 $0xF, s7;
	s5 =	sshra.s32 s7, $0x1F  }
0x114: {  	v7 =	vsel vm15, $0x1, v1;
	p0 =	slt.s32 s7, $0x1;
	p2 =	sne.s32 s4, $0x0;
	s4 =	sshrl.u32 s5, $0x1C;
	(v2sf) =	vpush v5, $0x8  }
0x115: {  	s5 =	simm.s32 $0x1;
	p0 =	por !p0, !p2;
	v8 =	vxor.u32 $0x80000000, v6;
	v9 =	vadd.s32 v7, v6;
	s14 =	spop (v2sf)  }
0x116: {  	p0 =	por !p0, !p0;
	v7 =	vnsel vm15, $0x7FFFFFFF, v8;
	[tilespmem:s0+$0x1080] =	vst v9;
	s0 =	sshll.u32 s1, $0x4;
	s1 =	sadd.s32 s4, s7;
	v6, _, _ =	vpop (xrf0)  }
0x117: {  	s5 =	simm.s32 @!p0 $0x0;
	v8 =	vld [tilespmem:s0+$0x1080];
	s4 =	ssub.s32 s8, s0;
	s1 =	sshrl.u32 s1, $0x4;
	(xrf0) =	vmax.scan.msk.u32 $0xffff, v7  }
0x118: {  	v7 =	vmov s4;
	s1 =	ssub.s32 s1, s5;
	s4 =	sshra.s32 s14, $0x1F;
	s5 =	sand.u32 $0xF, s14;
	(v2sf) =	vpush v5, $0x9  }
0x119: {  	p0 =	slt.s32 s14, $0x1;
	vm15 =	veq.s32 v7, v0;
	s4 =	sshrl.u32 s4, $0x1C;
	p2 =	sne.s32 s5, $0x0  }
0x11a: {  	s4 =	sadd.s32 s4, s14;
	p0 =	por !p0, !p2;
	s13 =	spop (v2sf)  }
0x11b: {  	v11 =	vsel vm15, $0x1, v1;
	p0 =	por !p0, !p0;
	p2 =	slt.s32 s13, $0x1;
	s5 =	sand.u32 $0xF, s13  }
0x11c: {  	s4 =	sshrl.u32 s4, $0x4;
	v9 =	vxor.u32 $0x80000000, v8;
	v10 =	vadd.s32 v11, v8;
	s9 =	simm.s32 @!p0 $0x0;
	p0 =	sne.s32 s5, $0x0  }
0x11d: {  	s5 =	sshll.u32 s2, $0x4;
	[tilespmem:s0+$0x1080] =	vst v10;
	s0 =	ssub.s32 s4, s9  }
0x11e: {  	v8 =	vnsel vm15, $0x7FFFFFFF, v9;
	p0 =	por !p2, !p0;
	v7, _, _ =	vpop (xrf0);
	s2 =	ssub.s32 s6, s5;
	s4 =	sshra.s32 s13, $0x1F  }
0x11f: {  	v9 =	vld [tilespmem:s5+$0x1080];
	p0 =	por !p0, !p0;
	(xrf0) =	vmax.scan.msk.u32 $0xffff, v8;
	(v2sf) =	vpush v5, $0xA;
	v8 =	vmov s2;
	s2 =	sshrl.u32 s4, $0x1C;
	s4 =	simm.s32 $0x1  }
0x120: {  	s4 =	simm.s32 @!p0 $0x0;
	s18 =	spop (v2sf)  }
0x121: {  	vm15 =	veq.s32 v8, v0;
	s2 =	sadd.s32 s2, s13;
	s9 =	sshra.s32 s18, $0x1F;
	s12 =	sand.u32 $0xF, s18  }
0x122: {  	s2 =	sshrl.u32 s2, $0x4;
	p0 =	slt.s32 s18, $0x1;
	p2 =	sne.s32 s12, $0x0;
	(v2sf) =	vpush v5, $0xB  }
0x123: {  	v12 =	vsel vm15, $0x1, v1;
	s16 =	ssub.s32 s2, s4;
	s2 =	sshrl.u32 s9, $0x1C;
	p0 =	por !p0, !p2  }
0x124: {  	s4 =	sadd.s32 s2, s18;
	v10 =	vxor.u32 $0x80000000, v9;
	v11 =	vadd.s32 v12, v9;
	p0 =	por !p0, !p0;
	s2 =	spop (v2sf)  }
0x125: {  	s1 =	sshll.u32 s1, $0x4;
	s15 =	sshll.u32 s0, $0x4;
	[tilespmem:s5+$0x1080] =	vst v11;
	s5 =	simm.s32 $0x1  }
0x126: {  	s9 =	ssub.s32 s7, s1;
	s4 =	sshrl.u32 s4, $0x4;
	v9 =	vnsel vm15, $0x7FFFFFFF, v10;
	v8, _, _ =	vpop (xrf0);
	s5 =	simm.s32 @!p0 $0x0  }
0x127: {  	v10 =	vld [tilespmem:s1+$0x1080];
	s4 =	ssub.s32 s4, s5;
	s5 =	sand.u32 $0xF, s2;
	(xrf0) =	vmax.scan.msk.u32 $0xffff, v9;
	(v2sf) =	vpush v5, $0xC;
	v9 =	vmov s9;
	s9 =	sshra.s32 s2, $0x1F  }
0x128: {  	p0 =	slt.s32 s2, $0x1;
	p2 =	sne.s32 s5, $0x0;
	s5 =	sshrl.u32 s9, $0x1C  }
0x129: {  	vm15 =	veq.s32 v9, v0;
	s9 =	simm.s32 $0x1;
	p0 =	por !p0, !p2;
	s31 =	spop (v2sf)  }
0x12a: {  	s5 =	sadd.s32 s5, s2;
	p0 =	por !p0, !p0;
	p2 =	slt.s32 s31, $0x1  }
0x12b: {  	v13 =	vsel vm15, $0x1, v1;
	s5 =	sshrl.u32 s5, $0x4;
	s12 =	sand.u32 $0xF, s31;
	s9 =	simm.s32 @!p0 $0x0  }
0x12c: {  	p0 =	sne.s32 s12, $0x0;
	v11 =	vxor.u32 $0x80000000, v10;
	v12 =	vadd.s32 v13, v10;
	s9 =	ssub.s32 s5, s9;
	s5 =	sshra.s32 s31, $0x1F  }
0x12d: {  	p0 =	por !p2, !p0;
	v10 =	vnsel vm15, $0x7FFFFFFF, v11;
	[tilespmem:s1+$0x1080] =	vst v12;
	s0 =	sshrl.u32 s5, $0x1C;
	v9, _, _ =	vpop (xrf0);
	s1 =	ssub.s32 s14, s15  }
0x12e: {  	p0 =	por !p0, !p0;
	s5 =	simm.s32 $0x1;
	v11 =	vld [tilespmem:s15+$0x1080];
	s0 =	sadd.s32 s0, s31;
	(v2sf) =	vpush v9, $0xF;
	(xrf0) =	vmax.scan.msk.u32 $0xffff, v10  }
0x12f: {  	v9 =	vmov s1;
	s5 =	simm.s32 @!p0 $0x0;
	s0 =	sshrl.u32 s0, $0x4;
	s1 =	spop (v2sf);
	(v2sf) =	vpush v5, $0xD  }
0x130: {  	vm15 =	veq.s32 v9, v0;
	s12 =	ssub.s32 s0, s5;
	s0 =	sshra.s32 s1, $0x1F;
	s5 =	sand.u32 $0xF, s1  }
0x131: {  	p0 =	slt.s32 s1, $0x1;
	s0 =	sshrl.u32 s0, $0x1C;
	p2 =	sne.s32 s5, $0x0;
	(v2sf) =	vpush v8, $0xF  }
0x132: {  	v12 =	vsel vm15, $0x1, v1;
	s5 =	sadd.s32 s0, s1;
	p0 =	por !p0, !p2;
	s0 =	spop (v2sf)  }
0x133: {  	v9 =	vxor.u32 $0x80000000, v11;
	v10 =	vadd.s32 v12, v11;
	s5 =	sshrl.u32 s5, $0x4;
	p0 =	por !p0, !p0;
	s17 =	sand.u32 $0xF, s0  }
0x134: {  	p2 =	slt.s32 s0, $0x1;
	[tilespmem:s15+$0x1080] =	vst v10;
	s15 =	sshll.u32 s16, $0x4;
	s16 =	simm.s32 $0x1  }
0x135: {  	v9 =	vnsel vm15, $0x7FFFFFFF, v9;
	v8, _, _ =	vpop (xrf0);
	s16 =	simm.s32 @!p0 $0x0;
	p0 =	sne.s32 s17, $0x0;
	s17 =	ssub.s32 s13, s15  }
0x136: {  	v10 =	vld [tilespmem:s15+$0x1080];
	s26 =	ssub.s32 s5, s16;
	(v2sf) =	vpush v8, $0xF;
	(xrf0) =	vmax.scan.msk.u32 $0xffff, v9;
	s5 =	sshra.s32 s0, $0x1F;
	p0 =	por !p2, !p0  }
0x137: {  	v8 =	vmov s17;
	s17 =	simm.s32 $0x1;
	s16 =	spop (v2sf);
	s5 =	sshrl.u32 s5, $0x1C  }
0x138: {  	vm15 =	veq.s32 v8, v0;
	p0 =	por !p0, !p0;
	p2 =	slt.s32 s16, $0x1;
	s5 =	sadd.s32 s5, s0  }
0x139: {  	s17 =	simm.s32 @!p0 $0x0;
	s19 =	sand.u32 $0xF, s16;
	s20 =	sshra.s32 s16, $0x1F;
	(v2sf) =	vpush v5, $0xE  }
0x13a: {  	v11 =	vsel vm15, $0x1, v1;
	s5 =	sshrl.u32 s5, $0x4;
	p0 =	sne.s32 s19, $0x0;
	s19 =	simm.s32 $0x1  }
0x13b: {  	s17 =	ssub.s32 s5, s17;
	s5 =	sshrl.u32 s20, $0x1C;
	p0 =	por !p2, !p0;
	v9 =	vxor.u32 $0x80000000, v10;
	v10 =	vadd.s32 v11, v10  }
0x13c: {  	p0 =	por !p0, !p0;
	v9 =	vnsel vm15, $0x7FFFFFFF, v9;
	[tilespmem:s15+$0x1080] =	vst v10;
	s15 =	sshll.u32 s4, $0x4;
	s4 =	sadd.s32 s5, s16;
	v8, _, _ =	vpop (xrf0)  }
0x13d: {  	s19 =	simm.s32 @!p0 $0x0;
	v10 =	vld [tilespmem:s15+$0x1080];
	s5 =	ssub.s32 s18, s15;
	s4 =	sshrl.u32 s4, $0x4;
	(v2sf) =	vpush v8, $0xF;
	(xrf0) =	vmax.scan.msk.u32 $0xffff, v9  }
0x13e: {  	s8 =	sshll.u32 s8, $0x8;
	v8 =	vmov s5;
	s4 =	ssub.s32 s4, s19;
	s5 =	spop (v2sf)  }
0x13f: {  	s19 =	sshll.u32 s6, $0x8;
	s5 =	sxor.u32 $0x80000000, s5;
	vm15 =	veq.s32 v8, v0;
	s6 =	spop (v2sf)  }
0x140: {  	p0 =	slt.s32 s5, $0x100;
	s30 =	sadd.s32 s19, s5;
	s5 =	sshra.s32 s6, $0x1F;
	(v2sf) =	vpush v7, $0xF  }
0x141: {  	v9 =	vsel vm15, $0x1, v1;
	s19 =	sand.u32 $0xF, s6;
	s30 =	simm.s32 @!p0 $0x4000;
	s20 =	spop (v2sf);
	(v2sf) =	vpush v5, $0xF  }
0x142: {  	s5 =	sshrl.u32 s5, $0x1C;
	p0 =	slt.s32 s6, $0x1;
	p2 =	sne.s32 s19, $0x0;
	v5 =	vxor.u32 $0x80000000, v10;
	v8 =	vadd.s32 v9, v10  }
0x143: {  	s7 =	sshll.u32 s7, $0x8;
	[tilespmem:s15+$0x1080] =	vst v8;
	s15 =	sshll.u32 s9, $0x4  }
0x144: {  	s5 =	sadd.s32 s5, s6;
	p0 =	por !p0, !p2;
	v5 =	vnsel vm15, $0x7FFFFFFF, v5;
	v7, _, _ =	vpop (xrf0);
	s9 =	ssub.s32 s2, s15  }
0x145: {  	s5 =	sshrl.u32 s5, $0x4;
	p0 =	por !p0, !p0;
	v8 =	vld [tilespmem:s15+$0x1080];
	(v2sf) =	vpush v7, $0xF;
	(xrf0) =	vmax.scan.msk.u32 $0xffff, v5;
	v5 =	vmov s9;
	s9 =	simm.s32 $0x1  }
0x146: {  	s20 =	sxor.u32 $0x80000000, s20;
	s19 =	spop (v2sf);
	s9 =	simm.s32 @!p0 $0x0  }
0x147: {  	s8 =	sadd.s32 s8, s20;
	s21 =	sxor.u32 $0x80000000, s19;
	vm15 =	veq.s32 v5, v0;
	s19 =	ssub.s32 s5, s9  }
0x148: {  	p0 =	slt.s32 s20, $0x100;
	p2 =	slt.s32 s21, $0x100;
	s7 =	sadd.s32 s7, s21  }
0x149: {  	v9 =	vsel vm15, $0x1, v1;
	s8 =	simm.s32 @!p0 $0x4000;
	s7 =	simm.s32 @!p2 $0x4000;
	(v2sf) =	vpush v6, $0xF;
	s9 =	spop (v2sf)  }
0x14a: {  	v6 =	vxor.u32 $0x80000000, v8;
	v7 =	vadd.s32 v9, v8;
	s5 =	sshra.s32 s9, $0x1F;
	s20 =	sand.u32 $0xF, s9;
	p0 =	slt.s32 s9, $0x1  }
0x14b: {  	v6 =	vnsel vm15, $0x7FFFFFFF, v6;
	[tilespmem:s15+$0x1080] =	vst v7;
	s15 =	sshll.u32 s12, $0x4;
	p2 =	sne.s32 s20, $0x0;
	v5, _, _ =	vpop (xrf0);
	s5 =	sshrl.u32 s5, $0x1C  }
0x14c: {  	s20 =	simm.s32 $0x1;
	v7 =	vld [tilespmem:s15+$0x1080];
	s12 =	ssub.s32 s31, s15;
	p0 =	por !p0, !p2;
	(v2sf) =	vpush v5, $0xF;
	(xrf0) =	vmax.scan.msk.u32 $0xffff, v6  }
0x14d: {  	s5 =	sadd.s32 s5, s9;
	v5 =	vmov s12;
	p0 =	por !p0, !p0;
	s12 =	spop (v2sf)  }
0x14e: {  	s14 =	sshll.u32 s14, $0x8;
	s12 =	sxor.u32 $0x80000000, s12;
	vm15 =	veq.s32 v5, v0;
	s20 =	simm.s32 @!p0 $0x0  }
0x14f: {  	s5 =	sshrl.u32 s5, $0x4;
	p0 =	slt.s32 s12, $0x100;
	s14 =	sadd.s32 s14, s12  }
0x150: {  	v8 =	vsel vm15, $0x1, v1;
	s20 =	ssub.s32 s5, s20;
	s14 =	simm.s32 @!p0 $0x4000;
	s5 =	spop (v2sf)  }
0x151: {  	s21 =	sshll.u32 s29, $0x8;
	s5 =	sxor.u32 $0x80000000, s5;
	v6 =	vxor.u32 $0x80000000, v7;
	v7 =	vadd.s32 v8, v7;
	s12 =	spop (v2sf)  }
0x152: {  	p2 =	slt.s32 s5, $0x100;
	[tilespmem:s15+$0x1080] =	vst v7;
	s15 =	sshll.u32 s26, $0x4  }
0x153: {  	v6 =	vnsel vm15, $0x7FFFFFFF, v6;
	p3 =	slt.s32 s12, $0x1;
	v5, _, _ =	vpop (xrf0);
	s29 =	sadd.s32 s21, s5;
	s21 =	sand.u32 $0xF, s12  }
0x154: {  	v7 =	vld [tilespmem:s15+$0x1080];
	s5 =	ssub.s32 s1, s15;
	(v2sf) =	vpush v5, $0xF;
	(xrf0) =	vmax.scan.msk.u32 $0xffff, v6;
	p0 =	sne.s32 s21, $0x0  }
0x155: {  	v5 =	vmov s5;
	s5 =	sshra.s32 s12, $0x1F;
	s21 =	spop (v2sf);
	p0 =	por !p3, !p0  }
0x156: {  	s13 =	sshll.u32 s13, $0x8;
	s21 =	sxor.u32 $0x80000000, s21;
	p0 =	por !p0, !p0  }
0x157: {  	vm15 =	veq.s32 v5, v0;
	p3 =	slt.s32 s21, $0x100;
	s13 =	sadd.s32 s13, s21;
	s21 =	simm.s32 $0x1  }
0x158: {  	s5 =	sshrl.u32 s5, $0x1C;
	v8 =	vsel vm15, $0x1, v1;
	s13 =	simm.s32 @!p3 $0x4000;
	s21 =	simm.s32 @!p0 $0x0  }
0x159: {  	s29 =	simm.s32 @!p2 $0x4000;
	s5 =	sadd.s32 s5, s12;
	v6 =	vxor.u32 $0x80000000, v7;
	v7 =	vadd.s32 v8, v7;
	s26 =	spop (v2sf)  }
0x15a: {  	s5 =	sshrl.u32 s5, $0x4;
	s26 =	sxor.u32 $0x80000000, s26;
	v6 =	vnsel vm15, $0x7FFFFFFF, v6;
	[tilespmem:s15+$0x1080] =	vst v7;
	s15 =	sshll.u32 s17, $0x4;
	v5, _, _ =	vpop (xrf0)  }
0x15b: {  	s17 =	ssub.s32 s5, s21;
	p0 =	slt.s32 s26, $0x100;
	v7 =	vld [tilespmem:s15+$0x1080];
	s10 =	ssub.s32 s0, s15;
	(v2sf) =	vpush v5, $0xF;
	(xrf0) =	vmax.scan.msk.u32 $0xffff, v6  }
0x15c: {  	s28 =	sadd.s32 s28, s26;
	v5 =	vmov s10;
	s5 =	spop (v2sf)  }
0x15d: {  	s28 =	simm.s32 @!p0 $0x4000;
	s10 =	sshll.u32 s18, $0x8;
	s5 =	sxor.u32 $0x80000000, s5;
	vm15 =	veq.s32 v5, v0  }
0x15e: {  	p0 =	slt.s32 s5, $0x100;
	s18 =	sadd.s32 s10, s5  }
0x15f: {  	v8 =	vsel vm15, $0x1, v1;
	s18 =	simm.s32 @!p0 $0x4000  }
0x160: {  	v6 =	vxor.u32 $0x80000000, v7;
	v7 =	vadd.s32 v8, v7  }
0x161: {  	s4 =	sshll.u32 s4, $0x4;
	v6 =	vnsel vm15, $0x7FFFFFFF, v6;
	[tilespmem:s15+$0x1080] =	vst v7;
	v5, _, _ =	vpop (xrf0)  }
0x162: {  	s5 =	ssub.s32 s16, s4;
	v7 =	vld [tilespmem:s4+$0x1080];
	(v2sf) =	vpush v5, $0xF;
	(xrf0) =	vmax.scan.msk.u32 $0xffff, v6  }
0x163: {  	v5 =	vmov s5;
	s5 =	spop (v2sf)  }
0x164: {  	s2 =	sshll.u32 s2, $0x8;
	vm15 =	veq.s32 v5, v0;
	s5 =	sxor.u32 $0x80000000, s5  }
0x165: {  	p0 =	slt.s32 s5, $0x100;
	s2 =	sadd.s32 s2, s5  }
0x166: {  	v8 =	vsel vm15, $0x1, v1;
	s2 =	simm.s32 @!p0 $0x4000  }
0x167: {  	v6 =	vxor.u32 $0x80000000, v7;
	v7 =	vadd.s32 v8, v7  }
0x168: {  	s5 =	sshll.u32 s19, $0x4;
	v6 =	vnsel vm15, $0x7FFFFFFF, v6;
	[tilespmem:s4+$0x1080] =	vst v7;
	v5, _, _ =	vpop (xrf0)  }
0x169: {  	s4 =	ssub.s32 s6, s5;
	v7 =	vld [tilespmem:s5+$0x1080];
	(v2sf) =	vpush v5, $0xF;
	(xrf0) =	vmax.scan.msk.u32 $0xffff, v6  }
0x16a: {  	v5 =	vmov s4;
	s4 =	spop (v2sf)  }
0x16b: {  	s10 =	sshll.u32 s31, $0x8;
	s4 =	sxor.u32 $0x80000000, s4  }
0x16c: {  	vm15 =	veq.s32 v5, v0;
	p0 =	slt.s32 s4, $0x100;
	s4 =	sadd.s32 s10, s4  }
0x16d: {  	v8 =	vsel vm15, $0x1, v1;
	s4 =	simm.s32 @!p0 $0x4000  }
0x16e: {  	v6 =	vxor.u32 $0x80000000, v7;
	v7 =	vadd.s32 v8, v7  }
0x16f: {  	v6 =	vnsel vm15, $0x7FFFFFFF, v6;
	[tilespmem:s5+$0x1080] =	vst v7;
	s5 =	sshll.u32 s20, $0x4;
	v5, _, _ =	vpop (xrf0)  }
0x170: {  	v7 =	vld [tilespmem:s5+$0x1080];
	s10 =	ssub.s32 s9, s5;
	(v2sf) =	vpush v5, $0xF;
	(xrf0) =	vmax.scan.msk.u32 $0xffff, v6  }
0x171: {  	v5 =	vmov s10;
	s10 =	spop (v2sf)  }
0x172: {  	s1 =	sshll.u32 s1, $0x8;
	s10 =	sxor.u32 $0x80000000, s10  }
0x173: {  	vm15 =	veq.s32 v5, v0;
	p0 =	slt.s32 s10, $0x100;
	s1 =	sadd.s32 s1, s10  }
0x174: {  	v8 =	vsel vm15, $0x1, v1;
	s1 =	simm.s32 @!p0 $0x4000  }
0x175: {  	v6 =	vxor.u32 $0x80000000, v7;
	v7 =	vadd.s32 v8, v7  }
0x176: {  	v6 =	vnsel vm15, $0x7FFFFFFF, v6;
	[tilespmem:s5+$0x1080] =	vst v7;
	s5 =	sshll.u32 s17, $0x4;
	v5, _, _ =	vpop (xrf0)  }
0x177: {  	v7 =	vld [tilespmem:s5+$0x1080];
	s10 =	ssub.s32 s12, s5;
	(v2sf) =	vpush v5, $0xF;
	(xrf0) =	vmax.scan.msk.u32 $0xffff, v6  }
0x178: {  	v5 =	vmov s10;
	s10 =	spop (v2sf)  }
0x179: {  	s0 =	sshll.u32 s0, $0x8;
	s10 =	sxor.u32 $0x80000000, s10  }
0x17a: {  	p0 =	slt.s32 s10, $0x100;
	s17 =	sadd.s32 s0, s10  }
0x17b: {  	s17 =	simm.s32 @!p0 $0x4000  }
0x17c: {  	vm15 =	veq.s32 v5, v0;
	v5 =	vxor.u32 $0x80000000, v7  }
0x17d: {  	v6 =	vsel vm15, $0x1, v1;
	v5 =	vnsel vm15, $0x7FFFFFFF, v5;
	v8, _, _ =	vpop (xrf0)  }
0x17e: {  	v6 =	vadd.s32 v6, v7;
	(v2sf) =	vpush v8, $0xF;
	(xrf0) =	vmax.scan.msk.u32 $0xffff, v5  }
0x17f: {  	[tilespmem:s5+$0x1080] =	vst v6;
	s0 =	spop (v2sf)  }
0x180: {  	s5 =	sshll.u32 s16, $0x8;
	s0 =	sxor.u32 $0x80000000, s0  }
0x181: {  	p0 =	slt.s32 s0, $0x100;
	s0 =	sadd.s32 s5, s0  }
0x182: {  	s0 =	simm.s32 @!p0 $0x4000;
	_ =	sdelay $0x1  }
0x183: {  	v5, _, _ =	vpop (xrf0)  }
0x184: {  	(v2sf) =	vpush v5, $0xF  }
0x185: {  	s5 =	spop (v2sf)  }
0x186: {  	s6 =	sshll.u32 s6, $0x8;
	s5 =	sxor.u32 $0x80000000, s5  }
0x187: {  	p0 =	slt.s32 s5, $0x100;
	s6 =	sadd.s32 s6, s5  }
0x188: {  	s6 =	simm.s32 @!p0 $0x4000;
	_ =	sdelay $0x3  }
0x189: {  	s5 =	spop (v2sf)  }
0x18a: {  	s9 =	sshll.u32 s9, $0x8;
	s5 =	sxor.u32 $0x80000000, s5  }
0x18b: {  	p0 =	slt.s32 s5, $0x100;
	s9 =	sadd.s32 s9, s5  }
0x18c: {  	s9 =	simm.s32 @!p0 $0x4000;
	_ =	sdelay $0x3  }
0x18d: {  	s5 =	spop (v2sf)  }
0x18e: {  	s10 =	sshll.u32 s12, $0x8;
	s5 =	sxor.u32 $0x80000000, s5  }
0x18f: {  	p0 =	slt.s32 s5, $0x100;
	s5 =	sadd.s32 s10, s5  }
0x190: {  	s5 =	simm.s32 @!p0 $0x4000  }
0x191: {  	v5 =	vmov s5  }
0x192: {  	v5 =	vsel vm0, s28, v5  }
0x193: {  	v5 =	vsel vm1, s29, v5  }
0x194: {  	v5 =	vsel vm2, s8, v5  }
0x195: {  	v5 =	vsel vm3, s30, v5  }
0x196: {  	v5 =	vsel vm4, s7, v5  }
0x197: {  	v5 =	vsel vm5, s14, v5  }
0x198: {  	v5 =	vsel vm6, s13, v5  }
.Ltmp3:
0x199: {  	v5 =	vsel vm7, s18, v5;
	(pc) =	sbr.rel @p1 .LBB2_6-.Ltmp3, $4  }
0x19a: {  	v5 =	vsel vm8, s2, v5  }
0x19b: {  	v5 =	vsel vm9, s4, v5  }
0x19c: {  	v5 =	vsel vm10, s1, v5  }
0x19d: {  	s1 =	sand.u32 $0x30, s25;
	v5 =	vsel vm11, s17, v5  }
0x19e: {  	v5 =	vsel vm12, s0, v5;
	s24 =	sand.u32 $0x200, s22  }
0x19f: {  	v5 =	vsel vm13, s6, v5;
	s0 =	sshrl.u32 s24, $0x2  }
0x1a0: {  	v5 =	vsel vm14, s9, v5;
	s0 =	sor.u32 s1, s0  }
0x1a1: {  	s25 =	rddreg [dreg:$0x9];
	s26 =	simm.s32 $0x1100;
	s5 =	simm.s32 $0x5;
	[tilespmem:s0+$0x1100] =	vst v5  }
0x1a2: {  	[hbm4b:s25+s3] =	stream.linear.scatter [tilespmem:s26], [sflag:$0x5], $0x100, $0x38;
	[tilespmem:$0x19200] =	vst v63  }
0x1a3: {  	_ =	swait.ge [sflag:s5], $0x100  }
0x1a4: {  	[sflag:s5] =	ssyncset.done $0x0  }
0x1a5: {  	s28 =	simm.s32 $0x1;
	[sflag:s5] =	ssyncadd.s32 $0xFFFFFF00  }
0x1a6: {  	_ =	swait.ge [sflag:s28], $0xC000  }
0x1a7: {  	[sflag:s28] =	ssyncset.done $0x0  }
0x1a8: {  	[sflag:s28] =	ssyncadd.s32 $0xFFFF4000  }
0x1a9: {  	v5 =	vld [tilespmem:$0x1100];
	_ =	sdelay $0x4  }
0x1aa: {  	v6 =	vshrl.u32 v5, $0x3  }
0x1ab: {  	v6 =	vmul.u32 $0x30, v6  }
0x1ac: {  	v5 =	vand.u32 $0x7, v5  }
0x1ad: {  	v5 =	vor.u32 v5, v6  }
0x1ae: {  	v6 =	vperm.xlane v5, v2;
	_ =	sdelay $0x1  }
0x1af: {  	v6 =	vadd.s32 v3, v6;
	_ =	sdelay $0x3  }
0x1b0: {  	vm15 =	vmmov $0xffff;
	s2 =	simm.s32 $0x1200;
	s0 =	rddreg [dreg:$0x5];
	v5 =	vperm.xlane v5, v4  }
0x1b1: {  	[hbm4b:s0+s3] =	stream.indirect_vreg.scatter [tilespmem:s2], [sflag:$0x3], $0x80, v6, vm15, $0xb8;
	[tilespmem:$0x19200] =	vst v63  }
0x1b2: {  	s4 =	simm.s32 $0x1A00;
	s1 =	rddreg [dreg:$0xa];
	v5 =	vadd.s32 v3, v5  }
0x1b3: {  	[hbm4b:s1+s3] =	stream.indirect_vreg.scatter [tilespmem:s4], [sflag:$0x3], $0x80, v6, vm15, $0xb8;
	[tilespmem:$0x19200] =	vst v63  }
0x1b4: {  	s29 =	simm.s32 $0x2200  }
0x1b5: {  	[hbm4b:s11+s3] =	stream.indirect_vreg.scatter [tilespmem:s29], [sflag:$0x3], $0x80, v6, vm15, $0xb8;
	[tilespmem:$0x19200] =	vst v63  }
0x1b6: {  	s30 =	simm.s32 $0x2A00  }
0x1b7: {  	[hbm4b:s0+s3] =	stream.indirect_vreg.scatter [tilespmem:s30], [sflag:$0x3], $0x80, v5, vm15, $0xb8;
	[tilespmem:$0x19200] =	vst v63  }
0x1b8: {  	s31 =	simm.s32 $0x3200  }
0x1b9: {  	[hbm4b:s1+s3] =	stream.indirect_vreg.scatter [tilespmem:s31], [sflag:$0x3], $0x80, v5, vm15, $0xb8;
	[tilespmem:$0x19200] =	vst v63  }
0x1ba: {  	s6 =	simm.s32 $0x3A00  }
0x1bb: {  	[hbm4b:s11+s3] =	stream.indirect_vreg.scatter [tilespmem:s6], [sflag:$0x3], $0x80, v5, vm15, $0xb8;
	[tilespmem:$0x19200] =	vst v63  }
0x1bc: {  	v5 =	vld [tilespmem:$0x1110];
	_ =	sdelay $0x4  }
0x1bd: {  	v6 =	vshrl.u32 v5, $0x3  }
0x1be: {  	v6 =	vmul.u32 $0x30, v6  }
0x1bf: {  	v5 =	vand.u32 $0x7, v5  }
0x1c0: {  	v5 =	vor.u32 v5, v6  }
0x1c1: {  	v6 =	vperm.xlane v5, v2;
	_ =	sdelay $0x1  }
0x1c2: {  	v6 =	vadd.s32 v3, v6;
	_ =	sdelay $0x3  }
0x1c3: {  	s7 =	simm.s32 $0x4200;
	v5 =	vperm.xlane v5, v4  }
0x1c4: {  	[hbm4b:s0+s3] =	stream.indirect_vreg.scatter [tilespmem:s7], [sflag:$0x3], $0x80, v6, vm15, $0xb8;
	[tilespmem:$0x19200] =	vst v63  }
0x1c5: {  	s8 =	simm.s32 $0x4A00;
	v5 =	vadd.s32 v3, v5  }
0x1c6: {  	[hbm4b:s1+s3] =	stream.indirect_vreg.scatter [tilespmem:s8], [sflag:$0x3], $0x80, v6, vm15, $0xb8;
	[tilespmem:$0x19200] =	vst v63  }
0x1c7: {  	s9 =	simm.s32 $0x5200  }
0x1c8: {  	[hbm4b:s11+s3] =	stream.indirect_vreg.scatter [tilespmem:s9], [sflag:$0x3], $0x80, v6, vm15, $0xb8;
	[tilespmem:$0x19200] =	vst v63  }
0x1c9: {  	s10 =	simm.s32 $0x5A00  }
0x1ca: {  	[hbm4b:s0+s3] =	stream.indirect_vreg.scatter [tilespmem:s10], [sflag:$0x3], $0x80, v5, vm15, $0xb8;
	[tilespmem:$0x19200] =	vst v63  }
0x1cb: {  	s12 =	simm.s32 $0x6200  }
0x1cc: {  	[hbm4b:s1+s3] =	stream.indirect_vreg.scatter [tilespmem:s12], [sflag:$0x3], $0x80, v5, vm15, $0xb8;
	[tilespmem:$0x19200] =	vst v63  }
0x1cd: {  	s13 =	simm.s32 $0x6A00  }
0x1ce: {  	[hbm4b:s11+s3] =	stream.indirect_vreg.scatter [tilespmem:s13], [sflag:$0x3], $0x80, v5, vm15, $0xb8;
	[tilespmem:$0x19200] =	vst v63  }
0x1cf: {  	v5 =	vld [tilespmem:$0x1120];
	_ =	sdelay $0x4  }
0x1d0: {  	v6 =	vshrl.u32 v5, $0x3  }
0x1d1: {  	v6 =	vmul.u32 $0x30, v6  }
0x1d2: {  	v5 =	vand.u32 $0x7, v5  }
0x1d3: {  	v5 =	vor.u32 v5, v6  }
0x1d4: {  	v6 =	vperm.xlane v5, v2;
	_ =	sdelay $0x1  }
0x1d5: {  	v6 =	vadd.s32 v3, v6;
	_ =	sdelay $0x3  }
0x1d6: {  	s14 =	simm.s32 $0x7200;
	v5 =	vperm.xlane v5, v4  }
0x1d7: {  	[hbm4b:s0+s3] =	stream.indirect_vreg.scatter [tilespmem:s14], [sflag:$0x3], $0x80, v6, vm15, $0xb8;
	[tilespmem:$0x19200] =	vst v63  }
0x1d8: {  	s15 =	simm.s32 $0x7A00;
	v5 =	vadd.s32 v3, v5  }
0x1d9: {  	[hbm4b:s1+s3] =	stream.indirect_vreg.scatter [tilespmem:s15], [sflag:$0x3], $0x80, v6, vm15, $0xb8;
	[tilespmem:$0x19200] =	vst v63  }
0x1da: {  	s16 =	simm.s32 $0x8200  }
0x1db: {  	[hbm4b:s11+s3] =	stream.indirect_vreg.scatter [tilespmem:s16], [sflag:$0x3], $0x80, v6, vm15, $0xb8;
	[tilespmem:$0x19200] =	vst v63  }
0x1dc: {  	s17 =	simm.s32 $0x8A00  }
0x1dd: {  	[hbm4b:s0+s3] =	stream.indirect_vreg.scatter [tilespmem:s17], [sflag:$0x3], $0x80, v5, vm15, $0xb8;
	[tilespmem:$0x19200] =	vst v63  }
0x1de: {  	s18 =	simm.s32 $0x9200  }
0x1df: {  	[hbm4b:s1+s3] =	stream.indirect_vreg.scatter [tilespmem:s18], [sflag:$0x3], $0x80, v5, vm15, $0xb8;
	[tilespmem:$0x19200] =	vst v63  }
0x1e0: {  	s19 =	simm.s32 $0x9A00  }
0x1e1: {  	[hbm4b:s11+s3] =	stream.indirect_vreg.scatter [tilespmem:s19], [sflag:$0x3], $0x80, v5, vm15, $0xb8;
	[tilespmem:$0x19200] =	vst v63  }
0x1e2: {  	v5 =	vld [tilespmem:$0x1130];
	_ =	sdelay $0x4  }
0x1e3: {  	v6 =	vshrl.u32 v5, $0x3  }
0x1e4: {  	v6 =	vmul.u32 $0x30, v6  }
0x1e5: {  	v5 =	vand.u32 $0x7, v5  }
0x1e6: {  	v5 =	vor.u32 v5, v6  }
0x1e7: {  	v6 =	vperm.xlane v5, v2;
	_ =	sdelay $0x1  }
0x1e8: {  	v6 =	vadd.s32 v3, v6;
	_ =	sdelay $0x3  }
0x1e9: {  	s20 =	simm.s32 $0xA200;
	v5 =	vperm.xlane v5, v4  }
0x1ea: {  	[hbm4b:s0+s3] =	stream.indirect_vreg.scatter [tilespmem:s20], [sflag:$0x3], $0x80, v6, vm15, $0xb8;
	[tilespmem:$0x19200] =	vst v63  }
0x1eb: {  	s21 =	simm.s32 $0xAA00;
	v5 =	vadd.s32 v3, v5  }
0x1ec: {  	[hbm4b:s1+s3] =	stream.indirect_vreg.scatter [tilespmem:s21], [sflag:$0x3], $0x80, v6, vm15, $0xb8;
	[tilespmem:$0x19200] =	vst v63  }
0x1ed: {  	s22 =	simm.s32 $0xB200  }
0x1ee: {  	[hbm4b:s11+s3] =	stream.indirect_vreg.scatter [tilespmem:s22], [sflag:$0x3], $0x80, v6, vm15, $0xb8;
	[tilespmem:$0x19200] =	vst v63  }
0x1ef: {  	s23 =	simm.s32 $0xBA00  }
0x1f0: {  	[hbm4b:s0+s3] =	stream.indirect_vreg.scatter [tilespmem:s23], [sflag:$0x3], $0x80, v5, vm15, $0xb8;
	[tilespmem:$0x19200] =	vst v63  }
0x1f1: {  	s24 =	simm.s32 $0xC200  }
0x1f2: {  	[hbm4b:s1+s3] =	stream.indirect_vreg.scatter [tilespmem:s24], [sflag:$0x3], $0x80, v5, vm15, $0xb8;
	[tilespmem:$0x19200] =	vst v63  }
0x1f3: {  	s25 =	simm.s32 $0xCA00;
	s26 =	simm.s32 $0x2  }
0x1f4: {  	[hbm4b:s11+s3] =	stream.indirect_vreg.scatter [tilespmem:s25], [sflag:$0x3], $0x80, v5, vm15, $0xb8;
	[tilespmem:$0x19200] =	vst v63  }
0x1f5: {  	_ =	swait.ge [sflag:s26], $0xC000  }
0x1f6: {  	[sflag:s26] =	ssyncset.done $0x0  }
0x1f7: {  	[sflag:s26] =	ssyncadd.s32 $0xFFFF4000  }
0x1f8: {  	v5 =	vld [tilespmem:$0x1180];
	_ =	sdelay $0x4  }
0x1f9: {  	v6 =	vshrl.u32 v5, $0x3  }
0x1fa: {  	v6 =	vmul.u32 $0x30, v6  }
0x1fb: {  	v5 =	vand.u32 $0x7, v5  }
0x1fc: {  	v5 =	vor.u32 v5, v6  }
0x1fd: {  	v6 =	vperm.xlane v5, v2;
	_ =	sdelay $0x1  }
0x1fe: {  	v6 =	vadd.s32 v3, v6;
	_ =	sdelay $0x3  }
0x1ff: {  	s4 =	simm.s32 $0xD200;
	v5 =	vperm.xlane v5, v4  }
0x200: {  	[hbm4b:s0+s3] =	stream.indirect_vreg.scatter [tilespmem:s4], [sflag:$0x4], $0x80, v6, vm15, $0xb8;
	[tilespmem:$0x19200] =	vst v63  }
0x201: {  	s28 =	simm.s32 $0xDA00;
	v5 =	vadd.s32 v3, v5  }
0x202: {  	[hbm4b:s1+s3] =	stream.indirect_vreg.scatter [tilespmem:s28], [sflag:$0x4], $0x80, v6, vm15, $0xb8;
	[tilespmem:$0x19200] =	vst v63  }
0x203: {  	s29 =	simm.s32 $0xE200  }
0x204: {  	[hbm4b:s11+s3] =	stream.indirect_vreg.scatter [tilespmem:s29], [sflag:$0x4], $0x80, v6, vm15, $0xb8;
	[tilespmem:$0x19200] =	vst v63  }
0x205: {  	s30 =	simm.s32 $0xEA00  }
0x206: {  	[hbm4b:s0+s3] =	stream.indirect_vreg.scatter [tilespmem:s30], [sflag:$0x4], $0x80, v5, vm15, $0xb8;
	[tilespmem:$0x19200] =	vst v63  }
0x207: {  	s31 =	simm.s32 $0xF200  }
0x208: {  	[hbm4b:s1+s3] =	stream.indirect_vreg.scatter [tilespmem:s31], [sflag:$0x4], $0x80, v5, vm15, $0xb8;
	[tilespmem:$0x19200] =	vst v63  }
0x209: {  	s7 =	simm.s32 $0xFA00  }
0x20a: {  	[hbm4b:s11+s3] =	stream.indirect_vreg.scatter [tilespmem:s7], [sflag:$0x4], $0x80, v5, vm15, $0xb8;
	[tilespmem:$0x19200] =	vst v63  }
0x20b: {  	v5 =	vld [tilespmem:$0x1190];
	_ =	sdelay $0x4  }
0x20c: {  	v6 =	vshrl.u32 v5, $0x3  }
0x20d: {  	v6 =	vmul.u32 $0x30, v6  }
0x20e: {  	v5 =	vand.u32 $0x7, v5  }
0x20f: {  	v5 =	vor.u32 v5, v6  }
0x210: {  	v6 =	vperm.xlane v5, v2;
	_ =	sdelay $0x1  }
0x211: {  	v6 =	vadd.s32 v3, v6;
	_ =	sdelay $0x3  }
0x212: {  	s8 =	simm.s32 $0x10200;
	v5 =	vperm.xlane v5, v4  }
0x213: {  	[hbm4b:s0+s3] =	stream.indirect_vreg.scatter [tilespmem:s8], [sflag:$0x4], $0x80, v6, vm15, $0xb8;
	[tilespmem:$0x19200] =	vst v63  }
0x214: {  	s9 =	simm.s32 $0x10A00;
	v5 =	vadd.s32 v3, v5  }
0x215: {  	[hbm4b:s1+s3] =	stream.indirect_vreg.scatter [tilespmem:s9], [sflag:$0x4], $0x80, v6, vm15, $0xb8;
	[tilespmem:$0x19200] =	vst v63  }
0x216: {  	s10 =	simm.s32 $0x11200  }
0x217: {  	[hbm4b:s11+s3] =	stream.indirect_vreg.scatter [tilespmem:s10], [sflag:$0x4], $0x80, v6, vm15, $0xb8;
	[tilespmem:$0x19200] =	vst v63  }
0x218: {  	s12 =	simm.s32 $0x11A00  }
0x219: {  	[hbm4b:s0+s3] =	stream.indirect_vreg.scatter [tilespmem:s12], [sflag:$0x4], $0x80, v5, vm15, $0xb8;
	[tilespmem:$0x19200] =	vst v63  }
0x21a: {  	s13 =	simm.s32 $0x12200  }
0x21b: {  	[hbm4b:s1+s3] =	stream.indirect_vreg.scatter [tilespmem:s13], [sflag:$0x4], $0x80, v5, vm15, $0xb8;
	[tilespmem:$0x19200] =	vst v63  }
0x21c: {  	s14 =	simm.s32 $0x12A00  }
0x21d: {  	[hbm4b:s11+s3] =	stream.indirect_vreg.scatter [tilespmem:s14], [sflag:$0x4], $0x80, v5, vm15, $0xb8;
	[tilespmem:$0x19200] =	vst v63  }
0x21e: {  	v5 =	vld [tilespmem:$0x11A0];
	_ =	sdelay $0x4  }
0x21f: {  	v6 =	vshrl.u32 v5, $0x3  }
0x220: {  	v6 =	vmul.u32 $0x30, v6  }
0x221: {  	v5 =	vand.u32 $0x7, v5  }
0x222: {  	v5 =	vor.u32 v5, v6  }
0x223: {  	v6 =	vperm.xlane v5, v2;
	_ =	sdelay $0x1  }
0x224: {  	v6 =	vadd.s32 v3, v6;
	_ =	sdelay $0x3  }
0x225: {  	s15 =	simm.s32 $0x13200;
	v5 =	vperm.xlane v5, v4  }
0x226: {  	[hbm4b:s0+s3] =	stream.indirect_vreg.scatter [tilespmem:s15], [sflag:$0x4], $0x80, v6, vm15, $0xb8;
	[tilespmem:$0x19200] =	vst v63  }
0x227: {  	s16 =	simm.s32 $0x13A00;
	v5 =	vadd.s32 v3, v5  }
0x228: {  	[hbm4b:s1+s3] =	stream.indirect_vreg.scatter [tilespmem:s16], [sflag:$0x4], $0x80, v6, vm15, $0xb8;
	[tilespmem:$0x19200] =	vst v63  }
0x229: {  	s17 =	simm.s32 $0x14200  }
0x22a: {  	[hbm4b:s11+s3] =	stream.indirect_vreg.scatter [tilespmem:s17], [sflag:$0x4], $0x80, v6, vm15, $0xb8;
	[tilespmem:$0x19200] =	vst v63  }
0x22b: {  	s18 =	simm.s32 $0x14A00  }
0x22c: {  	[hbm4b:s0+s3] =	stream.indirect_vreg.scatter [tilespmem:s18], [sflag:$0x4], $0x80, v5, vm15, $0xb8;
	[tilespmem:$0x19200] =	vst v63  }
0x22d: {  	s19 =	simm.s32 $0x15200  }
0x22e: {  	[hbm4b:s1+s3] =	stream.indirect_vreg.scatter [tilespmem:s19], [sflag:$0x4], $0x80, v5, vm15, $0xb8;
	[tilespmem:$0x19200] =	vst v63  }
0x22f: {  	s20 =	simm.s32 $0x15A00  }
0x230: {  	[hbm4b:s11+s3] =	stream.indirect_vreg.scatter [tilespmem:s20], [sflag:$0x4], $0x80, v5, vm15, $0xb8;
	[tilespmem:$0x19200] =	vst v63  }
0x231: {  	v5 =	vld [tilespmem:$0x11B0];
	_ =	sdelay $0x4  }
0x232: {  	v6 =	vshrl.u32 v5, $0x3  }
0x233: {  	v6 =	vmul.u32 $0x30, v6  }
0x234: {  	v5 =	vand.u32 $0x7, v5  }
0x235: {  	v5 =	vor.u32 v5, v6  }
0x236: {  	v6 =	vperm.xlane v5, v2;
	_ =	sdelay $0x1  }
0x237: {  	v6 =	vadd.s32 v3, v6;
	_ =	sdelay $0x3  }
0x238: {  	s21 =	simm.s32 $0x16200;
	v5 =	vperm.xlane v5, v4  }
0x239: {  	[hbm4b:s0+s3] =	stream.indirect_vreg.scatter [tilespmem:s21], [sflag:$0x4], $0x80, v6, vm15, $0xb8;
	[tilespmem:$0x19200] =	vst v63  }
0x23a: {  	s22 =	simm.s32 $0x16A00;
	v5 =	vadd.s32 v3, v5  }
0x23b: {  	[hbm4b:s1+s3] =	stream.indirect_vreg.scatter [tilespmem:s22], [sflag:$0x4], $0x80, v6, vm15, $0xb8;
	[tilespmem:$0x19200] =	vst v63  }
0x23c: {  	s23 =	simm.s32 $0x17200  }
0x23d: {  	[hbm4b:s11+s3] =	stream.indirect_vreg.scatter [tilespmem:s23], [sflag:$0x4], $0x80, v6, vm15, $0xb8;
	[tilespmem:$0x19200] =	vst v63  }
0x23e: {  	s24 =	simm.s32 $0x17A00  }
0x23f: {  	[hbm4b:s0+s3] =	stream.indirect_vreg.scatter [tilespmem:s24], [sflag:$0x4], $0x80, v5, vm15, $0xb8;
	[tilespmem:$0x19200] =	vst v63  }
0x240: {  	s25 =	simm.s32 $0x18200  }
0x241: {  	[hbm4b:s1+s3] =	stream.indirect_vreg.scatter [tilespmem:s25], [sflag:$0x4], $0x80, v5, vm15, $0xb8;
	[tilespmem:$0x19200] =	vst v63  }
0x242: {  	s26 =	simm.s32 $0x18A00;
	s28 =	simm.s32 $0x3  }
0x243: {  	[hbm4b:s11+s3] =	stream.indirect_vreg.scatter [tilespmem:s26], [sflag:$0x4], $0x80, v5, vm15, $0xb8;
	[tilespmem:$0x19200] =	vst v63  }
0x244: {  	_ =	swait.ge [sflag:s28], $0xC000  }
0x245: {  	[sflag:s28] =	ssyncset.done $0x0  }
0x246: {  	s29 =	simm.s32 $0x4;
	[sflag:s28] =	ssyncadd.s32 $0xFFFF4000  }
0x247: {  	_ =	swait.ge [sflag:s29], $0xC000  }
0x248: {  	s30 =	rddreg [dreg:$0xc]  }
0x249: {  	s31 =	rddreg [dreg:$0xb];
	s6 =	sadd.s32 $0x1, s30  }
0x24a: {  	p0 =	sne.s32 s6, s31  }
.Ltmp4:
0x24b: {  	_ = 	snop;
	(pc) =	sbr.rel @p0 .LBB2_1-.Ltmp4, $3  }
0x24c: {  	_ =	sdelay $0x1  }
0x24d: {  	[sflag:s29] =	ssyncset.done $0x0  }
0x24e: {  	[sflag:s29] =	ssyncadd.s32 $0xFFFF4000  }
0x24f: {  	_ =	sfence.sel $0x180000  }
0x250: {  	[bflag:$0x0] =	sbarrier.arrive $0xFFFF  }
0x251: {  	_ =	strace $0x9000004A  }
0x252: {  	s0 =	stileid.u32;
	[bflag:$0x2] =	sbarrier.arrive $0xFFFF  }
0x253: {  	p0 =	sne.s32 s0, $0x0;
	s0 =	rddreg [dreg:$0x3]  }
0x254: {  	s0 =	sadd.s32 @!p0 $0x100000, s0  }
0x255: {  	[sflag:s0] =	ssyncadd.tile.s32 @!p0 $0x1;
	_ =	shalt  }
.Lfunc_end2:
_tile_overlayer_lowered:
.L_overlay_start_2:
0x256: {  	(tag) =	ssettag $0x2  }
0x257: {  	s0 =	rddreg [dreg:$0x0];
	s2 =	stileid.u32  }
0x258: {  	s1 =	rddreg [dreg:$0x1];
	p0 =	sne.s32 s2, $0x0  }
0x259: {  	s3 =	rddreg [dreg:$0x2];
	[bflag:$0x3] =	sbarrier.arrive $0xFFFF;
	s2 =	simm.s32 @!p0 $0x1C05  }
0x25a: {  	[timem:s3], [sflag:s2] =	dma.local @!p0 [hbm:s0], s1  }
0x25b: {  	s0 =	simm.s32 @!p0 $0x5  }
0x25c: {  	_ =	swait.ge @!p0 [sflag:s0], s1  }
0x25d: {  	s1 =	ssub.s32 @!p0 $0x0, s1;
	[sflag:s0] =	ssyncset.done @!p0 $0x0  }
0x25e: {  	[sflag:s0] =	ssyncadd.s32 @!p0 s1  }
0x25f: {  	[bflag:$0x3] =	sbarrier.arrive $0xFFFF  }
0x260: {  	_ =	shalt  }

</sc_bundles>
